<compile_context>
chip_gen: v7x
topology: tpu7x:2x2x1
jax: 0.10.2.dev20260603
libtpu: 0.0.44.dev20260713+nightly
codegen_flags: <defaults>
</compile_context>

<pallas_src>
import functools

import jax
import jax.numpy as jnp
from jax import lax
from jax.experimental import pallas as pl
from jax.experimental.pallas import tpu as pltpu
from jax.experimental.pallas import tpu_sc as plsc

NUM_TYPES = 1000
DIM = 64
BATCH = 16384
HIST = 50
NC, NS = 2, 16
NW = NC * NS
B_PER_W = BATCH // NW
HB = 128
L = 16


def _body(ids_hbm, tab_hbm, out_hbm, tab_v, ids_v, slab_v,
          osem0, osem1, osem2, osem3):
    wid = lax.axis_index("s") * NC + lax.axis_index("c")
    b_w = wid * B_PER_W
    osem = (osem0, osem1, osem2, osem3)

    pltpu.sync_copy(tab_hbm, tab_v)
    pltpu.sync_copy(ids_hbm.at[:, pl.ds(b_w, B_PER_W)], ids_v)

    def step(h, _):
        for half in range(4):
            @pl.when(h > 0)
            def _():
                pltpu.make_async_copy(
                    slab_v.at[half],
                    out_hbm.at[pl.ds(0, DIM), pl.ds(b_w, HB)],
                    osem[half]).wait()

            @plsc.parallel_loop(0, HB // L, unroll=4)
            def bb_loop(bb):
                idx = ids_v[h, pl.ds(half * HB + bb * L, L)]
                col = bb * L
                for d in range(DIM):
                    row = tab_v.at[pl.ds(d * NUM_TYPES, NUM_TYPES)]
                    v = plsc.load_gather(row, [idx])
                    slab_v[half, d, pl.ds(col, L)] = v
            pltpu.async_copy(
                slab_v.at[half],
                out_hbm.at[pl.ds(h * DIM, DIM),
                           pl.ds(b_w + half * HB, HB)],
                osem[half])
        return 0

    lax.fori_loop(0, HIST, step, 0)

    for half in range(4):
        pltpu.make_async_copy(
            slab_v.at[half],
            out_hbm.at[pl.ds(0, DIM), pl.ds(b_w, HB)],
            osem[half]).wait()


@jax.jit
def _lookup(ids_t, tab_t_flat):
    mesh = plsc.VectorSubcoreMesh(core_axis_name="c", subcore_axis_name="s")
    return pl.kernel(
        _body,
        out_type=jax.ShapeDtypeStruct((HIST * DIM, BATCH), jnp.float32),
        mesh=mesh,
        scratch_types=[
            pltpu.VMEM((NUM_TYPES * DIM,), jnp.float32),
            pltpu.VMEM((HIST, B_PER_W), jnp.int32),
            pltpu.VMEM((4, DIM, HB), jnp.float32),
            pltpu.SemaphoreType.DMA,
            pltpu.SemaphoreType.DMA,
            pltpu.SemaphoreType.DMA,
            pltpu.SemaphoreType.DMA,
        ],
        compiler_params=pltpu.CompilerParams(use_tc_tiling_on_sc=True,
                                             needs_layout_passes=False),
    )(ids_t, tab_t_flat)


def kernel(temporal_type_ids, embedding_table):
    ids_t = temporal_type_ids.T.astype(jnp.int32)
    tab_t = embedding_table.T.reshape(DIM * NUM_TYPES)
    z = _lookup(ids_t, tab_t)
    return jnp.transpose(z.reshape(HIST, DIM, BATCH), (2, 0, 1))

# --- scband reference (transcript-rebuilt; emitter-appended) ---
"""Pipeline reference for scband-temporal-conditioner-64330020160140 (READ-ONLY COPY).

The authoritative reference and input builder live on the scoring server;
editing this copy changes nothing except your own understanding.
"""

import jax, jax.numpy as jnp
import numpy as np

NUM_TEMPORAL_TYPES = 1000
EMBED_DIM = 64
BATCH = 16384
HIST = 50

def setup_inputs(seed: int = 0) -> dict:
    key = jax.random.key(seed)
    k_idx, k_tab = jax.random.split(key)
    temporal_type_ids = jax.random.randint(k_idx, (BATCH, HIST), 0, NUM_TEMPORAL_TYPES, dtype=jnp.int64 if jax.config.jax_enable_x64 else jnp.int32)
    embedding_table = jax.random.normal(k_tab, (NUM_TEMPORAL_TYPES, EMBED_DIM), dtype=jnp.float32)
    return {"temporal_type_ids": temporal_type_ids, "embedding_table": embedding_table}

def reference(temporal_type_ids, embedding_table):
    # nn.Embedding forward: gather rows of the table by index
    return jnp.take(embedding_table, temporal_type_ids, axis=0)

if __name__ == "__main__":
    import jax
    _d = setup_inputs()
    print(jax.jit(kernel)(*tuple(_d.values())))

</pallas_src>

<mosaic_0001>
#map = affine_map<(d0, d1) -> (0, 0)>
#map1 = affine_map<(d0, d1) -> (0)>
module attributes {stable_mosaic.version = 14 : i64} {
  func.func @_body(%arg0: i32, %arg1: i32, %arg2: memref<50x16384xi32, #tpu.memory_space<hbm>>, %arg3: memref<64000xf32, #tpu.memory_space<hbm>>, %arg4: memref<3200x16384xf32, #tpu.memory_space<hbm>>, %arg5: memref<64000xf32, #tpu.memory_space<vmem>>, %arg6: memref<50x512xi32, #tpu.memory_space<vmem>>, %arg7: memref<4x64x128xf32, #tpu.memory_space<vmem>>, %arg8: memref<!tpu.dma_semaphore, #tpu.memory_space<semaphore_mem>>, %arg9: memref<!tpu.dma_semaphore, #tpu.memory_space<semaphore_mem>>, %arg10: memref<!tpu.dma_semaphore, #tpu.memory_space<semaphore_mem>>, %arg11: memref<!tpu.dma_semaphore, #tpu.memory_space<semaphore_mem>>) attributes {dimension_semantics = [#tpu.dimension_semantics<core_parallel>, #tpu.dimension_semantics<subcore_parallel>], iteration_bounds = array<i64: 2, 16>, scalar_prefetch = 0 : i64, scratch_operands = 7 : i64, tpu.core_type = #tpu.core_type<sc_vector_subcore>, window_params = [{transform_indices = #map}, {transform_indices = #map1}, {transform_indices = #map}]} {
    %mul3A = arith.constant 2 : i32
    %mul3A_0 = arith.muli %arg1, %mul3A : i32
    %add3A = arith.addi %mul3A_0, %arg0 : i32
    %mul3A_1 = arith.constant 512 : i32
    %mul3A_2 = arith.muli %add3A, %mul3A_1 : i32
    "tpu.region"() ({
      %run_scoped3A = tpu.sem_alloc : memref<!tpu.dma_semaphore, #tpu.memory_space<semaphore_mem>>
      tpu.enqueue_dma source(%arg3 : memref<64000xf32, #tpu.memory_space<hbm>>) target(%arg5 : memref<64000xf32, #tpu.memory_space<vmem>>) target_semaphore(%run_scoped3A : memref<!tpu.dma_semaphore, #tpu.memory_space<semaphore_mem>>)
      tpu.wait_dma2 semaphore(%run_scoped3A : memref<!tpu.dma_semaphore, #tpu.memory_space<semaphore_mem>>) src(%arg3 : memref<64000xf32, #tpu.memory_space<hbm>>) dst(%arg5 : memref<64000xf32, #tpu.memory_space<vmem>>)
      tpu.yield
    }) : () -> ()
    "tpu.region"() ({
      %run_scoped3A = tpu.sem_alloc : memref<!tpu.dma_semaphore, #tpu.memory_space<semaphore_mem>>
      %dma_start3A = arith.constant 0 : i32
      %dma_start3A_60 = tpu.memref_slice %arg2[%dma_start3A, %mul3A_2] : memref<50x16384xi32, #tpu.memory_space<hbm>> -> memref<50x512xi32, #tpu.memory_space<hbm>>
      %dma_start3A_61 = arith.constant 0 : i32
      %dma_start3A_62 = tpu.memref_slice %arg2[%dma_start3A_61, %mul3A_2] : memref<50x16384xi32, #tpu.memory_space<hbm>> -> memref<50x512xi32, #tpu.memory_space<hbm>>
      tpu.enqueue_dma source(%dma_start3A_62 : memref<50x512xi32, #tpu.memory_space<hbm>>) target(%arg6 : memref<50x512xi32, #tpu.memory_space<vmem>>) target_semaphore(%run_scoped3A : memref<!tpu.dma_semaphore, #tpu.memory_space<semaphore_mem>>)
      %dma_wait3A_63 = arith.constant 0 : i32
      %dma_wait3A_64 = tpu.memref_slice %arg2[%dma_wait3A_63, %mul3A_2] : memref<50x16384xi32, #tpu.memory_space<hbm>> -> memref<50x512xi32, #tpu.memory_space<hbm>>
      %dma_wait3A_65 = arith.constant 0 : i32
      %dma_wait3A_66 = tpu.memref_slice %arg2[%dma_wait3A_65, %mul3A_2] : memref<50x16384xi32, #tpu.memory_space<hbm>> -> memref<50x512xi32, #tpu.memory_space<hbm>>
      tpu.wait_dma2 semaphore(%run_scoped3A : memref<!tpu.dma_semaphore, #tpu.memory_space<semaphore_mem>>) src(%dma_wait3A_66 : memref<50x512xi32, #tpu.memory_space<hbm>>) dst(%arg6 : memref<50x512xi32, #tpu.memory_space<vmem>>)
      tpu.yield
    }) : () -> ()
    %scan3A = arith.constant 0 : i32
    %scan3A_3 = arith.constant 0 : i32
    %scan3A_4 = arith.constant 50 : i32
    %scan3A_5 = arith.addi %scan3A_3, %scan3A_4 : i32
    %scan3A_6 = arith.constant 1 : i32
    %scan3A_7 = scf.for %scan3A_60 = %scan3A_3 to %scan3A_5 step %scan3A_6 iter_args(%scan3A_61 = %scan3A) -> (i32)  : i32 {
      %gt3A = arith.constant 0 : i32
      %gt3A_62 = arith.cmpi sgt, %scan3A_60, %gt3A : i32
      %convert_element_type3A = arith.extui %gt3A_62 : i1 to i32
      %cond3A = arith.constant 0 : i32
      %cond3A_63 = arith.cmpi ne, %convert_element_type3A, %cond3A : i32
      scf.if %cond3A_63 {
        %dma_wait3A_150 = arith.constant 0 : i32
        %dma_wait3A_151 = arith.constant 0 : i32
        %dma_wait3A_152 = arith.constant 0 : i32
        %dma_wait3A_153 = tpu.memref_slice %arg7[%dma_wait3A_150, %dma_wait3A_151, %dma_wait3A_152] : memref<4x64x128xf32, #tpu.memory_space<vmem>> -> memref<1x64x128xf32, #tpu.memory_space<vmem>>
        %dma_wait3A_154 = tpu.memref_squeeze %dma_wait3A_153 : memref<1x64x128xf32, #tpu.memory_space<vmem>> -> memref<64x128xf32, #tpu.memory_space<vmem>>
        %dma_wait3A_155 = arith.constant 0 : i32
        %dma_wait3A_156 = tpu.memref_slice %arg4[%dma_wait3A_155, %mul3A_2] : memref<3200x16384xf32, #tpu.memory_space<hbm>> -> memref<64x128xf32, #tpu.memory_space<hbm>>
        %dma_wait3A_157 = arith.constant 0 : i32
        %dma_wait3A_158 = tpu.memref_slice %arg4[%dma_wait3A_157, %mul3A_2] : memref<3200x16384xf32, #tpu.memory_space<hbm>> -> memref<64x128xf32, #tpu.memory_space<hbm>>
        %dma_wait3A_159 = arith.constant 0 : i32
        %dma_wait3A_160 = arith.constant 0 : i32
        %dma_wait3A_161 = tpu.memref_slice %arg7[%dma_wait3A_150, %dma_wait3A_159, %dma_wait3A_160] : memref<4x64x128xf32, #tpu.memory_space<vmem>> -> memref<1x64x128xf32, #tpu.memory_space<vmem>>
        %dma_wait3A_162 = tpu.memref_squeeze %dma_wait3A_161 : memref<1x64x128xf32, #tpu.memory_space<vmem>> -> memref<64x128xf32, #tpu.memory_space<vmem>>
        tpu.wait_dma2 semaphore(%arg8 : memref<!tpu.dma_semaphore, #tpu.memory_space<semaphore_mem>>) src(%dma_wait3A_162 : memref<64x128xf32, #tpu.memory_space<vmem>>) dst(%dma_wait3A_158 : memref<64x128xf32, #tpu.memory_space<hbm>>)
      } else {
      }
      %parallel_loop3A = arith.constant 0 : i32
      %parallel_loop3A_64 = arith.constant 8 : i32
      %parallel_loop3A_65 = arith.constant 1 : i32
      scf.for %parallel_loop3A_150 = %parallel_loop3A to %parallel_loop3A_64 step %parallel_loop3A_65  : i32 {
        %parallel_loop3A_151 = arith.constant 16 : i32
        %parallel_loop3A_152 = arith.muli %parallel_loop3A_150, %parallel_loop3A_151 : i32
        %parallel_loop3A_153 = arith.constant 0 : i32
        %parallel_loop3A_154 = arith.addi %parallel_loop3A_153, %parallel_loop3A_152 : i32
        %parallel_loop3A_155 = arith.index_cast %scan3A_60 : i32 to index
        %parallel_loop3A_156 = arith.index_cast %parallel_loop3A_154 : i32 to index
        %parallel_loop3A_157 = tpu.vector_load %arg6[%parallel_loop3A_155, %parallel_loop3A_156] {strides = array<i32>} : memref<50x512xi32, #tpu.memory_space<vmem>>, vector<16xi32>,
        %parallel_loop3A_158 = arith.constant 16 : i32
        %parallel_loop3A_159 = arith.muli %parallel_loop3A_150, %parallel_loop3A_158 : i32
        %parallel_loop3A_160 = arith.constant 0 : i32
        %parallel_loop3A_161 = tpu.memref_slice %arg5[%parallel_loop3A_160] : memref<64000xf32, #tpu.memory_space<vmem>> -> memref<1000xf32, #tpu.memory_space<vmem>>
        %parallel_loop3A_162 = tpu.vector_load_idx %parallel_loop3A_161[%parallel_loop3A_157] : memref<1000xf32, #tpu.memory_space<vmem>>[vector<16xi32>], vector<16xf32>,
        %parallel_loop3A_163 = arith.constant 0 : i32
        %parallel_loop3A_164 = arith.constant 0 : i32
        %parallel_loop3A_165 = arith.index_cast %parallel_loop3A_163 : i32 to index
        %parallel_loop3A_166 = arith.index_cast %parallel_loop3A_164 : i32 to index
        %parallel_loop3A_167 = arith.index_cast %parallel_loop3A_159 : i32 to index
        %parallel_loop3A_168 = tpu.vector_load %arg7[%parallel_loop3A_165, %parallel_loop3A_166, %parallel_loop3A_167] {strides = array<i32>} : memref<4x64x128xf32, #tpu.memory_space<vmem>>, vector<16xf32>,
        tpu.vector_store %arg7[%parallel_loop3A_165, %parallel_loop3A_166, %parallel_loop3A_167], %parallel_loop3A_162 {strides = array<i32>} : memref<4x64x128xf32, #tpu.memory_space<vmem>>, vector<16xf32>,
        %parallel_loop3A_169 = arith.constant 1000 : i32
        %parallel_loop3A_170 = tpu.memref_slice %arg5[%parallel_loop3A_169] : memref<64000xf32, #tpu.memory_space<vmem>> -> memref<1000xf32, #tpu.memory_space<vmem>>
        %parallel_loop3A_171 = tpu.vector_load_idx %parallel_loop3A_170[%parallel_loop3A_157] : memref<1000xf32, #tpu.memory_space<vmem>>[vector<16xi32>], vector<16xf32>,
        %parallel_loop3A_172 = arith.constant 0 : i32
        %parallel_loop3A_173 = arith.constant 1 : i32
        %parallel_loop3A_174 = arith.index_cast %parallel_loop3A_172 : i32 to index
        %parallel_loop3A_175 = arith.index_cast %parallel_loop3A_173 : i32 to index
        %parallel_loop3A_176 = arith.index_cast %parallel_loop3A_159 : i32 to index
        %parallel_loop3A_177 = tpu.vector_load %arg7[%parallel_loop3A_174, %parallel_loop3A_175, %parallel_loop3A_176] {strides = array<i32>} : memref<4x64x128xf32, #tpu.memory_space<vmem>>, vector<16xf32>,
        tpu.vector_store %arg7[%parallel_loop3A_174, %parallel_loop3A_175, %parallel_loop3A_176], %parallel_loop3A_171 {strides = array<i32>} : memref<4x64x128xf32, #tpu.memory_space<vmem>>, vector<16xf32>,
        %parallel_loop3A_178 = arith.constant 2000 : i32
        %parallel_loop3A_179 = tpu.memref_slice %arg5[%parallel_loop3A_178] : memref<64000xf32, #tpu.memory_space<vmem>> -> memref<1000xf32, #tpu.memory_space<vmem>>
        %parallel_loop3A_180 = tpu.vector_load_idx %parallel_loop3A_179[%parallel_loop3A_157] : memref<1000xf32, #tpu.memory_space<vmem>>[vector<16xi32>], vector<16xf32>,
        %parallel_loop3A_181 = arith.constant 0 : i32
        %parallel_loop3A_182 = arith.constant 2 : i32
        %parallel_loop3A_183 = arith.index_cast %parallel_loop3A_181 : i32 to index
        %parallel_loop3A_184 = arith.index_cast %parallel_loop3A_182 : i32 to index
        %parallel_loop3A_185 = arith.index_cast %parallel_loop3A_159 : i32 to index
        %parallel_loop3A_186 = tpu.vector_load %arg7[%parallel_loop3A_183, %parallel_loop3A_184, %parallel_loop3A_185] {strides = array<i32>} : memref<4x64x128xf32, #tpu.memory_space<vmem>>, vector<16xf32>,
        tpu.vector_store %arg7[%parallel_loop3A_183, %parallel_loop3A_184, %parallel_loop3A_185], %parallel_loop3A_180 {strides = array<i32>} : memref<4x64x128xf32, #tpu.memory_space<vmem>>, vector<16xf32>,
        %parallel_loop3A_187 = arith.constant 3000 : i32
        %parallel_loop3A_188 = tpu.memref_slice %arg5[%parallel_loop3A_187] : memref<64000xf32, #tpu.memory_space<vmem>> -> memref<1000xf32, #tpu.memory_space<vmem>>
        %parallel_loop3A_189 = tpu.vector_load_idx %parallel_loop3A_188[%parallel_loop3A_157] : memref<1000xf32, #tpu.memory_space<vmem>>[vector<16xi32>], vector<16xf32>,
        %parallel_loop3A_190 = arith.constant 0 : i32
        %parallel_loop3A_191 = arith.constant 3 : i32
        %parallel_loop3A_192 = arith.index_cast %parallel_loop3A_190 : i32 to index
        %parallel_loop3A_193 = arith.index_cast %parallel_loop3A_191 : i32 to index
        %parallel_loop3A_194 = arith.index_cast %parallel_loop3A_159 : i32 to index
        %parallel_loop3A_195 = tpu.vector_load %arg7[%parallel_loop3A_192, %parallel_loop3A_193, %parallel_loop3A_194] {strides = array<i32>} : memref<4x64x128xf32, #tpu.memory_space<vmem>>, vector<16xf32>,
        tpu.vector_store %arg7[%parallel_loop3A_192, %parallel_loop3A_193, %parallel_loop3A_194], %parallel_loop3A_189 {strides = array<i32>} : memref<4x64x128xf32, #tpu.memory_space<vmem>>, vector<16xf32>,
        %parallel_loop3A_196 = arith.constant 4000 : i32
        %parallel_loop3A_197 = tpu.memref_slice %arg5[%parallel_loop3A_196] : memref<64000xf32, #tpu.memory_space<vmem>> -> memref<1000xf32, #tpu.memory_space<vmem>>
        %parallel_loop3A_198 = tpu.vector_load_idx %parallel_loop3A_197[%parallel_loop3A_157] : memref<1000xf32, #tpu.memory_space<vmem>>[vector<16xi32>], vector<16xf32>,
        %parallel_loop3A_199 = arith.constant 0 : i32
        %parallel_loop3A_200 = arith.constant 4 : i32
        %parallel_loop3A_201 = arith.index_cast %parallel_loop3A_199 : i32 to index
        %parallel_loop3A_202 = arith.index_cast %parallel_loop3A_200 : i32 to index
        %parallel_loop3A_203 = arith.index_cast %parallel_loop3A_159 : i32 to index
        %parallel_loop3A_204 = tpu.vector_load %arg7[%parallel_loop3A_201, %parallel_loop3A_202, %parallel_loop3A_203] {strides = array<i32>} : memref<4x64x128xf32, #tpu.memory_space<vmem>>, vector<16xf32>,
        tpu.vector_store %arg7[%parallel_loop3A_201, %parallel_loop3A_202, %parallel_loop3A_203], %parallel_loop3A_198 {strides = array<i32>} : memref<4x64x128xf32, #tpu.memory_space<vmem>>, vector<16xf32>,
        %parallel_loop3A_205 = arith.constant 5000 : i32
        %parallel_loop3A_206 = tpu.memref_slice %arg5[%parallel_loop3A_205] : memref<64000xf32, #tpu.memory_space<vmem>> -> memref<1000xf32, #tpu.memory_space<vmem>>
        %parallel_loop3A_207 = tpu.vector_load_idx %parallel_loop3A_206[%parallel_loop3A_157] : memref<1000xf32, #tpu.memory_space<vmem>>[vector<16xi32>], vector<16xf32>,
        %parallel_loop3A_208 = arith.constant 0 : i32
        %parallel_loop3A_209 = arith.constant 5 : i32
        %parallel_loop3A_210 = arith.index_cast %parallel_loop3A_208 : i32 to index
        %parallel_loop3A_211 = arith.index_cast %parallel_loop3A_209 : i32 to index
        %parallel_loop3A_212 = arith.index_cast %parallel_loop3A_159 : i32 to index
        %parallel_loop3A_213 = tpu.vector_load %arg7[%parallel_loop3A_210, %parallel_loop3A_211, %parallel_loop3A_212] {strides = array<i32>} : memref<4x64x128xf32, #tpu.memory_space<vmem>>, vector<16xf32>,
        tpu.vector_store %arg7[%parallel_loop3A_210, %parallel_loop3A_211, %parallel_loop3A_212], %parallel_loop3A_207 {strides = array<i32>} : memref<4x64x128xf32, #tpu.memory_space<vmem>>, vector<16xf32>,
        %parallel_loop3A_214 = arith.constant 6000 : i32
        %parallel_loop3A_215 = tpu.memref_slice %arg5[%parallel_loop3A_214] : memref<64000xf32, #tpu.memory_space<vmem>> -> memref<1000xf32, #tpu.memory_space<vmem>>
        %parallel_loop3A_216 = tpu.vector_load_idx %parallel_loop3A_215[%parallel_loop3A_157] : memref<1000xf32, #tpu.memory_space<vmem>>[vector<16xi32>], vector<16xf32>,
        %parallel_loop3A_217 = arith.constant 0 : i32
        %parallel_loop3A_218 = arith.constant 6 : i32
        %parallel_loop3A_219 = arith.index_cast %parallel_loop3A_217 : i32 to index
        %parallel_loop3A_220 = arith.index_cast %parallel_loop3A_218 : i32 to index
        %parallel_loop3A_221 = arith.index_cast %parallel_loop3A_159 : i32 to index
        %parallel_loop3A_222 = tpu.vector_load %arg7[%parallel_loop3A_219, %parallel_loop3A_220, %parallel_loop3A_221] {strides = array<i32>} : memref<4x64x128xf32, #tpu.memory_space<vmem>>, vector<16xf32>,
        tpu.vector_store %arg7[%parallel_loop3A_219, %parallel_loop3A_220, %parallel_loop3A_221], %parallel_loop3A_216 {strides = array<i32>} : memref<4x64x128xf32, #tpu.memory_space<vmem>>, vector<16xf32>,
        %parallel_loop3A_223 = arith.constant 7000 : i32
        %parallel_loop3A_224 = tpu.memref_slice %arg5[%parallel_loop3A_223] : memref<64000xf32, #tpu.memory_space<vmem>> -> memref<1000xf32, #tpu.memory_space<vmem>>
        %parallel_loop3A_225 = tpu.vector_load_idx %parallel_loop3A_224[%parallel_loop3A_157] : memref<1000xf32, #tpu.memory_space<vmem>>[vector<16xi32>], vector<16xf32>,
        %parallel_loop3A_226 = arith.constant 0 : i32
        %parallel_loop3A_227 = arith.constant 7 : i32
        %parallel_loop3A_228 = arith.index_cast %parallel_loop3A_226 : i32 to index
        %parallel_loop3A_229 = arith.index_cast %parallel_loop3A_227 : i32 to index
        %parallel_loop3A_230 = arith.index_cast %parallel_loop3A_159 : i32 to index
        %parallel_loop3A_231 = tpu.vector_load %arg7[%parallel_loop3A_228, %parallel_loop3A_229, %parallel_loop3A_230] {strides = array<i32>} : memref<4x64x128xf32, #tpu.memory_space<vmem>>, vector<16xf32>,
        tpu.vector_store %arg7[%parallel_loop3A_228, %parallel_loop3A_229, %parallel_loop3A_230], %parallel_loop3A_225 {strides = array<i32>} : memref<4x64x128xf32, #tpu.memory_space<vmem>>, vector<16xf32>,
        %parallel_loop3A_232 = arith.constant 8000 : i32
        %parallel_loop3A_233 = tpu.memref_slice %arg5[%parallel_loop3A_232] : memref<64000xf32, #tpu.memory_space<vmem>> -> memref<1000xf32, #tpu.memory_space<vmem>>
        %parallel_loop3A_234 = tpu.vector_load_idx %parallel_loop3A_233[%parallel_loop3A_157] : memref<1000xf32, #tpu.memory_space<vmem>>[vector<16xi32>], vector<16xf32>,
        %parallel_loop3A_235 = arith.constant 0 : i32
        %parallel_loop3A_236 = arith.constant 8 : i32
        %parallel_loop3A_237 = arith.index_cast %parallel_loop3A_235 : i32 to index
        %parallel_loop3A_238 = arith.index_cast %parallel_loop3A_236 : i32 to index
        %parallel_loop3A_239 = arith.index_cast %parallel_loop3A_159 : i32 to index
        %parallel_loop3A_240 = tpu.vector_load %arg7[%parallel_loop3A_237, %parallel_loop3A_238, %parallel_loop3A_239] {strides = array<i32>} : memref<4x64x128xf32, #tpu.memory_space<vmem>>, vector<16xf32>,
        tpu.vector_store %arg7[%parallel_loop3A_237, %parallel_loop3A_238, %parallel_loop3A_239], %parallel_loop3A_234 {strides = array<i32>} : memref<4x64x128xf32, #tpu.memory_space<vmem>>, vector<16xf32>,
        %parallel_loop3A_241 = arith.constant 9000 : i32
        %parallel_loop3A_242 = tpu.memref_slice %arg5[%parallel_loop3A_241] : memref<64000xf32, #tpu.memory_space<vmem>> -> memref<1000xf32, #tpu.memory_space<vmem>>
        %parallel_loop3A_243 = tpu.vector_load_idx %parallel_loop3A_242[%parallel_loop3A_157] : memref<1000xf32, #tpu.memory_space<vmem>>[vector<16xi32>], vector<16xf32>,
        %parallel_loop3A_244 = arith.constant 0 : i32
        %parallel_loop3A_245 = arith.constant 9 : i32
        %parallel_loop3A_246 = arith.index_cast %parallel_loop3A_244 : i32 to index
        %parallel_loop3A_247 = arith.index_cast %parallel_loop3A_245 : i32 to index
        %parallel_loop3A_248 = arith.index_cast %parallel_loop3A_159 : i32 to index
        %parallel_loop3A_249 = tpu.vector_load %arg7[%parallel_loop3A_246, %parallel_loop3A_247, %parallel_loop3A_248] {strides = array<i32>} : memref<4x64x128xf32, #tpu.memory_space<vmem>>, vector<16xf32>,
        tpu.vector_store %arg7[%parallel_loop3A_246, %parallel_loop3A_247, %parallel_loop3A_248], %parallel_loop3A_243 {strides = array<i32>} : memref<4x64x128xf32, #tpu.memory_space<vmem>>, vector<16xf32>,
        %parallel_loop3A_250 = arith.constant 10000 : i32
        %parallel_loop3A_251 = tpu.memref_slice %arg5[%parallel_loop3A_250] : memref<64000xf32, #tpu.memory_space<vmem>> -> memref<1000xf32, #tpu.memory_space<vmem>>
        %parallel_loop3A_252 = tpu.vector_load_idx %parallel_loop3A_251[%parallel_loop3A_157] : memref<1000xf32, #tpu.memory_space<vmem>>[vector<16xi32>], vector<16xf32>,
        %parallel_loop3A_253 = arith.constant 0 : i32
        %parallel_loop3A_254 = arith.constant 10 : i32
        %parallel_loop3A_255 = arith.index_cast %parallel_loop3A_253 : i32 to index
        %parallel_loop3A_256 = arith.index_cast %parallel_loop3A_254 : i32 to index
        %parallel_loop3A_257 = arith.index_cast %parallel_loop3A_159 : i32 to index
        %parallel_loop3A_258 = tpu.vector_load %arg7[%parallel_loop3A_255, %parallel_loop3A_256, %parallel_loop3A_257] {strides = array<i32>} : memref<4x64x128xf32, #tpu.memory_space<vmem>>, vector<16xf32>,
        tpu.vector_store %arg7[%parallel_loop3A_255, %parallel_loop3A_256, %parallel_loop3A_257], %parallel_loop3A_252 {strides = array<i32>} : memref<4x64x128xf32, #tpu.memory_space<vmem>>, vector<16xf32>,
        %parallel_loop3A_259 = arith.constant 11000 : i32
        %parallel_loop3A_260 = tpu.memref_slice %arg5[%parallel_loop3A_259] : memref<64000xf32, #tpu.memory_space<vmem>> -> memref<1000xf32, #tpu.memory_space<vmem>>
        %parallel_loop3A_261 = tpu.vector_load_idx %parallel_loop3A_260[%parallel_loop3A_157] : memref<1000xf32, #tpu.memory_space<vmem>>[vector<16xi32>], vector<16xf32>,
        %parallel_loop3A_262 = arith.constant 0 : i32
        %parallel_loop3A_263 = arith.constant 11 : i32
        %parallel_loop3A_264 = arith.index_cast %parallel_loop3A_262 : i32 to index
        %parallel_loop3A_265 = arith.index_cast %parallel_loop3A_263 : i32 to index
        %parallel_loop3A_266 = arith.index_cast %parallel_loop3A_159 : i32 to index
        %parallel_loop3A_267 = tpu.vector_load %arg7[%parallel_loop3A_264, %parallel_loop3A_265, %parallel_loop3A_266] {strides = array<i32>} : memref<4x64x128xf32, #tpu.memory_space<vmem>>, vector<16xf32>,
        tpu.vector_store %arg7[%parallel_loop3A_264, %parallel_loop3A_265, %parallel_loop3A_266], %parallel_loop3A_261 {strides = array<i32>} : memref<4x64x128xf32, #tpu.memory_space<vmem>>, vector<16xf32>,
        %parallel_loop3A_268 = arith.constant 12000 : i32
        %parallel_loop3A_269 = tpu.memref_slice %arg5[%parallel_loop3A_268] : memref<64000xf32, #tpu.memory_space<vmem>> -> memref<1000xf32, #tpu.memory_space<vmem>>
        %parallel_loop3A_270 = tpu.vector_load_idx %parallel_loop3A_269[%parallel_loop3A_157] : memref<1000xf32, #tpu.memory_space<vmem>>[vector<16xi32>], vector<16xf32>,
        %parallel_loop3A_271 = arith.constant 0 : i32
        %parallel_loop3A_272 = arith.constant 12 : i32
        %parallel_loop3A_273 = arith.index_cast %parallel_loop3A_271 : i32 to index
        %parallel_loop3A_274 = arith.index_cast %parallel_loop3A_272 : i32 to index
        %parallel_loop3A_275 = arith.index_cast %parallel_loop3A_159 : i32 to index
        %parallel_loop3A_276 = tpu.vector_load %arg7[%parallel_loop3A_273, %parallel_loop3A_274, %parallel_loop3A_275] {strides = array<i32>} : memref<4x64x128xf32, #tpu.memory_space<vmem>>, vector<16xf32>,
        tpu.vector_store %arg7[%parallel_loop3A_273, %parallel_loop3A_274, %parallel_loop3A_275], %parallel_loop3A_270 {strides = array<i32>} : memref<4x64x128xf32, #tpu.memory_space<vmem>>, vector<16xf32>,
        %parallel_loop3A_277 = arith.constant 13000 : i32
        %parallel_loop3A_278 = tpu.memref_slice %arg5[%parallel_loop3A_277] : memref<64000xf32, #tpu.memory_space<vmem>> -> memref<1000xf32, #tpu.memory_space<vmem>>
        %parallel_loop3A_279 = tpu.vector_load_idx %parallel_loop3A_278[%parallel_loop3A_157] : memref<1000xf32, #tpu.memory_space<vmem>>[vector<16xi32>], vector<16xf32>,
        %parallel_loop3A_280 = arith.constant 0 : i32
        %parallel_loop3A_281 = arith.constant 13 : i32
        %parallel_loop3A_282 = arith.index_cast %parallel_loop3A_280 : i32 to index
        %parallel_loop3A_283 = arith.index_cast %parallel_loop3A_281 : i32 to index
        %parallel_loop3A_284 = arith.index_cast %parallel_loop3A_159 : i32 to index
        %parallel_loop3A_285 = tpu.vector_load %arg7[%parallel_loop3A_282, %parallel_loop3A_283, %parallel_loop3A_284] {strides = array<i32>} : memref<4x64x128xf32, #tpu.memory_space<vmem>>, vector<16xf32>,
        tpu.vector_store %arg7[%parallel_loop3A_282, %parallel_loop3A_283, %parallel_loop3A_284], %parallel_loop3A_279 {strides = array<i32>} : memref<4x64x128xf32, #tpu.memory_space<vmem>>, vector<16xf32>,
        %parallel_loop3A_286 = arith.constant 14000 : i32
        %parallel_loop3A_287 = tpu.memref_slice %arg5[%parallel_loop3A_286] : memref<64000xf32, #tpu.memory_space<vmem>> -> memref<1000xf32, #tpu.memory_space<vmem>>
        %parallel_loop3A_288 = tpu.vector_load_idx %parallel_loop3A_287[%parallel_loop3A_157] : memref<1000xf32, #tpu.memory_space<vmem>>[vector<16xi32>], vector<16xf32>,
        %parallel_loop3A_289 = arith.constant 0 : i32
        %parallel_loop3A_290 = arith.constant 14 : i32
        %parallel_loop3A_291 = arith.index_cast %parallel_loop3A_289 : i32 to index
        %parallel_loop3A_292 = arith.index_cast %parallel_loop3A_290 : i32 to index
        %parallel_loop3A_293 = arith.index_cast %parallel_loop3A_159 : i32 to index
        %parallel_loop3A_294 = tpu.vector_load %arg7[%parallel_loop3A_291, %parallel_loop3A_292, %parallel_loop3A_293] {strides = array<i32>} : memref<4x64x128xf32, #tpu.memory_space<vmem>>, vector<16xf32>,
        tpu.vector_store %arg7[%parallel_loop3A_291, %parallel_loop3A_292, %parallel_loop3A_293], %parallel_loop3A_288 {strides = array<i32>} : memref<4x64x128xf32, #tpu.memory_space<vmem>>, vector<16xf32>,
        %parallel_loop3A_295 = arith.constant 15000 : i32
        %parallel_loop3A_296 = tpu.memref_slice %arg5[%parallel_loop3A_295] : memref<64000xf32, #tpu.memory_space<vmem>> -> memref<1000xf32, #tpu.memory_space<vmem>>
        %parallel_loop3A_297 = tpu.vector_load_idx %parallel_loop3A_296[%parallel_loop3A_157] : memref<1000xf32, #tpu.memory_space<vmem>>[vector<16xi32>], vector<16xf32>,
        %parallel_loop3A_298 = arith.constant 0 : i32
        %parallel_loop3A_299 = arith.constant 15 : i32
        %parallel_loop3A_300 = arith.index_cast %parallel_loop3A_298 : i32 to index
        %parallel_loop3A_301 = arith.index_cast %parallel_loop3A_299 : i32 to index
        %parallel_loop3A_302 = arith.index_cast %parallel_loop3A_159 : i32 to index
        %parallel_loop3A_303 = tpu.vector_load %arg7[%parallel_loop3A_300, %parallel_loop3A_301, %parallel_loop3A_302] {strides = array<i32>} : memref<4x64x128xf32, #tpu.memory_space<vmem>>, vector<16xf32>,
        tpu.vector_store %arg7[%parallel_loop3A_300, %parallel_loop3A_301, %parallel_loop3A_302], %parallel_loop3A_297 {strides = array<i32>} : memref<4x64x128xf32, #tpu.memory_space<vmem>>, vector<16xf32>,
        %parallel_loop3A_304 = arith.constant 16000 : i32
        %parallel_loop3A_305 = tpu.memref_slice %arg5[%parallel_loop3A_304] : memref<64000xf32, #tpu.memory_space<vmem>> -> memref<1000xf32, #tpu.memory_space<vmem>>
        %parallel_loop3A_306 = tpu.vector_load_idx %parallel_loop3A_305[%parallel_loop3A_157] : memref<1000xf32, #tpu.memory_space<vmem>>[vector<16xi32>], vector<16xf32>,
        %parallel_loop3A_307 = arith.constant 0 : i32
        %parallel_loop3A_308 = arith.constant 16 : i32
        %parallel_loop3A_309 = arith.index_cast %parallel_loop3A_307 : i32 to index
        %parallel_loop3A_310 = arith.index_cast %parallel_loop3A_308 : i32 to index
        %parallel_loop3A_311 = arith.index_cast %parallel_loop3A_159 : i32 to index
        %parallel_loop3A_312 = tpu.vector_load %arg7[%parallel_loop3A_309, %parallel_loop3A_310, %parallel_loop3A_311] {strides = array<i32>} : memref<4x64x128xf32, #tpu.memory_space<vmem>>, vector<16xf32>,
        tpu.vector_store %arg7[%parallel_loop3A_309, %parallel_loop3A_310, %parallel_loop3A_311], %parallel_loop3A_306 {strides = array<i32>} : memref<4x64x128xf32, #tpu.memory_space<vmem>>, vector<16xf32>,
        %parallel_loop3A_313 = arith.constant 17000 : i32
        %parallel_loop3A_314 = tpu.memref_slice %arg5[%parallel_loop3A_313] : memref<64000xf32, #tpu.memory_space<vmem>> -> memref<1000xf32, #tpu.memory_space<vmem>>
        %parallel_loop3A_315 = tpu.vector_load_idx %parallel_loop3A_314[%parallel_loop3A_157] : memref<1000xf32, #tpu.memory_space<vmem>>[vector<16xi32>], vector<16xf32>,
        %parallel_loop3A_316 = arith.constant 0 : i32
        %parallel_loop3A_317 = arith.constant 17 : i32
        %parallel_loop3A_318 = arith.index_cast %parallel_loop3A_316 : i32 to index
        %parallel_loop3A_319 = arith.index_cast %parallel_loop3A_317 : i32 to index
        %parallel_loop3A_320 = arith.index_cast %parallel_loop3A_159 : i32 to index
        %parallel_loop3A_321 = tpu.vector_load %arg7[%parallel_loop3A_318, %parallel_loop3A_319, %parallel_loop3A_320] {strides = array<i32>} : memref<4x64x128xf32, #tpu.memory_space<vmem>>, vector<16xf32>,
        tpu.vector_store %arg7[%parallel_loop3A_318, %parallel_loop3A_319, %parallel_loop3A_320], %parallel_loop3A_315 {strides = array<i32>} : memref<4x64x128xf32, #tpu.memory_space<vmem>>, vector<16xf32>,
        %parallel_loop3A_322 = arith.constant 18000 : i32
        %parallel_loop3A_323 = tpu.memref_slice %arg5[%parallel_loop3A_322] : memref<64000xf32, #tpu.memory_space<vmem>> -> memref<1000xf32, #tpu.memory_space<vmem>>
        %parallel_loop3A_324 = tpu.vector_load_idx %parallel_loop3A_323[%parallel_loop3A_157] : memref<1000xf32, #tpu.memory_space<vmem>>[vector<16xi32>], vector<16xf32>,
        %parallel_loop3A_325 = arith.constant 0 : i32
        %parallel_loop3A_326 = arith.constant 18 : i32
        %parallel_loop3A_327 = arith.index_cast %parallel_loop3A_325 : i32 to index
        %parallel_loop3A_328 = arith.index_cast %parallel_loop3A_326 : i32 to index
        %parallel_loop3A_329 = arith.index_cast %parallel_loop3A_159 : i32 to index
        %parallel_loop3A_330 = tpu.vector_load %arg7[%parallel_loop3A_327, %parallel_loop3A_328, %parallel_loop3A_329] {strides = array<i32>} : memref<4x64x128xf32, #tpu.memory_space<vmem>>, vector<16xf32>,
        tpu.vector_store %arg7[%parallel_loop3A_327, %parallel_loop3A_328, %parallel_loop3A_329], %parallel_loop3A_324 {strides = array<i32>} : memref<4x64x128xf32, #tpu.memory_space<vmem>>, vector<16xf32>,
        %parallel_loop3A_331 = arith.constant 19000 : i32
        %parallel_loop3A_332 = tpu.memref_slice %arg5[%parallel_loop3A_331] : memref<64000xf32, #tpu.memory_space<vmem>> -> memref<1000xf32, #tpu.memory_space<vmem>>
        %parallel_loop3A_333 = tpu.vector_load_idx %parallel_loop3A_332[%parallel_loop3A_157] : memref<1000xf32, #tpu.memory_space<vmem>>[vector<16xi32>], vector<16xf32>,
        %parallel_loop3A_334 = arith.constant 0 : i32
        %parallel_loop3A_335 = arith.constant 19 : i32
        %parallel_loop3A_336 = arith.index_cast %parallel_loop3A_334 : i32 to index
        %parallel_loop3A_337 = arith.index_cast %parallel_loop3A_335 : i32 to index
        %parallel_loop3A_338 = arith.index_cast %parallel_loop3A_159 : i32 to index
        %parallel_loop3A_339 = tpu.vector_load %arg7[%parallel_loop3A_336, %parallel_loop3A_337, %parallel_loop3A_338] {strides = array<i32>} : memref<4x64x128xf32, #tpu.memory_space<vmem>>, vector<16xf32>,
        tpu.vector_store %arg7[%parallel_loop3A_336, %parallel_loop3A_337, %parallel_loop3A_338], %parallel_loop3A_333 {strides = array<i32>} : memref<4x64x128xf32, #tpu.memory_space<vmem>>, vector<16xf32>,
        %parallel_loop3A_340 = arith.constant 20000 : i32
        %parallel_loop3A_341 = tpu.memref_slice %arg5[%parallel_loop3A_340] : memref<64000xf32, #tpu.memory_space<vmem>> -> memref<1000xf32, #tpu.memory_space<vmem>>
        %parallel_loop3A_342 = tpu.vector_load_idx %parallel_loop3A_341[%parallel_loop3A_157] : memref<1000xf32, #tpu.memory_space<vmem>>[vector<16xi32>], vector<16xf32>,
        %parallel_loop3A_343 = arith.constant 0 : i32
        %parallel_loop3A_344 = arith.constant 20 : i32
        %parallel_loop3A_345 = arith.index_cast %parallel_loop3A_343 : i32 to index
        %parallel_loop3A_346 = arith.index_cast %parallel_loop3A_344 : i32 to index
        %parallel_loop3A_347 = arith.index_cast %parallel_loop3A_159 : i32 to index
        %parallel_loop3A_348 = tpu.vector_load %arg7[%parallel_loop3A_345, %parallel_loop3A_346, %parallel_loop3A_347] {strides = array<i32>} : memref<4x64x128xf32, #tpu.memory_space<vmem>>, vector<16xf32>,
        tpu.vector_store %arg7[%parallel_loop3A_345, %parallel_loop3A_346, %parallel_loop3A_347], %parallel_loop3A_342 {strides = array<i32>} : memref<4x64x128xf32, #tpu.memory_space<vmem>>, vector<16xf32>,
        %parallel_loop3A_349 = arith.constant 21000 : i32
        %parallel_loop3A_350 = tpu.memref_slice %arg5[%parallel_loop3A_349] : memref<64000xf32, #tpu.memory_space<vmem>> -> memref<1000xf32, #tpu.memory_space<vmem>>
        %parallel_loop3A_351 = tpu.vector_load_idx %parallel_loop3A_350[%parallel_loop3A_157] : memref<1000xf32, #tpu.memory_space<vmem>>[vector<16xi32>], vector<16xf32>,
        %parallel_loop3A_352 = arith.constant 0 : i32
        %parallel_loop3A_353 = arith.constant 21 : i32
        %parallel_loop3A_354 = arith.index_cast %parallel_loop3A_352 : i32 to index
        %parallel_loop3A_355 = arith.index_cast %parallel_loop3A_353 : i32 to index
        %parallel_loop3A_356 = arith.index_cast %parallel_loop3A_159 : i32 to index
        %parallel_loop3A_357 = tpu.vector_load %arg7[%parallel_loop3A_354, %parallel_loop3A_355, %parallel_loop3A_356] {strides = array<i32>} : memref<4x64x128xf32, #tpu.memory_space<vmem>>, vector<16xf32>,
        tpu.vector_store %arg7[%parallel_loop3A_354, %parallel_loop3A_355, %parallel_loop3A_356], %parallel_loop3A_351 {strides = array<i32>} : memref<4x64x128xf32, #tpu.memory_space<vmem>>, vector<16xf32>,
        %parallel_loop3A_358 = arith.constant 22000 : i32
        %parallel_loop3A_359 = tpu.memref_slice %arg5[%parallel_loop3A_358] : memref<64000xf32, #tpu.memory_space<vmem>> -> memref<1000xf32, #tpu.memory_space<vmem>>
        %parallel_loop3A_360 = tpu.vector_load_idx %parallel_loop3A_359[%parallel_loop3A_157] : memref<1000xf32, #tpu.memory_space<vmem>>[vector<16xi32>], vector<16xf32>,
        %parallel_loop3A_361 = arith.constant 0 : i32
        %parallel_loop3A_362 = arith.constant 22 : i32
        %parallel_loop3A_363 = arith.index_cast %parallel_loop3A_361 : i32 to index
        %parallel_loop3A_364 = arith.index_cast %parallel_loop3A_362 : i32 to index
        %parallel_loop3A_365 = arith.index_cast %parallel_loop3A_159 : i32 to index
        %parallel_loop3A_366 = tpu.vector_load %arg7[%parallel_loop3A_363, %parallel_loop3A_364, %parallel_loop3A_365] {strides = array<i32>} : memref<4x64x128xf32, #tpu.memory_space<vmem>>, vector<16xf32>,
        tpu.vector_store %arg7[%parallel_loop3A_363, %parallel_loop3A_364, %parallel_loop3A_365], %parallel_loop3A_360 {strides = array<i32>} : memref<4x64x128xf32, #tpu.memory_space<vmem>>, vector<16xf32>,
        %parallel_loop3A_367 = arith.constant 23000 : i32
        %parallel_loop3A_368 = tpu.memref_slice %arg5[%parallel_loop3A_367] : memref<64000xf32, #tpu.memory_space<vmem>> -> memref<1000xf32, #tpu.memory_space<vmem>>
        %parallel_loop3A_369 = tpu.vector_load_idx %parallel_loop3A_368[%parallel_loop3A_157] : memref<1000xf32, #tpu.memory_space<vmem>>[vector<16xi32>], vector<16xf32>,
        %parallel_loop3A_370 = arith.constant 0 : i32
        %parallel_loop3A_371 = arith.constant 23 : i32
        %parallel_loop3A_372 = arith.index_cast %parallel_loop3A_370 : i32 to index
        %parallel_loop3A_373 = arith.index_cast %parallel_loop3A_371 : i32 to index
        %parallel_loop3A_374 = arith.index_cast %parallel_loop3A_159 : i32 to index
        %parallel_loop3A_375 = tpu.vector_load %arg7[%parallel_loop3A_372, %parallel_loop3A_373, %parallel_loop3A_374] {strides = array<i32>} : memref<4x64x128xf32, #tpu.memory_space<vmem>>, vector<16xf32>,
        tpu.vector_store %arg7[%parallel_loop3A_372, %parallel_loop3A_373, %parallel_loop3A_374], %parallel_loop3A_369 {strides = array<i32>} : memref<4x64x128xf32, #tpu.memory_space<vmem>>, vector<16xf32>,
        %parallel_loop3A_376 = arith.constant 24000 : i32
        %parallel_loop3A_377 = tpu.memref_slice %arg5[%parallel_loop3A_376] : memref<64000xf32, #tpu.memory_space<vmem>> -> memref<1000xf32, #tpu.memory_space<vmem>>
        %parallel_loop3A_378 = tpu.vector_load_idx %parallel_loop3A_377[%parallel_loop3A_157] : memref<1000xf32, #tpu.memory_space<vmem>>[vector<16xi32>], vector<16xf32>,
        %parallel_loop3A_379 = arith.constant 0 : i32
        %parallel_loop3A_380 = arith.constant 24 : i32
        %parallel_loop3A_381 = arith.index_cast %parallel_loop3A_379 : i32 to index
        %parallel_loop3A_382 = arith.index_cast %parallel_loop3A_380 : i32 to index
        %parallel_loop3A_383 = arith.index_cast %parallel_loop3A_159 : i32 to index
        %parallel_loop3A_384 = tpu.vector_load %arg7[%parallel_loop3A_381, %parallel_loop3A_382, %parallel_loop3A_383] {strides = array<i32>} : memref<4x64x128xf32, #tpu.memory_space<vmem>>, vector<16xf32>,
        tpu.vector_store %arg7[%parallel_loop3A_381, %parallel_loop3A_382, %parallel_loop3A_383], %parallel_loop3A_378 {strides = array<i32>} : memref<4x64x128xf32, #tpu.memory_space<vmem>>, vector<16xf32>,
        %parallel_loop3A_385 = arith.constant 25000 : i32
        %parallel_loop3A_386 = tpu.memref_slice %arg5[%parallel_loop3A_385] : memref<64000xf32, #tpu.memory_space<vmem>> -> memref<1000xf32, #tpu.memory_space<vmem>>
        %parallel_loop3A_387 = tpu.vector_load_idx %parallel_loop3A_386[%parallel_loop3A_157] : memref<1000xf32, #tpu.memory_space<vmem>>[vector<16xi32>], vector<16xf32>,
        %parallel_loop3A_388 = arith.constant 0 : i32
        %parallel_loop3A_389 = arith.constant 25 : i32
        %parallel_loop3A_390 = arith.index_cast %parallel_loop3A_388 : i32 to index
        %parallel_loop3A_391 = arith.index_cast %parallel_loop3A_389 : i32 to index
        %parallel_loop3A_392 = arith.index_cast %parallel_loop3A_159 : i32 to index
        %parallel_loop3A_393 = tpu.vector_load %arg7[%parallel_loop3A_390, %parallel_loop3A_391, %parallel_loop3A_392] {strides = array<i32>} : memref<4x64x128xf32, #tpu.memory_space<vmem>>, vector<16xf32>,
        tpu.vector_store %arg7[%parallel_loop3A_390, %parallel_loop3A_391, %parallel_loop3A_392], %parallel_loop3A_387 {strides = array<i32>} : memref<4x64x128xf32, #tpu.memory_space<vmem>>, vector<16xf32>,
        %parallel_loop3A_394 = arith.constant 26000 : i32
        %parallel_loop3A_395 = tpu.memref_slice %arg5[%parallel_loop3A_394] : memref<64000xf32, #tpu.memory_space<vmem>> -> memref<1000xf32, #tpu.memory_space<vmem>>
        %parallel_loop3A_396 = tpu.vector_load_idx %parallel_loop3A_395[%parallel_loop3A_157] : memref<1000xf32, #tpu.memory_space<vmem>>[vector<16xi32>], vector<16xf32>,
        %parallel_loop3A_397 = arith.constant 0 : i32
        %parallel_loop3A_398 = arith.constant 26 : i32
        %parallel_loop3A_399 = arith.index_cast %parallel_loop3A_397 : i32 to index
        %parallel_loop3A_400 = arith.index_cast %parallel_loop3A_398 : i32 to index
        %parallel_loop3A_401 = arith.index_cast %parallel_loop3A_159 : i32 to index
        %parallel_loop3A_402 = tpu.vector_load %arg7[%parallel_loop3A_399, %parallel_loop3A_400, %parallel_loop3A_401] {strides = array<i32>} : memref<4x64x128xf32, #tpu.memory_space<vmem>>, vector<16xf32>,
        tpu.vector_store %arg7[%parallel_loop3A_399, %parallel_loop3A_400, %parallel_loop3A_401], %parallel_loop3A_396 {strides = array<i32>} : memref<4x64x128xf32, #tpu.memory_space<vmem>>, vector<16xf32>,
        %parallel_loop3A_403 = arith.constant 27000 : i32
        %parallel_loop3A_404 = tpu.memref_slice %arg5[%parallel_loop3A_403] : memref<64000xf32, #tpu.memory_space<vmem>> -> memref<1000xf32, #tpu.memory_space<vmem>>
        %parallel_loop3A_405 = tpu.vector_load_idx %parallel_loop3A_404[%parallel_loop3A_157] : memref<1000xf32, #tpu.memory_space<vmem>>[vector<16xi32>], vector<16xf32>,
        %parallel_loop3A_406 = arith.constant 0 : i32
        %parallel_loop3A_407 = arith.constant 27 : i32
        %parallel_loop3A_408 = arith.index_cast %parallel_loop3A_406 : i32 to index
        %parallel_loop3A_409 = arith.index_cast %parallel_loop3A_407 : i32 to index
        %parallel_loop3A_410 = arith.index_cast %parallel_loop3A_159 : i32 to index
        %parallel_loop3A_411 = tpu.vector_load %arg7[%parallel_loop3A_408, %parallel_loop3A_409, %parallel_loop3A_410] {strides = array<i32>} : memref<4x64x128xf32, #tpu.memory_space<vmem>>, vector<16xf32>,
        tpu.vector_store %arg7[%parallel_loop3A_408, %parallel_loop3A_409, %parallel_loop3A_410], %parallel_loop3A_405 {strides = array<i32>} : memref<4x64x128xf32, #tpu.memory_space<vmem>>, vector<16xf32>,
        %parallel_loop3A_412 = arith.constant 28000 : i32
        %parallel_loop3A_413 = tpu.memref_slice %arg5[%parallel_loop3A_412] : memref<64000xf32, #tpu.memory_space<vmem>> -> memref<1000xf32, #tpu.memory_space<vmem>>
        %parallel_loop3A_414 = tpu.vector_load_idx %parallel_loop3A_413[%parallel_loop3A_157] : memref<1000xf32, #tpu.memory_space<vmem>>[vector<16xi32>], vector<16xf32>,
        %parallel_loop3A_415 = arith.constant 0 : i32
        %parallel_loop3A_416 = arith.constant 28 : i32
        %parallel_loop3A_417 = arith.index_cast %parallel_loop3A_415 : i32 to index
        %parallel_loop3A_418 = arith.index_cast %parallel_loop3A_416 : i32 to index
        %parallel_loop3A_419 = arith.index_cast %parallel_loop3A_159 : i32 to index
        %parallel_loop3A_420 = tpu.vector_load %arg7[%parallel_loop3A_417, %parallel_loop3A_418, %parallel_loop3A_419] {strides = array<i32>} : memref<4x64x128xf32, #tpu.memory_space<vmem>>, vector<16xf32>,
        tpu.vector_store %arg7[%parallel_loop3A_417, %parallel_loop3A_418, %parallel_loop3A_419], %parallel_loop3A_414 {strides = array<i32>} : memref<4x64x128xf32, #tpu.memory_space<vmem>>, vector<16xf32>,
        %parallel_loop3A_421 = arith.constant 29000 : i32
        %parallel_loop3A_422 = tpu.memref_slice %arg5[%parallel_loop3A_421] : memref<64000xf32, #tpu.memory_space<vmem>> -> memref<1000xf32, #tpu.memory_space<vmem>>
        %parallel_loop3A_423 = tpu.vector_load_idx %parallel_loop3A_422[%parallel_loop3A_157] : memref<1000xf32, #tpu.memory_space<vmem>>[vector<16xi32>], vector<16xf32>,
        %parallel_loop3A_424 = arith.constant 0 : i32
        %parallel_loop3A_425 = arith.constant 29 : i32
        %parallel_loop3A_426 = arith.index_cast %parallel_loop3A_424 : i32 to index
        %parallel_loop3A_427 = arith.index_cast %parallel_loop3A_425 : i32 to index
        %parallel_loop3A_428 = arith.index_cast %parallel_loop3A_159 : i32 to index
        %parallel_loop3A_429 = tpu.vector_load %arg7[%parallel_loop3A_426, %parallel_loop3A_427, %parallel_loop3A_428] {strides = array<i32>} : memref<4x64x128xf32, #tpu.memory_space<vmem>>, vector<16xf32>,
        tpu.vector_store %arg7[%parallel_loop3A_426, %parallel_loop3A_427, %parallel_loop3A_428], %parallel_loop3A_423 {strides = array<i32>} : memref<4x64x128xf32, #tpu.memory_space<vmem>>, vector<16xf32>,
        %parallel_loop3A_430 = arith.constant 30000 : i32
        %parallel_loop3A_431 = tpu.memref_slice %arg5[%parallel_loop3A_430] : memref<64000xf32, #tpu.memory_space<vmem>> -> memref<1000xf32, #tpu.memory_space<vmem>>
        %parallel_loop3A_432 = tpu.vector_load_idx %parallel_loop3A_431[%parallel_loop3A_157] : memref<1000xf32, #tpu.memory_space<vmem>>[vector<16xi32>], vector<16xf32>,
        %parallel_loop3A_433 = arith.constant 0 : i32
        %parallel_loop3A_434 = arith.constant 30 : i32
        %parallel_loop3A_435 = arith.index_cast %parallel_loop3A_433 : i32 to index
        %parallel_loop3A_436 = arith.index_cast %parallel_loop3A_434 : i32 to index
        %parallel_loop3A_437 = arith.index_cast %parallel_loop3A_159 : i32 to index
        %parallel_loop3A_438 = tpu.vector_load %arg7[%parallel_loop3A_435, %parallel_loop3A_436, %parallel_loop3A_437] {strides = array<i32>} : memref<4x64x128xf32, #tpu.memory_space<vmem>>, vector<16xf32>,
        tpu.vector_store %arg7[%parallel_loop3A_435, %parallel_loop3A_436, %parallel_loop3A_437], %parallel_loop3A_432 {strides = array<i32>} : memref<4x64x128xf32, #tpu.memory_space<vmem>>, vector<16xf32>,
        %parallel_loop3A_439 = arith.constant 31000 : i32
        %parallel_loop3A_440 = tpu.memref_slice %arg5[%parallel_loop3A_439] : memref<64000xf32, #tpu.memory_space<vmem>> -> memref<1000xf32, #tpu.memory_space<vmem>>
        %parallel_loop3A_441 = tpu.vector_load_idx %parallel_loop3A_440[%parallel_loop3A_157] : memref<1000xf32, #tpu.memory_space<vmem>>[vector<16xi32>], vector<16xf32>,
        %parallel_loop3A_442 = arith.constant 0 : i32
        %parallel_loop3A_443 = arith.constant 31 : i32
        %parallel_loop3A_444 = arith.index_cast %parallel_loop3A_442 : i32 to index
        %parallel_loop3A_445 = arith.index_cast %parallel_loop3A_443 : i32 to index
        %parallel_loop3A_446 = arith.index_cast %parallel_loop3A_159 : i32 to index
        %parallel_loop3A_447 = tpu.vector_load %arg7[%parallel_loop3A_444, %parallel_loop3A_445, %parallel_loop3A_446] {strides = array<i32>} : memref<4x64x128xf32, #tpu.memory_space<vmem>>, vector<16xf32>,
        tpu.vector_store %arg7[%parallel_loop3A_444, %parallel_loop3A_445, %parallel_loop3A_446], %parallel_loop3A_441 {strides = array<i32>} : memref<4x64x128xf32, #tpu.memory_space<vmem>>, vector<16xf32>,
        %parallel_loop3A_448 = arith.constant 32000 : i32
        %parallel_loop3A_449 = tpu.memref_slice %arg5[%parallel_loop3A_448] : memref<64000xf32, #tpu.memory_space<vmem>> -> memref<1000xf32, #tpu.memory_space<vmem>>
        %parallel_loop3A_450 = tpu.vector_load_idx %parallel_loop3A_449[%parallel_loop3A_157] : memref<1000xf32, #tpu.memory_space<vmem>>[vector<16xi32>], vector<16xf32>,
        %parallel_loop3A_451 = arith.constant 0 : i32
        %parallel_loop3A_452 = arith.constant 32 : i32
        %parallel_loop3A_453 = arith.index_cast %parallel_loop3A_451 : i32 to index
        %parallel_loop3A_454 = arith.index_cast %parallel_loop3A_452 : i32 to index
        %parallel_loop3A_455 = arith.index_cast %parallel_loop3A_159 : i32 to index
        %parallel_loop3A_456 = tpu.vector_load %arg7[%parallel_loop3A_453, %parallel_loop3A_454, %parallel_loop3A_455] {strides = array<i32>} : memref<4x64x128xf32, #tpu.memory_space<vmem>>, vector<16xf32>,
        tpu.vector_store %arg7[%parallel_loop3A_453, %parallel_loop3A_454, %parallel_loop3A_455], %parallel_loop3A_450 {strides = array<i32>} : memref<4x64x128xf32, #tpu.memory_space<vmem>>, vector<16xf32>,
        %parallel_loop3A_457 = arith.constant 33000 : i32
        %parallel_loop3A_458 = tpu.memref_slice %arg5[%parallel_loop3A_457] : memref<64000xf32, #tpu.memory_space<vmem>> -> memref<1000xf32, #tpu.memory_space<vmem>>
        %parallel_loop3A_459 = tpu.vector_load_idx %parallel_loop3A_458[%parallel_loop3A_157] : memref<1000xf32, #tpu.memory_space<vmem>>[vector<16xi32>], vector<16xf32>,
        %parallel_loop3A_460 = arith.constant 0 : i32
        %parallel_loop3A_461 = arith.constant 33 : i32
        %parallel_loop3A_462 = arith.index_cast %parallel_loop3A_460 : i32 to index
        %parallel_loop3A_463 = arith.index_cast %parallel_loop3A_461 : i32 to index
        %parallel_loop3A_464 = arith.index_cast %parallel_loop3A_159 : i32 to index
        %parallel_loop3A_465 = tpu.vector_load %arg7[%parallel_loop3A_462, %parallel_loop3A_463, %parallel_loop3A_464] {strides = array<i32>} : memref<4x64x128xf32, #tpu.memory_space<vmem>>, vector<16xf32>,
        tpu.vector_store %arg7[%parallel_loop3A_462, %parallel_loop3A_463, %parallel_loop3A_464], %parallel_loop3A_459 {strides = array<i32>} : memref<4x64x128xf32, #tpu.memory_space<vmem>>, vector<16xf32>,
        %parallel_loop3A_466 = arith.constant 34000 : i32
        %parallel_loop3A_467 = tpu.memref_slice %arg5[%parallel_loop3A_466] : memref<64000xf32, #tpu.memory_space<vmem>> -> memref<1000xf32, #tpu.memory_space<vmem>>
        %parallel_loop3A_468 = tpu.vector_load_idx %parallel_loop3A_467[%parallel_loop3A_157] : memref<1000xf32, #tpu.memory_space<vmem>>[vector<16xi32>], vector<16xf32>,
        %parallel_loop3A_469 = arith.constant 0 : i32
        %parallel_loop3A_470 = arith.constant 34 : i32
        %parallel_loop3A_471 = arith.index_cast %parallel_loop3A_469 : i32 to index
        %parallel_loop3A_472 = arith.index_cast %parallel_loop3A_470 : i32 to index
        %parallel_loop3A_473 = arith.index_cast %parallel_loop3A_159 : i32 to index
        %parallel_loop3A_474 = tpu.vector_load %arg7[%parallel_loop3A_471, %parallel_loop3A_472, %parallel_loop3A_473] {strides = array<i32>} : memref<4x64x128xf32, #tpu.memory_space<vmem>>, vector<16xf32>,
        tpu.vector_store %arg7[%parallel_loop3A_471, %parallel_loop3A_472, %parallel_loop3A_473], %parallel_loop3A_468 {strides = array<i32>} : memref<4x64x128xf32, #tpu.memory_space<vmem>>, vector<16xf32>,
        %parallel_loop3A_475 = arith.constant 35000 : i32
        %parallel_loop3A_476 = tpu.memref_slice %arg5[%parallel_loop3A_475] : memref<64000xf32, #tpu.memory_space<vmem>> -> memref<1000xf32, #tpu.memory_space<vmem>>
        %parallel_loop3A_477 = tpu.vector_load_idx %parallel_loop3A_476[%parallel_loop3A_157] : memref<1000xf32, #tpu.memory_space<vmem>>[vector<16xi32>], vector<16xf32>,
        %parallel_loop3A_478 = arith.constant 0 : i32
        %parallel_loop3A_479 = arith.constant 35 : i32
        %parallel_loop3A_480 = arith.index_cast %parallel_loop3A_478 : i32 to index
        %parallel_loop3A_481 = arith.index_cast %parallel_loop3A_479 : i32 to index
        %parallel_loop3A_482 = arith.index_cast %parallel_loop3A_159 : i32 to index
        %parallel_loop3A_483 = tpu.vector_load %arg7[%parallel_loop3A_480, %parallel_loop3A_481, %parallel_loop3A_482] {strides = array<i32>} : memref<4x64x128xf32, #tpu.memory_space<vmem>>, vector<16xf32>,
        tpu.vector_store %arg7[%parallel_loop3A_480, %parallel_loop3A_481, %parallel_loop3A_482], %parallel_loop3A_477 {strides = array<i32>} : memref<4x64x128xf32, #tpu.memory_space<vmem>>, vector<16xf32>,
        %parallel_loop3A_484 = arith.constant 36000 : i32
        %parallel_loop3A_485 = tpu.memref_slice %arg5[%parallel_loop3A_484] : memref<64000xf32, #tpu.memory_space<vmem>> -> memref<1000xf32, #tpu.memory_space<vmem>>
        %parallel_loop3A_486 = tpu.vector_load_idx %parallel_loop3A_485[%parallel_loop3A_157] : memref<1000xf32, #tpu.memory_space<vmem>>[vector<16xi32>], vector<16xf32>,
        %parallel_loop3A_487 = arith.constant 0 : i32
        %parallel_loop3A_488 = arith.constant 36 : i32
        %parallel_loop3A_489 = arith.index_cast %parallel_loop3A_487 : i32 to index
        %parallel_loop3A_490 = arith.index_cast %parallel_loop3A_488 : i32 to index
        %parallel_loop3A_491 = arith.index_cast %parallel_loop3A_159 : i32 to index
        %parallel_loop3A_492 = tpu.vector_load %arg7[%parallel_loop3A_489, %parallel_loop3A_490, %parallel_loop3A_491] {strides = array<i32>} : memref<4x64x128xf32, #tpu.memory_space<vmem>>, vector<16xf32>,
        tpu.vector_store %arg7[%parallel_loop3A_489, %parallel_loop3A_490, %parallel_loop3A_491], %parallel_loop3A_486 {strides = array<i32>} : memref<4x64x128xf32, #tpu.memory_space<vmem>>, vector<16xf32>,
        %parallel_loop3A_493 = arith.constant 37000 : i32
        %parallel_loop3A_494 = tpu.memref_slice %arg5[%parallel_loop3A_493] : memref<64000xf32, #tpu.memory_space<vmem>> -> memref<1000xf32, #tpu.memory_space<vmem>>
        %parallel_loop3A_495 = tpu.vector_load_idx %parallel_loop3A_494[%parallel_loop3A_157] : memref<1000xf32, #tpu.memory_space<vmem>>[vector<16xi32>], vector<16xf32>,
        %parallel_loop3A_496 = arith.constant 0 : i32
        %parallel_loop3A_497 = arith.constant 37 : i32
        %parallel_loop3A_498 = arith.index_cast %parallel_loop3A_496 : i32 to index
        %parallel_loop3A_499 = arith.index_cast %parallel_loop3A_497 : i32 to index
        %parallel_loop3A_500 = arith.index_cast %parallel_loop3A_159 : i32 to index
        %parallel_loop3A_501 = tpu.vector_load %arg7[%parallel_loop3A_498, %parallel_loop3A_499, %parallel_loop3A_500] {strides = array<i32>} : memref<4x64x128xf32, #tpu.memory_space<vmem>>, vector<16xf32>,
        tpu.vector_store %arg7[%parallel_loop3A_498, %parallel_loop3A_499, %parallel_loop3A_500], %parallel_loop3A_495 {strides = array<i32>} : memref<4x64x128xf32, #tpu.memory_space<vmem>>, vector<16xf32>,
        %parallel_loop3A_502 = arith.constant 38000 : i32
        %parallel_loop3A_503 = tpu.memref_slice %arg5[%parallel_loop3A_502] : memref<64000xf32, #tpu.memory_space<vmem>> -> memref<1000xf32, #tpu.memory_space<vmem>>
        %parallel_loop3A_504 = tpu.vector_load_idx %parallel_loop3A_503[%parallel_loop3A_157] : memref<1000xf32, #tpu.memory_space<vmem>>[vector<16xi32>], vector<16xf32>,
        %parallel_loop3A_505 = arith.constant 0 : i32
        %parallel_loop3A_506 = arith.constant 38 : i32
        %parallel_loop3A_507 = arith.index_cast %parallel_loop3A_505 : i32 to index
        %parallel_loop3A_508 = arith.index_cast %parallel_loop3A_506 : i32 to index
        %parallel_loop3A_509 = arith.index_cast %parallel_loop3A_159 : i32 to index
        %parallel_loop3A_510 = tpu.vector_load %arg7[%parallel_loop3A_507, %parallel_loop3A_508, %parallel_loop3A_509] {strides = array<i32>} : memref<4x64x128xf32, #tpu.memory_space<vmem>>, vector<16xf32>,
        tpu.vector_store %arg7[%parallel_loop3A_507, %parallel_loop3A_508, %parallel_loop3A_509], %parallel_loop3A_504 {strides = array<i32>} : memref<4x64x128xf32, #tpu.memory_space<vmem>>, vector<16xf32>,
        %parallel_loop3A_511 = arith.constant 39000 : i32
        %parallel_loop3A_512 = tpu.memref_slice %arg5[%parallel_loop3A_511] : memref<64000xf32, #tpu.memory_space<vmem>> -> memref<1000xf32, #tpu.memory_space<vmem>>
        %parallel_loop3A_513 = tpu.vector_load_idx %parallel_loop3A_512[%parallel_loop3A_157] : memref<1000xf32, #tpu.memory_space<vmem>>[vector<16xi32>], vector<16xf32>,
        %parallel_loop3A_514 = arith.constant 0 : i32
        %parallel_loop3A_515 = arith.constant 39 : i32
        %parallel_loop3A_516 = arith.index_cast %parallel_loop3A_514 : i32 to index
        %parallel_loop3A_517 = arith.index_cast %parallel_loop3A_515 : i32 to index
        %parallel_loop3A_518 = arith.index_cast %parallel_loop3A_159 : i32 to index
        %parallel_loop3A_519 = tpu.vector_load %arg7[%parallel_loop3A_516, %parallel_loop3A_517, %parallel_loop3A_518] {strides = array<i32>} : memref<4x64x128xf32, #tpu.memory_space<vmem>>, vector<16xf32>,
        tpu.vector_store %arg7[%parallel_loop3A_516, %parallel_loop3A_517, %parallel_loop3A_518], %parallel_loop3A_513 {strides = array<i32>} : memref<4x64x128xf32, #tpu.memory_space<vmem>>, vector<16xf32>,
        %parallel_loop3A_520 = arith.constant 40000 : i32
        %parallel_loop3A_521 = tpu.memref_slice %arg5[%parallel_loop3A_520] : memref<64000xf32, #tpu.memory_space<vmem>> -> memref<1000xf32, #tpu.memory_space<vmem>>
        %parallel_loop3A_522 = tpu.vector_load_idx %parallel_loop3A_521[%parallel_loop3A_157] : memref<1000xf32, #tpu.memory_space<vmem>>[vector<16xi32>], vector<16xf32>,
        %parallel_loop3A_523 = arith.constant 0 : i32
        %parallel_loop3A_524 = arith.constant 40 : i32
        %parallel_loop3A_525 = arith.index_cast %parallel_loop3A_523 : i32 to index
        %parallel_loop3A_526 = arith.index_cast %parallel_loop3A_524 : i32 to index
        %parallel_loop3A_527 = arith.index_cast %parallel_loop3A_159 : i32 to index
        %parallel_loop3A_528 = tpu.vector_load %arg7[%parallel_loop3A_525, %parallel_loop3A_526, %parallel_loop3A_527] {strides = array<i32>} : memref<4x64x128xf32, #tpu.memory_space<vmem>>, vector<16xf32>,
        tpu.vector_store %arg7[%parallel_loop3A_525, %parallel_loop3A_526, %parallel_loop3A_527], %parallel_loop3A_522 {strides = array<i32>} : memref<4x64x128xf32, #tpu.memory_space<vmem>>, vector<16xf32>,
        %parallel_loop3A_529 = arith.constant 41000 : i32
        %parallel_loop3A_530 = tpu.memref_slice %arg5[%parallel_loop3A_529] : memref<64000xf32, #tpu.memory_space<vmem>> -> memref<1000xf32, #tpu.memory_space<vmem>>
        %parallel_loop3A_531 = tpu.vector_load_idx %parallel_loop3A_530[%parallel_loop3A_157] : memref<1000xf32, #tpu.memory_space<vmem>>[vector<16xi32>], vector<16xf32>,
        %parallel_loop3A_532 = arith.constant 0 : i32
        %parallel_loop3A_533 = arith.constant 41 : i32
        %parallel_loop3A_534 = arith.index_cast %parallel_loop3A_532 : i32 to index
        %parallel_loop3A_535 = arith.index_cast %parallel_loop3A_533 : i32 to index
        %parallel_loop3A_536 = arith.index_cast %parallel_loop3A_159 : i32 to index
        %parallel_loop3A_537 = tpu.vector_load %arg7[%parallel_loop3A_534, %parallel_loop3A_535, %parallel_loop3A_536] {strides = array<i32>} : memref<4x64x128xf32, #tpu.memory_space<vmem>>, vector<16xf32>,
        tpu.vector_store %arg7[%parallel_loop3A_534, %parallel_loop3A_535, %parallel_loop3A_536], %parallel_loop3A_531 {strides = array<i32>} : memref<4x64x128xf32, #tpu.memory_space<vmem>>, vector<16xf32>,
        %parallel_loop3A_538 = arith.constant 42000 : i32
        %parallel_loop3A_539 = tpu.memref_slice %arg5[%parallel_loop3A_538] : memref<64000xf32, #tpu.memory_space<vmem>> -> memref<1000xf32, #tpu.memory_space<vmem>>
        %parallel_loop3A_540 = tpu.vector_load_idx %parallel_loop3A_539[%parallel_loop3A_157] : memref<1000xf32, #tpu.memory_space<vmem>>[vector<16xi32>], vector<16xf32>,
        %parallel_loop3A_541 = arith.constant 0 : i32
        %parallel_loop3A_542 = arith.constant 42 : i32
        %parallel_loop3A_543 = arith.index_cast %parallel_loop3A_541 : i32 to index
        %parallel_loop3A_544 = arith.index_cast %parallel_loop3A_542 : i32 to index
        %parallel_loop3A_545 = arith.index_cast %parallel_loop3A_159 : i32 to index
        %parallel_loop3A_546 = tpu.vector_load %arg7[%parallel_loop3A_543, %parallel_loop3A_544, %parallel_loop3A_545] {strides = array<i32>} : memref<4x64x128xf32, #tpu.memory_space<vmem>>, vector<16xf32>,
        tpu.vector_store %arg7[%parallel_loop3A_543, %parallel_loop3A_544, %parallel_loop3A_545], %parallel_loop3A_540 {strides = array<i32>} : memref<4x64x128xf32, #tpu.memory_space<vmem>>, vector<16xf32>,
        %parallel_loop3A_547 = arith.constant 43000 : i32
        %parallel_loop3A_548 = tpu.memref_slice %arg5[%parallel_loop3A_547] : memref<64000xf32, #tpu.memory_space<vmem>> -> memref<1000xf32, #tpu.memory_space<vmem>>
        %parallel_loop3A_549 = tpu.vector_load_idx %parallel_loop3A_548[%parallel_loop3A_157] : memref<1000xf32, #tpu.memory_space<vmem>>[vector<16xi32>], vector<16xf32>,
        %parallel_loop3A_550 = arith.constant 0 : i32
        %parallel_loop3A_551 = arith.constant 43 : i32
        %parallel_loop3A_552 = arith.index_cast %parallel_loop3A_550 : i32 to index
        %parallel_loop3A_553 = arith.index_cast %parallel_loop3A_551 : i32 to index
        %parallel_loop3A_554 = arith.index_cast %parallel_loop3A_159 : i32 to index
        %parallel_loop3A_555 = tpu.vector_load %arg7[%parallel_loop3A_552, %parallel_loop3A_553, %parallel_loop3A_554] {strides = array<i32>} : memref<4x64x128xf32, #tpu.memory_space<vmem>>, vector<16xf32>,
        tpu.vector_store %arg7[%parallel_loop3A_552, %parallel_loop3A_553, %parallel_loop3A_554], %parallel_loop3A_549 {strides = array<i32>} : memref<4x64x128xf32, #tpu.memory_space<vmem>>, vector<16xf32>,
        %parallel_loop3A_556 = arith.constant 44000 : i32
        %parallel_loop3A_557 = tpu.memref_slice %arg5[%parallel_loop3A_556] : memref<64000xf32, #tpu.memory_space<vmem>> -> memref<1000xf32, #tpu.memory_space<vmem>>
        %parallel_loop3A_558 = tpu.vector_load_idx %parallel_loop3A_557[%parallel_loop3A_157] : memref<1000xf32, #tpu.memory_space<vmem>>[vector<16xi32>], vector<16xf32>,
        %parallel_loop3A_559 = arith.constant 0 : i32
        %parallel_loop3A_560 = arith.constant 44 : i32
        %parallel_loop3A_561 = arith.index_cast %parallel_loop3A_559 : i32 to index
        %parallel_loop3A_562 = arith.index_cast %parallel_loop3A_560 : i32 to index
        %parallel_loop3A_563 = arith.index_cast %parallel_loop3A_159 : i32 to index
        %parallel_loop3A_564 = tpu.vector_load %arg7[%parallel_loop3A_561, %parallel_loop3A_562, %parallel_loop3A_563] {strides = array<i32>} : memref<4x64x128xf32, #tpu.memory_space<vmem>>, vector<16xf32>,
        tpu.vector_store %arg7[%parallel_loop3A_561, %parallel_loop3A_562, %parallel_loop3A_563], %parallel_loop3A_558 {strides = array<i32>} : memref<4x64x128xf32, #tpu.memory_space<vmem>>, vector<16xf32>,
        %parallel_loop3A_565 = arith.constant 45000 : i32
        %parallel_loop3A_566 = tpu.memref_slice %arg5[%parallel_loop3A_565] : memref<64000xf32, #tpu.memory_space<vmem>> -> memref<1000xf32, #tpu.memory_space<vmem>>
        %parallel_loop3A_567 = tpu.vector_load_idx %parallel_loop3A_566[%parallel_loop3A_157] : memref<1000xf32, #tpu.memory_space<vmem>>[vector<16xi32>], vector<16xf32>,
        %parallel_loop3A_568 = arith.constant 0 : i32
        %parallel_loop3A_569 = arith.constant 45 : i32
        %parallel_loop3A_570 = arith.index_cast %parallel_loop3A_568 : i32 to index
        %parallel_loop3A_571 = arith.index_cast %parallel_loop3A_569 : i32 to index
        %parallel_loop3A_572 = arith.index_cast %parallel_loop3A_159 : i32 to index
        %parallel_loop3A_573 = tpu.vector_load %arg7[%parallel_loop3A_570, %parallel_loop3A_571, %parallel_loop3A_572] {strides = array<i32>} : memref<4x64x128xf32, #tpu.memory_space<vmem>>, vector<16xf32>,
        tpu.vector_store %arg7[%parallel_loop3A_570, %parallel_loop3A_571, %parallel_loop3A_572], %parallel_loop3A_567 {strides = array<i32>} : memref<4x64x128xf32, #tpu.memory_space<vmem>>, vector<16xf32>,
        %parallel_loop3A_574 = arith.constant 46000 : i32
        %parallel_loop3A_575 = tpu.memref_slice %arg5[%parallel_loop3A_574] : memref<64000xf32, #tpu.memory_space<vmem>> -> memref<1000xf32, #tpu.memory_space<vmem>>
        %parallel_loop3A_576 = tpu.vector_load_idx %parallel_loop3A_575[%parallel_loop3A_157] : memref<1000xf32, #tpu.memory_space<vmem>>[vector<16xi32>], vector<16xf32>,
        %parallel_loop3A_577 = arith.constant 0 : i32
        %parallel_loop3A_578 = arith.constant 46 : i32
        %parallel_loop3A_579 = arith.index_cast %parallel_loop3A_577 : i32 to index
        %parallel_loop3A_580 = arith.index_cast %parallel_loop3A_578 : i32 to index
        %parallel_loop3A_581 = arith.index_cast %parallel_loop3A_159 : i32 to index
        %parallel_loop3A_582 = tpu.vector_load %arg7[%parallel_loop3A_579, %parallel_loop3A_580, %parallel_loop3A_581] {strides = array<i32>} : memref<4x64x128xf32, #tpu.memory_space<vmem>>, vector<16xf32>,
        tpu.vector_store %arg7[%parallel_loop3A_579, %parallel_loop3A_580, %parallel_loop3A_581], %parallel_loop3A_576 {strides = array<i32>} : memref<4x64x128xf32, #tpu.memory_space<vmem>>, vector<16xf32>,
        %parallel_loop3A_583 = arith.constant 47000 : i32
        %parallel_loop3A_584 = tpu.memref_slice %arg5[%parallel_loop3A_583] : memref<64000xf32, #tpu.memory_space<vmem>> -> memref<1000xf32, #tpu.memory_space<vmem>>
        %parallel_loop3A_585 = tpu.vector_load_idx %parallel_loop3A_584[%parallel_loop3A_157] : memref<1000xf32, #tpu.memory_space<vmem>>[vector<16xi32>], vector<16xf32>,
        %parallel_loop3A_586 = arith.constant 0 : i32
        %parallel_loop3A_587 = arith.constant 47 : i32
        %parallel_loop3A_588 = arith.index_cast %parallel_loop3A_586 : i32 to index
        %parallel_loop3A_589 = arith.index_cast %parallel_loop3A_587 : i32 to index
        %parallel_loop3A_590 = arith.index_cast %parallel_loop3A_159 : i32 to index
        %parallel_loop3A_591 = tpu.vector_load %arg7[%parallel_loop3A_588, %parallel_loop3A_589, %parallel_loop3A_590] {strides = array<i32>} : memref<4x64x128xf32, #tpu.memory_space<vmem>>, vector<16xf32>,
        tpu.vector_store %arg7[%parallel_loop3A_588, %parallel_loop3A_589, %parallel_loop3A_590], %parallel_loop3A_585 {strides = array<i32>} : memref<4x64x128xf32, #tpu.memory_space<vmem>>, vector<16xf32>,
        %parallel_loop3A_592 = arith.constant 48000 : i32
        %parallel_loop3A_593 = tpu.memref_slice %arg5[%parallel_loop3A_592] : memref<64000xf32, #tpu.memory_space<vmem>> -> memref<1000xf32, #tpu.memory_space<vmem>>
        %parallel_loop3A_594 = tpu.vector_load_idx %parallel_loop3A_593[%parallel_loop3A_157] : memref<1000xf32, #tpu.memory_space<vmem>>[vector<16xi32>], vector<16xf32>,
        %parallel_loop3A_595 = arith.constant 0 : i32
        %parallel_loop3A_596 = arith.constant 48 : i32
        %parallel_loop3A_597 = arith.index_cast %parallel_loop3A_595 : i32 to index
        %parallel_loop3A_598 = arith.index_cast %parallel_loop3A_596 : i32 to index
        %parallel_loop3A_599 = arith.index_cast %parallel_loop3A_159 : i32 to index
        %parallel_loop3A_600 = tpu.vector_load %arg7[%parallel_loop3A_597, %parallel_loop3A_598, %parallel_loop3A_599] {strides = array<i32>} : memref<4x64x128xf32, #tpu.memory_space<vmem>>, vector<16xf32>,
        tpu.vector_store %arg7[%parallel_loop3A_597, %parallel_loop3A_598, %parallel_loop3A_599], %parallel_loop3A_594 {strides = array<i32>} : memref<4x64x128xf32, #tpu.memory_space<vmem>>, vector<16xf32>,
        %parallel_loop3A_601 = arith.constant 49000 : i32
        %parallel_loop3A_602 = tpu.memref_slice %arg5[%parallel_loop3A_601] : memref<64000xf32, #tpu.memory_space<vmem>> -> memref<1000xf32, #tpu.memory_space<vmem>>
        %parallel_loop3A_603 = tpu.vector_load_idx %parallel_loop3A_602[%parallel_loop3A_157] : memref<1000xf32, #tpu.memory_space<vmem>>[vector<16xi32>], vector<16xf32>,
        %parallel_loop3A_604 = arith.constant 0 : i32
        %parallel_loop3A_605 = arith.constant 49 : i32
        %parallel_loop3A_606 = arith.index_cast %parallel_loop3A_604 : i32 to index
        %parallel_loop3A_607 = arith.index_cast %parallel_loop3A_605 : i32 to index
        %parallel_loop3A_608 = arith.index_cast %parallel_loop3A_159 : i32 to index
        %parallel_loop3A_609 = tpu.vector_load %arg7[%parallel_loop3A_606, %parallel_loop3A_607, %parallel_loop3A_608] {strides = array<i32>} : memref<4x64x128xf32, #tpu.memory_space<vmem>>, vector<16xf32>,
        tpu.vector_store %arg7[%parallel_loop3A_606, %parallel_loop3A_607, %parallel_loop3A_608], %parallel_loop3A_603 {strides = array<i32>} : memref<4x64x128xf32, #tpu.memory_space<vmem>>, vector<16xf32>,
        %parallel_loop3A_610 = arith.constant 50000 : i32
        %parallel_loop3A_611 = tpu.memref_slice %arg5[%parallel_loop3A_610] : memref<64000xf32, #tpu.memory_space<vmem>> -> memref<1000xf32, #tpu.memory_space<vmem>>
        %parallel_loop3A_612 = tpu.vector_load_idx %parallel_loop3A_611[%parallel_loop3A_157] : memref<1000xf32, #tpu.memory_space<vmem>>[vector<16xi32>], vector<16xf32>,
        %parallel_loop3A_613 = arith.constant 0 : i32
        %parallel_loop3A_614 = arith.constant 50 : i32
        %parallel_loop3A_615 = arith.index_cast %parallel_loop3A_613 : i32 to index
        %parallel_loop3A_616 = arith.index_cast %parallel_loop3A_614 : i32 to index
        %parallel_loop3A_617 = arith.index_cast %parallel_loop3A_159 : i32 to index
        %parallel_loop3A_618 = tpu.vector_load %arg7[%parallel_loop3A_615, %parallel_loop3A_616, %parallel_loop3A_617] {strides = array<i32>} : memref<4x64x128xf32, #tpu.memory_space<vmem>>, vector<16xf32>,
        tpu.vector_store %arg7[%parallel_loop3A_615, %parallel_loop3A_616, %parallel_loop3A_617], %parallel_loop3A_612 {strides = array<i32>} : memref<4x64x128xf32, #tpu.memory_space<vmem>>, vector<16xf32>,
        %parallel_loop3A_619 = arith.constant 51000 : i32
        %parallel_loop3A_620 = tpu.memref_slice %arg5[%parallel_loop3A_619] : memref<64000xf32, #tpu.memory_space<vmem>> -> memref<1000xf32, #tpu.memory_space<vmem>>
        %parallel_loop3A_621 = tpu.vector_load_idx %parallel_loop3A_620[%parallel_loop3A_157] : memref<1000xf32, #tpu.memory_space<vmem>>[vector<16xi32>], vector<16xf32>,
        %parallel_loop3A_622 = arith.constant 0 : i32
        %parallel_loop3A_623 = arith.constant 51 : i32
        %parallel_loop3A_624 = arith.index_cast %parallel_loop3A_622 : i32 to index
        %parallel_loop3A_625 = arith.index_cast %parallel_loop3A_623 : i32 to index
        %parallel_loop3A_626 = arith.index_cast %parallel_loop3A_159 : i32 to index
        %parallel_loop3A_627 = tpu.vector_load %arg7[%parallel_loop3A_624, %parallel_loop3A_625, %parallel_loop3A_626] {strides = array<i32>} : memref<4x64x128xf32, #tpu.memory_space<vmem>>, vector<16xf32>,
        tpu.vector_store %arg7[%parallel_loop3A_624, %parallel_loop3A_625, %parallel_loop3A_626], %parallel_loop3A_621 {strides = array<i32>} : memref<4x64x128xf32, #tpu.memory_space<vmem>>, vector<16xf32>,
        %parallel_loop3A_628 = arith.constant 52000 : i32
        %parallel_loop3A_629 = tpu.memref_slice %arg5[%parallel_loop3A_628] : memref<64000xf32, #tpu.memory_space<vmem>> -> memref<1000xf32, #tpu.memory_space<vmem>>
        %parallel_loop3A_630 = tpu.vector_load_idx %parallel_loop3A_629[%parallel_loop3A_157] : memref<1000xf32, #tpu.memory_space<vmem>>[vector<16xi32>], vector<16xf32>,
        %parallel_loop3A_631 = arith.constant 0 : i32
        %parallel_loop3A_632 = arith.constant 52 : i32
        %parallel_loop3A_633 = arith.index_cast %parallel_loop3A_631 : i32 to index
        %parallel_loop3A_634 = arith.index_cast %parallel_loop3A_632 : i32 to index
        %parallel_loop3A_635 = arith.index_cast %parallel_loop3A_159 : i32 to index
        %parallel_loop3A_636 = tpu.vector_load %arg7[%parallel_loop3A_633, %parallel_loop3A_634, %parallel_loop3A_635] {strides = array<i32>} : memref<4x64x128xf32, #tpu.memory_space<vmem>>, vector<16xf32>,
        tpu.vector_store %arg7[%parallel_loop3A_633, %parallel_loop3A_634, %parallel_loop3A_635], %parallel_loop3A_630 {strides = array<i32>} : memref<4x64x128xf32, #tpu.memory_space<vmem>>, vector<16xf32>,
        %parallel_loop3A_637 = arith.constant 53000 : i32
        %parallel_loop3A_638 = tpu.memref_slice %arg5[%parallel_loop3A_637] : memref<64000xf32, #tpu.memory_space<vmem>> -> memref<1000xf32, #tpu.memory_space<vmem>>
        %parallel_loop3A_639 = tpu.vector_load_idx %parallel_loop3A_638[%parallel_loop3A_157] : memref<1000xf32, #tpu.memory_space<vmem>>[vector<16xi32>], vector<16xf32>,
        %parallel_loop3A_640 = arith.constant 0 : i32
        %parallel_loop3A_641 = arith.constant 53 : i32
        %parallel_loop3A_642 = arith.index_cast %parallel_loop3A_640 : i32 to index
        %parallel_loop3A_643 = arith.index_cast %parallel_loop3A_641 : i32 to index
        %parallel_loop3A_644 = arith.index_cast %parallel_loop3A_159 : i32 to index
        %parallel_loop3A_645 = tpu.vector_load %arg7[%parallel_loop3A_642, %parallel_loop3A_643, %parallel_loop3A_644] {strides = array<i32>} : memref<4x64x128xf32, #tpu.memory_space<vmem>>, vector<16xf32>,
        tpu.vector_store %arg7[%parallel_loop3A_642, %parallel_loop3A_643, %parallel_loop3A_644], %parallel_loop3A_639 {strides = array<i32>} : memref<4x64x128xf32, #tpu.memory_space<vmem>>, vector<16xf32>,
        %parallel_loop3A_646 = arith.constant 54000 : i32
        %parallel_loop3A_647 = tpu.memref_slice %arg5[%parallel_loop3A_646] : memref<64000xf32, #tpu.memory_space<vmem>> -> memref<1000xf32, #tpu.memory_space<vmem>>
        %parallel_loop3A_648 = tpu.vector_load_idx %parallel_loop3A_647[%parallel_loop3A_157] : memref<1000xf32, #tpu.memory_space<vmem>>[vector<16xi32>], vector<16xf32>,
        %parallel_loop3A_649 = arith.constant 0 : i32
        %parallel_loop3A_650 = arith.constant 54 : i32
        %parallel_loop3A_651 = arith.index_cast %parallel_loop3A_649 : i32 to index
        %parallel_loop3A_652 = arith.index_cast %parallel_loop3A_650 : i32 to index
        %parallel_loop3A_653 = arith.index_cast %parallel_loop3A_159 : i32 to index
        %parallel_loop3A_654 = tpu.vector_load %arg7[%parallel_loop3A_651, %parallel_loop3A_652, %parallel_loop3A_653] {strides = array<i32>} : memref<4x64x128xf32, #tpu.memory_space<vmem>>, vector<16xf32>,
        tpu.vector_store %arg7[%parallel_loop3A_651, %parallel_loop3A_652, %parallel_loop3A_653], %parallel_loop3A_648 {strides = array<i32>} : memref<4x64x128xf32, #tpu.memory_space<vmem>>, vector<16xf32>,
        %parallel_loop3A_655 = arith.constant 55000 : i32
        %parallel_loop3A_656 = tpu.memref_slice %arg5[%parallel_loop3A_655] : memref<64000xf32, #tpu.memory_space<vmem>> -> memref<1000xf32, #tpu.memory_space<vmem>>
        %parallel_loop3A_657 = tpu.vector_load_idx %parallel_loop3A_656[%parallel_loop3A_157] : memref<1000xf32, #tpu.memory_space<vmem>>[vector<16xi32>], vector<16xf32>,
        %parallel_loop3A_658 = arith.constant 0 : i32
        %parallel_loop3A_659 = arith.constant 55 : i32
        %parallel_loop3A_660 = arith.index_cast %parallel_loop3A_658 : i32 to index
        %parallel_loop3A_661 = arith.index_cast %parallel_loop3A_659 : i32 to index
        %parallel_loop3A_662 = arith.index_cast %parallel_loop3A_159 : i32 to index
        %parallel_loop3A_663 = tpu.vector_load %arg7[%parallel_loop3A_660, %parallel_loop3A_661, %parallel_loop3A_662] {strides = array<i32>} : memref<4x64x128xf32, #tpu.memory_space<vmem>>, vector<16xf32>,
        tpu.vector_store %arg7[%parallel_loop3A_660, %parallel_loop3A_661, %parallel_loop3A_662], %parallel_loop3A_657 {strides = array<i32>} : memref<4x64x128xf32, #tpu.memory_space<vmem>>, vector<16xf32>,
        %parallel_loop3A_664 = arith.constant 56000 : i32
        %parallel_loop3A_665 = tpu.memref_slice %arg5[%parallel_loop3A_664] : memref<64000xf32, #tpu.memory_space<vmem>> -> memref<1000xf32, #tpu.memory_space<vmem>>
        %parallel_loop3A_666 = tpu.vector_load_idx %parallel_loop3A_665[%parallel_loop3A_157] : memref<1000xf32, #tpu.memory_space<vmem>>[vector<16xi32>], vector<16xf32>,
        %parallel_loop3A_667 = arith.constant 0 : i32
        %parallel_loop3A_668 = arith.constant 56 : i32
        %parallel_loop3A_669 = arith.index_cast %parallel_loop3A_667 : i32 to index
        %parallel_loop3A_670 = arith.index_cast %parallel_loop3A_668 : i32 to index
        %parallel_loop3A_671 = arith.index_cast %parallel_loop3A_159 : i32 to index
        %parallel_loop3A_672 = tpu.vector_load %arg7[%parallel_loop3A_669, %parallel_loop3A_670, %parallel_loop3A_671] {strides = array<i32>} : memref<4x64x128xf32, #tpu.memory_space<vmem>>, vector<16xf32>,
        tpu.vector_store %arg7[%parallel_loop3A_669, %parallel_loop3A_670, %parallel_loop3A_671], %parallel_loop3A_666 {strides = array<i32>} : memref<4x64x128xf32, #tpu.memory_space<vmem>>, vector<16xf32>,
        %parallel_loop3A_673 = arith.constant 57000 : i32
        %parallel_loop3A_674 = tpu.memref_slice %arg5[%parallel_loop3A_673] : memref<64000xf32, #tpu.memory_space<vmem>> -> memref<1000xf32, #tpu.memory_space<vmem>>
        %parallel_loop3A_675 = tpu.vector_load_idx %parallel_loop3A_674[%parallel_loop3A_157] : memref<1000xf32, #tpu.memory_space<vmem>>[vector<16xi32>], vector<16xf32>,
        %parallel_loop3A_676 = arith.constant 0 : i32
        %parallel_loop3A_677 = arith.constant 57 : i32
        %parallel_loop3A_678 = arith.index_cast %parallel_loop3A_676 : i32 to index
        %parallel_loop3A_679 = arith.index_cast %parallel_loop3A_677 : i32 to index
        %parallel_loop3A_680 = arith.index_cast %parallel_loop3A_159 : i32 to index
        %parallel_loop3A_681 = tpu.vector_load %arg7[%parallel_loop3A_678, %parallel_loop3A_679, %parallel_loop3A_680] {strides = array<i32>} : memref<4x64x128xf32, #tpu.memory_space<vmem>>, vector<16xf32>,
        tpu.vector_store %arg7[%parallel_loop3A_678, %parallel_loop3A_679, %parallel_loop3A_680], %parallel_loop3A_675 {strides = array<i32>} : memref<4x64x128xf32, #tpu.memory_space<vmem>>, vector<16xf32>,
        %parallel_loop3A_682 = arith.constant 58000 : i32
        %parallel_loop3A_683 = tpu.memref_slice %arg5[%parallel_loop3A_682] : memref<64000xf32, #tpu.memory_space<vmem>> -> memref<1000xf32, #tpu.memory_space<vmem>>
        %parallel_loop3A_684 = tpu.vector_load_idx %parallel_loop3A_683[%parallel_loop3A_157] : memref<1000xf32, #tpu.memory_space<vmem>>[vector<16xi32>], vector<16xf32>,
        %parallel_loop3A_685 = arith.constant 0 : i32
        %parallel_loop3A_686 = arith.constant 58 : i32
        %parallel_loop3A_687 = arith.index_cast %parallel_loop3A_685 : i32 to index
        %parallel_loop3A_688 = arith.index_cast %parallel_loop3A_686 : i32 to index
        %parallel_loop3A_689 = arith.index_cast %parallel_loop3A_159 : i32 to index
        %parallel_loop3A_690 = tpu.vector_load %arg7[%parallel_loop3A_687, %parallel_loop3A_688, %parallel_loop3A_689] {strides = array<i32>} : memref<4x64x128xf32, #tpu.memory_space<vmem>>, vector<16xf32>,
        tpu.vector_store %arg7[%parallel_loop3A_687, %parallel_loop3A_688, %parallel_loop3A_689], %parallel_loop3A_684 {strides = array<i32>} : memref<4x64x128xf32, #tpu.memory_space<vmem>>, vector<16xf32>,
        %parallel_loop3A_691 = arith.constant 59000 : i32
        %parallel_loop3A_692 = tpu.memref_slice %arg5[%parallel_loop3A_691] : memref<64000xf32, #tpu.memory_space<vmem>> -> memref<1000xf32, #tpu.memory_space<vmem>>
        %parallel_loop3A_693 = tpu.vector_load_idx %parallel_loop3A_692[%parallel_loop3A_157] : memref<1000xf32, #tpu.memory_space<vmem>>[vector<16xi32>], vector<16xf32>,
        %parallel_loop3A_694 = arith.constant 0 : i32
        %parallel_loop3A_695 = arith.constant 59 : i32
        %parallel_loop3A_696 = arith.index_cast %parallel_loop3A_694 : i32 to index
        %parallel_loop3A_697 = arith.index_cast %parallel_loop3A_695 : i32 to index
        %parallel_loop3A_698 = arith.index_cast %parallel_loop3A_159 : i32 to index
        %parallel_loop3A_699 = tpu.vector_load %arg7[%parallel_loop3A_696, %parallel_loop3A_697, %parallel_loop3A_698] {strides = array<i32>} : memref<4x64x128xf32, #tpu.memory_space<vmem>>, vector<16xf32>,
        tpu.vector_store %arg7[%parallel_loop3A_696, %parallel_loop3A_697, %parallel_loop3A_698], %parallel_loop3A_693 {strides = array<i32>} : memref<4x64x128xf32, #tpu.memory_space<vmem>>, vector<16xf32>,
        %parallel_loop3A_700 = arith.constant 60000 : i32
        %parallel_loop3A_701 = tpu.memref_slice %arg5[%parallel_loop3A_700] : memref<64000xf32, #tpu.memory_space<vmem>> -> memref<1000xf32, #tpu.memory_space<vmem>>
        %parallel_loop3A_702 = tpu.vector_load_idx %parallel_loop3A_701[%parallel_loop3A_157] : memref<1000xf32, #tpu.memory_space<vmem>>[vector<16xi32>], vector<16xf32>,
        %parallel_loop3A_703 = arith.constant 0 : i32
        %parallel_loop3A_704 = arith.constant 60 : i32
        %parallel_loop3A_705 = arith.index_cast %parallel_loop3A_703 : i32 to index
        %parallel_loop3A_706 = arith.index_cast %parallel_loop3A_704 : i32 to index
        %parallel_loop3A_707 = arith.index_cast %parallel_loop3A_159 : i32 to index
        %parallel_loop3A_708 = tpu.vector_load %arg7[%parallel_loop3A_705, %parallel_loop3A_706, %parallel_loop3A_707] {strides = array<i32>} : memref<4x64x128xf32, #tpu.memory_space<vmem>>, vector<16xf32>,
        tpu.vector_store %arg7[%parallel_loop3A_705, %parallel_loop3A_706, %parallel_loop3A_707], %parallel_loop3A_702 {strides = array<i32>} : memref<4x64x128xf32, #tpu.memory_space<vmem>>, vector<16xf32>,
        %parallel_loop3A_709 = arith.constant 61000 : i32
        %parallel_loop3A_710 = tpu.memref_slice %arg5[%parallel_loop3A_709] : memref<64000xf32, #tpu.memory_space<vmem>> -> memref<1000xf32, #tpu.memory_space<vmem>>
        %parallel_loop3A_711 = tpu.vector_load_idx %parallel_loop3A_710[%parallel_loop3A_157] : memref<1000xf32, #tpu.memory_space<vmem>>[vector<16xi32>], vector<16xf32>,
        %parallel_loop3A_712 = arith.constant 0 : i32
        %parallel_loop3A_713 = arith.constant 61 : i32
        %parallel_loop3A_714 = arith.index_cast %parallel_loop3A_712 : i32 to index
        %parallel_loop3A_715 = arith.index_cast %parallel_loop3A_713 : i32 to index
        %parallel_loop3A_716 = arith.index_cast %parallel_loop3A_159 : i32 to index
        %parallel_loop3A_717 = tpu.vector_load %arg7[%parallel_loop3A_714, %parallel_loop3A_715, %parallel_loop3A_716] {strides = array<i32>} : memref<4x64x128xf32, #tpu.memory_space<vmem>>, vector<16xf32>,
        tpu.vector_store %arg7[%parallel_loop3A_714, %parallel_loop3A_715, %parallel_loop3A_716], %parallel_loop3A_711 {strides = array<i32>} : memref<4x64x128xf32, #tpu.memory_space<vmem>>, vector<16xf32>,
        %parallel_loop3A_718 = arith.constant 62000 : i32
        %parallel_loop3A_719 = tpu.memref_slice %arg5[%parallel_loop3A_718] : memref<64000xf32, #tpu.memory_space<vmem>> -> memref<1000xf32, #tpu.memory_space<vmem>>
        %parallel_loop3A_720 = tpu.vector_load_idx %parallel_loop3A_719[%parallel_loop3A_157] : memref<1000xf32, #tpu.memory_space<vmem>>[vector<16xi32>], vector<16xf32>,
        %parallel_loop3A_721 = arith.constant 0 : i32
        %parallel_loop3A_722 = arith.constant 62 : i32
        %parallel_loop3A_723 = arith.index_cast %parallel_loop3A_721 : i32 to index
        %parallel_loop3A_724 = arith.index_cast %parallel_loop3A_722 : i32 to index
        %parallel_loop3A_725 = arith.index_cast %parallel_loop3A_159 : i32 to index
        %parallel_loop3A_726 = tpu.vector_load %arg7[%parallel_loop3A_723, %parallel_loop3A_724, %parallel_loop3A_725] {strides = array<i32>} : memref<4x64x128xf32, #tpu.memory_space<vmem>>, vector<16xf32>,
        tpu.vector_store %arg7[%parallel_loop3A_723, %parallel_loop3A_724, %parallel_loop3A_725], %parallel_loop3A_720 {strides = array<i32>} : memref<4x64x128xf32, #tpu.memory_space<vmem>>, vector<16xf32>,
        %parallel_loop3A_727 = arith.constant 63000 : i32
        %parallel_loop3A_728 = tpu.memref_slice %arg5[%parallel_loop3A_727] : memref<64000xf32, #tpu.memory_space<vmem>> -> memref<1000xf32, #tpu.memory_space<vmem>>
        %parallel_loop3A_729 = tpu.vector_load_idx %parallel_loop3A_728[%parallel_loop3A_157] : memref<1000xf32, #tpu.memory_space<vmem>>[vector<16xi32>], vector<16xf32>,
        %parallel_loop3A_730 = arith.constant 0 : i32
        %parallel_loop3A_731 = arith.constant 63 : i32
        %parallel_loop3A_732 = arith.index_cast %parallel_loop3A_730 : i32 to index
        %parallel_loop3A_733 = arith.index_cast %parallel_loop3A_731 : i32 to index
        %parallel_loop3A_734 = arith.index_cast %parallel_loop3A_159 : i32 to index
        %parallel_loop3A_735 = tpu.vector_load %arg7[%parallel_loop3A_732, %parallel_loop3A_733, %parallel_loop3A_734] {strides = array<i32>} : memref<4x64x128xf32, #tpu.memory_space<vmem>>, vector<16xf32>,
        tpu.vector_store %arg7[%parallel_loop3A_732, %parallel_loop3A_733, %parallel_loop3A_734], %parallel_loop3A_729 {strides = array<i32>} : memref<4x64x128xf32, #tpu.memory_space<vmem>>, vector<16xf32>,
      } {sc.loop_unroll_factor = 4 : i64, sc.parallel_access}
      %mul3A_66 = arith.constant 64 : i32
      %mul3A_67 = arith.muli %scan3A_60, %mul3A_66 : i32
      %add3A_68 = arith.constant 0 : i32
      %add3A_69 = arith.addi %mul3A_2, %add3A_68 : i32
      %dma_start3A = arith.constant 0 : i32
      %dma_start3A_70 = arith.constant 0 : i32
      %dma_start3A_71 = arith.constant 0 : i32
      %dma_start3A_72 = tpu.memref_slice %arg7[%dma_start3A, %dma_start3A_70, %dma_start3A_71] : memref<4x64x128xf32, #tpu.memory_space<vmem>> -> memref<1x64x128xf32, #tpu.memory_space<vmem>>
      %dma_start3A_73 = tpu.memref_squeeze %dma_start3A_72 : memref<1x64x128xf32, #tpu.memory_space<vmem>> -> memref<64x128xf32, #tpu.memory_space<vmem>>
      %dma_start3A_74 = tpu.memref_slice %arg4[%mul3A_67, %add3A_69] : memref<3200x16384xf32, #tpu.memory_space<hbm>> -> memref<64x128xf32, #tpu.memory_space<hbm>>
      %dma_start3A_75 = tpu.memref_slice %arg4[%mul3A_67, %add3A_69] : memref<3200x16384xf32, #tpu.memory_space<hbm>> -> memref<64x128xf32, #tpu.memory_space<hbm>>
      %dma_start3A_76 = arith.constant 0 : i32
      %dma_start3A_77 = arith.constant 0 : i32
      %dma_start3A_78 = tpu.memref_slice %arg7[%dma_start3A, %dma_start3A_76, %dma_start3A_77] : memref<4x64x128xf32, #tpu.memory_space<vmem>> -> memref<1x64x128xf32, #tpu.memory_space<vmem>>
      %dma_start3A_79 = tpu.memref_squeeze %dma_start3A_78 : memref<1x64x128xf32, #tpu.memory_space<vmem>> -> memref<64x128xf32, #tpu.memory_space<vmem>>
      tpu.enqueue_dma source(%dma_start3A_79 : memref<64x128xf32, #tpu.memory_space<vmem>>) target(%dma_start3A_75 : memref<64x128xf32, #tpu.memory_space<hbm>>) target_semaphore(%arg8 : memref<!tpu.dma_semaphore, #tpu.memory_space<semaphore_mem>>)
      %gt3A_80 = arith.constant 0 : i32
      %gt3A_81 = arith.cmpi sgt, %scan3A_60, %gt3A_80 : i32
      %convert_element_type3A_82 = arith.extui %gt3A_81 : i1 to i32
      %cond3A_83 = arith.constant 0 : i32
      %cond3A_84 = arith.cmpi ne, %convert_element_type3A_82, %cond3A_83 : i32
      scf.if %cond3A_84 {
        %dma_wait3A_150 = arith.constant 1 : i32
        %dma_wait3A_151 = arith.constant 0 : i32
        %dma_wait3A_152 = arith.constant 0 : i32
        %dma_wait3A_153 = tpu.memref_slice %arg7[%dma_wait3A_150, %dma_wait3A_151, %dma_wait3A_152] : memref<4x64x128xf32, #tpu.memory_space<vmem>> -> memref<1x64x128xf32, #tpu.memory_space<vmem>>
        %dma_wait3A_154 = tpu.memref_squeeze %dma_wait3A_153 : memref<1x64x128xf32, #tpu.memory_space<vmem>> -> memref<64x128xf32, #tpu.memory_space<vmem>>
        %dma_wait3A_155 = arith.constant 0 : i32
        %dma_wait3A_156 = tpu.memref_slice %arg4[%dma_wait3A_155, %mul3A_2] : memref<3200x16384xf32, #tpu.memory_space<hbm>> -> memref<64x128xf32, #tpu.memory_space<hbm>>
        %dma_wait3A_157 = arith.constant 0 : i32
        %dma_wait3A_158 = tpu.memref_slice %arg4[%dma_wait3A_157, %mul3A_2] : memref<3200x16384xf32, #tpu.memory_space<hbm>> -> memref<64x128xf32, #tpu.memory_space<hbm>>
        %dma_wait3A_159 = arith.constant 0 : i32
        %dma_wait3A_160 = arith.constant 0 : i32
        %dma_wait3A_161 = tpu.memref_slice %arg7[%dma_wait3A_150, %dma_wait3A_159, %dma_wait3A_160] : memref<4x64x128xf32, #tpu.memory_space<vmem>> -> memref<1x64x128xf32, #tpu.memory_space<vmem>>
        %dma_wait3A_162 = tpu.memref_squeeze %dma_wait3A_161 : memref<1x64x128xf32, #tpu.memory_space<vmem>> -> memref<64x128xf32, #tpu.memory_space<vmem>>
        tpu.wait_dma2 semaphore(%arg9 : memref<!tpu.dma_semaphore, #tpu.memory_space<semaphore_mem>>) src(%dma_wait3A_162 : memref<64x128xf32, #tpu.memory_space<vmem>>) dst(%dma_wait3A_158 : memref<64x128xf32, #tpu.memory_space<hbm>>)
      } else {
      }
      %parallel_loop3A_85 = arith.constant 0 : i32
      %parallel_loop3A_86 = arith.constant 8 : i32
      %parallel_loop3A_87 = arith.constant 1 : i32
      scf.for %parallel_loop3A_150 = %parallel_loop3A_85 to %parallel_loop3A_86 step %parallel_loop3A_87  : i32 {
        %parallel_loop3A_151 = arith.constant 16 : i32
        %parallel_loop3A_152 = arith.muli %parallel_loop3A_150, %parallel_loop3A_151 : i32
        %parallel_loop3A_153 = arith.constant 128 : i32
        %parallel_loop3A_154 = arith.addi %parallel_loop3A_153, %parallel_loop3A_152 : i32
        %parallel_loop3A_155 = arith.index_cast %scan3A_60 : i32 to index
        %parallel_loop3A_156 = arith.index_cast %parallel_loop3A_154 : i32 to index
        %parallel_loop3A_157 = tpu.vector_load %arg6[%parallel_loop3A_155, %parallel_loop3A_156] {strides = array<i32>} : memref<50x512xi32, #tpu.memory_space<vmem>>, vector<16xi32>,
        %parallel_loop3A_158 = arith.constant 16 : i32
        %parallel_loop3A_159 = arith.muli %parallel_loop3A_150, %parallel_loop3A_158 : i32
        %parallel_loop3A_160 = arith.constant 0 : i32
        %parallel_loop3A_161 = tpu.memref_slice %arg5[%parallel_loop3A_160] : memref<64000xf32, #tpu.memory_space<vmem>> -> memref<1000xf32, #tpu.memory_space<vmem>>
        %parallel_loop3A_162 = tpu.vector_load_idx %parallel_loop3A_161[%parallel_loop3A_157] : memref<1000xf32, #tpu.memory_space<vmem>>[vector<16xi32>], vector<16xf32>,
        %parallel_loop3A_163 = arith.constant 1 : i32
        %parallel_loop3A_164 = arith.constant 0 : i32
        %parallel_loop3A_165 = arith.index_cast %parallel_loop3A_163 : i32 to index
        %parallel_loop3A_166 = arith.index_cast %parallel_loop3A_164 : i32 to index
        %parallel_loop3A_167 = arith.index_cast %parallel_loop3A_159 : i32 to index
        %parallel_loop3A_168 = tpu.vector_load %arg7[%parallel_loop3A_165, %parallel_loop3A_166, %parallel_loop3A_167] {strides = array<i32>} : memref<4x64x128xf32, #tpu.memory_space<vmem>>, vector<16xf32>,
        tpu.vector_store %arg7[%parallel_loop3A_165, %parallel_loop3A_166, %parallel_loop3A_167], %parallel_loop3A_162 {strides = array<i32>} : memref<4x64x128xf32, #tpu.memory_space<vmem>>, vector<16xf32>,
        %parallel_loop3A_169 = arith.constant 1000 : i32
        %parallel_loop3A_170 = tpu.memref_slice %arg5[%parallel_loop3A_169] : memref<64000xf32, #tpu.memory_space<vmem>> -> memref<1000xf32, #tpu.memory_space<vmem>>
        %parallel_loop3A_171 = tpu.vector_load_idx %parallel_loop3A_170[%parallel_loop3A_157] : memref<1000xf32, #tpu.memory_space<vmem>>[vector<16xi32>], vector<16xf32>,
        %parallel_loop3A_172 = arith.constant 1 : i32
        %parallel_loop3A_173 = arith.constant 1 : i32
        %parallel_loop3A_174 = arith.index_cast %parallel_loop3A_172 : i32 to index
        %parallel_loop3A_175 = arith.index_cast %parallel_loop3A_173 : i32 to index
        %parallel_loop3A_176 = arith.index_cast %parallel_loop3A_159 : i32 to index
        %parallel_loop3A_177 = tpu.vector_load %arg7[%parallel_loop3A_174, %parallel_loop3A_175, %parallel_loop3A_176] {strides = array<i32>} : memref<4x64x128xf32, #tpu.memory_space<vmem>>, vector<16xf32>,
        tpu.vector_store %arg7[%parallel_loop3A_174, %parallel_loop3A_175, %parallel_loop3A_176], %parallel_loop3A_171 {strides = array<i32>} : memref<4x64x128xf32, #tpu.memory_space<vmem>>, vector<16xf32>,
        %parallel_loop3A_178 = arith.constant 2000 : i32
        %parallel_loop3A_179 = tpu.memref_slice %arg5[%parallel_loop3A_178] : memref<64000xf32, #tpu.memory_space<vmem>> -> memref<1000xf32, #tpu.memory_space<vmem>>
        %parallel_loop3A_180 = tpu.vector_load_idx %parallel_loop3A_179[%parallel_loop3A_157] : memref<1000xf32, #tpu.memory_space<vmem>>[vector<16xi32>], vector<16xf32>,
        %parallel_loop3A_181 = arith.constant 1 : i32
        %parallel_loop3A_182 = arith.constant 2 : i32
        %parallel_loop3A_183 = arith.index_cast %parallel_loop3A_181 : i32 to index
        %parallel_loop3A_184 = arith.index_cast %parallel_loop3A_182 : i32 to index
        %parallel_loop3A_185 = arith.index_cast %parallel_loop3A_159 : i32 to index
        %parallel_loop3A_186 = tpu.vector_load %arg7[%parallel_loop3A_183, %parallel_loop3A_184, %parallel_loop3A_185] {strides = array<i32>} : memref<4x64x128xf32, #tpu.memory_space<vmem>>, vector<16xf32>,
        tpu.vector_store %arg7[%parallel_loop3A_183, %parallel_loop3A_184, %parallel_loop3A_185], %parallel_loop3A_180 {strides = array<i32>} : memref<4x64x128xf32, #tpu.memory_space<vmem>>, vector<16xf32>,
        %parallel_loop3A_187 = arith.constant 3000 : i32
        %parallel_loop3A_188 = tpu.memref_slice %arg5[%parallel_loop3A_187] : memref<64000xf32, #tpu.memory_space<vmem>> -> memref<1000xf32, #tpu.memory_space<vmem>>
        %parallel_loop3A_189 = tpu.vector_load_idx %parallel_loop3A_188[%parallel_loop3A_157] : memref<1000xf32, #tpu.memory_space<vmem>>[vector<16xi32>], vector<16xf32>,
        %parallel_loop3A_190 = arith.constant 1 : i32
        %parallel_loop3A_191 = arith.constant 3 : i32
        %parallel_loop3A_192 = arith.index_cast %parallel_loop3A_190 : i32 to index
        %parallel_loop3A_193 = arith.index_cast %parallel_loop3A_191 : i32 to index
        %parallel_loop3A_194 = arith.index_cast %parallel_loop3A_159 : i32 to index
        %parallel_loop3A_195 = tpu.vector_load %arg7[%parallel_loop3A_192, %parallel_loop3A_193, %parallel_loop3A_194] {strides = array<i32>} : memref<4x64x128xf32, #tpu.memory_space<vmem>>, vector<16xf32>,
        tpu.vector_store %arg7[%parallel_loop3A_192, %parallel_loop3A_193, %parallel_loop3A_194], %parallel_loop3A_189 {strides = array<i32>} : memref<4x64x128xf32, #tpu.memory_space<vmem>>, vector<16xf32>,
        %parallel_loop3A_196 = arith.constant 4000 : i32
        %parallel_loop3A_197 = tpu.memref_slice %arg5[%parallel_loop3A_196] : memref<64000xf32, #tpu.memory_space<vmem>> -> memref<1000xf32, #tpu.memory_space<vmem>>
        %parallel_loop3A_198 = tpu.vector_load_idx %parallel_loop3A_197[%parallel_loop3A_157] : memref<1000xf32, #tpu.memory_space<vmem>>[vector<16xi32>], vector<16xf32>,
        %parallel_loop3A_199 = arith.constant 1 : i32
        %parallel_loop3A_200 = arith.constant 4 : i32
        %parallel_loop3A_201 = arith.index_cast %parallel_loop3A_199 : i32 to index
        %parallel_loop3A_202 = arith.index_cast %parallel_loop3A_200 : i32 to index
        %parallel_loop3A_203 = arith.index_cast %parallel_loop3A_159 : i32 to index
        %parallel_loop3A_204 = tpu.vector_load %arg7[%parallel_loop3A_201, %parallel_loop3A_202, %parallel_loop3A_203] {strides = array<i32>} : memref<4x64x128xf32, #tpu.memory_space<vmem>>, vector<16xf32>,
        tpu.vector_store %arg7[%parallel_loop3A_201, %parallel_loop3A_202, %parallel_loop3A_203], %parallel_loop3A_198 {strides = array<i32>} : memref<4x64x128xf32, #tpu.memory_space<vmem>>, vector<16xf32>,
        %parallel_loop3A_205 = arith.constant 5000 : i32
        %parallel_loop3A_206 = tpu.memref_slice %arg5[%parallel_loop3A_205] : memref<64000xf32, #tpu.memory_space<vmem>> -> memref<1000xf32, #tpu.memory_space<vmem>>
        %parallel_loop3A_207 = tpu.vector_load_idx %parallel_loop3A_206[%parallel_loop3A_157] : memref<1000xf32, #tpu.memory_space<vmem>>[vector<16xi32>], vector<16xf32>,
        %parallel_loop3A_208 = arith.constant 1 : i32
        %parallel_loop3A_209 = arith.constant 5 : i32
        %parallel_loop3A_210 = arith.index_cast %parallel_loop3A_208 : i32 to index
        %parallel_loop3A_211 = arith.index_cast %parallel_loop3A_209 : i32 to index
        %parallel_loop3A_212 = arith.index_cast %parallel_loop3A_159 : i32 to index
        %parallel_loop3A_213 = tpu.vector_load %arg7[%parallel_loop3A_210, %parallel_loop3A_211, %parallel_loop3A_212] {strides = array<i32>} : memref<4x64x128xf32, #tpu.memory_space<vmem>>, vector<16xf32>,
        tpu.vector_store %arg7[%parallel_loop3A_210, %parallel_loop3A_211, %parallel_loop3A_212], %parallel_loop3A_207 {strides = array<i32>} : memref<4x64x128xf32, #tpu.memory_space<vmem>>, vector<16xf32>,
        %parallel_loop3A_214 = arith.constant 6000 : i32
        %parallel_loop3A_215 = tpu.memref_slice %arg5[%parallel_loop3A_214] : memref<64000xf32, #tpu.memory_space<vmem>> -> memref<1000xf32, #tpu.memory_space<vmem>>
        %parallel_loop3A_216 = tpu.vector_load_idx %parallel_loop3A_215[%parallel_loop3A_157] : memref<1000xf32, #tpu.memory_space<vmem>>[vector<16xi32>], vector<16xf32>,
        %parallel_loop3A_217 = arith.constant 1 : i32
        %parallel_loop3A_218 = arith.constant 6 : i32
        %parallel_loop3A_219 = arith.index_cast %parallel_loop3A_217 : i32 to index
        %parallel_loop3A_220 = arith.index_cast %parallel_loop3A_218 : i32 to index
        %parallel_loop3A_221 = arith.index_cast %parallel_loop3A_159 : i32 to index
        %parallel_loop3A_222 = tpu.vector_load %arg7[%parallel_loop3A_219, %parallel_loop3A_220, %parallel_loop3A_221] {strides = array<i32>} : memref<4x64x128xf32, #tpu.memory_space<vmem>>, vector<16xf32>,
        tpu.vector_store %arg7[%parallel_loop3A_219, %parallel_loop3A_220, %parallel_loop3A_221], %parallel_loop3A_216 {strides = array<i32>} : memref<4x64x128xf32, #tpu.memory_space<vmem>>, vector<16xf32>,
        %parallel_loop3A_223 = arith.constant 7000 : i32
        %parallel_loop3A_224 = tpu.memref_slice %arg5[%parallel_loop3A_223] : memref<64000xf32, #tpu.memory_space<vmem>> -> memref<1000xf32, #tpu.memory_space<vmem>>
        %parallel_loop3A_225 = tpu.vector_load_idx %parallel_loop3A_224[%parallel_loop3A_157] : memref<1000xf32, #tpu.memory_space<vmem>>[vector<16xi32>], vector<16xf32>,
        %parallel_loop3A_226 = arith.constant 1 : i32
        %parallel_loop3A_227 = arith.constant 7 : i32
        %parallel_loop3A_228 = arith.index_cast %parallel_loop3A_226 : i32 to index
        %parallel_loop3A_229 = arith.index_cast %parallel_loop3A_227 : i32 to index
        %parallel_loop3A_230 = arith.index_cast %parallel_loop3A_159 : i32 to index
        %parallel_loop3A_231 = tpu.vector_load %arg7[%parallel_loop3A_228, %parallel_loop3A_229, %parallel_loop3A_230] {strides = array<i32>} : memref<4x64x128xf32, #tpu.memory_space<vmem>>, vector<16xf32>,
        tpu.vector_store %arg7[%parallel_loop3A_228, %parallel_loop3A_229, %parallel_loop3A_230], %parallel_loop3A_225 {strides = array<i32>} : memref<4x64x128xf32, #tpu.memory_space<vmem>>, vector<16xf32>,
        %parallel_loop3A_232 = arith.constant 8000 : i32
        %parallel_loop3A_233 = tpu.memref_slice %arg5[%parallel_loop3A_232] : memref<64000xf32, #tpu.memory_space<vmem>> -> memref<1000xf32, #tpu.memory_space<vmem>>
        %parallel_loop3A_234 = tpu.vector_load_idx %parallel_loop3A_233[%parallel_loop3A_157] : memref<1000xf32, #tpu.memory_space<vmem>>[vector<16xi32>], vector<16xf32>,
        %parallel_loop3A_235 = arith.constant 1 : i32
        %parallel_loop3A_236 = arith.constant 8 : i32
        %parallel_loop3A_237 = arith.index_cast %parallel_loop3A_235 : i32 to index
        %parallel_loop3A_238 = arith.index_cast %parallel_loop3A_236 : i32 to index
        %parallel_loop3A_239 = arith.index_cast %parallel_loop3A_159 : i32 to index
        %parallel_loop3A_240 = tpu.vector_load %arg7[%parallel_loop3A_237, %parallel_loop3A_238, %parallel_loop3A_239] {strides = array<i32>} : memref<4x64x128xf32, #tpu.memory_space<vmem>>, vector<16xf32>,
        tpu.vector_store %arg7[%parallel_loop3A_237, %parallel_loop3A_238, %parallel_loop3A_239], %parallel_loop3A_234 {strides = array<i32>} : memref<4x64x128xf32, #tpu.memory_space<vmem>>, vector<16xf32>,
        %parallel_loop3A_241 = arith.constant 9000 : i32
        %parallel_loop3A_242 = tpu.memref_slice %arg5[%parallel_loop3A_241] : memref<64000xf32, #tpu.memory_space<vmem>> -> memref<1000xf32, #tpu.memory_space<vmem>>
        %parallel_loop3A_243 = tpu.vector_load_idx %parallel_loop3A_242[%parallel_loop3A_157] : memref<1000xf32, #tpu.memory_space<vmem>>[vector<16xi32>], vector<16xf32>,
        %parallel_loop3A_244 = arith.constant 1 : i32
        %parallel_loop3A_245 = arith.constant 9 : i32
        %parallel_loop3A_246 = arith.index_cast %parallel_loop3A_244 : i32 to index
        %parallel_loop3A_247 = arith.index_cast %parallel_loop3A_245 : i32 to index
        %parallel_loop3A_248 = arith.index_cast %parallel_loop3A_159 : i32 to index
        %parallel_loop3A_249 = tpu.vector_load %arg7[%parallel_loop3A_246, %parallel_loop3A_247, %parallel_loop3A_248] {strides = array<i32>} : memref<4x64x128xf32, #tpu.memory_space<vmem>>, vector<16xf32>,
        tpu.vector_store %arg7[%parallel_loop3A_246, %parallel_loop3A_247, %parallel_loop3A_248], %parallel_loop3A_243 {strides = array<i32>} : memref<4x64x128xf32, #tpu.memory_space<vmem>>, vector<16xf32>,
        %parallel_loop3A_250 = arith.constant 10000 : i32
        %parallel_loop3A_251 = tpu.memref_slice %arg5[%parallel_loop3A_250] : memref<64000xf32, #tpu.memory_space<vmem>> -> memref<1000xf32, #tpu.memory_space<vmem>>
        %parallel_loop3A_252 = tpu.vector_load_idx %parallel_loop3A_251[%parallel_loop3A_157] : memref<1000xf32, #tpu.memory_space<vmem>>[vector<16xi32>], vector<16xf32>,
        %parallel_loop3A_253 = arith.constant 1 : i32
        %parallel_loop3A_254 = arith.constant 10 : i32
        %parallel_loop3A_255 = arith.index_cast %parallel_loop3A_253 : i32 to index
        %parallel_loop3A_256 = arith.index_cast %parallel_loop3A_254 : i32 to index
        %parallel_loop3A_257 = arith.index_cast %parallel_loop3A_159 : i32 to index
        %parallel_loop3A_258 = tpu.vector_load %arg7[%parallel_loop3A_255, %parallel_loop3A_256, %parallel_loop3A_257] {strides = array<i32>} : memref<4x64x128xf32, #tpu.memory_space<vmem>>, vector<16xf32>,
        tpu.vector_store %arg7[%parallel_loop3A_255, %parallel_loop3A_256, %parallel_loop3A_257], %parallel_loop3A_252 {strides = array<i32>} : memref<4x64x128xf32, #tpu.memory_space<vmem>>, vector<16xf32>,
        %parallel_loop3A_259 = arith.constant 11000 : i32
        %parallel_loop3A_260 = tpu.memref_slice %arg5[%parallel_loop3A_259] : memref<64000xf32, #tpu.memory_space<vmem>> -> memref<1000xf32, #tpu.memory_space<vmem>>
        %parallel_loop3A_261 = tpu.vector_load_idx %parallel_loop3A_260[%parallel_loop3A_157] : memref<1000xf32, #tpu.memory_space<vmem>>[vector<16xi32>], vector<16xf32>,
        %parallel_loop3A_262 = arith.constant 1 : i32
        %parallel_loop3A_263 = arith.constant 11 : i32
        %parallel_loop3A_264 = arith.index_cast %parallel_loop3A_262 : i32 to index
        %parallel_loop3A_265 = arith.index_cast %parallel_loop3A_263 : i32 to index
        %parallel_loop3A_266 = arith.index_cast %parallel_loop3A_159 : i32 to index
        %parallel_loop3A_267 = tpu.vector_load %arg7[%parallel_loop3A_264, %parallel_loop3A_265, %parallel_loop3A_266] {strides = array<i32>} : memref<4x64x128xf32, #tpu.memory_space<vmem>>, vector<16xf32>,
        tpu.vector_store %arg7[%parallel_loop3A_264, %parallel_loop3A_265, %parallel_loop3A_266], %parallel_loop3A_261 {strides = array<i32>} : memref<4x64x128xf32, #tpu.memory_space<vmem>>, vector<16xf32>,
        %parallel_loop3A_268 = arith.constant 12000 : i32
        %parallel_loop3A_269 = tpu.memref_slice %arg5[%parallel_loop3A_268] : memref<64000xf32, #tpu.memory_space<vmem>> -> memref<1000xf32, #tpu.memory_space<vmem>>
        %parallel_loop3A_270 = tpu.vector_load_idx %parallel_loop3A_269[%parallel_loop3A_157] : memref<1000xf32, #tpu.memory_space<vmem>>[vector<16xi32>], vector<16xf32>,
        %parallel_loop3A_271 = arith.constant 1 : i32
        %parallel_loop3A_272 = arith.constant 12 : i32
        %parallel_loop3A_273 = arith.index_cast %parallel_loop3A_271 : i32 to index
        %parallel_loop3A_274 = arith.index_cast %parallel_loop3A_272 : i32 to index
        %parallel_loop3A_275 = arith.index_cast %parallel_loop3A_159 : i32 to index
        %parallel_loop3A_276 = tpu.vector_load %arg7[%parallel_loop3A_273, %parallel_loop3A_274, %parallel_loop3A_275] {strides = array<i32>} : memref<4x64x128xf32, #tpu.memory_space<vmem>>, vector<16xf32>,
        tpu.vector_store %arg7[%parallel_loop3A_273, %parallel_loop3A_274, %parallel_loop3A_275], %parallel_loop3A_270 {strides = array<i32>} : memref<4x64x128xf32, #tpu.memory_space<vmem>>, vector<16xf32>,
        %parallel_loop3A_277 = arith.constant 13000 : i32
        %parallel_loop3A_278 = tpu.memref_slice %arg5[%parallel_loop3A_277] : memref<64000xf32, #tpu.memory_space<vmem>> -> memref<1000xf32, #tpu.memory_space<vmem>>
        %parallel_loop3A_279 = tpu.vector_load_idx %parallel_loop3A_278[%parallel_loop3A_157] : memref<1000xf32, #tpu.memory_space<vmem>>[vector<16xi32>], vector<16xf32>,
        %parallel_loop3A_280 = arith.constant 1 : i32
        %parallel_loop3A_281 = arith.constant 13 : i32
        %parallel_loop3A_282 = arith.index_cast %parallel_loop3A_280 : i32 to index
        %parallel_loop3A_283 = arith.index_cast %parallel_loop3A_281 : i32 to index
        %parallel_loop3A_284 = arith.index_cast %parallel_loop3A_159 : i32 to index
        %parallel_loop3A_285 = tpu.vector_load %arg7[%parallel_loop3A_282, %parallel_loop3A_283, %parallel_loop3A_284] {strides = array<i32>} : memref<4x64x128xf32, #tpu.memory_space<vmem>>, vector<16xf32>,
        tpu.vector_store %arg7[%parallel_loop3A_282, %parallel_loop3A_283, %parallel_loop3A_284], %parallel_loop3A_279 {strides = array<i32>} : memref<4x64x128xf32, #tpu.memory_space<vmem>>, vector<16xf32>,
        %parallel_loop3A_286 = arith.constant 14000 : i32
        %parallel_loop3A_287 = tpu.memref_slice %arg5[%parallel_loop3A_286] : memref<64000xf32, #tpu.memory_space<vmem>> -> memref<1000xf32, #tpu.memory_space<vmem>>
        %parallel_loop3A_288 = tpu.vector_load_idx %parallel_loop3A_287[%parallel_loop3A_157] : memref<1000xf32, #tpu.memory_space<vmem>>[vector<16xi32>], vector<16xf32>,
        %parallel_loop3A_289 = arith.constant 1 : i32
        %parallel_loop3A_290 = arith.constant 14 : i32
        %parallel_loop3A_291 = arith.index_cast %parallel_loop3A_289 : i32 to index
        %parallel_loop3A_292 = arith.index_cast %parallel_loop3A_290 : i32 to index
        %parallel_loop3A_293 = arith.index_cast %parallel_loop3A_159 : i32 to index
        %parallel_loop3A_294 = tpu.vector_load %arg7[%parallel_loop3A_291, %parallel_loop3A_292, %parallel_loop3A_293] {strides = array<i32>} : memref<4x64x128xf32, #tpu.memory_space<vmem>>, vector<16xf32>,
        tpu.vector_store %arg7[%parallel_loop3A_291, %parallel_loop3A_292, %parallel_loop3A_293], %parallel_loop3A_288 {strides = array<i32>} : memref<4x64x128xf32, #tpu.memory_space<vmem>>, vector<16xf32>,
        %parallel_loop3A_295 = arith.constant 15000 : i32
        %parallel_loop3A_296 = tpu.memref_slice %arg5[%parallel_loop3A_295] : memref<64000xf32, #tpu.memory_space<vmem>> -> memref<1000xf32, #tpu.memory_space<vmem>>
        %parallel_loop3A_297 = tpu.vector_load_idx %parallel_loop3A_296[%parallel_loop3A_157] : memref<1000xf32, #tpu.memory_space<vmem>>[vector<16xi32>], vector<16xf32>,
        %parallel_loop3A_298 = arith.constant 1 : i32
        %parallel_loop3A_299 = arith.constant 15 : i32
        %parallel_loop3A_300 = arith.index_cast %parallel_loop3A_298 : i32 to index
        %parallel_loop3A_301 = arith.index_cast %parallel_loop3A_299 : i32 to index
        %parallel_loop3A_302 = arith.index_cast %parallel_loop3A_159 : i32 to index
        %parallel_loop3A_303 = tpu.vector_load %arg7[%parallel_loop3A_300, %parallel_loop3A_301, %parallel_loop3A_302] {strides = array<i32>} : memref<4x64x128xf32, #tpu.memory_space<vmem>>, vector<16xf32>,
        tpu.vector_store %arg7[%parallel_loop3A_300, %parallel_loop3A_301, %parallel_loop3A_302], %parallel_loop3A_297 {strides = array<i32>} : memref<4x64x128xf32, #tpu.memory_space<vmem>>, vector<16xf32>,
        %parallel_loop3A_304 = arith.constant 16000 : i32
        %parallel_loop3A_305 = tpu.memref_slice %arg5[%parallel_loop3A_304] : memref<64000xf32, #tpu.memory_space<vmem>> -> memref<1000xf32, #tpu.memory_space<vmem>>
        %parallel_loop3A_306 = tpu.vector_load_idx %parallel_loop3A_305[%parallel_loop3A_157] : memref<1000xf32, #tpu.memory_space<vmem>>[vector<16xi32>], vector<16xf32>,
        %parallel_loop3A_307 = arith.constant 1 : i32
        %parallel_loop3A_308 = arith.constant 16 : i32
        %parallel_loop3A_309 = arith.index_cast %parallel_loop3A_307 : i32 to index
        %parallel_loop3A_310 = arith.index_cast %parallel_loop3A_308 : i32 to index
        %parallel_loop3A_311 = arith.index_cast %parallel_loop3A_159 : i32 to index
        %parallel_loop3A_312 = tpu.vector_load %arg7[%parallel_loop3A_309, %parallel_loop3A_310, %parallel_loop3A_311] {strides = array<i32>} : memref<4x64x128xf32, #tpu.memory_space<vmem>>, vector<16xf32>,
        tpu.vector_store %arg7[%parallel_loop3A_309, %parallel_loop3A_310, %parallel_loop3A_311], %parallel_loop3A_306 {strides = array<i32>} : memref<4x64x128xf32, #tpu.memory_space<vmem>>, vector<16xf32>,
        %parallel_loop3A_313 = arith.constant 17000 : i32
        %parallel_loop3A_314 = tpu.memref_slice %arg5[%parallel_loop3A_313] : memref<64000xf32, #tpu.memory_space<vmem>> -> memref<1000xf32, #tpu.memory_space<vmem>>
        %parallel_loop3A_315 = tpu.vector_load_idx %parallel_loop3A_314[%parallel_loop3A_157] : memref<1000xf32, #tpu.memory_space<vmem>>[vector<16xi32>], vector<16xf32>,
        %parallel_loop3A_316 = arith.constant 1 : i32
        %parallel_loop3A_317 = arith.constant 17 : i32
        %parallel_loop3A_318 = arith.index_cast %parallel_loop3A_316 : i32 to index
        %parallel_loop3A_319 = arith.index_cast %parallel_loop3A_317 : i32 to index
        %parallel_loop3A_320 = arith.index_cast %parallel_loop3A_159 : i32 to index
        %parallel_loop3A_321 = tpu.vector_load %arg7[%parallel_loop3A_318, %parallel_loop3A_319, %parallel_loop3A_320] {strides = array<i32>} : memref<4x64x128xf32, #tpu.memory_space<vmem>>, vector<16xf32>,
        tpu.vector_store %arg7[%parallel_loop3A_318, %parallel_loop3A_319, %parallel_loop3A_320], %parallel_loop3A_315 {strides = array<i32>} : memref<4x64x128xf32, #tpu.memory_space<vmem>>, vector<16xf32>,
        %parallel_loop3A_322 = arith.constant 18000 : i32
        %parallel_loop3A_323 = tpu.memref_slice %arg5[%parallel_loop3A_322] : memref<64000xf32, #tpu.memory_space<vmem>> -> memref<1000xf32, #tpu.memory_space<vmem>>
        %parallel_loop3A_324 = tpu.vector_load_idx %parallel_loop3A_323[%parallel_loop3A_157] : memref<1000xf32, #tpu.memory_space<vmem>>[vector<16xi32>], vector<16xf32>,
        %parallel_loop3A_325 = arith.constant 1 : i32
        %parallel_loop3A_326 = arith.constant 18 : i32
        %parallel_loop3A_327 = arith.index_cast %parallel_loop3A_325 : i32 to index
        %parallel_loop3A_328 = arith.index_cast %parallel_loop3A_326 : i32 to index
        %parallel_loop3A_329 = arith.index_cast %parallel_loop3A_159 : i32 to index
        %parallel_loop3A_330 = tpu.vector_load %arg7[%parallel_loop3A_327, %parallel_loop3A_328, %parallel_loop3A_329] {strides = array<i32>} : memref<4x64x128xf32, #tpu.memory_space<vmem>>, vector<16xf32>,
        tpu.vector_store %arg7[%parallel_loop3A_327, %parallel_loop3A_328, %parallel_loop3A_329], %parallel_loop3A_324 {strides = array<i32>} : memref<4x64x128xf32, #tpu.memory_space<vmem>>, vector<16xf32>,
        %parallel_loop3A_331 = arith.constant 19000 : i32
        %parallel_loop3A_332 = tpu.memref_slice %arg5[%parallel_loop3A_331] : memref<64000xf32, #tpu.memory_space<vmem>> -> memref<1000xf32, #tpu.memory_space<vmem>>
        %parallel_loop3A_333 = tpu.vector_load_idx %parallel_loop3A_332[%parallel_loop3A_157] : memref<1000xf32, #tpu.memory_space<vmem>>[vector<16xi32>], vector<16xf32>,
        %parallel_loop3A_334 = arith.constant 1 : i32
        %parallel_loop3A_335 = arith.constant 19 : i32
        %parallel_loop3A_336 = arith.index_cast %parallel_loop3A_334 : i32 to index
        %parallel_loop3A_337 = arith.index_cast %parallel_loop3A_335 : i32 to index
        %parallel_loop3A_338 = arith.index_cast %parallel_loop3A_159 : i32 to index
        %parallel_loop3A_339 = tpu.vector_load %arg7[%parallel_loop3A_336, %parallel_loop3A_337, %parallel_loop3A_338] {strides = array<i32>} : memref<4x64x128xf32, #tpu.memory_space<vmem>>, vector<16xf32>,
        tpu.vector_store %arg7[%parallel_loop3A_336, %parallel_loop3A_337, %parallel_loop3A_338], %parallel_loop3A_333 {strides = array<i32>} : memref<4x64x128xf32, #tpu.memory_space<vmem>>, vector<16xf32>,
        %parallel_loop3A_340 = arith.constant 20000 : i32
        %parallel_loop3A_341 = tpu.memref_slice %arg5[%parallel_loop3A_340] : memref<64000xf32, #tpu.memory_space<vmem>> -> memref<1000xf32, #tpu.memory_space<vmem>>
        %parallel_loop3A_342 = tpu.vector_load_idx %parallel_loop3A_341[%parallel_loop3A_157] : memref<1000xf32, #tpu.memory_space<vmem>>[vector<16xi32>], vector<16xf32>,
        %parallel_loop3A_343 = arith.constant 1 : i32
        %parallel_loop3A_344 = arith.constant 20 : i32
        %parallel_loop3A_345 = arith.index_cast %parallel_loop3A_343 : i32 to index
        %parallel_loop3A_346 = arith.index_cast %parallel_loop3A_344 : i32 to index
        %parallel_loop3A_347 = arith.index_cast %parallel_loop3A_159 : i32 to index
        %parallel_loop3A_348 = tpu.vector_load %arg7[%parallel_loop3A_345, %parallel_loop3A_346, %parallel_loop3A_347] {strides = array<i32>} : memref<4x64x128xf32, #tpu.memory_space<vmem>>, vector<16xf32>,
        tpu.vector_store %arg7[%parallel_loop3A_345, %parallel_loop3A_346, %parallel_loop3A_347], %parallel_loop3A_342 {strides = array<i32>} : memref<4x64x128xf32, #tpu.memory_space<vmem>>, vector<16xf32>,
        %parallel_loop3A_349 = arith.constant 21000 : i32
        %parallel_loop3A_350 = tpu.memref_slice %arg5[%parallel_loop3A_349] : memref<64000xf32, #tpu.memory_space<vmem>> -> memref<1000xf32, #tpu.memory_space<vmem>>
        %parallel_loop3A_351 = tpu.vector_load_idx %parallel_loop3A_350[%parallel_loop3A_157] : memref<1000xf32, #tpu.memory_space<vmem>>[vector<16xi32>], vector<16xf32>,
        %parallel_loop3A_352 = arith.constant 1 : i32
        %parallel_loop3A_353 = arith.constant 21 : i32
        %parallel_loop3A_354 = arith.index_cast %parallel_loop3A_352 : i32 to index
        %parallel_loop3A_355 = arith.index_cast %parallel_loop3A_353 : i32 to index
        %parallel_loop3A_356 = arith.index_cast %parallel_loop3A_159 : i32 to index
        %parallel_loop3A_357 = tpu.vector_load %arg7[%parallel_loop3A_354, %parallel_loop3A_355, %parallel_loop3A_356] {strides = array<i32>} : memref<4x64x128xf32, #tpu.memory_space<vmem>>, vector<16xf32>,
        tpu.vector_store %arg7[%parallel_loop3A_354, %parallel_loop3A_355, %parallel_loop3A_356], %parallel_loop3A_351 {strides = array<i32>} : memref<4x64x128xf32, #tpu.memory_space<vmem>>, vector<16xf32>,
        %parallel_loop3A_358 = arith.constant 22000 : i32
        %parallel_loop3A_359 = tpu.memref_slice %arg5[%parallel_loop3A_358] : memref<64000xf32, #tpu.memory_space<vmem>> -> memref<1000xf32, #tpu.memory_space<vmem>>
        %parallel_loop3A_360 = tpu.vector_load_idx %parallel_loop3A_359[%parallel_loop3A_157] : memref<1000xf32, #tpu.memory_space<vmem>>[vector<16xi32>], vector<16xf32>,
        %parallel_loop3A_361 = arith.constant 1 : i32
        %parallel_loop3A_362 = arith.constant 22 : i32
        %parallel_loop3A_363 = arith.index_cast %parallel_loop3A_361 : i32 to index
        %parallel_loop3A_364 = arith.index_cast %parallel_loop3A_362 : i32 to index
        %parallel_loop3A_365 = arith.index_cast %parallel_loop3A_159 : i32 to index
        %parallel_loop3A_366 = tpu.vector_load %arg7[%parallel_loop3A_363, %parallel_loop3A_364, %parallel_loop3A_365] {strides = array<i32>} : memref<4x64x128xf32, #tpu.memory_space<vmem>>, vector<16xf32>,
        tpu.vector_store %arg7[%parallel_loop3A_363, %parallel_loop3A_364, %parallel_loop3A_365], %parallel_loop3A_360 {strides = array<i32>} : memref<4x64x128xf32, #tpu.memory_space<vmem>>, vector<16xf32>,
        %parallel_loop3A_367 = arith.constant 23000 : i32
        %parallel_loop3A_368 = tpu.memref_slice %arg5[%parallel_loop3A_367] : memref<64000xf32, #tpu.memory_space<vmem>> -> memref<1000xf32, #tpu.memory_space<vmem>>
        %parallel_loop3A_369 = tpu.vector_load_idx %parallel_loop3A_368[%parallel_loop3A_157] : memref<1000xf32, #tpu.memory_space<vmem>>[vector<16xi32>], vector<16xf32>,
        %parallel_loop3A_370 = arith.constant 1 : i32
        %parallel_loop3A_371 = arith.constant 23 : i32
        %parallel_loop3A_372 = arith.index_cast %parallel_loop3A_370 : i32 to index
        %parallel_loop3A_373 = arith.index_cast %parallel_loop3A_371 : i32 to index
        %parallel_loop3A_374 = arith.index_cast %parallel_loop3A_159 : i32 to index
        %parallel_loop3A_375 = tpu.vector_load %arg7[%parallel_loop3A_372, %parallel_loop3A_373, %parallel_loop3A_374] {strides = array<i32>} : memref<4x64x128xf32, #tpu.memory_space<vmem>>, vector<16xf32>,
        tpu.vector_store %arg7[%parallel_loop3A_372, %parallel_loop3A_373, %parallel_loop3A_374], %parallel_loop3A_369 {strides = array<i32>} : memref<4x64x128xf32, #tpu.memory_space<vmem>>, vector<16xf32>,
        %parallel_loop3A_376 = arith.constant 24000 : i32
        %parallel_loop3A_377 = tpu.memref_slice %arg5[%parallel_loop3A_376] : memref<64000xf32, #tpu.memory_space<vmem>> -> memref<1000xf32, #tpu.memory_space<vmem>>
        %parallel_loop3A_378 = tpu.vector_load_idx %parallel_loop3A_377[%parallel_loop3A_157] : memref<1000xf32, #tpu.memory_space<vmem>>[vector<16xi32>], vector<16xf32>,
        %parallel_loop3A_379 = arith.constant 1 : i32
        %parallel_loop3A_380 = arith.constant 24 : i32
        %parallel_loop3A_381 = arith.index_cast %parallel_loop3A_379 : i32 to index
        %parallel_loop3A_382 = arith.index_cast %parallel_loop3A_380 : i32 to index
        %parallel_loop3A_383 = arith.index_cast %parallel_loop3A_159 : i32 to index
        %parallel_loop3A_384 = tpu.vector_load %arg7[%parallel_loop3A_381, %parallel_loop3A_382, %parallel_loop3A_383] {strides = array<i32>} : memref<4x64x128xf32, #tpu.memory_space<vmem>>, vector<16xf32>,
        tpu.vector_store %arg7[%parallel_loop3A_381, %parallel_loop3A_382, %parallel_loop3A_383], %parallel_loop3A_378 {strides = array<i32>} : memref<4x64x128xf32, #tpu.memory_space<vmem>>, vector<16xf32>,
        %parallel_loop3A_385 = arith.constant 25000 : i32
        %parallel_loop3A_386 = tpu.memref_slice %arg5[%parallel_loop3A_385] : memref<64000xf32, #tpu.memory_space<vmem>> -> memref<1000xf32, #tpu.memory_space<vmem>>
        %parallel_loop3A_387 = tpu.vector_load_idx %parallel_loop3A_386[%parallel_loop3A_157] : memref<1000xf32, #tpu.memory_space<vmem>>[vector<16xi32>], vector<16xf32>,
        %parallel_loop3A_388 = arith.constant 1 : i32
        %parallel_loop3A_389 = arith.constant 25 : i32
        %parallel_loop3A_390 = arith.index_cast %parallel_loop3A_388 : i32 to index
        %parallel_loop3A_391 = arith.index_cast %parallel_loop3A_389 : i32 to index
        %parallel_loop3A_392 = arith.index_cast %parallel_loop3A_159 : i32 to index
        %parallel_loop3A_393 = tpu.vector_load %arg7[%parallel_loop3A_390, %parallel_loop3A_391, %parallel_loop3A_392] {strides = array<i32>} : memref<4x64x128xf32, #tpu.memory_space<vmem>>, vector<16xf32>,
        tpu.vector_store %arg7[%parallel_loop3A_390, %parallel_loop3A_391, %parallel_loop3A_392], %parallel_loop3A_387 {strides = array<i32>} : memref<4x64x128xf32, #tpu.memory_space<vmem>>, vector<16xf32>,
        %parallel_loop3A_394 = arith.constant 26000 : i32
        %parallel_loop3A_395 = tpu.memref_slice %arg5[%parallel_loop3A_394] : memref<64000xf32, #tpu.memory_space<vmem>> -> memref<1000xf32, #tpu.memory_space<vmem>>
        %parallel_loop3A_396 = tpu.vector_load_idx %parallel_loop3A_395[%parallel_loop3A_157] : memref<1000xf32, #tpu.memory_space<vmem>>[vector<16xi32>], vector<16xf32>,
        %parallel_loop3A_397 = arith.constant 1 : i32
        %parallel_loop3A_398 = arith.constant 26 : i32
        %parallel_loop3A_399 = arith.index_cast %parallel_loop3A_397 : i32 to index
        %parallel_loop3A_400 = arith.index_cast %parallel_loop3A_398 : i32 to index
        %parallel_loop3A_401 = arith.index_cast %parallel_loop3A_159 : i32 to index
        %parallel_loop3A_402 = tpu.vector_load %arg7[%parallel_loop3A_399, %parallel_loop3A_400, %parallel_loop3A_401] {strides = array<i32>} : memref<4x64x128xf32, #tpu.memory_space<vmem>>, vector<16xf32>,
        tpu.vector_store %arg7[%parallel_loop3A_399, %parallel_loop3A_400, %parallel_loop3A_401], %parallel_loop3A_396 {strides = array<i32>} : memref<4x64x128xf32, #tpu.memory_space<vmem>>, vector<16xf32>,
        %parallel_loop3A_403 = arith.constant 27000 : i32
        %parallel_loop3A_404 = tpu.memref_slice %arg5[%parallel_loop3A_403] : memref<64000xf32, #tpu.memory_space<vmem>> -> memref<1000xf32, #tpu.memory_space<vmem>>
        %parallel_loop3A_405 = tpu.vector_load_idx %parallel_loop3A_404[%parallel_loop3A_157] : memref<1000xf32, #tpu.memory_space<vmem>>[vector<16xi32>], vector<16xf32>,
        %parallel_loop3A_406 = arith.constant 1 : i32
        %parallel_loop3A_407 = arith.constant 27 : i32
        %parallel_loop3A_408 = arith.index_cast %parallel_loop3A_406 : i32 to index
        %parallel_loop3A_409 = arith.index_cast %parallel_loop3A_407 : i32 to index
        %parallel_loop3A_410 = arith.index_cast %parallel_loop3A_159 : i32 to index
        %parallel_loop3A_411 = tpu.vector_load %arg7[%parallel_loop3A_408, %parallel_loop3A_409, %parallel_loop3A_410] {strides = array<i32>} : memref<4x64x128xf32, #tpu.memory_space<vmem>>, vector<16xf32>,
        tpu.vector_store %arg7[%parallel_loop3A_408, %parallel_loop3A_409, %parallel_loop3A_410], %parallel_loop3A_405 {strides = array<i32>} : memref<4x64x128xf32, #tpu.memory_space<vmem>>, vector<16xf32>,
        %parallel_loop3A_412 = arith.constant 28000 : i32
        %parallel_loop3A_413 = tpu.memref_slice %arg5[%parallel_loop3A_412] : memref<64000xf32, #tpu.memory_space<vmem>> -> memref<1000xf32, #tpu.memory_space<vmem>>
        %parallel_loop3A_414 = tpu.vector_load_idx %parallel_loop3A_413[%parallel_loop3A_157] : memref<1000xf32, #tpu.memory_space<vmem>>[vector<16xi32>], vector<16xf32>,
        %parallel_loop3A_415 = arith.constant 1 : i32
        %parallel_loop3A_416 = arith.constant 28 : i32
        %parallel_loop3A_417 = arith.index_cast %parallel_loop3A_415 : i32 to index
        %parallel_loop3A_418 = arith.index_cast %parallel_loop3A_416 : i32 to index
        %parallel_loop3A_419 = arith.index_cast %parallel_loop3A_159 : i32 to index
        %parallel_loop3A_420 = tpu.vector_load %arg7[%parallel_loop3A_417, %parallel_loop3A_418, %parallel_loop3A_419] {strides = array<i32>} : memref<4x64x128xf32, #tpu.memory_space<vmem>>, vector<16xf32>,
        tpu.vector_store %arg7[%parallel_loop3A_417, %parallel_loop3A_418, %parallel_loop3A_419], %parallel_loop3A_414 {strides = array<i32>} : memref<4x64x128xf32, #tpu.memory_space<vmem>>, vector<16xf32>,
        %parallel_loop3A_421 = arith.constant 29000 : i32
        %parallel_loop3A_422 = tpu.memref_slice %arg5[%parallel_loop3A_421] : memref<64000xf32, #tpu.memory_space<vmem>> -> memref<1000xf32, #tpu.memory_space<vmem>>
        %parallel_loop3A_423 = tpu.vector_load_idx %parallel_loop3A_422[%parallel_loop3A_157] : memref<1000xf32, #tpu.memory_space<vmem>>[vector<16xi32>], vector<16xf32>,
        %parallel_loop3A_424 = arith.constant 1 : i32
        %parallel_loop3A_425 = arith.constant 29 : i32
        %parallel_loop3A_426 = arith.index_cast %parallel_loop3A_424 : i32 to index
        %parallel_loop3A_427 = arith.index_cast %parallel_loop3A_425 : i32 to index
        %parallel_loop3A_428 = arith.index_cast %parallel_loop3A_159 : i32 to index
        %parallel_loop3A_429 = tpu.vector_load %arg7[%parallel_loop3A_426, %parallel_loop3A_427, %parallel_loop3A_428] {strides = array<i32>} : memref<4x64x128xf32, #tpu.memory_space<vmem>>, vector<16xf32>,
        tpu.vector_store %arg7[%parallel_loop3A_426, %parallel_loop3A_427, %parallel_loop3A_428], %parallel_loop3A_423 {strides = array<i32>} : memref<4x64x128xf32, #tpu.memory_space<vmem>>, vector<16xf32>,
        %parallel_loop3A_430 = arith.constant 30000 : i32
        %parallel_loop3A_431 = tpu.memref_slice %arg5[%parallel_loop3A_430] : memref<64000xf32, #tpu.memory_space<vmem>> -> memref<1000xf32, #tpu.memory_space<vmem>>
        %parallel_loop3A_432 = tpu.vector_load_idx %parallel_loop3A_431[%parallel_loop3A_157] : memref<1000xf32, #tpu.memory_space<vmem>>[vector<16xi32>], vector<16xf32>,
        %parallel_loop3A_433 = arith.constant 1 : i32
        %parallel_loop3A_434 = arith.constant 30 : i32
        %parallel_loop3A_435 = arith.index_cast %parallel_loop3A_433 : i32 to index
        %parallel_loop3A_436 = arith.index_cast %parallel_loop3A_434 : i32 to index
        %parallel_loop3A_437 = arith.index_cast %parallel_loop3A_159 : i32 to index
        %parallel_loop3A_438 = tpu.vector_load %arg7[%parallel_loop3A_435, %parallel_loop3A_436, %parallel_loop3A_437] {strides = array<i32>} : memref<4x64x128xf32, #tpu.memory_space<vmem>>, vector<16xf32>,
        tpu.vector_store %arg7[%parallel_loop3A_435, %parallel_loop3A_436, %parallel_loop3A_437], %parallel_loop3A_432 {strides = array<i32>} : memref<4x64x128xf32, #tpu.memory_space<vmem>>, vector<16xf32>,
        %parallel_loop3A_439 = arith.constant 31000 : i32
        %parallel_loop3A_440 = tpu.memref_slice %arg5[%parallel_loop3A_439] : memref<64000xf32, #tpu.memory_space<vmem>> -> memref<1000xf32, #tpu.memory_space<vmem>>
        %parallel_loop3A_441 = tpu.vector_load_idx %parallel_loop3A_440[%parallel_loop3A_157] : memref<1000xf32, #tpu.memory_space<vmem>>[vector<16xi32>], vector<16xf32>,
        %parallel_loop3A_442 = arith.constant 1 : i32
        %parallel_loop3A_443 = arith.constant 31 : i32
        %parallel_loop3A_444 = arith.index_cast %parallel_loop3A_442 : i32 to index
        %parallel_loop3A_445 = arith.index_cast %parallel_loop3A_443 : i32 to index
        %parallel_loop3A_446 = arith.index_cast %parallel_loop3A_159 : i32 to index
        %parallel_loop3A_447 = tpu.vector_load %arg7[%parallel_loop3A_444, %parallel_loop3A_445, %parallel_loop3A_446] {strides = array<i32>} : memref<4x64x128xf32, #tpu.memory_space<vmem>>, vector<16xf32>,
        tpu.vector_store %arg7[%parallel_loop3A_444, %parallel_loop3A_445, %parallel_loop3A_446], %parallel_loop3A_441 {strides = array<i32>} : memref<4x64x128xf32, #tpu.memory_space<vmem>>, vector<16xf32>,
        %parallel_loop3A_448 = arith.constant 32000 : i32
        %parallel_loop3A_449 = tpu.memref_slice %arg5[%parallel_loop3A_448] : memref<64000xf32, #tpu.memory_space<vmem>> -> memref<1000xf32, #tpu.memory_space<vmem>>
        %parallel_loop3A_450 = tpu.vector_load_idx %parallel_loop3A_449[%parallel_loop3A_157] : memref<1000xf32, #tpu.memory_space<vmem>>[vector<16xi32>], vector<16xf32>,
        %parallel_loop3A_451 = arith.constant 1 : i32
        %parallel_loop3A_452 = arith.constant 32 : i32
        %parallel_loop3A_453 = arith.index_cast %parallel_loop3A_451 : i32 to index
        %parallel_loop3A_454 = arith.index_cast %parallel_loop3A_452 : i32 to index
        %parallel_loop3A_455 = arith.index_cast %parallel_loop3A_159 : i32 to index
        %parallel_loop3A_456 = tpu.vector_load %arg7[%parallel_loop3A_453, %parallel_loop3A_454, %parallel_loop3A_455] {strides = array<i32>} : memref<4x64x128xf32, #tpu.memory_space<vmem>>, vector<16xf32>,
        tpu.vector_store %arg7[%parallel_loop3A_453, %parallel_loop3A_454, %parallel_loop3A_455], %parallel_loop3A_450 {strides = array<i32>} : memref<4x64x128xf32, #tpu.memory_space<vmem>>, vector<16xf32>,
        %parallel_loop3A_457 = arith.constant 33000 : i32
        %parallel_loop3A_458 = tpu.memref_slice %arg5[%parallel_loop3A_457] : memref<64000xf32, #tpu.memory_space<vmem>> -> memref<1000xf32, #tpu.memory_space<vmem>>
        %parallel_loop3A_459 = tpu.vector_load_idx %parallel_loop3A_458[%parallel_loop3A_157] : memref<1000xf32, #tpu.memory_space<vmem>>[vector<16xi32>], vector<16xf32>,
        %parallel_loop3A_460 = arith.constant 1 : i32
        %parallel_loop3A_461 = arith.constant 33 : i32
        %parallel_loop3A_462 = arith.index_cast %parallel_loop3A_460 : i32 to index
        %parallel_loop3A_463 = arith.index_cast %parallel_loop3A_461 : i32 to index
        %parallel_loop3A_464 = arith.index_cast %parallel_loop3A_159 : i32 to index
        %parallel_loop3A_465 = tpu.vector_load %arg7[%parallel_loop3A_462, %parallel_loop3A_463, %parallel_loop3A_464] {strides = array<i32>} : memref<4x64x128xf32, #tpu.memory_space<vmem>>, vector<16xf32>,
        tpu.vector_store %arg7[%parallel_loop3A_462, %parallel_loop3A_463, %parallel_loop3A_464], %parallel_loop3A_459 {strides = array<i32>} : memref<4x64x128xf32, #tpu.memory_space<vmem>>, vector<16xf32>,
        %parallel_loop3A_466 = arith.constant 34000 : i32
        %parallel_loop3A_467 = tpu.memref_slice %arg5[%parallel_loop3A_466] : memref<64000xf32, #tpu.memory_space<vmem>> -> memref<1000xf32, #tpu.memory_space<vmem>>
        %parallel_loop3A_468 = tpu.vector_load_idx %parallel_loop3A_467[%parallel_loop3A_157] : memref<1000xf32, #tpu.memory_space<vmem>>[vector<16xi32>], vector<16xf32>,
        %parallel_loop3A_469 = arith.constant 1 : i32
        %parallel_loop3A_470 = arith.constant 34 : i32
        %parallel_loop3A_471 = arith.index_cast %parallel_loop3A_469 : i32 to index
        %parallel_loop3A_472 = arith.index_cast %parallel_loop3A_470 : i32 to index
        %parallel_loop3A_473 = arith.index_cast %parallel_loop3A_159 : i32 to index
        %parallel_loop3A_474 = tpu.vector_load %arg7[%parallel_loop3A_471, %parallel_loop3A_472, %parallel_loop3A_473] {strides = array<i32>} : memref<4x64x128xf32, #tpu.memory_space<vmem>>, vector<16xf32>,
        tpu.vector_store %arg7[%parallel_loop3A_471, %parallel_loop3A_472, %parallel_loop3A_473], %parallel_loop3A_468 {strides = array<i32>} : memref<4x64x128xf32, #tpu.memory_space<vmem>>, vector<16xf32>,
        %parallel_loop3A_475 = arith.constant 35000 : i32
        %parallel_loop3A_476 = tpu.memref_slice %arg5[%parallel_loop3A_475] : memref<64000xf32, #tpu.memory_space<vmem>> -> memref<1000xf32, #tpu.memory_space<vmem>>
        %parallel_loop3A_477 = tpu.vector_load_idx %parallel_loop3A_476[%parallel_loop3A_157] : memref<1000xf32, #tpu.memory_space<vmem>>[vector<16xi32>], vector<16xf32>,
        %parallel_loop3A_478 = arith.constant 1 : i32
        %parallel_loop3A_479 = arith.constant 35 : i32
        %parallel_loop3A_480 = arith.index_cast %parallel_loop3A_478 : i32 to index
        %parallel_loop3A_481 = arith.index_cast %parallel_loop3A_479 : i32 to index
        %parallel_loop3A_482 = arith.index_cast %parallel_loop3A_159 : i32 to index
        %parallel_loop3A_483 = tpu.vector_load %arg7[%parallel_loop3A_480, %parallel_loop3A_481, %parallel_loop3A_482] {strides = array<i32>} : memref<4x64x128xf32, #tpu.memory_space<vmem>>, vector<16xf32>,
        tpu.vector_store %arg7[%parallel_loop3A_480, %parallel_loop3A_481, %parallel_loop3A_482], %parallel_loop3A_477 {strides = array<i32>} : memref<4x64x128xf32, #tpu.memory_space<vmem>>, vector<16xf32>,
        %parallel_loop3A_484 = arith.constant 36000 : i32
        %parallel_loop3A_485 = tpu.memref_slice %arg5[%parallel_loop3A_484] : memref<64000xf32, #tpu.memory_space<vmem>> -> memref<1000xf32, #tpu.memory_space<vmem>>
        %parallel_loop3A_486 = tpu.vector_load_idx %parallel_loop3A_485[%parallel_loop3A_157] : memref<1000xf32, #tpu.memory_space<vmem>>[vector<16xi32>], vector<16xf32>,
        %parallel_loop3A_487 = arith.constant 1 : i32
        %parallel_loop3A_488 = arith.constant 36 : i32
        %parallel_loop3A_489 = arith.index_cast %parallel_loop3A_487 : i32 to index
        %parallel_loop3A_490 = arith.index_cast %parallel_loop3A_488 : i32 to index
        %parallel_loop3A_491 = arith.index_cast %parallel_loop3A_159 : i32 to index
        %parallel_loop3A_492 = tpu.vector_load %arg7[%parallel_loop3A_489, %parallel_loop3A_490, %parallel_loop3A_491] {strides = array<i32>} : memref<4x64x128xf32, #tpu.memory_space<vmem>>, vector<16xf32>,
        tpu.vector_store %arg7[%parallel_loop3A_489, %parallel_loop3A_490, %parallel_loop3A_491], %parallel_loop3A_486 {strides = array<i32>} : memref<4x64x128xf32, #tpu.memory_space<vmem>>, vector<16xf32>,
        %parallel_loop3A_493 = arith.constant 37000 : i32
        %parallel_loop3A_494 = tpu.memref_slice %arg5[%parallel_loop3A_493] : memref<64000xf32, #tpu.memory_space<vmem>> -> memref<1000xf32, #tpu.memory_space<vmem>>
        %parallel_loop3A_495 = tpu.vector_load_idx %parallel_loop3A_494[%parallel_loop3A_157] : memref<1000xf32, #tpu.memory_space<vmem>>[vector<16xi32>], vector<16xf32>,
        %parallel_loop3A_496 = arith.constant 1 : i32
        %parallel_loop3A_497 = arith.constant 37 : i32
        %parallel_loop3A_498 = arith.index_cast %parallel_loop3A_496 : i32 to index
        %parallel_loop3A_499 = arith.index_cast %parallel_loop3A_497 : i32 to index
        %parallel_loop3A_500 = arith.index_cast %parallel_loop3A_159 : i32 to index
        %parallel_loop3A_501 = tpu.vector_load %arg7[%parallel_loop3A_498, %parallel_loop3A_499, %parallel_loop3A_500] {strides = array<i32>} : memref<4x64x128xf32, #tpu.memory_space<vmem>>, vector<16xf32>,
        tpu.vector_store %arg7[%parallel_loop3A_498, %parallel_loop3A_499, %parallel_loop3A_500], %parallel_loop3A_495 {strides = array<i32>} : memref<4x64x128xf32, #tpu.memory_space<vmem>>, vector<16xf32>,
        %parallel_loop3A_502 = arith.constant 38000 : i32
        %parallel_loop3A_503 = tpu.memref_slice %arg5[%parallel_loop3A_502] : memref<64000xf32, #tpu.memory_space<vmem>> -> memref<1000xf32, #tpu.memory_space<vmem>>
        %parallel_loop3A_504 = tpu.vector_load_idx %parallel_loop3A_503[%parallel_loop3A_157] : memref<1000xf32, #tpu.memory_space<vmem>>[vector<16xi32>], vector<16xf32>,
        %parallel_loop3A_505 = arith.constant 1 : i32
        %parallel_loop3A_506 = arith.constant 38 : i32
        %parallel_loop3A_507 = arith.index_cast %parallel_loop3A_505 : i32 to index
        %parallel_loop3A_508 = arith.index_cast %parallel_loop3A_506 : i32 to index
        %parallel_loop3A_509 = arith.index_cast %parallel_loop3A_159 : i32 to index
        %parallel_loop3A_510 = tpu.vector_load %arg7[%parallel_loop3A_507, %parallel_loop3A_508, %parallel_loop3A_509] {strides = array<i32>} : memref<4x64x128xf32, #tpu.memory_space<vmem>>, vector<16xf32>,
        tpu.vector_store %arg7[%parallel_loop3A_507, %parallel_loop3A_508, %parallel_loop3A_509], %parallel_loop3A_504 {strides = array<i32>} : memref<4x64x128xf32, #tpu.memory_space<vmem>>, vector<16xf32>,
        %parallel_loop3A_511 = arith.constant 39000 : i32
        %parallel_loop3A_512 = tpu.memref_slice %arg5[%parallel_loop3A_511] : memref<64000xf32, #tpu.memory_space<vmem>> -> memref<1000xf32, #tpu.memory_space<vmem>>
        %parallel_loop3A_513 = tpu.vector_load_idx %parallel_loop3A_512[%parallel_loop3A_157] : memref<1000xf32, #tpu.memory_space<vmem>>[vector<16xi32>], vector<16xf32>,
        %parallel_loop3A_514 = arith.constant 1 : i32
        %parallel_loop3A_515 = arith.constant 39 : i32
        %parallel_loop3A_516 = arith.index_cast %parallel_loop3A_514 : i32 to index
        %parallel_loop3A_517 = arith.index_cast %parallel_loop3A_515 : i32 to index
        %parallel_loop3A_518 = arith.index_cast %parallel_loop3A_159 : i32 to index
        %parallel_loop3A_519 = tpu.vector_load %arg7[%parallel_loop3A_516, %parallel_loop3A_517, %parallel_loop3A_518] {strides = array<i32>} : memref<4x64x128xf32, #tpu.memory_space<vmem>>, vector<16xf32>,
        tpu.vector_store %arg7[%parallel_loop3A_516, %parallel_loop3A_517, %parallel_loop3A_518], %parallel_loop3A_513 {strides = array<i32>} : memref<4x64x128xf32, #tpu.memory_space<vmem>>, vector<16xf32>,
        %parallel_loop3A_520 = arith.constant 40000 : i32
        %parallel_loop3A_521 = tpu.memref_slice %arg5[%parallel_loop3A_520] : memref<64000xf32, #tpu.memory_space<vmem>> -> memref<1000xf32, #tpu.memory_space<vmem>>
        %parallel_loop3A_522 = tpu.vector_load_idx %parallel_loop3A_521[%parallel_loop3A_157] : memref<1000xf32, #tpu.memory_space<vmem>>[vector<16xi32>], vector<16xf32>,
        %parallel_loop3A_523 = arith.constant 1 : i32
        %parallel_loop3A_524 = arith.constant 40 : i32
        %parallel_loop3A_525 = arith.index_cast %parallel_loop3A_523 : i32 to index
        %parallel_loop3A_526 = arith.index_cast %parallel_loop3A_524 : i32 to index
        %parallel_loop3A_527 = arith.index_cast %parallel_loop3A_159 : i32 to index
        %parallel_loop3A_528 = tpu.vector_load %arg7[%parallel_loop3A_525, %parallel_loop3A_526, %parallel_loop3A_527] {strides = array<i32>} : memref<4x64x128xf32, #tpu.memory_space<vmem>>, vector<16xf32>,
        tpu.vector_store %arg7[%parallel_loop3A_525, %parallel_loop3A_526, %parallel_loop3A_527], %parallel_loop3A_522 {strides = array<i32>} : memref<4x64x128xf32, #tpu.memory_space<vmem>>, vector<16xf32>,
        %parallel_loop3A_529 = arith.constant 41000 : i32
        %parallel_loop3A_530 = tpu.memref_slice %arg5[%parallel_loop3A_529] : memref<64000xf32, #tpu.memory_space<vmem>> -> memref<1000xf32, #tpu.memory_space<vmem>>
        %parallel_loop3A_531 = tpu.vector_load_idx %parallel_loop3A_530[%parallel_loop3A_157] : memref<1000xf32, #tpu.memory_space<vmem>>[vector<16xi32>], vector<16xf32>,
        %parallel_loop3A_532 = arith.constant 1 : i32
        %parallel_loop3A_533 = arith.constant 41 : i32
        %parallel_loop3A_534 = arith.index_cast %parallel_loop3A_532 : i32 to index
        %parallel_loop3A_535 = arith.index_cast %parallel_loop3A_533 : i32 to index
        %parallel_loop3A_536 = arith.index_cast %parallel_loop3A_159 : i32 to index
        %parallel_loop3A_537 = tpu.vector_load %arg7[%parallel_loop3A_534, %parallel_loop3A_535, %parallel_loop3A_536] {strides = array<i32>} : memref<4x64x128xf32, #tpu.memory_space<vmem>>, vector<16xf32>,
        tpu.vector_store %arg7[%parallel_loop3A_534, %parallel_loop3A_535, %parallel_loop3A_536], %parallel_loop3A_531 {strides = array<i32>} : memref<4x64x128xf32, #tpu.memory_space<vmem>>, vector<16xf32>,
        %parallel_loop3A_538 = arith.constant 42000 : i32
        %parallel_loop3A_539 = tpu.memref_slice %arg5[%parallel_loop3A_538] : memref<64000xf32, #tpu.memory_space<vmem>> -> memref<1000xf32, #tpu.memory_space<vmem>>
        %parallel_loop3A_540 = tpu.vector_load_idx %parallel_loop3A_539[%parallel_loop3A_157] : memref<1000xf32, #tpu.memory_space<vmem>>[vector<16xi32>], vector<16xf32>,
        %parallel_loop3A_541 = arith.constant 1 : i32
        %parallel_loop3A_542 = arith.constant 42 : i32
        %parallel_loop3A_543 = arith.index_cast %parallel_loop3A_541 : i32 to index
        %parallel_loop3A_544 = arith.index_cast %parallel_loop3A_542 : i32 to index
        %parallel_loop3A_545 = arith.index_cast %parallel_loop3A_159 : i32 to index
        %parallel_loop3A_546 = tpu.vector_load %arg7[%parallel_loop3A_543, %parallel_loop3A_544, %parallel_loop3A_545] {strides = array<i32>} : memref<4x64x128xf32, #tpu.memory_space<vmem>>, vector<16xf32>,
        tpu.vector_store %arg7[%parallel_loop3A_543, %parallel_loop3A_544, %parallel_loop3A_545], %parallel_loop3A_540 {strides = array<i32>} : memref<4x64x128xf32, #tpu.memory_space<vmem>>, vector<16xf32>,
        %parallel_loop3A_547 = arith.constant 43000 : i32
        %parallel_loop3A_548 = tpu.memref_slice %arg5[%parallel_loop3A_547] : memref<64000xf32, #tpu.memory_space<vmem>> -> memref<1000xf32, #tpu.memory_space<vmem>>
        %parallel_loop3A_549 = tpu.vector_load_idx %parallel_loop3A_548[%parallel_loop3A_157] : memref<1000xf32, #tpu.memory_space<vmem>>[vector<16xi32>], vector<16xf32>,
        %parallel_loop3A_550 = arith.constant 1 : i32
        %parallel_loop3A_551 = arith.constant 43 : i32
        %parallel_loop3A_552 = arith.index_cast %parallel_loop3A_550 : i32 to index
        %parallel_loop3A_553 = arith.index_cast %parallel_loop3A_551 : i32 to index
        %parallel_loop3A_554 = arith.index_cast %parallel_loop3A_159 : i32 to index
        %parallel_loop3A_555 = tpu.vector_load %arg7[%parallel_loop3A_552, %parallel_loop3A_553, %parallel_loop3A_554] {strides = array<i32>} : memref<4x64x128xf32, #tpu.memory_space<vmem>>, vector<16xf32>,
        tpu.vector_store %arg7[%parallel_loop3A_552, %parallel_loop3A_553, %parallel_loop3A_554], %parallel_loop3A_549 {strides = array<i32>} : memref<4x64x128xf32, #tpu.memory_space<vmem>>, vector<16xf32>,
        %parallel_loop3A_556 = arith.constant 44000 : i32
        %parallel_loop3A_557 = tpu.memref_slice %arg5[%parallel_loop3A_556] : memref<64000xf32, #tpu.memory_space<vmem>> -> memref<1000xf32, #tpu.memory_space<vmem>>
        %parallel_loop3A_558 = tpu.vector_load_idx %parallel_loop3A_557[%parallel_loop3A_157] : memref<1000xf32, #tpu.memory_space<vmem>>[vector<16xi32>], vector<16xf32>,
        %parallel_loop3A_559 = arith.constant 1 : i32
        %parallel_loop3A_560 = arith.constant 44 : i32
        %parallel_loop3A_561 = arith.index_cast %parallel_loop3A_559 : i32 to index
        %parallel_loop3A_562 = arith.index_cast %parallel_loop3A_560 : i32 to index
        %parallel_loop3A_563 = arith.index_cast %parallel_loop3A_159 : i32 to index
        %parallel_loop3A_564 = tpu.vector_load %arg7[%parallel_loop3A_561, %parallel_loop3A_562, %parallel_loop3A_563] {strides = array<i32>} : memref<4x64x128xf32, #tpu.memory_space<vmem>>, vector<16xf32>,
        tpu.vector_store %arg7[%parallel_loop3A_561, %parallel_loop3A_562, %parallel_loop3A_563], %parallel_loop3A_558 {strides = array<i32>} : memref<4x64x128xf32, #tpu.memory_space<vmem>>, vector<16xf32>,
        %parallel_loop3A_565 = arith.constant 45000 : i32
        %parallel_loop3A_566 = tpu.memref_slice %arg5[%parallel_loop3A_565] : memref<64000xf32, #tpu.memory_space<vmem>> -> memref<1000xf32, #tpu.memory_space<vmem>>
        %parallel_loop3A_567 = tpu.vector_load_idx %parallel_loop3A_566[%parallel_loop3A_157] : memref<1000xf32, #tpu.memory_space<vmem>>[vector<16xi32>], vector<16xf32>,
        %parallel_loop3A_568 = arith.constant 1 : i32
        %parallel_loop3A_569 = arith.constant 45 : i32
        %parallel_loop3A_570 = arith.index_cast %parallel_loop3A_568 : i32 to index
        %parallel_loop3A_571 = arith.index_cast %parallel_loop3A_569 : i32 to index
        %parallel_loop3A_572 = arith.index_cast %parallel_loop3A_159 : i32 to index
        %parallel_loop3A_573 = tpu.vector_load %arg7[%parallel_loop3A_570, %parallel_loop3A_571, %parallel_loop3A_572] {strides = array<i32>} : memref<4x64x128xf32, #tpu.memory_space<vmem>>, vector<16xf32>,
        tpu.vector_store %arg7[%parallel_loop3A_570, %parallel_loop3A_571, %parallel_loop3A_572], %parallel_loop3A_567 {strides = array<i32>} : memref<4x64x128xf32, #tpu.memory_space<vmem>>, vector<16xf32>,
        %parallel_loop3A_574 = arith.constant 46000 : i32
        %parallel_loop3A_575 = tpu.memref_slice %arg5[%parallel_loop3A_574] : memref<64000xf32, #tpu.memory_space<vmem>> -> memref<1000xf32, #tpu.memory_space<vmem>>
        %parallel_loop3A_576 = tpu.vector_load_idx %parallel_loop3A_575[%parallel_loop3A_157] : memref<1000xf32, #tpu.memory_space<vmem>>[vector<16xi32>], vector<16xf32>,
        %parallel_loop3A_577 = arith.constant 1 : i32
        %parallel_loop3A_578 = arith.constant 46 : i32
        %parallel_loop3A_579 = arith.index_cast %parallel_loop3A_577 : i32 to index
        %parallel_loop3A_580 = arith.index_cast %parallel_loop3A_578 : i32 to index
        %parallel_loop3A_581 = arith.index_cast %parallel_loop3A_159 : i32 to index
        %parallel_loop3A_582 = tpu.vector_load %arg7[%parallel_loop3A_579, %parallel_loop3A_580, %parallel_loop3A_581] {strides = array<i32>} : memref<4x64x128xf32, #tpu.memory_space<vmem>>, vector<16xf32>,
        tpu.vector_store %arg7[%parallel_loop3A_579, %parallel_loop3A_580, %parallel_loop3A_581], %parallel_loop3A_576 {strides = array<i32>} : memref<4x64x128xf32, #tpu.memory_space<vmem>>, vector<16xf32>,
        %parallel_loop3A_583 = arith.constant 47000 : i32
        %parallel_loop3A_584 = tpu.memref_slice %arg5[%parallel_loop3A_583] : memref<64000xf32, #tpu.memory_space<vmem>> -> memref<1000xf32, #tpu.memory_space<vmem>>
        %parallel_loop3A_585 = tpu.vector_load_idx %parallel_loop3A_584[%parallel_loop3A_157] : memref<1000xf32, #tpu.memory_space<vmem>>[vector<16xi32>], vector<16xf32>,
        %parallel_loop3A_586 = arith.constant 1 : i32
        %parallel_loop3A_587 = arith.constant 47 : i32
        %parallel_loop3A_588 = arith.index_cast %parallel_loop3A_586 : i32 to index
        %parallel_loop3A_589 = arith.index_cast %parallel_loop3A_587 : i32 to index
        %parallel_loop3A_590 = arith.index_cast %parallel_loop3A_159 : i32 to index
        %parallel_loop3A_591 = tpu.vector_load %arg7[%parallel_loop3A_588, %parallel_loop3A_589, %parallel_loop3A_590] {strides = array<i32>} : memref<4x64x128xf32, #tpu.memory_space<vmem>>, vector<16xf32>,
        tpu.vector_store %arg7[%parallel_loop3A_588, %parallel_loop3A_589, %parallel_loop3A_590], %parallel_loop3A_585 {strides = array<i32>} : memref<4x64x128xf32, #tpu.memory_space<vmem>>, vector<16xf32>,
        %parallel_loop3A_592 = arith.constant 48000 : i32
        %parallel_loop3A_593 = tpu.memref_slice %arg5[%parallel_loop3A_592] : memref<64000xf32, #tpu.memory_space<vmem>> -> memref<1000xf32, #tpu.memory_space<vmem>>
        %parallel_loop3A_594 = tpu.vector_load_idx %parallel_loop3A_593[%parallel_loop3A_157] : memref<1000xf32, #tpu.memory_space<vmem>>[vector<16xi32>], vector<16xf32>,
        %parallel_loop3A_595 = arith.constant 1 : i32
        %parallel_loop3A_596 = arith.constant 48 : i32
        %parallel_loop3A_597 = arith.index_cast %parallel_loop3A_595 : i32 to index
        %parallel_loop3A_598 = arith.index_cast %parallel_loop3A_596 : i32 to index
        %parallel_loop3A_599 = arith.index_cast %parallel_loop3A_159 : i32 to index
        %parallel_loop3A_600 = tpu.vector_load %arg7[%parallel_loop3A_597, %parallel_loop3A_598, %parallel_loop3A_599] {strides = array<i32>} : memref<4x64x128xf32, #tpu.memory_space<vmem>>, vector<16xf32>,
        tpu.vector_store %arg7[%parallel_loop3A_597, %parallel_loop3A_598, %parallel_loop3A_599], %parallel_loop3A_594 {strides = array<i32>} : memref<4x64x128xf32, #tpu.memory_space<vmem>>, vector<16xf32>,
        %parallel_loop3A_601 = arith.constant 49000 : i32
        %parallel_loop3A_602 = tpu.memref_slice %arg5[%parallel_loop3A_601] : memref<64000xf32, #tpu.memory_space<vmem>> -> memref<1000xf32, #tpu.memory_space<vmem>>
        %parallel_loop3A_603 = tpu.vector_load_idx %parallel_loop3A_602[%parallel_loop3A_157] : memref<1000xf32, #tpu.memory_space<vmem>>[vector<16xi32>], vector<16xf32>,
        %parallel_loop3A_604 = arith.constant 1 : i32
        %parallel_loop3A_605 = arith.constant 49 : i32
        %parallel_loop3A_606 = arith.index_cast %parallel_loop3A_604 : i32 to index
        %parallel_loop3A_607 = arith.index_cast %parallel_loop3A_605 : i32 to index
        %parallel_loop3A_608 = arith.index_cast %parallel_loop3A_159 : i32 to index
        %parallel_loop3A_609 = tpu.vector_load %arg7[%parallel_loop3A_606, %parallel_loop3A_607, %parallel_loop3A_608] {strides = array<i32>} : memref<4x64x128xf32, #tpu.memory_space<vmem>>, vector<16xf32>,
        tpu.vector_store %arg7[%parallel_loop3A_606, %parallel_loop3A_607, %parallel_loop3A_608], %parallel_loop3A_603 {strides = array<i32>} : memref<4x64x128xf32, #tpu.memory_space<vmem>>, vector<16xf32>,
        %parallel_loop3A_610 = arith.constant 50000 : i32
        %parallel_loop3A_611 = tpu.memref_slice %arg5[%parallel_loop3A_610] : memref<64000xf32, #tpu.memory_space<vmem>> -> memref<1000xf32, #tpu.memory_space<vmem>>
        %parallel_loop3A_612 = tpu.vector_load_idx %parallel_loop3A_611[%parallel_loop3A_157] : memref<1000xf32, #tpu.memory_space<vmem>>[vector<16xi32>], vector<16xf32>,
        %parallel_loop3A_613 = arith.constant 1 : i32
        %parallel_loop3A_614 = arith.constant 50 : i32
        %parallel_loop3A_615 = arith.index_cast %parallel_loop3A_613 : i32 to index
        %parallel_loop3A_616 = arith.index_cast %parallel_loop3A_614 : i32 to index
        %parallel_loop3A_617 = arith.index_cast %parallel_loop3A_159 : i32 to index
        %parallel_loop3A_618 = tpu.vector_load %arg7[%parallel_loop3A_615, %parallel_loop3A_616, %parallel_loop3A_617] {strides = array<i32>} : memref<4x64x128xf32, #tpu.memory_space<vmem>>, vector<16xf32>,
        tpu.vector_store %arg7[%parallel_loop3A_615, %parallel_loop3A_616, %parallel_loop3A_617], %parallel_loop3A_612 {strides = array<i32>} : memref<4x64x128xf32, #tpu.memory_space<vmem>>, vector<16xf32>,
        %parallel_loop3A_619 = arith.constant 51000 : i32
        %parallel_loop3A_620 = tpu.memref_slice %arg5[%parallel_loop3A_619] : memref<64000xf32, #tpu.memory_space<vmem>> -> memref<1000xf32, #tpu.memory_space<vmem>>
        %parallel_loop3A_621 = tpu.vector_load_idx %parallel_loop3A_620[%parallel_loop3A_157] : memref<1000xf32, #tpu.memory_space<vmem>>[vector<16xi32>], vector<16xf32>,
        %parallel_loop3A_622 = arith.constant 1 : i32
        %parallel_loop3A_623 = arith.constant 51 : i32
        %parallel_loop3A_624 = arith.index_cast %parallel_loop3A_622 : i32 to index
        %parallel_loop3A_625 = arith.index_cast %parallel_loop3A_623 : i32 to index
        %parallel_loop3A_626 = arith.index_cast %parallel_loop3A_159 : i32 to index
        %parallel_loop3A_627 = tpu.vector_load %arg7[%parallel_loop3A_624, %parallel_loop3A_625, %parallel_loop3A_626] {strides = array<i32>} : memref<4x64x128xf32, #tpu.memory_space<vmem>>, vector<16xf32>,
        tpu.vector_store %arg7[%parallel_loop3A_624, %parallel_loop3A_625, %parallel_loop3A_626], %parallel_loop3A_621 {strides = array<i32>} : memref<4x64x128xf32, #tpu.memory_space<vmem>>, vector<16xf32>,
        %parallel_loop3A_628 = arith.constant 52000 : i32
        %parallel_loop3A_629 = tpu.memref_slice %arg5[%parallel_loop3A_628] : memref<64000xf32, #tpu.memory_space<vmem>> -> memref<1000xf32, #tpu.memory_space<vmem>>
        %parallel_loop3A_630 = tpu.vector_load_idx %parallel_loop3A_629[%parallel_loop3A_157] : memref<1000xf32, #tpu.memory_space<vmem>>[vector<16xi32>], vector<16xf32>,
        %parallel_loop3A_631 = arith.constant 1 : i32
        %parallel_loop3A_632 = arith.constant 52 : i32
        %parallel_loop3A_633 = arith.index_cast %parallel_loop3A_631 : i32 to index
        %parallel_loop3A_634 = arith.index_cast %parallel_loop3A_632 : i32 to index
        %parallel_loop3A_635 = arith.index_cast %parallel_loop3A_159 : i32 to index
        %parallel_loop3A_636 = tpu.vector_load %arg7[%parallel_loop3A_633, %parallel_loop3A_634, %parallel_loop3A_635] {strides = array<i32>} : memref<4x64x128xf32, #tpu.memory_space<vmem>>, vector<16xf32>,
        tpu.vector_store %arg7[%parallel_loop3A_633, %parallel_loop3A_634, %parallel_loop3A_635], %parallel_loop3A_630 {strides = array<i32>} : memref<4x64x128xf32, #tpu.memory_space<vmem>>, vector<16xf32>,
        %parallel_loop3A_637 = arith.constant 53000 : i32
        %parallel_loop3A_638 = tpu.memref_slice %arg5[%parallel_loop3A_637] : memref<64000xf32, #tpu.memory_space<vmem>> -> memref<1000xf32, #tpu.memory_space<vmem>>
        %parallel_loop3A_639 = tpu.vector_load_idx %parallel_loop3A_638[%parallel_loop3A_157] : memref<1000xf32, #tpu.memory_space<vmem>>[vector<16xi32>], vector<16xf32>,
        %parallel_loop3A_640 = arith.constant 1 : i32
        %parallel_loop3A_641 = arith.constant 53 : i32
        %parallel_loop3A_642 = arith.index_cast %parallel_loop3A_640 : i32 to index
        %parallel_loop3A_643 = arith.index_cast %parallel_loop3A_641 : i32 to index
        %parallel_loop3A_644 = arith.index_cast %parallel_loop3A_159 : i32 to index
        %parallel_loop3A_645 = tpu.vector_load %arg7[%parallel_loop3A_642, %parallel_loop3A_643, %parallel_loop3A_644] {strides = array<i32>} : memref<4x64x128xf32, #tpu.memory_space<vmem>>, vector<16xf32>,
        tpu.vector_store %arg7[%parallel_loop3A_642, %parallel_loop3A_643, %parallel_loop3A_644], %parallel_loop3A_639 {strides = array<i32>} : memref<4x64x128xf32, #tpu.memory_space<vmem>>, vector<16xf32>,
        %parallel_loop3A_646 = arith.constant 54000 : i32
        %parallel_loop3A_647 = tpu.memref_slice %arg5[%parallel_loop3A_646] : memref<64000xf32, #tpu.memory_space<vmem>> -> memref<1000xf32, #tpu.memory_space<vmem>>
        %parallel_loop3A_648 = tpu.vector_load_idx %parallel_loop3A_647[%parallel_loop3A_157] : memref<1000xf32, #tpu.memory_space<vmem>>[vector<16xi32>], vector<16xf32>,
        %parallel_loop3A_649 = arith.constant 1 : i32
        %parallel_loop3A_650 = arith.constant 54 : i32
        %parallel_loop3A_651 = arith.index_cast %parallel_loop3A_649 : i32 to index
        %parallel_loop3A_652 = arith.index_cast %parallel_loop3A_650 : i32 to index
        %parallel_loop3A_653 = arith.index_cast %parallel_loop3A_159 : i32 to index
        %parallel_loop3A_654 = tpu.vector_load %arg7[%parallel_loop3A_651, %parallel_loop3A_652, %parallel_loop3A_653] {strides = array<i32>} : memref<4x64x128xf32, #tpu.memory_space<vmem>>, vector<16xf32>,
        tpu.vector_store %arg7[%parallel_loop3A_651, %parallel_loop3A_652, %parallel_loop3A_653], %parallel_loop3A_648 {strides = array<i32>} : memref<4x64x128xf32, #tpu.memory_space<vmem>>, vector<16xf32>,
        %parallel_loop3A_655 = arith.constant 55000 : i32
        %parallel_loop3A_656 = tpu.memref_slice %arg5[%parallel_loop3A_655] : memref<64000xf32, #tpu.memory_space<vmem>> -> memref<1000xf32, #tpu.memory_space<vmem>>
        %parallel_loop3A_657 = tpu.vector_load_idx %parallel_loop3A_656[%parallel_loop3A_157] : memref<1000xf32, #tpu.memory_space<vmem>>[vector<16xi32>], vector<16xf32>,
        %parallel_loop3A_658 = arith.constant 1 : i32
        %parallel_loop3A_659 = arith.constant 55 : i32
        %parallel_loop3A_660 = arith.index_cast %parallel_loop3A_658 : i32 to index
        %parallel_loop3A_661 = arith.index_cast %parallel_loop3A_659 : i32 to index
        %parallel_loop3A_662 = arith.index_cast %parallel_loop3A_159 : i32 to index
        %parallel_loop3A_663 = tpu.vector_load %arg7[%parallel_loop3A_660, %parallel_loop3A_661, %parallel_loop3A_662] {strides = array<i32>} : memref<4x64x128xf32, #tpu.memory_space<vmem>>, vector<16xf32>,
        tpu.vector_store %arg7[%parallel_loop3A_660, %parallel_loop3A_661, %parallel_loop3A_662], %parallel_loop3A_657 {strides = array<i32>} : memref<4x64x128xf32, #tpu.memory_space<vmem>>, vector<16xf32>,
        %parallel_loop3A_664 = arith.constant 56000 : i32
        %parallel_loop3A_665 = tpu.memref_slice %arg5[%parallel_loop3A_664] : memref<64000xf32, #tpu.memory_space<vmem>> -> memref<1000xf32, #tpu.memory_space<vmem>>
        %parallel_loop3A_666 = tpu.vector_load_idx %parallel_loop3A_665[%parallel_loop3A_157] : memref<1000xf32, #tpu.memory_space<vmem>>[vector<16xi32>], vector<16xf32>,
        %parallel_loop3A_667 = arith.constant 1 : i32
        %parallel_loop3A_668 = arith.constant 56 : i32
        %parallel_loop3A_669 = arith.index_cast %parallel_loop3A_667 : i32 to index
        %parallel_loop3A_670 = arith.index_cast %parallel_loop3A_668 : i32 to index
        %parallel_loop3A_671 = arith.index_cast %parallel_loop3A_159 : i32 to index
        %parallel_loop3A_672 = tpu.vector_load %arg7[%parallel_loop3A_669, %parallel_loop3A_670, %parallel_loop3A_671] {strides = array<i32>} : memref<4x64x128xf32, #tpu.memory_space<vmem>>, vector<16xf32>,
        tpu.vector_store %arg7[%parallel_loop3A_669, %parallel_loop3A_670, %parallel_loop3A_671], %parallel_loop3A_666 {strides = array<i32>} : memref<4x64x128xf32, #tpu.memory_space<vmem>>, vector<16xf32>,
        %parallel_loop3A_673 = arith.constant 57000 : i32
        %parallel_loop3A_674 = tpu.memref_slice %arg5[%parallel_loop3A_673] : memref<64000xf32, #tpu.memory_space<vmem>> -> memref<1000xf32, #tpu.memory_space<vmem>>
        %parallel_loop3A_675 = tpu.vector_load_idx %parallel_loop3A_674[%parallel_loop3A_157] : memref<1000xf32, #tpu.memory_space<vmem>>[vector<16xi32>], vector<16xf32>,
        %parallel_loop3A_676 = arith.constant 1 : i32
        %parallel_loop3A_677 = arith.constant 57 : i32
        %parallel_loop3A_678 = arith.index_cast %parallel_loop3A_676 : i32 to index
        %parallel_loop3A_679 = arith.index_cast %parallel_loop3A_677 : i32 to index
        %parallel_loop3A_680 = arith.index_cast %parallel_loop3A_159 : i32 to index
        %parallel_loop3A_681 = tpu.vector_load %arg7[%parallel_loop3A_678, %parallel_loop3A_679, %parallel_loop3A_680] {strides = array<i32>} : memref<4x64x128xf32, #tpu.memory_space<vmem>>, vector<16xf32>,
        tpu.vector_store %arg7[%parallel_loop3A_678, %parallel_loop3A_679, %parallel_loop3A_680], %parallel_loop3A_675 {strides = array<i32>} : memref<4x64x128xf32, #tpu.memory_space<vmem>>, vector<16xf32>,
        %parallel_loop3A_682 = arith.constant 58000 : i32
        %parallel_loop3A_683 = tpu.memref_slice %arg5[%parallel_loop3A_682] : memref<64000xf32, #tpu.memory_space<vmem>> -> memref<1000xf32, #tpu.memory_space<vmem>>
        %parallel_loop3A_684 = tpu.vector_load_idx %parallel_loop3A_683[%parallel_loop3A_157] : memref<1000xf32, #tpu.memory_space<vmem>>[vector<16xi32>], vector<16xf32>,
        %parallel_loop3A_685 = arith.constant 1 : i32
        %parallel_loop3A_686 = arith.constant 58 : i32
        %parallel_loop3A_687 = arith.index_cast %parallel_loop3A_685 : i32 to index
        %parallel_loop3A_688 = arith.index_cast %parallel_loop3A_686 : i32 to index
        %parallel_loop3A_689 = arith.index_cast %parallel_loop3A_159 : i32 to index
        %parallel_loop3A_690 = tpu.vector_load %arg7[%parallel_loop3A_687, %parallel_loop3A_688, %parallel_loop3A_689] {strides = array<i32>} : memref<4x64x128xf32, #tpu.memory_space<vmem>>, vector<16xf32>,
        tpu.vector_store %arg7[%parallel_loop3A_687, %parallel_loop3A_688, %parallel_loop3A_689], %parallel_loop3A_684 {strides = array<i32>} : memref<4x64x128xf32, #tpu.memory_space<vmem>>, vector<16xf32>,
        %parallel_loop3A_691 = arith.constant 59000 : i32
        %parallel_loop3A_692 = tpu.memref_slice %arg5[%parallel_loop3A_691] : memref<64000xf32, #tpu.memory_space<vmem>> -> memref<1000xf32, #tpu.memory_space<vmem>>
        %parallel_loop3A_693 = tpu.vector_load_idx %parallel_loop3A_692[%parallel_loop3A_157] : memref<1000xf32, #tpu.memory_space<vmem>>[vector<16xi32>], vector<16xf32>,
        %parallel_loop3A_694 = arith.constant 1 : i32
        %parallel_loop3A_695 = arith.constant 59 : i32
        %parallel_loop3A_696 = arith.index_cast %parallel_loop3A_694 : i32 to index
        %parallel_loop3A_697 = arith.index_cast %parallel_loop3A_695 : i32 to index
        %parallel_loop3A_698 = arith.index_cast %parallel_loop3A_159 : i32 to index
        %parallel_loop3A_699 = tpu.vector_load %arg7[%parallel_loop3A_696, %parallel_loop3A_697, %parallel_loop3A_698] {strides = array<i32>} : memref<4x64x128xf32, #tpu.memory_space<vmem>>, vector<16xf32>,
        tpu.vector_store %arg7[%parallel_loop3A_696, %parallel_loop3A_697, %parallel_loop3A_698], %parallel_loop3A_693 {strides = array<i32>} : memref<4x64x128xf32, #tpu.memory_space<vmem>>, vector<16xf32>,
        %parallel_loop3A_700 = arith.constant 60000 : i32
        %parallel_loop3A_701 = tpu.memref_slice %arg5[%parallel_loop3A_700] : memref<64000xf32, #tpu.memory_space<vmem>> -> memref<1000xf32, #tpu.memory_space<vmem>>
        %parallel_loop3A_702 = tpu.vector_load_idx %parallel_loop3A_701[%parallel_loop3A_157] : memref<1000xf32, #tpu.memory_space<vmem>>[vector<16xi32>], vector<16xf32>,
        %parallel_loop3A_703 = arith.constant 1 : i32
        %parallel_loop3A_704 = arith.constant 60 : i32
        %parallel_loop3A_705 = arith.index_cast %parallel_loop3A_703 : i32 to index
        %parallel_loop3A_706 = arith.index_cast %parallel_loop3A_704 : i32 to index
        %parallel_loop3A_707 = arith.index_cast %parallel_loop3A_159 : i32 to index
        %parallel_loop3A_708 = tpu.vector_load %arg7[%parallel_loop3A_705, %parallel_loop3A_706, %parallel_loop3A_707] {strides = array<i32>} : memref<4x64x128xf32, #tpu.memory_space<vmem>>, vector<16xf32>,
        tpu.vector_store %arg7[%parallel_loop3A_705, %parallel_loop3A_706, %parallel_loop3A_707], %parallel_loop3A_702 {strides = array<i32>} : memref<4x64x128xf32, #tpu.memory_space<vmem>>, vector<16xf32>,
        %parallel_loop3A_709 = arith.constant 61000 : i32
        %parallel_loop3A_710 = tpu.memref_slice %arg5[%parallel_loop3A_709] : memref<64000xf32, #tpu.memory_space<vmem>> -> memref<1000xf32, #tpu.memory_space<vmem>>
        %parallel_loop3A_711 = tpu.vector_load_idx %parallel_loop3A_710[%parallel_loop3A_157] : memref<1000xf32, #tpu.memory_space<vmem>>[vector<16xi32>], vector<16xf32>,
        %parallel_loop3A_712 = arith.constant 1 : i32
        %parallel_loop3A_713 = arith.constant 61 : i32
        %parallel_loop3A_714 = arith.index_cast %parallel_loop3A_712 : i32 to index
        %parallel_loop3A_715 = arith.index_cast %parallel_loop3A_713 : i32 to index
        %parallel_loop3A_716 = arith.index_cast %parallel_loop3A_159 : i32 to index
        %parallel_loop3A_717 = tpu.vector_load %arg7[%parallel_loop3A_714, %parallel_loop3A_715, %parallel_loop3A_716] {strides = array<i32>} : memref<4x64x128xf32, #tpu.memory_space<vmem>>, vector<16xf32>,
        tpu.vector_store %arg7[%parallel_loop3A_714, %parallel_loop3A_715, %parallel_loop3A_716], %parallel_loop3A_711 {strides = array<i32>} : memref<4x64x128xf32, #tpu.memory_space<vmem>>, vector<16xf32>,
        %parallel_loop3A_718 = arith.constant 62000 : i32
        %parallel_loop3A_719 = tpu.memref_slice %arg5[%parallel_loop3A_718] : memref<64000xf32, #tpu.memory_space<vmem>> -> memref<1000xf32, #tpu.memory_space<vmem>>
        %parallel_loop3A_720 = tpu.vector_load_idx %parallel_loop3A_719[%parallel_loop3A_157] : memref<1000xf32, #tpu.memory_space<vmem>>[vector<16xi32>], vector<16xf32>,
        %parallel_loop3A_721 = arith.constant 1 : i32
        %parallel_loop3A_722 = arith.constant 62 : i32
        %parallel_loop3A_723 = arith.index_cast %parallel_loop3A_721 : i32 to index
        %parallel_loop3A_724 = arith.index_cast %parallel_loop3A_722 : i32 to index
        %parallel_loop3A_725 = arith.index_cast %parallel_loop3A_159 : i32 to index
        %parallel_loop3A_726 = tpu.vector_load %arg7[%parallel_loop3A_723, %parallel_loop3A_724, %parallel_loop3A_725] {strides = array<i32>} : memref<4x64x128xf32, #tpu.memory_space<vmem>>, vector<16xf32>,
        tpu.vector_store %arg7[%parallel_loop3A_723, %parallel_loop3A_724, %parallel_loop3A_725], %parallel_loop3A_720 {strides = array<i32>} : memref<4x64x128xf32, #tpu.memory_space<vmem>>, vector<16xf32>,
        %parallel_loop3A_727 = arith.constant 63000 : i32
        %parallel_loop3A_728 = tpu.memref_slice %arg5[%parallel_loop3A_727] : memref<64000xf32, #tpu.memory_space<vmem>> -> memref<1000xf32, #tpu.memory_space<vmem>>
        %parallel_loop3A_729 = tpu.vector_load_idx %parallel_loop3A_728[%parallel_loop3A_157] : memref<1000xf32, #tpu.memory_space<vmem>>[vector<16xi32>], vector<16xf32>,
        %parallel_loop3A_730 = arith.constant 1 : i32
        %parallel_loop3A_731 = arith.constant 63 : i32
        %parallel_loop3A_732 = arith.index_cast %parallel_loop3A_730 : i32 to index
        %parallel_loop3A_733 = arith.index_cast %parallel_loop3A_731 : i32 to index
        %parallel_loop3A_734 = arith.index_cast %parallel_loop3A_159 : i32 to index
        %parallel_loop3A_735 = tpu.vector_load %arg7[%parallel_loop3A_732, %parallel_loop3A_733, %parallel_loop3A_734] {strides = array<i32>} : memref<4x64x128xf32, #tpu.memory_space<vmem>>, vector<16xf32>,
        tpu.vector_store %arg7[%parallel_loop3A_732, %parallel_loop3A_733, %parallel_loop3A_734], %parallel_loop3A_729 {strides = array<i32>} : memref<4x64x128xf32, #tpu.memory_space<vmem>>, vector<16xf32>,
      } {sc.loop_unroll_factor = 4 : i64, sc.parallel_access}
      %mul3A_88 = arith.constant 64 : i32
      %mul3A_89 = arith.muli %scan3A_60, %mul3A_88 : i32
      %add3A_90 = arith.constant 128 : i32
      %add3A_91 = arith.addi %mul3A_2, %add3A_90 : i32
      %dma_start3A_92 = arith.constant 1 : i32
      %dma_start3A_93 = arith.constant 0 : i32
      %dma_start3A_94 = arith.constant 0 : i32
      %dma_start3A_95 = tpu.memref_slice %arg7[%dma_start3A_92, %dma_start3A_93, %dma_start3A_94] : memref<4x64x128xf32, #tpu.memory_space<vmem>> -> memref<1x64x128xf32, #tpu.memory_space<vmem>>
      %dma_start3A_96 = tpu.memref_squeeze %dma_start3A_95 : memref<1x64x128xf32, #tpu.memory_space<vmem>> -> memref<64x128xf32, #tpu.memory_space<vmem>>
      %dma_start3A_97 = tpu.memref_slice %arg4[%mul3A_89, %add3A_91] : memref<3200x16384xf32, #tpu.memory_space<hbm>> -> memref<64x128xf32, #tpu.memory_space<hbm>>
      %dma_start3A_98 = tpu.memref_slice %arg4[%mul3A_89, %add3A_91] : memref<3200x16384xf32, #tpu.memory_space<hbm>> -> memref<64x128xf32, #tpu.memory_space<hbm>>
      %dma_start3A_99 = arith.constant 0 : i32
      %dma_start3A_100 = arith.constant 0 : i32
      %dma_start3A_101 = tpu.memref_slice %arg7[%dma_start3A_92, %dma_start3A_99, %dma_start3A_100] : memref<4x64x128xf32, #tpu.memory_space<vmem>> -> memref<1x64x128xf32, #tpu.memory_space<vmem>>
      %dma_start3A_102 = tpu.memref_squeeze %dma_start3A_101 : memref<1x64x128xf32, #tpu.memory_space<vmem>> -> memref<64x128xf32, #tpu.memory_space<vmem>>
      tpu.enqueue_dma source(%dma_start3A_102 : memref<64x128xf32, #tpu.memory_space<vmem>>) target(%dma_start3A_98 : memref<64x128xf32, #tpu.memory_space<hbm>>) target_semaphore(%arg9 : memref<!tpu.dma_semaphore, #tpu.memory_space<semaphore_mem>>)
      %gt3A_103 = arith.constant 0 : i32
      %gt3A_104 = arith.cmpi sgt, %scan3A_60, %gt3A_103 : i32
      %convert_element_type3A_105 = arith.extui %gt3A_104 : i1 to i32
      %cond3A_106 = arith.constant 0 : i32
      %cond3A_107 = arith.cmpi ne, %convert_element_type3A_105, %cond3A_106 : i32
      scf.if %cond3A_107 {
        %dma_wait3A_150 = arith.constant 2 : i32
        %dma_wait3A_151 = arith.constant 0 : i32
        %dma_wait3A_152 = arith.constant 0 : i32
        %dma_wait3A_153 = tpu.memref_slice %arg7[%dma_wait3A_150, %dma_wait3A_151, %dma_wait3A_152] : memref<4x64x128xf32, #tpu.memory_space<vmem>> -> memref<1x64x128xf32, #tpu.memory_space<vmem>>
        %dma_wait3A_154 = tpu.memref_squeeze %dma_wait3A_153 : memref<1x64x128xf32, #tpu.memory_space<vmem>> -> memref<64x128xf32, #tpu.memory_space<vmem>>
        %dma_wait3A_155 = arith.constant 0 : i32
        %dma_wait3A_156 = tpu.memref_slice %arg4[%dma_wait3A_155, %mul3A_2] : memref<3200x16384xf32, #tpu.memory_space<hbm>> -> memref<64x128xf32, #tpu.memory_space<hbm>>
        %dma_wait3A_157 = arith.constant 0 : i32
        %dma_wait3A_158 = tpu.memref_slice %arg4[%dma_wait3A_157, %mul3A_2] : memref<3200x16384xf32, #tpu.memory_space<hbm>> -> memref<64x128xf32, #tpu.memory_space<hbm>>
        %dma_wait3A_159 = arith.constant 0 : i32
        %dma_wait3A_160 = arith.constant 0 : i32
        %dma_wait3A_161 = tpu.memref_slice %arg7[%dma_wait3A_150, %dma_wait3A_159, %dma_wait3A_160] : memref<4x64x128xf32, #tpu.memory_space<vmem>> -> memref<1x64x128xf32, #tpu.memory_space<vmem>>
        %dma_wait3A_162 = tpu.memref_squeeze %dma_wait3A_161 : memref<1x64x128xf32, #tpu.memory_space<vmem>> -> memref<64x128xf32, #tpu.memory_space<vmem>>
        tpu.wait_dma2 semaphore(%arg10 : memref<!tpu.dma_semaphore, #tpu.memory_space<semaphore_mem>>) src(%dma_wait3A_162 : memref<64x128xf32, #tpu.memory_space<vmem>>) dst(%dma_wait3A_158 : memref<64x128xf32, #tpu.memory_space<hbm>>)
      } else {
      }
      %parallel_loop3A_108 = arith.constant 0 : i32
      %parallel_loop3A_109 = arith.constant 8 : i32
      %parallel_loop3A_110 = arith.constant 1 : i32
      scf.for %parallel_loop3A_150 = %parallel_loop3A_108 to %parallel_loop3A_109 step %parallel_loop3A_110  : i32 {
        %parallel_loop3A_151 = arith.constant 16 : i32
        %parallel_loop3A_152 = arith.muli %parallel_loop3A_150, %parallel_loop3A_151 : i32
        %parallel_loop3A_153 = arith.constant 256 : i32
        %parallel_loop3A_154 = arith.addi %parallel_loop3A_153, %parallel_loop3A_152 : i32
        %parallel_loop3A_155 = arith.index_cast %scan3A_60 : i32 to index
        %parallel_loop3A_156 = arith.index_cast %parallel_loop3A_154 : i32 to index
        %parallel_loop3A_157 = tpu.vector_load %arg6[%parallel_loop3A_155, %parallel_loop3A_156] {strides = array<i32>} : memref<50x512xi32, #tpu.memory_space<vmem>>, vector<16xi32>,
        %parallel_loop3A_158 = arith.constant 16 : i32
        %parallel_loop3A_159 = arith.muli %parallel_loop3A_150, %parallel_loop3A_158 : i32
        %parallel_loop3A_160 = arith.constant 0 : i32
        %parallel_loop3A_161 = tpu.memref_slice %arg5[%parallel_loop3A_160] : memref<64000xf32, #tpu.memory_space<vmem>> -> memref<1000xf32, #tpu.memory_space<vmem>>
        %parallel_loop3A_162 = tpu.vector_load_idx %parallel_loop3A_161[%parallel_loop3A_157] : memref<1000xf32, #tpu.memory_space<vmem>>[vector<16xi32>], vector<16xf32>,
        %parallel_loop3A_163 = arith.constant 2 : i32
        %parallel_loop3A_164 = arith.constant 0 : i32
        %parallel_loop3A_165 = arith.index_cast %parallel_loop3A_163 : i32 to index
        %parallel_loop3A_166 = arith.index_cast %parallel_loop3A_164 : i32 to index
        %parallel_loop3A_167 = arith.index_cast %parallel_loop3A_159 : i32 to index
        %parallel_loop3A_168 = tpu.vector_load %arg7[%parallel_loop3A_165, %parallel_loop3A_166, %parallel_loop3A_167] {strides = array<i32>} : memref<4x64x128xf32, #tpu.memory_space<vmem>>, vector<16xf32>,
        tpu.vector_store %arg7[%parallel_loop3A_165, %parallel_loop3A_166, %parallel_loop3A_167], %parallel_loop3A_162 {strides = array<i32>} : memref<4x64x128xf32, #tpu.memory_space<vmem>>, vector<16xf32>,
        %parallel_loop3A_169 = arith.constant 1000 : i32
        %parallel_loop3A_170 = tpu.memref_slice %arg5[%parallel_loop3A_169] : memref<64000xf32, #tpu.memory_space<vmem>> -> memref<1000xf32, #tpu.memory_space<vmem>>
        %parallel_loop3A_171 = tpu.vector_load_idx %parallel_loop3A_170[%parallel_loop3A_157] : memref<1000xf32, #tpu.memory_space<vmem>>[vector<16xi32>], vector<16xf32>,
        %parallel_loop3A_172 = arith.constant 2 : i32
        %parallel_loop3A_173 = arith.constant 1 : i32
        %parallel_loop3A_174 = arith.index_cast %parallel_loop3A_172 : i32 to index
        %parallel_loop3A_175 = arith.index_cast %parallel_loop3A_173 : i32 to index
        %parallel_loop3A_176 = arith.index_cast %parallel_loop3A_159 : i32 to index
        %parallel_loop3A_177 = tpu.vector_load %arg7[%parallel_loop3A_174, %parallel_loop3A_175, %parallel_loop3A_176] {strides = array<i32>} : memref<4x64x128xf32, #tpu.memory_space<vmem>>, vector<16xf32>,
        tpu.vector_store %arg7[%parallel_loop3A_174, %parallel_loop3A_175, %parallel_loop3A_176], %parallel_loop3A_171 {strides = array<i32>} : memref<4x64x128xf32, #tpu.memory_space<vmem>>, vector<16xf32>,
        %parallel_loop3A_178 = arith.constant 2000 : i32
        %parallel_loop3A_179 = tpu.memref_slice %arg5[%parallel_loop3A_178] : memref<64000xf32, #tpu.memory_space<vmem>> -> memref<1000xf32, #tpu.memory_space<vmem>>
        %parallel_loop3A_180 = tpu.vector_load_idx %parallel_loop3A_179[%parallel_loop3A_157] : memref<1000xf32, #tpu.memory_space<vmem>>[vector<16xi32>], vector<16xf32>,
        %parallel_loop3A_181 = arith.constant 2 : i32
        %parallel_loop3A_182 = arith.constant 2 : i32
        %parallel_loop3A_183 = arith.index_cast %parallel_loop3A_181 : i32 to index
        %parallel_loop3A_184 = arith.index_cast %parallel_loop3A_182 : i32 to index
        %parallel_loop3A_185 = arith.index_cast %parallel_loop3A_159 : i32 to index
        %parallel_loop3A_186 = tpu.vector_load %arg7[%parallel_loop3A_183, %parallel_loop3A_184, %parallel_loop3A_185] {strides = array<i32>} : memref<4x64x128xf32, #tpu.memory_space<vmem>>, vector<16xf32>,
        tpu.vector_store %arg7[%parallel_loop3A_183, %parallel_loop3A_184, %parallel_loop3A_185], %parallel_loop3A_180 {strides = array<i32>} : memref<4x64x128xf32, #tpu.memory_space<vmem>>, vector<16xf32>,
        %parallel_loop3A_187 = arith.constant 3000 : i32
        %parallel_loop3A_188 = tpu.memref_slice %arg5[%parallel_loop3A_187] : memref<64000xf32, #tpu.memory_space<vmem>> -> memref<1000xf32, #tpu.memory_space<vmem>>
        %parallel_loop3A_189 = tpu.vector_load_idx %parallel_loop3A_188[%parallel_loop3A_157] : memref<1000xf32, #tpu.memory_space<vmem>>[vector<16xi32>], vector<16xf32>,
        %parallel_loop3A_190 = arith.constant 2 : i32
        %parallel_loop3A_191 = arith.constant 3 : i32
        %parallel_loop3A_192 = arith.index_cast %parallel_loop3A_190 : i32 to index
        %parallel_loop3A_193 = arith.index_cast %parallel_loop3A_191 : i32 to index
        %parallel_loop3A_194 = arith.index_cast %parallel_loop3A_159 : i32 to index
        %parallel_loop3A_195 = tpu.vector_load %arg7[%parallel_loop3A_192, %parallel_loop3A_193, %parallel_loop3A_194] {strides = array<i32>} : memref<4x64x128xf32, #tpu.memory_space<vmem>>, vector<16xf32>,
        tpu.vector_store %arg7[%parallel_loop3A_192, %parallel_loop3A_193, %parallel_loop3A_194], %parallel_loop3A_189 {strides = array<i32>} : memref<4x64x128xf32, #tpu.memory_space<vmem>>, vector<16xf32>,
        %parallel_loop3A_196 = arith.constant 4000 : i32
        %parallel_loop3A_197 = tpu.memref_slice %arg5[%parallel_loop3A_196] : memref<64000xf32, #tpu.memory_space<vmem>> -> memref<1000xf32, #tpu.memory_space<vmem>>
        %parallel_loop3A_198 = tpu.vector_load_idx %parallel_loop3A_197[%parallel_loop3A_157] : memref<1000xf32, #tpu.memory_space<vmem>>[vector<16xi32>], vector<16xf32>,
        %parallel_loop3A_199 = arith.constant 2 : i32
        %parallel_loop3A_200 = arith.constant 4 : i32
        %parallel_loop3A_201 = arith.index_cast %parallel_loop3A_199 : i32 to index
        %parallel_loop3A_202 = arith.index_cast %parallel_loop3A_200 : i32 to index
        %parallel_loop3A_203 = arith.index_cast %parallel_loop3A_159 : i32 to index
        %parallel_loop3A_204 = tpu.vector_load %arg7[%parallel_loop3A_201, %parallel_loop3A_202, %parallel_loop3A_203] {strides = array<i32>} : memref<4x64x128xf32, #tpu.memory_space<vmem>>, vector<16xf32>,
        tpu.vector_store %arg7[%parallel_loop3A_201, %parallel_loop3A_202, %parallel_loop3A_203], %parallel_loop3A_198 {strides = array<i32>} : memref<4x64x128xf32, #tpu.memory_space<vmem>>, vector<16xf32>,
        %parallel_loop3A_205 = arith.constant 5000 : i32
        %parallel_loop3A_206 = tpu.memref_slice %arg5[%parallel_loop3A_205] : memref<64000xf32, #tpu.memory_space<vmem>> -> memref<1000xf32, #tpu.memory_space<vmem>>
        %parallel_loop3A_207 = tpu.vector_load_idx %parallel_loop3A_206[%parallel_loop3A_157] : memref<1000xf32, #tpu.memory_space<vmem>>[vector<16xi32>], vector<16xf32>,
        %parallel_loop3A_208 = arith.constant 2 : i32
        %parallel_loop3A_209 = arith.constant 5 : i32
        %parallel_loop3A_210 = arith.index_cast %parallel_loop3A_208 : i32 to index
        %parallel_loop3A_211 = arith.index_cast %parallel_loop3A_209 : i32 to index
        %parallel_loop3A_212 = arith.index_cast %parallel_loop3A_159 : i32 to index
        %parallel_loop3A_213 = tpu.vector_load %arg7[%parallel_loop3A_210, %parallel_loop3A_211, %parallel_loop3A_212] {strides = array<i32>} : memref<4x64x128xf32, #tpu.memory_space<vmem>>, vector<16xf32>,
        tpu.vector_store %arg7[%parallel_loop3A_210, %parallel_loop3A_211, %parallel_loop3A_212], %parallel_loop3A_207 {strides = array<i32>} : memref<4x64x128xf32, #tpu.memory_space<vmem>>, vector<16xf32>,
        %parallel_loop3A_214 = arith.constant 6000 : i32
        %parallel_loop3A_215 = tpu.memref_slice %arg5[%parallel_loop3A_214] : memref<64000xf32, #tpu.memory_space<vmem>> -> memref<1000xf32, #tpu.memory_space<vmem>>
        %parallel_loop3A_216 = tpu.vector_load_idx %parallel_loop3A_215[%parallel_loop3A_157] : memref<1000xf32, #tpu.memory_space<vmem>>[vector<16xi32>], vector<16xf32>,
        %parallel_loop3A_217 = arith.constant 2 : i32
        %parallel_loop3A_218 = arith.constant 6 : i32
        %parallel_loop3A_219 = arith.index_cast %parallel_loop3A_217 : i32 to index
        %parallel_loop3A_220 = arith.index_cast %parallel_loop3A_218 : i32 to index
        %parallel_loop3A_221 = arith.index_cast %parallel_loop3A_159 : i32 to index
        %parallel_loop3A_222 = tpu.vector_load %arg7[%parallel_loop3A_219, %parallel_loop3A_220, %parallel_loop3A_221] {strides = array<i32>} : memref<4x64x128xf32, #tpu.memory_space<vmem>>, vector<16xf32>,
        tpu.vector_store %arg7[%parallel_loop3A_219, %parallel_loop3A_220, %parallel_loop3A_221], %parallel_loop3A_216 {strides = array<i32>} : memref<4x64x128xf32, #tpu.memory_space<vmem>>, vector<16xf32>,
        %parallel_loop3A_223 = arith.constant 7000 : i32
        %parallel_loop3A_224 = tpu.memref_slice %arg5[%parallel_loop3A_223] : memref<64000xf32, #tpu.memory_space<vmem>> -> memref<1000xf32, #tpu.memory_space<vmem>>
        %parallel_loop3A_225 = tpu.vector_load_idx %parallel_loop3A_224[%parallel_loop3A_157] : memref<1000xf32, #tpu.memory_space<vmem>>[vector<16xi32>], vector<16xf32>,
        %parallel_loop3A_226 = arith.constant 2 : i32
        %parallel_loop3A_227 = arith.constant 7 : i32
        %parallel_loop3A_228 = arith.index_cast %parallel_loop3A_226 : i32 to index
        %parallel_loop3A_229 = arith.index_cast %parallel_loop3A_227 : i32 to index
        %parallel_loop3A_230 = arith.index_cast %parallel_loop3A_159 : i32 to index
        %parallel_loop3A_231 = tpu.vector_load %arg7[%parallel_loop3A_228, %parallel_loop3A_229, %parallel_loop3A_230] {strides = array<i32>} : memref<4x64x128xf32, #tpu.memory_space<vmem>>, vector<16xf32>,
        tpu.vector_store %arg7[%parallel_loop3A_228, %parallel_loop3A_229, %parallel_loop3A_230], %parallel_loop3A_225 {strides = array<i32>} : memref<4x64x128xf32, #tpu.memory_space<vmem>>, vector<16xf32>,
        %parallel_loop3A_232 = arith.constant 8000 : i32
        %parallel_loop3A_233 = tpu.memref_slice %arg5[%parallel_loop3A_232] : memref<64000xf32, #tpu.memory_space<vmem>> -> memref<1000xf32, #tpu.memory_space<vmem>>
        %parallel_loop3A_234 = tpu.vector_load_idx %parallel_loop3A_233[%parallel_loop3A_157] : memref<1000xf32, #tpu.memory_space<vmem>>[vector<16xi32>], vector<16xf32>,
        %parallel_loop3A_235 = arith.constant 2 : i32
        %parallel_loop3A_236 = arith.constant 8 : i32
        %parallel_loop3A_237 = arith.index_cast %parallel_loop3A_235 : i32 to index
        %parallel_loop3A_238 = arith.index_cast %parallel_loop3A_236 : i32 to index
        %parallel_loop3A_239 = arith.index_cast %parallel_loop3A_159 : i32 to index
        %parallel_loop3A_240 = tpu.vector_load %arg7[%parallel_loop3A_237, %parallel_loop3A_238, %parallel_loop3A_239] {strides = array<i32>} : memref<4x64x128xf32, #tpu.memory_space<vmem>>, vector<16xf32>,
        tpu.vector_store %arg7[%parallel_loop3A_237, %parallel_loop3A_238, %parallel_loop3A_239], %parallel_loop3A_234 {strides = array<i32>} : memref<4x64x128xf32, #tpu.memory_space<vmem>>, vector<16xf32>,
        %parallel_loop3A_241 = arith.constant 9000 : i32
        %parallel_loop3A_242 = tpu.memref_slice %arg5[%parallel_loop3A_241] : memref<64000xf32, #tpu.memory_space<vmem>> -> memref<1000xf32, #tpu.memory_space<vmem>>
        %parallel_loop3A_243 = tpu.vector_load_idx %parallel_loop3A_242[%parallel_loop3A_157] : memref<1000xf32, #tpu.memory_space<vmem>>[vector<16xi32>], vector<16xf32>,
        %parallel_loop3A_244 = arith.constant 2 : i32
        %parallel_loop3A_245 = arith.constant 9 : i32
        %parallel_loop3A_246 = arith.index_cast %parallel_loop3A_244 : i32 to index
        %parallel_loop3A_247 = arith.index_cast %parallel_loop3A_245 : i32 to index
        %parallel_loop3A_248 = arith.index_cast %parallel_loop3A_159 : i32 to index
        %parallel_loop3A_249 = tpu.vector_load %arg7[%parallel_loop3A_246, %parallel_loop3A_247, %parallel_loop3A_248] {strides = array<i32>} : memref<4x64x128xf32, #tpu.memory_space<vmem>>, vector<16xf32>,
        tpu.vector_store %arg7[%parallel_loop3A_246, %parallel_loop3A_247, %parallel_loop3A_248], %parallel_loop3A_243 {strides = array<i32>} : memref<4x64x128xf32, #tpu.memory_space<vmem>>, vector<16xf32>,
        %parallel_loop3A_250 = arith.constant 10000 : i32
        %parallel_loop3A_251 = tpu.memref_slice %arg5[%parallel_loop3A_250] : memref<64000xf32, #tpu.memory_space<vmem>> -> memref<1000xf32, #tpu.memory_space<vmem>>
        %parallel_loop3A_252 = tpu.vector_load_idx %parallel_loop3A_251[%parallel_loop3A_157] : memref<1000xf32, #tpu.memory_space<vmem>>[vector<16xi32>], vector<16xf32>,
        %parallel_loop3A_253 = arith.constant 2 : i32
        %parallel_loop3A_254 = arith.constant 10 : i32
        %parallel_loop3A_255 = arith.index_cast %parallel_loop3A_253 : i32 to index
        %parallel_loop3A_256 = arith.index_cast %parallel_loop3A_254 : i32 to index
        %parallel_loop3A_257 = arith.index_cast %parallel_loop3A_159 : i32 to index
        %parallel_loop3A_258 = tpu.vector_load %arg7[%parallel_loop3A_255, %parallel_loop3A_256, %parallel_loop3A_257] {strides = array<i32>} : memref<4x64x128xf32, #tpu.memory_space<vmem>>, vector<16xf32>,
        tpu.vector_store %arg7[%parallel_loop3A_255, %parallel_loop3A_256, %parallel_loop3A_257], %parallel_loop3A_252 {strides = array<i32>} : memref<4x64x128xf32, #tpu.memory_space<vmem>>, vector<16xf32>,
        %parallel_loop3A_259 = arith.constant 11000 : i32
        %parallel_loop3A_260 = tpu.memref_slice %arg5[%parallel_loop3A_259] : memref<64000xf32, #tpu.memory_space<vmem>> -> memref<1000xf32, #tpu.memory_space<vmem>>
        %parallel_loop3A_261 = tpu.vector_load_idx %parallel_loop3A_260[%parallel_loop3A_157] : memref<1000xf32, #tpu.memory_space<vmem>>[vector<16xi32>], vector<16xf32>,
        %parallel_loop3A_262 = arith.constant 2 : i32
        %parallel_loop3A_263 = arith.constant 11 : i32
        %parallel_loop3A_264 = arith.index_cast %parallel_loop3A_262 : i32 to index
        %parallel_loop3A_265 = arith.index_cast %parallel_loop3A_263 : i32 to index
        %parallel_loop3A_266 = arith.index_cast %parallel_loop3A_159 : i32 to index
        %parallel_loop3A_267 = tpu.vector_load %arg7[%parallel_loop3A_264, %parallel_loop3A_265, %parallel_loop3A_266] {strides = array<i32>} : memref<4x64x128xf32, #tpu.memory_space<vmem>>, vector<16xf32>,
        tpu.vector_store %arg7[%parallel_loop3A_264, %parallel_loop3A_265, %parallel_loop3A_266], %parallel_loop3A_261 {strides = array<i32>} : memref<4x64x128xf32, #tpu.memory_space<vmem>>, vector<16xf32>,
        %parallel_loop3A_268 = arith.constant 12000 : i32
        %parallel_loop3A_269 = tpu.memref_slice %arg5[%parallel_loop3A_268] : memref<64000xf32, #tpu.memory_space<vmem>> -> memref<1000xf32, #tpu.memory_space<vmem>>
        %parallel_loop3A_270 = tpu.vector_load_idx %parallel_loop3A_269[%parallel_loop3A_157] : memref<1000xf32, #tpu.memory_space<vmem>>[vector<16xi32>], vector<16xf32>,
        %parallel_loop3A_271 = arith.constant 2 : i32
        %parallel_loop3A_272 = arith.constant 12 : i32
        %parallel_loop3A_273 = arith.index_cast %parallel_loop3A_271 : i32 to index
        %parallel_loop3A_274 = arith.index_cast %parallel_loop3A_272 : i32 to index
        %parallel_loop3A_275 = arith.index_cast %parallel_loop3A_159 : i32 to index
        %parallel_loop3A_276 = tpu.vector_load %arg7[%parallel_loop3A_273, %parallel_loop3A_274, %parallel_loop3A_275] {strides = array<i32>} : memref<4x64x128xf32, #tpu.memory_space<vmem>>, vector<16xf32>,
        tpu.vector_store %arg7[%parallel_loop3A_273, %parallel_loop3A_274, %parallel_loop3A_275], %parallel_loop3A_270 {strides = array<i32>} : memref<4x64x128xf32, #tpu.memory_space<vmem>>, vector<16xf32>,
        %parallel_loop3A_277 = arith.constant 13000 : i32
        %parallel_loop3A_278 = tpu.memref_slice %arg5[%parallel_loop3A_277] : memref<64000xf32, #tpu.memory_space<vmem>> -> memref<1000xf32, #tpu.memory_space<vmem>>
        %parallel_loop3A_279 = tpu.vector_load_idx %parallel_loop3A_278[%parallel_loop3A_157] : memref<1000xf32, #tpu.memory_space<vmem>>[vector<16xi32>], vector<16xf32>,
        %parallel_loop3A_280 = arith.constant 2 : i32
        %parallel_loop3A_281 = arith.constant 13 : i32
        %parallel_loop3A_282 = arith.index_cast %parallel_loop3A_280 : i32 to index
        %parallel_loop3A_283 = arith.index_cast %parallel_loop3A_281 : i32 to index
        %parallel_loop3A_284 = arith.index_cast %parallel_loop3A_159 : i32 to index
        %parallel_loop3A_285 = tpu.vector_load %arg7[%parallel_loop3A_282, %parallel_loop3A_283, %parallel_loop3A_284] {strides = array<i32>} : memref<4x64x128xf32, #tpu.memory_space<vmem>>, vector<16xf32>,
        tpu.vector_store %arg7[%parallel_loop3A_282, %parallel_loop3A_283, %parallel_loop3A_284], %parallel_loop3A_279 {strides = array<i32>} : memref<4x64x128xf32, #tpu.memory_space<vmem>>, vector<16xf32>,
        %parallel_loop3A_286 = arith.constant 14000 : i32
        %parallel_loop3A_287 = tpu.memref_slice %arg5[%parallel_loop3A_286] : memref<64000xf32, #tpu.memory_space<vmem>> -> memref<1000xf32, #tpu.memory_space<vmem>>
        %parallel_loop3A_288 = tpu.vector_load_idx %parallel_loop3A_287[%parallel_loop3A_157] : memref<1000xf32, #tpu.memory_space<vmem>>[vector<16xi32>], vector<16xf32>,
        %parallel_loop3A_289 = arith.constant 2 : i32
        %parallel_loop3A_290 = arith.constant 14 : i32
        %parallel_loop3A_291 = arith.index_cast %parallel_loop3A_289 : i32 to index
        %parallel_loop3A_292 = arith.index_cast %parallel_loop3A_290 : i32 to index
        %parallel_loop3A_293 = arith.index_cast %parallel_loop3A_159 : i32 to index
        %parallel_loop3A_294 = tpu.vector_load %arg7[%parallel_loop3A_291, %parallel_loop3A_292, %parallel_loop3A_293] {strides = array<i32>} : memref<4x64x128xf32, #tpu.memory_space<vmem>>, vector<16xf32>,
        tpu.vector_store %arg7[%parallel_loop3A_291, %parallel_loop3A_292, %parallel_loop3A_293], %parallel_loop3A_288 {strides = array<i32>} : memref<4x64x128xf32, #tpu.memory_space<vmem>>, vector<16xf32>,
        %parallel_loop3A_295 = arith.constant 15000 : i32
        %parallel_loop3A_296 = tpu.memref_slice %arg5[%parallel_loop3A_295] : memref<64000xf32, #tpu.memory_space<vmem>> -> memref<1000xf32, #tpu.memory_space<vmem>>
        %parallel_loop3A_297 = tpu.vector_load_idx %parallel_loop3A_296[%parallel_loop3A_157] : memref<1000xf32, #tpu.memory_space<vmem>>[vector<16xi32>], vector<16xf32>,
        %parallel_loop3A_298 = arith.constant 2 : i32
        %parallel_loop3A_299 = arith.constant 15 : i32
        %parallel_loop3A_300 = arith.index_cast %parallel_loop3A_298 : i32 to index
        %parallel_loop3A_301 = arith.index_cast %parallel_loop3A_299 : i32 to index
        %parallel_loop3A_302 = arith.index_cast %parallel_loop3A_159 : i32 to index
        %parallel_loop3A_303 = tpu.vector_load %arg7[%parallel_loop3A_300, %parallel_loop3A_301, %parallel_loop3A_302] {strides = array<i32>} : memref<4x64x128xf32, #tpu.memory_space<vmem>>, vector<16xf32>,
        tpu.vector_store %arg7[%parallel_loop3A_300, %parallel_loop3A_301, %parallel_loop3A_302], %parallel_loop3A_297 {strides = array<i32>} : memref<4x64x128xf32, #tpu.memory_space<vmem>>, vector<16xf32>,
        %parallel_loop3A_304 = arith.constant 16000 : i32
        %parallel_loop3A_305 = tpu.memref_slice %arg5[%parallel_loop3A_304] : memref<64000xf32, #tpu.memory_space<vmem>> -> memref<1000xf32, #tpu.memory_space<vmem>>
        %parallel_loop3A_306 = tpu.vector_load_idx %parallel_loop3A_305[%parallel_loop3A_157] : memref<1000xf32, #tpu.memory_space<vmem>>[vector<16xi32>], vector<16xf32>,
        %parallel_loop3A_307 = arith.constant 2 : i32
        %parallel_loop3A_308 = arith.constant 16 : i32
        %parallel_loop3A_309 = arith.index_cast %parallel_loop3A_307 : i32 to index
        %parallel_loop3A_310 = arith.index_cast %parallel_loop3A_308 : i32 to index
        %parallel_loop3A_311 = arith.index_cast %parallel_loop3A_159 : i32 to index
        %parallel_loop3A_312 = tpu.vector_load %arg7[%parallel_loop3A_309, %parallel_loop3A_310, %parallel_loop3A_311] {strides = array<i32>} : memref<4x64x128xf32, #tpu.memory_space<vmem>>, vector<16xf32>,
        tpu.vector_store %arg7[%parallel_loop3A_309, %parallel_loop3A_310, %parallel_loop3A_311], %parallel_loop3A_306 {strides = array<i32>} : memref<4x64x128xf32, #tpu.memory_space<vmem>>, vector<16xf32>,
        %parallel_loop3A_313 = arith.constant 17000 : i32
        %parallel_loop3A_314 = tpu.memref_slice %arg5[%parallel_loop3A_313] : memref<64000xf32, #tpu.memory_space<vmem>> -> memref<1000xf32, #tpu.memory_space<vmem>>
        %parallel_loop3A_315 = tpu.vector_load_idx %parallel_loop3A_314[%parallel_loop3A_157] : memref<1000xf32, #tpu.memory_space<vmem>>[vector<16xi32>], vector<16xf32>,
        %parallel_loop3A_316 = arith.constant 2 : i32
        %parallel_loop3A_317 = arith.constant 17 : i32
        %parallel_loop3A_318 = arith.index_cast %parallel_loop3A_316 : i32 to index
        %parallel_loop3A_319 = arith.index_cast %parallel_loop3A_317 : i32 to index
        %parallel_loop3A_320 = arith.index_cast %parallel_loop3A_159 : i32 to index
        %parallel_loop3A_321 = tpu.vector_load %arg7[%parallel_loop3A_318, %parallel_loop3A_319, %parallel_loop3A_320] {strides = array<i32>} : memref<4x64x128xf32, #tpu.memory_space<vmem>>, vector<16xf32>,
        tpu.vector_store %arg7[%parallel_loop3A_318, %parallel_loop3A_319, %parallel_loop3A_320], %parallel_loop3A_315 {strides = array<i32>} : memref<4x64x128xf32, #tpu.memory_space<vmem>>, vector<16xf32>,
        %parallel_loop3A_322 = arith.constant 18000 : i32
        %parallel_loop3A_323 = tpu.memref_slice %arg5[%parallel_loop3A_322] : memref<64000xf32, #tpu.memory_space<vmem>> -> memref<1000xf32, #tpu.memory_space<vmem>>
        %parallel_loop3A_324 = tpu.vector_load_idx %parallel_loop3A_323[%parallel_loop3A_157] : memref<1000xf32, #tpu.memory_space<vmem>>[vector<16xi32>], vector<16xf32>,
        %parallel_loop3A_325 = arith.constant 2 : i32
        %parallel_loop3A_326 = arith.constant 18 : i32
        %parallel_loop3A_327 = arith.index_cast %parallel_loop3A_325 : i32 to index
        %parallel_loop3A_328 = arith.index_cast %parallel_loop3A_326 : i32 to index
        %parallel_loop3A_329 = arith.index_cast %parallel_loop3A_159 : i32 to index
        %parallel_loop3A_330 = tpu.vector_load %arg7[%parallel_loop3A_327, %parallel_loop3A_328, %parallel_loop3A_329] {strides = array<i32>} : memref<4x64x128xf32, #tpu.memory_space<vmem>>, vector<16xf32>,
        tpu.vector_store %arg7[%parallel_loop3A_327, %parallel_loop3A_328, %parallel_loop3A_329], %parallel_loop3A_324 {strides = array<i32>} : memref<4x64x128xf32, #tpu.memory_space<vmem>>, vector<16xf32>,
        %parallel_loop3A_331 = arith.constant 19000 : i32
        %parallel_loop3A_332 = tpu.memref_slice %arg5[%parallel_loop3A_331] : memref<64000xf32, #tpu.memory_space<vmem>> -> memref<1000xf32, #tpu.memory_space<vmem>>
        %parallel_loop3A_333 = tpu.vector_load_idx %parallel_loop3A_332[%parallel_loop3A_157] : memref<1000xf32, #tpu.memory_space<vmem>>[vector<16xi32>], vector<16xf32>,
        %parallel_loop3A_334 = arith.constant 2 : i32
        %parallel_loop3A_335 = arith.constant 19 : i32
        %parallel_loop3A_336 = arith.index_cast %parallel_loop3A_334 : i32 to index
        %parallel_loop3A_337 = arith.index_cast %parallel_loop3A_335 : i32 to index
        %parallel_loop3A_338 = arith.index_cast %parallel_loop3A_159 : i32 to index
        %parallel_loop3A_339 = tpu.vector_load %arg7[%parallel_loop3A_336, %parallel_loop3A_337, %parallel_loop3A_338] {strides = array<i32>} : memref<4x64x128xf32, #tpu.memory_space<vmem>>, vector<16xf32>,
        tpu.vector_store %arg7[%parallel_loop3A_336, %parallel_loop3A_337, %parallel_loop3A_338], %parallel_loop3A_333 {strides = array<i32>} : memref<4x64x128xf32, #tpu.memory_space<vmem>>, vector<16xf32>,
        %parallel_loop3A_340 = arith.constant 20000 : i32
        %parallel_loop3A_341 = tpu.memref_slice %arg5[%parallel_loop3A_340] : memref<64000xf32, #tpu.memory_space<vmem>> -> memref<1000xf32, #tpu.memory_space<vmem>>
        %parallel_loop3A_342 = tpu.vector_load_idx %parallel_loop3A_341[%parallel_loop3A_157] : memref<1000xf32, #tpu.memory_space<vmem>>[vector<16xi32>], vector<16xf32>,
        %parallel_loop3A_343 = arith.constant 2 : i32
        %parallel_loop3A_344 = arith.constant 20 : i32
        %parallel_loop3A_345 = arith.index_cast %parallel_loop3A_343 : i32 to index
        %parallel_loop3A_346 = arith.index_cast %parallel_loop3A_344 : i32 to index
        %parallel_loop3A_347 = arith.index_cast %parallel_loop3A_159 : i32 to index
        %parallel_loop3A_348 = tpu.vector_load %arg7[%parallel_loop3A_345, %parallel_loop3A_346, %parallel_loop3A_347] {strides = array<i32>} : memref<4x64x128xf32, #tpu.memory_space<vmem>>, vector<16xf32>,
        tpu.vector_store %arg7[%parallel_loop3A_345, %parallel_loop3A_346, %parallel_loop3A_347], %parallel_loop3A_342 {strides = array<i32>} : memref<4x64x128xf32, #tpu.memory_space<vmem>>, vector<16xf32>,
        %parallel_loop3A_349 = arith.constant 21000 : i32
        %parallel_loop3A_350 = tpu.memref_slice %arg5[%parallel_loop3A_349] : memref<64000xf32, #tpu.memory_space<vmem>> -> memref<1000xf32, #tpu.memory_space<vmem>>
        %parallel_loop3A_351 = tpu.vector_load_idx %parallel_loop3A_350[%parallel_loop3A_157] : memref<1000xf32, #tpu.memory_space<vmem>>[vector<16xi32>], vector<16xf32>,
        %parallel_loop3A_352 = arith.constant 2 : i32
        %parallel_loop3A_353 = arith.constant 21 : i32
        %parallel_loop3A_354 = arith.index_cast %parallel_loop3A_352 : i32 to index
        %parallel_loop3A_355 = arith.index_cast %parallel_loop3A_353 : i32 to index
        %parallel_loop3A_356 = arith.index_cast %parallel_loop3A_159 : i32 to index
        %parallel_loop3A_357 = tpu.vector_load %arg7[%parallel_loop3A_354, %parallel_loop3A_355, %parallel_loop3A_356] {strides = array<i32>} : memref<4x64x128xf32, #tpu.memory_space<vmem>>, vector<16xf32>,
        tpu.vector_store %arg7[%parallel_loop3A_354, %parallel_loop3A_355, %parallel_loop3A_356], %parallel_loop3A_351 {strides = array<i32>} : memref<4x64x128xf32, #tpu.memory_space<vmem>>, vector<16xf32>,
        %parallel_loop3A_358 = arith.constant 22000 : i32
        %parallel_loop3A_359 = tpu.memref_slice %arg5[%parallel_loop3A_358] : memref<64000xf32, #tpu.memory_space<vmem>> -> memref<1000xf32, #tpu.memory_space<vmem>>
        %parallel_loop3A_360 = tpu.vector_load_idx %parallel_loop3A_359[%parallel_loop3A_157] : memref<1000xf32, #tpu.memory_space<vmem>>[vector<16xi32>], vector<16xf32>,
        %parallel_loop3A_361 = arith.constant 2 : i32
        %parallel_loop3A_362 = arith.constant 22 : i32
        %parallel_loop3A_363 = arith.index_cast %parallel_loop3A_361 : i32 to index
        %parallel_loop3A_364 = arith.index_cast %parallel_loop3A_362 : i32 to index
        %parallel_loop3A_365 = arith.index_cast %parallel_loop3A_159 : i32 to index
        %parallel_loop3A_366 = tpu.vector_load %arg7[%parallel_loop3A_363, %parallel_loop3A_364, %parallel_loop3A_365] {strides = array<i32>} : memref<4x64x128xf32, #tpu.memory_space<vmem>>, vector<16xf32>,
        tpu.vector_store %arg7[%parallel_loop3A_363, %parallel_loop3A_364, %parallel_loop3A_365], %parallel_loop3A_360 {strides = array<i32>} : memref<4x64x128xf32, #tpu.memory_space<vmem>>, vector<16xf32>,
        %parallel_loop3A_367 = arith.constant 23000 : i32
        %parallel_loop3A_368 = tpu.memref_slice %arg5[%parallel_loop3A_367] : memref<64000xf32, #tpu.memory_space<vmem>> -> memref<1000xf32, #tpu.memory_space<vmem>>
        %parallel_loop3A_369 = tpu.vector_load_idx %parallel_loop3A_368[%parallel_loop3A_157] : memref<1000xf32, #tpu.memory_space<vmem>>[vector<16xi32>], vector<16xf32>,
        %parallel_loop3A_370 = arith.constant 2 : i32
        %parallel_loop3A_371 = arith.constant 23 : i32
        %parallel_loop3A_372 = arith.index_cast %parallel_loop3A_370 : i32 to index
        %parallel_loop3A_373 = arith.index_cast %parallel_loop3A_371 : i32 to index
        %parallel_loop3A_374 = arith.index_cast %parallel_loop3A_159 : i32 to index
        %parallel_loop3A_375 = tpu.vector_load %arg7[%parallel_loop3A_372, %parallel_loop3A_373, %parallel_loop3A_374] {strides = array<i32>} : memref<4x64x128xf32, #tpu.memory_space<vmem>>, vector<16xf32>,
        tpu.vector_store %arg7[%parallel_loop3A_372, %parallel_loop3A_373, %parallel_loop3A_374], %parallel_loop3A_369 {strides = array<i32>} : memref<4x64x128xf32, #tpu.memory_space<vmem>>, vector<16xf32>,
        %parallel_loop3A_376 = arith.constant 24000 : i32
        %parallel_loop3A_377 = tpu.memref_slice %arg5[%parallel_loop3A_376] : memref<64000xf32, #tpu.memory_space<vmem>> -> memref<1000xf32, #tpu.memory_space<vmem>>
        %parallel_loop3A_378 = tpu.vector_load_idx %parallel_loop3A_377[%parallel_loop3A_157] : memref<1000xf32, #tpu.memory_space<vmem>>[vector<16xi32>], vector<16xf32>,
        %parallel_loop3A_379 = arith.constant 2 : i32
        %parallel_loop3A_380 = arith.constant 24 : i32
        %parallel_loop3A_381 = arith.index_cast %parallel_loop3A_379 : i32 to index
        %parallel_loop3A_382 = arith.index_cast %parallel_loop3A_380 : i32 to index
        %parallel_loop3A_383 = arith.index_cast %parallel_loop3A_159 : i32 to index
        %parallel_loop3A_384 = tpu.vector_load %arg7[%parallel_loop3A_381, %parallel_loop3A_382, %parallel_loop3A_383] {strides = array<i32>} : memref<4x64x128xf32, #tpu.memory_space<vmem>>, vector<16xf32>,
        tpu.vector_store %arg7[%parallel_loop3A_381, %parallel_loop3A_382, %parallel_loop3A_383], %parallel_loop3A_378 {strides = array<i32>} : memref<4x64x128xf32, #tpu.memory_space<vmem>>, vector<16xf32>,
        %parallel_loop3A_385 = arith.constant 25000 : i32
        %parallel_loop3A_386 = tpu.memref_slice %arg5[%parallel_loop3A_385] : memref<64000xf32, #tpu.memory_space<vmem>> -> memref<1000xf32, #tpu.memory_space<vmem>>
        %parallel_loop3A_387 = tpu.vector_load_idx %parallel_loop3A_386[%parallel_loop3A_157] : memref<1000xf32, #tpu.memory_space<vmem>>[vector<16xi32>], vector<16xf32>,
        %parallel_loop3A_388 = arith.constant 2 : i32
        %parallel_loop3A_389 = arith.constant 25 : i32
        %parallel_loop3A_390 = arith.index_cast %parallel_loop3A_388 : i32 to index
        %parallel_loop3A_391 = arith.index_cast %parallel_loop3A_389 : i32 to index
        %parallel_loop3A_392 = arith.index_cast %parallel_loop3A_159 : i32 to index
        %parallel_loop3A_393 = tpu.vector_load %arg7[%parallel_loop3A_390, %parallel_loop3A_391, %parallel_loop3A_392] {strides = array<i32>} : memref<4x64x128xf32, #tpu.memory_space<vmem>>, vector<16xf32>,
        tpu.vector_store %arg7[%parallel_loop3A_390, %parallel_loop3A_391, %parallel_loop3A_392], %parallel_loop3A_387 {strides = array<i32>} : memref<4x64x128xf32, #tpu.memory_space<vmem>>, vector<16xf32>,
        %parallel_loop3A_394 = arith.constant 26000 : i32
        %parallel_loop3A_395 = tpu.memref_slice %arg5[%parallel_loop3A_394] : memref<64000xf32, #tpu.memory_space<vmem>> -> memref<1000xf32, #tpu.memory_space<vmem>>
        %parallel_loop3A_396 = tpu.vector_load_idx %parallel_loop3A_395[%parallel_loop3A_157] : memref<1000xf32, #tpu.memory_space<vmem>>[vector<16xi32>], vector<16xf32>,
        %parallel_loop3A_397 = arith.constant 2 : i32
        %parallel_loop3A_398 = arith.constant 26 : i32
        %parallel_loop3A_399 = arith.index_cast %parallel_loop3A_397 : i32 to index
        %parallel_loop3A_400 = arith.index_cast %parallel_loop3A_398 : i32 to index
        %parallel_loop3A_401 = arith.index_cast %parallel_loop3A_159 : i32 to index
        %parallel_loop3A_402 = tpu.vector_load %arg7[%parallel_loop3A_399, %parallel_loop3A_400, %parallel_loop3A_401] {strides = array<i32>} : memref<4x64x128xf32, #tpu.memory_space<vmem>>, vector<16xf32>,
        tpu.vector_store %arg7[%parallel_loop3A_399, %parallel_loop3A_400, %parallel_loop3A_401], %parallel_loop3A_396 {strides = array<i32>} : memref<4x64x128xf32, #tpu.memory_space<vmem>>, vector<16xf32>,
        %parallel_loop3A_403 = arith.constant 27000 : i32
        %parallel_loop3A_404 = tpu.memref_slice %arg5[%parallel_loop3A_403] : memref<64000xf32, #tpu.memory_space<vmem>> -> memref<1000xf32, #tpu.memory_space<vmem>>
        %parallel_loop3A_405 = tpu.vector_load_idx %parallel_loop3A_404[%parallel_loop3A_157] : memref<1000xf32, #tpu.memory_space<vmem>>[vector<16xi32>], vector<16xf32>,
        %parallel_loop3A_406 = arith.constant 2 : i32
        %parallel_loop3A_407 = arith.constant 27 : i32
        %parallel_loop3A_408 = arith.index_cast %parallel_loop3A_406 : i32 to index
        %parallel_loop3A_409 = arith.index_cast %parallel_loop3A_407 : i32 to index
        %parallel_loop3A_410 = arith.index_cast %parallel_loop3A_159 : i32 to index
        %parallel_loop3A_411 = tpu.vector_load %arg7[%parallel_loop3A_408, %parallel_loop3A_409, %parallel_loop3A_410] {strides = array<i32>} : memref<4x64x128xf32, #tpu.memory_space<vmem>>, vector<16xf32>,
        tpu.vector_store %arg7[%parallel_loop3A_408, %parallel_loop3A_409, %parallel_loop3A_410], %parallel_loop3A_405 {strides = array<i32>} : memref<4x64x128xf32, #tpu.memory_space<vmem>>, vector<16xf32>,
        %parallel_loop3A_412 = arith.constant 28000 : i32
        %parallel_loop3A_413 = tpu.memref_slice %arg5[%parallel_loop3A_412] : memref<64000xf32, #tpu.memory_space<vmem>> -> memref<1000xf32, #tpu.memory_space<vmem>>
        %parallel_loop3A_414 = tpu.vector_load_idx %parallel_loop3A_413[%parallel_loop3A_157] : memref<1000xf32, #tpu.memory_space<vmem>>[vector<16xi32>], vector<16xf32>,
        %parallel_loop3A_415 = arith.constant 2 : i32
        %parallel_loop3A_416 = arith.constant 28 : i32
        %parallel_loop3A_417 = arith.index_cast %parallel_loop3A_415 : i32 to index
        %parallel_loop3A_418 = arith.index_cast %parallel_loop3A_416 : i32 to index
        %parallel_loop3A_419 = arith.index_cast %parallel_loop3A_159 : i32 to index
        %parallel_loop3A_420 = tpu.vector_load %arg7[%parallel_loop3A_417, %parallel_loop3A_418, %parallel_loop3A_419] {strides = array<i32>} : memref<4x64x128xf32, #tpu.memory_space<vmem>>, vector<16xf32>,
        tpu.vector_store %arg7[%parallel_loop3A_417, %parallel_loop3A_418, %parallel_loop3A_419], %parallel_loop3A_414 {strides = array<i32>} : memref<4x64x128xf32, #tpu.memory_space<vmem>>, vector<16xf32>,
        %parallel_loop3A_421 = arith.constant 29000 : i32
        %parallel_loop3A_422 = tpu.memref_slice %arg5[%parallel_loop3A_421] : memref<64000xf32, #tpu.memory_space<vmem>> -> memref<1000xf32, #tpu.memory_space<vmem>>
        %parallel_loop3A_423 = tpu.vector_load_idx %parallel_loop3A_422[%parallel_loop3A_157] : memref<1000xf32, #tpu.memory_space<vmem>>[vector<16xi32>], vector<16xf32>,
        %parallel_loop3A_424 = arith.constant 2 : i32
        %parallel_loop3A_425 = arith.constant 29 : i32
        %parallel_loop3A_426 = arith.index_cast %parallel_loop3A_424 : i32 to index
        %parallel_loop3A_427 = arith.index_cast %parallel_loop3A_425 : i32 to index
        %parallel_loop3A_428 = arith.index_cast %parallel_loop3A_159 : i32 to index
        %parallel_loop3A_429 = tpu.vector_load %arg7[%parallel_loop3A_426, %parallel_loop3A_427, %parallel_loop3A_428] {strides = array<i32>} : memref<4x64x128xf32, #tpu.memory_space<vmem>>, vector<16xf32>,
        tpu.vector_store %arg7[%parallel_loop3A_426, %parallel_loop3A_427, %parallel_loop3A_428], %parallel_loop3A_423 {strides = array<i32>} : memref<4x64x128xf32, #tpu.memory_space<vmem>>, vector<16xf32>,
        %parallel_loop3A_430 = arith.constant 30000 : i32
        %parallel_loop3A_431 = tpu.memref_slice %arg5[%parallel_loop3A_430] : memref<64000xf32, #tpu.memory_space<vmem>> -> memref<1000xf32, #tpu.memory_space<vmem>>
        %parallel_loop3A_432 = tpu.vector_load_idx %parallel_loop3A_431[%parallel_loop3A_157] : memref<1000xf32, #tpu.memory_space<vmem>>[vector<16xi32>], vector<16xf32>,
        %parallel_loop3A_433 = arith.constant 2 : i32
        %parallel_loop3A_434 = arith.constant 30 : i32
        %parallel_loop3A_435 = arith.index_cast %parallel_loop3A_433 : i32 to index
        %parallel_loop3A_436 = arith.index_cast %parallel_loop3A_434 : i32 to index
        %parallel_loop3A_437 = arith.index_cast %parallel_loop3A_159 : i32 to index
        %parallel_loop3A_438 = tpu.vector_load %arg7[%parallel_loop3A_435, %parallel_loop3A_436, %parallel_loop3A_437] {strides = array<i32>} : memref<4x64x128xf32, #tpu.memory_space<vmem>>, vector<16xf32>,
        tpu.vector_store %arg7[%parallel_loop3A_435, %parallel_loop3A_436, %parallel_loop3A_437], %parallel_loop3A_432 {strides = array<i32>} : memref<4x64x128xf32, #tpu.memory_space<vmem>>, vector<16xf32>,
        %parallel_loop3A_439 = arith.constant 31000 : i32
        %parallel_loop3A_440 = tpu.memref_slice %arg5[%parallel_loop3A_439] : memref<64000xf32, #tpu.memory_space<vmem>> -> memref<1000xf32, #tpu.memory_space<vmem>>
        %parallel_loop3A_441 = tpu.vector_load_idx %parallel_loop3A_440[%parallel_loop3A_157] : memref<1000xf32, #tpu.memory_space<vmem>>[vector<16xi32>], vector<16xf32>,
        %parallel_loop3A_442 = arith.constant 2 : i32
        %parallel_loop3A_443 = arith.constant 31 : i32
        %parallel_loop3A_444 = arith.index_cast %parallel_loop3A_442 : i32 to index
        %parallel_loop3A_445 = arith.index_cast %parallel_loop3A_443 : i32 to index
        %parallel_loop3A_446 = arith.index_cast %parallel_loop3A_159 : i32 to index
        %parallel_loop3A_447 = tpu.vector_load %arg7[%parallel_loop3A_444, %parallel_loop3A_445, %parallel_loop3A_446] {strides = array<i32>} : memref<4x64x128xf32, #tpu.memory_space<vmem>>, vector<16xf32>,
        tpu.vector_store %arg7[%parallel_loop3A_444, %parallel_loop3A_445, %parallel_loop3A_446], %parallel_loop3A_441 {strides = array<i32>} : memref<4x64x128xf32, #tpu.memory_space<vmem>>, vector<16xf32>,
        %parallel_loop3A_448 = arith.constant 32000 : i32
        %parallel_loop3A_449 = tpu.memref_slice %arg5[%parallel_loop3A_448] : memref<64000xf32, #tpu.memory_space<vmem>> -> memref<1000xf32, #tpu.memory_space<vmem>>
        %parallel_loop3A_450 = tpu.vector_load_idx %parallel_loop3A_449[%parallel_loop3A_157] : memref<1000xf32, #tpu.memory_space<vmem>>[vector<16xi32>], vector<16xf32>,
        %parallel_loop3A_451 = arith.constant 2 : i32
        %parallel_loop3A_452 = arith.constant 32 : i32
        %parallel_loop3A_453 = arith.index_cast %parallel_loop3A_451 : i32 to index
        %parallel_loop3A_454 = arith.index_cast %parallel_loop3A_452 : i32 to index
        %parallel_loop3A_455 = arith.index_cast %parallel_loop3A_159 : i32 to index
        %parallel_loop3A_456 = tpu.vector_load %arg7[%parallel_loop3A_453, %parallel_loop3A_454, %parallel_loop3A_455] {strides = array<i32>} : memref<4x64x128xf32, #tpu.memory_space<vmem>>, vector<16xf32>,
        tpu.vector_store %arg7[%parallel_loop3A_453, %parallel_loop3A_454, %parallel_loop3A_455], %parallel_loop3A_450 {strides = array<i32>} : memref<4x64x128xf32, #tpu.memory_space<vmem>>, vector<16xf32>,
        %parallel_loop3A_457 = arith.constant 33000 : i32
        %parallel_loop3A_458 = tpu.memref_slice %arg5[%parallel_loop3A_457] : memref<64000xf32, #tpu.memory_space<vmem>> -> memref<1000xf32, #tpu.memory_space<vmem>>
        %parallel_loop3A_459 = tpu.vector_load_idx %parallel_loop3A_458[%parallel_loop3A_157] : memref<1000xf32, #tpu.memory_space<vmem>>[vector<16xi32>], vector<16xf32>,
        %parallel_loop3A_460 = arith.constant 2 : i32
        %parallel_loop3A_461 = arith.constant 33 : i32
        %parallel_loop3A_462 = arith.index_cast %parallel_loop3A_460 : i32 to index
        %parallel_loop3A_463 = arith.index_cast %parallel_loop3A_461 : i32 to index
        %parallel_loop3A_464 = arith.index_cast %parallel_loop3A_159 : i32 to index
        %parallel_loop3A_465 = tpu.vector_load %arg7[%parallel_loop3A_462, %parallel_loop3A_463, %parallel_loop3A_464] {strides = array<i32>} : memref<4x64x128xf32, #tpu.memory_space<vmem>>, vector<16xf32>,
        tpu.vector_store %arg7[%parallel_loop3A_462, %parallel_loop3A_463, %parallel_loop3A_464], %parallel_loop3A_459 {strides = array<i32>} : memref<4x64x128xf32, #tpu.memory_space<vmem>>, vector<16xf32>,
        %parallel_loop3A_466 = arith.constant 34000 : i32
        %parallel_loop3A_467 = tpu.memref_slice %arg5[%parallel_loop3A_466] : memref<64000xf32, #tpu.memory_space<vmem>> -> memref<1000xf32, #tpu.memory_space<vmem>>
        %parallel_loop3A_468 = tpu.vector_load_idx %parallel_loop3A_467[%parallel_loop3A_157] : memref<1000xf32, #tpu.memory_space<vmem>>[vector<16xi32>], vector<16xf32>,
        %parallel_loop3A_469 = arith.constant 2 : i32
        %parallel_loop3A_470 = arith.constant 34 : i32
        %parallel_loop3A_471 = arith.index_cast %parallel_loop3A_469 : i32 to index
        %parallel_loop3A_472 = arith.index_cast %parallel_loop3A_470 : i32 to index
        %parallel_loop3A_473 = arith.index_cast %parallel_loop3A_159 : i32 to index
        %parallel_loop3A_474 = tpu.vector_load %arg7[%parallel_loop3A_471, %parallel_loop3A_472, %parallel_loop3A_473] {strides = array<i32>} : memref<4x64x128xf32, #tpu.memory_space<vmem>>, vector<16xf32>,
        tpu.vector_store %arg7[%parallel_loop3A_471, %parallel_loop3A_472, %parallel_loop3A_473], %parallel_loop3A_468 {strides = array<i32>} : memref<4x64x128xf32, #tpu.memory_space<vmem>>, vector<16xf32>,
        %parallel_loop3A_475 = arith.constant 35000 : i32
        %parallel_loop3A_476 = tpu.memref_slice %arg5[%parallel_loop3A_475] : memref<64000xf32, #tpu.memory_space<vmem>> -> memref<1000xf32, #tpu.memory_space<vmem>>
        %parallel_loop3A_477 = tpu.vector_load_idx %parallel_loop3A_476[%parallel_loop3A_157] : memref<1000xf32, #tpu.memory_space<vmem>>[vector<16xi32>], vector<16xf32>,
        %parallel_loop3A_478 = arith.constant 2 : i32
        %parallel_loop3A_479 = arith.constant 35 : i32
        %parallel_loop3A_480 = arith.index_cast %parallel_loop3A_478 : i32 to index
        %parallel_loop3A_481 = arith.index_cast %parallel_loop3A_479 : i32 to index
        %parallel_loop3A_482 = arith.index_cast %parallel_loop3A_159 : i32 to index
        %parallel_loop3A_483 = tpu.vector_load %arg7[%parallel_loop3A_480, %parallel_loop3A_481, %parallel_loop3A_482] {strides = array<i32>} : memref<4x64x128xf32, #tpu.memory_space<vmem>>, vector<16xf32>,
        tpu.vector_store %arg7[%parallel_loop3A_480, %parallel_loop3A_481, %parallel_loop3A_482], %parallel_loop3A_477 {strides = array<i32>} : memref<4x64x128xf32, #tpu.memory_space<vmem>>, vector<16xf32>,
        %parallel_loop3A_484 = arith.constant 36000 : i32
        %parallel_loop3A_485 = tpu.memref_slice %arg5[%parallel_loop3A_484] : memref<64000xf32, #tpu.memory_space<vmem>> -> memref<1000xf32, #tpu.memory_space<vmem>>
        %parallel_loop3A_486 = tpu.vector_load_idx %parallel_loop3A_485[%parallel_loop3A_157] : memref<1000xf32, #tpu.memory_space<vmem>>[vector<16xi32>], vector<16xf32>,
        %parallel_loop3A_487 = arith.constant 2 : i32
        %parallel_loop3A_488 = arith.constant 36 : i32
        %parallel_loop3A_489 = arith.index_cast %parallel_loop3A_487 : i32 to index
        %parallel_loop3A_490 = arith.index_cast %parallel_loop3A_488 : i32 to index
        %parallel_loop3A_491 = arith.index_cast %parallel_loop3A_159 : i32 to index
        %parallel_loop3A_492 = tpu.vector_load %arg7[%parallel_loop3A_489, %parallel_loop3A_490, %parallel_loop3A_491] {strides = array<i32>} : memref<4x64x128xf32, #tpu.memory_space<vmem>>, vector<16xf32>,
        tpu.vector_store %arg7[%parallel_loop3A_489, %parallel_loop3A_490, %parallel_loop3A_491], %parallel_loop3A_486 {strides = array<i32>} : memref<4x64x128xf32, #tpu.memory_space<vmem>>, vector<16xf32>,
        %parallel_loop3A_493 = arith.constant 37000 : i32
        %parallel_loop3A_494 = tpu.memref_slice %arg5[%parallel_loop3A_493] : memref<64000xf32, #tpu.memory_space<vmem>> -> memref<1000xf32, #tpu.memory_space<vmem>>
        %parallel_loop3A_495 = tpu.vector_load_idx %parallel_loop3A_494[%parallel_loop3A_157] : memref<1000xf32, #tpu.memory_space<vmem>>[vector<16xi32>], vector<16xf32>,
        %parallel_loop3A_496 = arith.constant 2 : i32
        %parallel_loop3A_497 = arith.constant 37 : i32
        %parallel_loop3A_498 = arith.index_cast %parallel_loop3A_496 : i32 to index
        %parallel_loop3A_499 = arith.index_cast %parallel_loop3A_497 : i32 to index
        %parallel_loop3A_500 = arith.index_cast %parallel_loop3A_159 : i32 to index
        %parallel_loop3A_501 = tpu.vector_load %arg7[%parallel_loop3A_498, %parallel_loop3A_499, %parallel_loop3A_500] {strides = array<i32>} : memref<4x64x128xf32, #tpu.memory_space<vmem>>, vector<16xf32>,
        tpu.vector_store %arg7[%parallel_loop3A_498, %parallel_loop3A_499, %parallel_loop3A_500], %parallel_loop3A_495 {strides = array<i32>} : memref<4x64x128xf32, #tpu.memory_space<vmem>>, vector<16xf32>,
        %parallel_loop3A_502 = arith.constant 38000 : i32
        %parallel_loop3A_503 = tpu.memref_slice %arg5[%parallel_loop3A_502] : memref<64000xf32, #tpu.memory_space<vmem>> -> memref<1000xf32, #tpu.memory_space<vmem>>
        %parallel_loop3A_504 = tpu.vector_load_idx %parallel_loop3A_503[%parallel_loop3A_157] : memref<1000xf32, #tpu.memory_space<vmem>>[vector<16xi32>], vector<16xf32>,
        %parallel_loop3A_505 = arith.constant 2 : i32
        %parallel_loop3A_506 = arith.constant 38 : i32
        %parallel_loop3A_507 = arith.index_cast %parallel_loop3A_505 : i32 to index
        %parallel_loop3A_508 = arith.index_cast %parallel_loop3A_506 : i32 to index
        %parallel_loop3A_509 = arith.index_cast %parallel_loop3A_159 : i32 to index
        %parallel_loop3A_510 = tpu.vector_load %arg7[%parallel_loop3A_507, %parallel_loop3A_508, %parallel_loop3A_509] {strides = array<i32>} : memref<4x64x128xf32, #tpu.memory_space<vmem>>, vector<16xf32>,
        tpu.vector_store %arg7[%parallel_loop3A_507, %parallel_loop3A_508, %parallel_loop3A_509], %parallel_loop3A_504 {strides = array<i32>} : memref<4x64x128xf32, #tpu.memory_space<vmem>>, vector<16xf32>,
        %parallel_loop3A_511 = arith.constant 39000 : i32
        %parallel_loop3A_512 = tpu.memref_slice %arg5[%parallel_loop3A_511] : memref<64000xf32, #tpu.memory_space<vmem>> -> memref<1000xf32, #tpu.memory_space<vmem>>
        %parallel_loop3A_513 = tpu.vector_load_idx %parallel_loop3A_512[%parallel_loop3A_157] : memref<1000xf32, #tpu.memory_space<vmem>>[vector<16xi32>], vector<16xf32>,
        %parallel_loop3A_514 = arith.constant 2 : i32
        %parallel_loop3A_515 = arith.constant 39 : i32
        %parallel_loop3A_516 = arith.index_cast %parallel_loop3A_514 : i32 to index
        %parallel_loop3A_517 = arith.index_cast %parallel_loop3A_515 : i32 to index
        %parallel_loop3A_518 = arith.index_cast %parallel_loop3A_159 : i32 to index
        %parallel_loop3A_519 = tpu.vector_load %arg7[%parallel_loop3A_516, %parallel_loop3A_517, %parallel_loop3A_518] {strides = array<i32>} : memref<4x64x128xf32, #tpu.memory_space<vmem>>, vector<16xf32>,
        tpu.vector_store %arg7[%parallel_loop3A_516, %parallel_loop3A_517, %parallel_loop3A_518], %parallel_loop3A_513 {strides = array<i32>} : memref<4x64x128xf32, #tpu.memory_space<vmem>>, vector<16xf32>,
        %parallel_loop3A_520 = arith.constant 40000 : i32
        %parallel_loop3A_521 = tpu.memref_slice %arg5[%parallel_loop3A_520] : memref<64000xf32, #tpu.memory_space<vmem>> -> memref<1000xf32, #tpu.memory_space<vmem>>
        %parallel_loop3A_522 = tpu.vector_load_idx %parallel_loop3A_521[%parallel_loop3A_157] : memref<1000xf32, #tpu.memory_space<vmem>>[vector<16xi32>], vector<16xf32>,
        %parallel_loop3A_523 = arith.constant 2 : i32
        %parallel_loop3A_524 = arith.constant 40 : i32
        %parallel_loop3A_525 = arith.index_cast %parallel_loop3A_523 : i32 to index
        %parallel_loop3A_526 = arith.index_cast %parallel_loop3A_524 : i32 to index
        %parallel_loop3A_527 = arith.index_cast %parallel_loop3A_159 : i32 to index
        %parallel_loop3A_528 = tpu.vector_load %arg7[%parallel_loop3A_525, %parallel_loop3A_526, %parallel_loop3A_527] {strides = array<i32>} : memref<4x64x128xf32, #tpu.memory_space<vmem>>, vector<16xf32>,
        tpu.vector_store %arg7[%parallel_loop3A_525, %parallel_loop3A_526, %parallel_loop3A_527], %parallel_loop3A_522 {strides = array<i32>} : memref<4x64x128xf32, #tpu.memory_space<vmem>>, vector<16xf32>,
        %parallel_loop3A_529 = arith.constant 41000 : i32
        %parallel_loop3A_530 = tpu.memref_slice %arg5[%parallel_loop3A_529] : memref<64000xf32, #tpu.memory_space<vmem>> -> memref<1000xf32, #tpu.memory_space<vmem>>
        %parallel_loop3A_531 = tpu.vector_load_idx %parallel_loop3A_530[%parallel_loop3A_157] : memref<1000xf32, #tpu.memory_space<vmem>>[vector<16xi32>], vector<16xf32>,
        %parallel_loop3A_532 = arith.constant 2 : i32
        %parallel_loop3A_533 = arith.constant 41 : i32
        %parallel_loop3A_534 = arith.index_cast %parallel_loop3A_532 : i32 to index
        %parallel_loop3A_535 = arith.index_cast %parallel_loop3A_533 : i32 to index
        %parallel_loop3A_536 = arith.index_cast %parallel_loop3A_159 : i32 to index
        %parallel_loop3A_537 = tpu.vector_load %arg7[%parallel_loop3A_534, %parallel_loop3A_535, %parallel_loop3A_536] {strides = array<i32>} : memref<4x64x128xf32, #tpu.memory_space<vmem>>, vector<16xf32>,
        tpu.vector_store %arg7[%parallel_loop3A_534, %parallel_loop3A_535, %parallel_loop3A_536], %parallel_loop3A_531 {strides = array<i32>} : memref<4x64x128xf32, #tpu.memory_space<vmem>>, vector<16xf32>,
        %parallel_loop3A_538 = arith.constant 42000 : i32
        %parallel_loop3A_539 = tpu.memref_slice %arg5[%parallel_loop3A_538] : memref<64000xf32, #tpu.memory_space<vmem>> -> memref<1000xf32, #tpu.memory_space<vmem>>
        %parallel_loop3A_540 = tpu.vector_load_idx %parallel_loop3A_539[%parallel_loop3A_157] : memref<1000xf32, #tpu.memory_space<vmem>>[vector<16xi32>], vector<16xf32>,
        %parallel_loop3A_541 = arith.constant 2 : i32
        %parallel_loop3A_542 = arith.constant 42 : i32
        %parallel_loop3A_543 = arith.index_cast %parallel_loop3A_541 : i32 to index
        %parallel_loop3A_544 = arith.index_cast %parallel_loop3A_542 : i32 to index
        %parallel_loop3A_545 = arith.index_cast %parallel_loop3A_159 : i32 to index
        %parallel_loop3A_546 = tpu.vector_load %arg7[%parallel_loop3A_543, %parallel_loop3A_544, %parallel_loop3A_545] {strides = array<i32>} : memref<4x64x128xf32, #tpu.memory_space<vmem>>, vector<16xf32>,
        tpu.vector_store %arg7[%parallel_loop3A_543, %parallel_loop3A_544, %parallel_loop3A_545], %parallel_loop3A_540 {strides = array<i32>} : memref<4x64x128xf32, #tpu.memory_space<vmem>>, vector<16xf32>,
        %parallel_loop3A_547 = arith.constant 43000 : i32
        %parallel_loop3A_548 = tpu.memref_slice %arg5[%parallel_loop3A_547] : memref<64000xf32, #tpu.memory_space<vmem>> -> memref<1000xf32, #tpu.memory_space<vmem>>
        %parallel_loop3A_549 = tpu.vector_load_idx %parallel_loop3A_548[%parallel_loop3A_157] : memref<1000xf32, #tpu.memory_space<vmem>>[vector<16xi32>], vector<16xf32>,
        %parallel_loop3A_550 = arith.constant 2 : i32
        %parallel_loop3A_551 = arith.constant 43 : i32
        %parallel_loop3A_552 = arith.index_cast %parallel_loop3A_550 : i32 to index
        %parallel_loop3A_553 = arith.index_cast %parallel_loop3A_551 : i32 to index
        %parallel_loop3A_554 = arith.index_cast %parallel_loop3A_159 : i32 to index
        %parallel_loop3A_555 = tpu.vector_load %arg7[%parallel_loop3A_552, %parallel_loop3A_553, %parallel_loop3A_554] {strides = array<i32>} : memref<4x64x128xf32, #tpu.memory_space<vmem>>, vector<16xf32>,
        tpu.vector_store %arg7[%parallel_loop3A_552, %parallel_loop3A_553, %parallel_loop3A_554], %parallel_loop3A_549 {strides = array<i32>} : memref<4x64x128xf32, #tpu.memory_space<vmem>>, vector<16xf32>,
        %parallel_loop3A_556 = arith.constant 44000 : i32
        %parallel_loop3A_557 = tpu.memref_slice %arg5[%parallel_loop3A_556] : memref<64000xf32, #tpu.memory_space<vmem>> -> memref<1000xf32, #tpu.memory_space<vmem>>
        %parallel_loop3A_558 = tpu.vector_load_idx %parallel_loop3A_557[%parallel_loop3A_157] : memref<1000xf32, #tpu.memory_space<vmem>>[vector<16xi32>], vector<16xf32>,
        %parallel_loop3A_559 = arith.constant 2 : i32
        %parallel_loop3A_560 = arith.constant 44 : i32
        %parallel_loop3A_561 = arith.index_cast %parallel_loop3A_559 : i32 to index
        %parallel_loop3A_562 = arith.index_cast %parallel_loop3A_560 : i32 to index
        %parallel_loop3A_563 = arith.index_cast %parallel_loop3A_159 : i32 to index
        %parallel_loop3A_564 = tpu.vector_load %arg7[%parallel_loop3A_561, %parallel_loop3A_562, %parallel_loop3A_563] {strides = array<i32>} : memref<4x64x128xf32, #tpu.memory_space<vmem>>, vector<16xf32>,
        tpu.vector_store %arg7[%parallel_loop3A_561, %parallel_loop3A_562, %parallel_loop3A_563], %parallel_loop3A_558 {strides = array<i32>} : memref<4x64x128xf32, #tpu.memory_space<vmem>>, vector<16xf32>,
        %parallel_loop3A_565 = arith.constant 45000 : i32
        %parallel_loop3A_566 = tpu.memref_slice %arg5[%parallel_loop3A_565] : memref<64000xf32, #tpu.memory_space<vmem>> -> memref<1000xf32, #tpu.memory_space<vmem>>
        %parallel_loop3A_567 = tpu.vector_load_idx %parallel_loop3A_566[%parallel_loop3A_157] : memref<1000xf32, #tpu.memory_space<vmem>>[vector<16xi32>], vector<16xf32>,
        %parallel_loop3A_568 = arith.constant 2 : i32
        %parallel_loop3A_569 = arith.constant 45 : i32
        %parallel_loop3A_570 = arith.index_cast %parallel_loop3A_568 : i32 to index
        %parallel_loop3A_571 = arith.index_cast %parallel_loop3A_569 : i32 to index
        %parallel_loop3A_572 = arith.index_cast %parallel_loop3A_159 : i32 to index
        %parallel_loop3A_573 = tpu.vector_load %arg7[%parallel_loop3A_570, %parallel_loop3A_571, %parallel_loop3A_572] {strides = array<i32>} : memref<4x64x128xf32, #tpu.memory_space<vmem>>, vector<16xf32>,
        tpu.vector_store %arg7[%parallel_loop3A_570, %parallel_loop3A_571, %parallel_loop3A_572], %parallel_loop3A_567 {strides = array<i32>} : memref<4x64x128xf32, #tpu.memory_space<vmem>>, vector<16xf32>,
        %parallel_loop3A_574 = arith.constant 46000 : i32
        %parallel_loop3A_575 = tpu.memref_slice %arg5[%parallel_loop3A_574] : memref<64000xf32, #tpu.memory_space<vmem>> -> memref<1000xf32, #tpu.memory_space<vmem>>
        %parallel_loop3A_576 = tpu.vector_load_idx %parallel_loop3A_575[%parallel_loop3A_157] : memref<1000xf32, #tpu.memory_space<vmem>>[vector<16xi32>], vector<16xf32>,
        %parallel_loop3A_577 = arith.constant 2 : i32
        %parallel_loop3A_578 = arith.constant 46 : i32
        %parallel_loop3A_579 = arith.index_cast %parallel_loop3A_577 : i32 to index
        %parallel_loop3A_580 = arith.index_cast %parallel_loop3A_578 : i32 to index
        %parallel_loop3A_581 = arith.index_cast %parallel_loop3A_159 : i32 to index
        %parallel_loop3A_582 = tpu.vector_load %arg7[%parallel_loop3A_579, %parallel_loop3A_580, %parallel_loop3A_581] {strides = array<i32>} : memref<4x64x128xf32, #tpu.memory_space<vmem>>, vector<16xf32>,
        tpu.vector_store %arg7[%parallel_loop3A_579, %parallel_loop3A_580, %parallel_loop3A_581], %parallel_loop3A_576 {strides = array<i32>} : memref<4x64x128xf32, #tpu.memory_space<vmem>>, vector<16xf32>,
        %parallel_loop3A_583 = arith.constant 47000 : i32
        %parallel_loop3A_584 = tpu.memref_slice %arg5[%parallel_loop3A_583] : memref<64000xf32, #tpu.memory_space<vmem>> -> memref<1000xf32, #tpu.memory_space<vmem>>
        %parallel_loop3A_585 = tpu.vector_load_idx %parallel_loop3A_584[%parallel_loop3A_157] : memref<1000xf32, #tpu.memory_space<vmem>>[vector<16xi32>], vector<16xf32>,
        %parallel_loop3A_586 = arith.constant 2 : i32
        %parallel_loop3A_587 = arith.constant 47 : i32
        %parallel_loop3A_588 = arith.index_cast %parallel_loop3A_586 : i32 to index
        %parallel_loop3A_589 = arith.index_cast %parallel_loop3A_587 : i32 to index
        %parallel_loop3A_590 = arith.index_cast %parallel_loop3A_159 : i32 to index
        %parallel_loop3A_591 = tpu.vector_load %arg7[%parallel_loop3A_588, %parallel_loop3A_589, %parallel_loop3A_590] {strides = array<i32>} : memref<4x64x128xf32, #tpu.memory_space<vmem>>, vector<16xf32>,
        tpu.vector_store %arg7[%parallel_loop3A_588, %parallel_loop3A_589, %parallel_loop3A_590], %parallel_loop3A_585 {strides = array<i32>} : memref<4x64x128xf32, #tpu.memory_space<vmem>>, vector<16xf32>,
        %parallel_loop3A_592 = arith.constant 48000 : i32
        %parallel_loop3A_593 = tpu.memref_slice %arg5[%parallel_loop3A_592] : memref<64000xf32, #tpu.memory_space<vmem>> -> memref<1000xf32, #tpu.memory_space<vmem>>
        %parallel_loop3A_594 = tpu.vector_load_idx %parallel_loop3A_593[%parallel_loop3A_157] : memref<1000xf32, #tpu.memory_space<vmem>>[vector<16xi32>], vector<16xf32>,
        %parallel_loop3A_595 = arith.constant 2 : i32
        %parallel_loop3A_596 = arith.constant 48 : i32
        %parallel_loop3A_597 = arith.index_cast %parallel_loop3A_595 : i32 to index
        %parallel_loop3A_598 = arith.index_cast %parallel_loop3A_596 : i32 to index
        %parallel_loop3A_599 = arith.index_cast %parallel_loop3A_159 : i32 to index
        %parallel_loop3A_600 = tpu.vector_load %arg7[%parallel_loop3A_597, %parallel_loop3A_598, %parallel_loop3A_599] {strides = array<i32>} : memref<4x64x128xf32, #tpu.memory_space<vmem>>, vector<16xf32>,
        tpu.vector_store %arg7[%parallel_loop3A_597, %parallel_loop3A_598, %parallel_loop3A_599], %parallel_loop3A_594 {strides = array<i32>} : memref<4x64x128xf32, #tpu.memory_space<vmem>>, vector<16xf32>,
        %parallel_loop3A_601 = arith.constant 49000 : i32
        %parallel_loop3A_602 = tpu.memref_slice %arg5[%parallel_loop3A_601] : memref<64000xf32, #tpu.memory_space<vmem>> -> memref<1000xf32, #tpu.memory_space<vmem>>
        %parallel_loop3A_603 = tpu.vector_load_idx %parallel_loop3A_602[%parallel_loop3A_157] : memref<1000xf32, #tpu.memory_space<vmem>>[vector<16xi32>], vector<16xf32>,
        %parallel_loop3A_604 = arith.constant 2 : i32
        %parallel_loop3A_605 = arith.constant 49 : i32
        %parallel_loop3A_606 = arith.index_cast %parallel_loop3A_604 : i32 to index
        %parallel_loop3A_607 = arith.index_cast %parallel_loop3A_605 : i32 to index
        %parallel_loop3A_608 = arith.index_cast %parallel_loop3A_159 : i32 to index
        %parallel_loop3A_609 = tpu.vector_load %arg7[%parallel_loop3A_606, %parallel_loop3A_607, %parallel_loop3A_608] {strides = array<i32>} : memref<4x64x128xf32, #tpu.memory_space<vmem>>, vector<16xf32>,
        tpu.vector_store %arg7[%parallel_loop3A_606, %parallel_loop3A_607, %parallel_loop3A_608], %parallel_loop3A_603 {strides = array<i32>} : memref<4x64x128xf32, #tpu.memory_space<vmem>>, vector<16xf32>,
        %parallel_loop3A_610 = arith.constant 50000 : i32
        %parallel_loop3A_611 = tpu.memref_slice %arg5[%parallel_loop3A_610] : memref<64000xf32, #tpu.memory_space<vmem>> -> memref<1000xf32, #tpu.memory_space<vmem>>
        %parallel_loop3A_612 = tpu.vector_load_idx %parallel_loop3A_611[%parallel_loop3A_157] : memref<1000xf32, #tpu.memory_space<vmem>>[vector<16xi32>], vector<16xf32>,
        %parallel_loop3A_613 = arith.constant 2 : i32
        %parallel_loop3A_614 = arith.constant 50 : i32
        %parallel_loop3A_615 = arith.index_cast %parallel_loop3A_613 : i32 to index
        %parallel_loop3A_616 = arith.index_cast %parallel_loop3A_614 : i32 to index
        %parallel_loop3A_617 = arith.index_cast %parallel_loop3A_159 : i32 to index
        %parallel_loop3A_618 = tpu.vector_load %arg7[%parallel_loop3A_615, %parallel_loop3A_616, %parallel_loop3A_617] {strides = array<i32>} : memref<4x64x128xf32, #tpu.memory_space<vmem>>, vector<16xf32>,
        tpu.vector_store %arg7[%parallel_loop3A_615, %parallel_loop3A_616, %parallel_loop3A_617], %parallel_loop3A_612 {strides = array<i32>} : memref<4x64x128xf32, #tpu.memory_space<vmem>>, vector<16xf32>,
        %parallel_loop3A_619 = arith.constant 51000 : i32
        %parallel_loop3A_620 = tpu.memref_slice %arg5[%parallel_loop3A_619] : memref<64000xf32, #tpu.memory_space<vmem>> -> memref<1000xf32, #tpu.memory_space<vmem>>
        %parallel_loop3A_621 = tpu.vector_load_idx %parallel_loop3A_620[%parallel_loop3A_157] : memref<1000xf32, #tpu.memory_space<vmem>>[vector<16xi32>], vector<16xf32>,
        %parallel_loop3A_622 = arith.constant 2 : i32
        %parallel_loop3A_623 = arith.constant 51 : i32
        %parallel_loop3A_624 = arith.index_cast %parallel_loop3A_622 : i32 to index
        %parallel_loop3A_625 = arith.index_cast %parallel_loop3A_623 : i32 to index
        %parallel_loop3A_626 = arith.index_cast %parallel_loop3A_159 : i32 to index
        %parallel_loop3A_627 = tpu.vector_load %arg7[%parallel_loop3A_624, %parallel_loop3A_625, %parallel_loop3A_626] {strides = array<i32>} : memref<4x64x128xf32, #tpu.memory_space<vmem>>, vector<16xf32>,
        tpu.vector_store %arg7[%parallel_loop3A_624, %parallel_loop3A_625, %parallel_loop3A_626], %parallel_loop3A_621 {strides = array<i32>} : memref<4x64x128xf32, #tpu.memory_space<vmem>>, vector<16xf32>,
        %parallel_loop3A_628 = arith.constant 52000 : i32
        %parallel_loop3A_629 = tpu.memref_slice %arg5[%parallel_loop3A_628] : memref<64000xf32, #tpu.memory_space<vmem>> -> memref<1000xf32, #tpu.memory_space<vmem>>
        %parallel_loop3A_630 = tpu.vector_load_idx %parallel_loop3A_629[%parallel_loop3A_157] : memref<1000xf32, #tpu.memory_space<vmem>>[vector<16xi32>], vector<16xf32>,
        %parallel_loop3A_631 = arith.constant 2 : i32
        %parallel_loop3A_632 = arith.constant 52 : i32
        %parallel_loop3A_633 = arith.index_cast %parallel_loop3A_631 : i32 to index
        %parallel_loop3A_634 = arith.index_cast %parallel_loop3A_632 : i32 to index
        %parallel_loop3A_635 = arith.index_cast %parallel_loop3A_159 : i32 to index
        %parallel_loop3A_636 = tpu.vector_load %arg7[%parallel_loop3A_633, %parallel_loop3A_634, %parallel_loop3A_635] {strides = array<i32>} : memref<4x64x128xf32, #tpu.memory_space<vmem>>, vector<16xf32>,
        tpu.vector_store %arg7[%parallel_loop3A_633, %parallel_loop3A_634, %parallel_loop3A_635], %parallel_loop3A_630 {strides = array<i32>} : memref<4x64x128xf32, #tpu.memory_space<vmem>>, vector<16xf32>,
        %parallel_loop3A_637 = arith.constant 53000 : i32
        %parallel_loop3A_638 = tpu.memref_slice %arg5[%parallel_loop3A_637] : memref<64000xf32, #tpu.memory_space<vmem>> -> memref<1000xf32, #tpu.memory_space<vmem>>
        %parallel_loop3A_639 = tpu.vector_load_idx %parallel_loop3A_638[%parallel_loop3A_157] : memref<1000xf32, #tpu.memory_space<vmem>>[vector<16xi32>], vector<16xf32>,
        %parallel_loop3A_640 = arith.constant 2 : i32
        %parallel_loop3A_641 = arith.constant 53 : i32
        %parallel_loop3A_642 = arith.index_cast %parallel_loop3A_640 : i32 to index
        %parallel_loop3A_643 = arith.index_cast %parallel_loop3A_641 : i32 to index
        %parallel_loop3A_644 = arith.index_cast %parallel_loop3A_159 : i32 to index
        %parallel_loop3A_645 = tpu.vector_load %arg7[%parallel_loop3A_642, %parallel_loop3A_643, %parallel_loop3A_644] {strides = array<i32>} : memref<4x64x128xf32, #tpu.memory_space<vmem>>, vector<16xf32>,
        tpu.vector_store %arg7[%parallel_loop3A_642, %parallel_loop3A_643, %parallel_loop3A_644], %parallel_loop3A_639 {strides = array<i32>} : memref<4x64x128xf32, #tpu.memory_space<vmem>>, vector<16xf32>,
        %parallel_loop3A_646 = arith.constant 54000 : i32
        %parallel_loop3A_647 = tpu.memref_slice %arg5[%parallel_loop3A_646] : memref<64000xf32, #tpu.memory_space<vmem>> -> memref<1000xf32, #tpu.memory_space<vmem>>
        %parallel_loop3A_648 = tpu.vector_load_idx %parallel_loop3A_647[%parallel_loop3A_157] : memref<1000xf32, #tpu.memory_space<vmem>>[vector<16xi32>], vector<16xf32>,
        %parallel_loop3A_649 = arith.constant 2 : i32
        %parallel_loop3A_650 = arith.constant 54 : i32
        %parallel_loop3A_651 = arith.index_cast %parallel_loop3A_649 : i32 to index
        %parallel_loop3A_652 = arith.index_cast %parallel_loop3A_650 : i32 to index
        %parallel_loop3A_653 = arith.index_cast %parallel_loop3A_159 : i32 to index
        %parallel_loop3A_654 = tpu.vector_load %arg7[%parallel_loop3A_651, %parallel_loop3A_652, %parallel_loop3A_653] {strides = array<i32>} : memref<4x64x128xf32, #tpu.memory_space<vmem>>, vector<16xf32>,
        tpu.vector_store %arg7[%parallel_loop3A_651, %parallel_loop3A_652, %parallel_loop3A_653], %parallel_loop3A_648 {strides = array<i32>} : memref<4x64x128xf32, #tpu.memory_space<vmem>>, vector<16xf32>,
        %parallel_loop3A_655 = arith.constant 55000 : i32
        %parallel_loop3A_656 = tpu.memref_slice %arg5[%parallel_loop3A_655] : memref<64000xf32, #tpu.memory_space<vmem>> -> memref<1000xf32, #tpu.memory_space<vmem>>
        %parallel_loop3A_657 = tpu.vector_load_idx %parallel_loop3A_656[%parallel_loop3A_157] : memref<1000xf32, #tpu.memory_space<vmem>>[vector<16xi32>], vector<16xf32>,
        %parallel_loop3A_658 = arith.constant 2 : i32
        %parallel_loop3A_659 = arith.constant 55 : i32
        %parallel_loop3A_660 = arith.index_cast %parallel_loop3A_658 : i32 to index
        %parallel_loop3A_661 = arith.index_cast %parallel_loop3A_659 : i32 to index
        %parallel_loop3A_662 = arith.index_cast %parallel_loop3A_159 : i32 to index
        %parallel_loop3A_663 = tpu.vector_load %arg7[%parallel_loop3A_660, %parallel_loop3A_661, %parallel_loop3A_662] {strides = array<i32>} : memref<4x64x128xf32, #tpu.memory_space<vmem>>, vector<16xf32>,
        tpu.vector_store %arg7[%parallel_loop3A_660, %parallel_loop3A_661, %parallel_loop3A_662], %parallel_loop3A_657 {strides = array<i32>} : memref<4x64x128xf32, #tpu.memory_space<vmem>>, vector<16xf32>,
        %parallel_loop3A_664 = arith.constant 56000 : i32
        %parallel_loop3A_665 = tpu.memref_slice %arg5[%parallel_loop3A_664] : memref<64000xf32, #tpu.memory_space<vmem>> -> memref<1000xf32, #tpu.memory_space<vmem>>
        %parallel_loop3A_666 = tpu.vector_load_idx %parallel_loop3A_665[%parallel_loop3A_157] : memref<1000xf32, #tpu.memory_space<vmem>>[vector<16xi32>], vector<16xf32>,
        %parallel_loop3A_667 = arith.constant 2 : i32
        %parallel_loop3A_668 = arith.constant 56 : i32
        %parallel_loop3A_669 = arith.index_cast %parallel_loop3A_667 : i32 to index
        %parallel_loop3A_670 = arith.index_cast %parallel_loop3A_668 : i32 to index
        %parallel_loop3A_671 = arith.index_cast %parallel_loop3A_159 : i32 to index
        %parallel_loop3A_672 = tpu.vector_load %arg7[%parallel_loop3A_669, %parallel_loop3A_670, %parallel_loop3A_671] {strides = array<i32>} : memref<4x64x128xf32, #tpu.memory_space<vmem>>, vector<16xf32>,
        tpu.vector_store %arg7[%parallel_loop3A_669, %parallel_loop3A_670, %parallel_loop3A_671], %parallel_loop3A_666 {strides = array<i32>} : memref<4x64x128xf32, #tpu.memory_space<vmem>>, vector<16xf32>,
        %parallel_loop3A_673 = arith.constant 57000 : i32
        %parallel_loop3A_674 = tpu.memref_slice %arg5[%parallel_loop3A_673] : memref<64000xf32, #tpu.memory_space<vmem>> -> memref<1000xf32, #tpu.memory_space<vmem>>
        %parallel_loop3A_675 = tpu.vector_load_idx %parallel_loop3A_674[%parallel_loop3A_157] : memref<1000xf32, #tpu.memory_space<vmem>>[vector<16xi32>], vector<16xf32>,
        %parallel_loop3A_676 = arith.constant 2 : i32
        %parallel_loop3A_677 = arith.constant 57 : i32
        %parallel_loop3A_678 = arith.index_cast %parallel_loop3A_676 : i32 to index
        %parallel_loop3A_679 = arith.index_cast %parallel_loop3A_677 : i32 to index
        %parallel_loop3A_680 = arith.index_cast %parallel_loop3A_159 : i32 to index
        %parallel_loop3A_681 = tpu.vector_load %arg7[%parallel_loop3A_678, %parallel_loop3A_679, %parallel_loop3A_680] {strides = array<i32>} : memref<4x64x128xf32, #tpu.memory_space<vmem>>, vector<16xf32>,
        tpu.vector_store %arg7[%parallel_loop3A_678, %parallel_loop3A_679, %parallel_loop3A_680], %parallel_loop3A_675 {strides = array<i32>} : memref<4x64x128xf32, #tpu.memory_space<vmem>>, vector<16xf32>,
        %parallel_loop3A_682 = arith.constant 58000 : i32
        %parallel_loop3A_683 = tpu.memref_slice %arg5[%parallel_loop3A_682] : memref<64000xf32, #tpu.memory_space<vmem>> -> memref<1000xf32, #tpu.memory_space<vmem>>
        %parallel_loop3A_684 = tpu.vector_load_idx %parallel_loop3A_683[%parallel_loop3A_157] : memref<1000xf32, #tpu.memory_space<vmem>>[vector<16xi32>], vector<16xf32>,
        %parallel_loop3A_685 = arith.constant 2 : i32
        %parallel_loop3A_686 = arith.constant 58 : i32
        %parallel_loop3A_687 = arith.index_cast %parallel_loop3A_685 : i32 to index
        %parallel_loop3A_688 = arith.index_cast %parallel_loop3A_686 : i32 to index
        %parallel_loop3A_689 = arith.index_cast %parallel_loop3A_159 : i32 to index
        %parallel_loop3A_690 = tpu.vector_load %arg7[%parallel_loop3A_687, %parallel_loop3A_688, %parallel_loop3A_689] {strides = array<i32>} : memref<4x64x128xf32, #tpu.memory_space<vmem>>, vector<16xf32>,
        tpu.vector_store %arg7[%parallel_loop3A_687, %parallel_loop3A_688, %parallel_loop3A_689], %parallel_loop3A_684 {strides = array<i32>} : memref<4x64x128xf32, #tpu.memory_space<vmem>>, vector<16xf32>,
        %parallel_loop3A_691 = arith.constant 59000 : i32
        %parallel_loop3A_692 = tpu.memref_slice %arg5[%parallel_loop3A_691] : memref<64000xf32, #tpu.memory_space<vmem>> -> memref<1000xf32, #tpu.memory_space<vmem>>
        %parallel_loop3A_693 = tpu.vector_load_idx %parallel_loop3A_692[%parallel_loop3A_157] : memref<1000xf32, #tpu.memory_space<vmem>>[vector<16xi32>], vector<16xf32>,
        %parallel_loop3A_694 = arith.constant 2 : i32
        %parallel_loop3A_695 = arith.constant 59 : i32
        %parallel_loop3A_696 = arith.index_cast %parallel_loop3A_694 : i32 to index
        %parallel_loop3A_697 = arith.index_cast %parallel_loop3A_695 : i32 to index
        %parallel_loop3A_698 = arith.index_cast %parallel_loop3A_159 : i32 to index
        %parallel_loop3A_699 = tpu.vector_load %arg7[%parallel_loop3A_696, %parallel_loop3A_697, %parallel_loop3A_698] {strides = array<i32>} : memref<4x64x128xf32, #tpu.memory_space<vmem>>, vector<16xf32>,
        tpu.vector_store %arg7[%parallel_loop3A_696, %parallel_loop3A_697, %parallel_loop3A_698], %parallel_loop3A_693 {strides = array<i32>} : memref<4x64x128xf32, #tpu.memory_space<vmem>>, vector<16xf32>,
        %parallel_loop3A_700 = arith.constant 60000 : i32
        %parallel_loop3A_701 = tpu.memref_slice %arg5[%parallel_loop3A_700] : memref<64000xf32, #tpu.memory_space<vmem>> -> memref<1000xf32, #tpu.memory_space<vmem>>
        %parallel_loop3A_702 = tpu.vector_load_idx %parallel_loop3A_701[%parallel_loop3A_157] : memref<1000xf32, #tpu.memory_space<vmem>>[vector<16xi32>], vector<16xf32>,
        %parallel_loop3A_703 = arith.constant 2 : i32
        %parallel_loop3A_704 = arith.constant 60 : i32
        %parallel_loop3A_705 = arith.index_cast %parallel_loop3A_703 : i32 to index
        %parallel_loop3A_706 = arith.index_cast %parallel_loop3A_704 : i32 to index
        %parallel_loop3A_707 = arith.index_cast %parallel_loop3A_159 : i32 to index
        %parallel_loop3A_708 = tpu.vector_load %arg7[%parallel_loop3A_705, %parallel_loop3A_706, %parallel_loop3A_707] {strides = array<i32>} : memref<4x64x128xf32, #tpu.memory_space<vmem>>, vector<16xf32>,
        tpu.vector_store %arg7[%parallel_loop3A_705, %parallel_loop3A_706, %parallel_loop3A_707], %parallel_loop3A_702 {strides = array<i32>} : memref<4x64x128xf32, #tpu.memory_space<vmem>>, vector<16xf32>,
        %parallel_loop3A_709 = arith.constant 61000 : i32
        %parallel_loop3A_710 = tpu.memref_slice %arg5[%parallel_loop3A_709] : memref<64000xf32, #tpu.memory_space<vmem>> -> memref<1000xf32, #tpu.memory_space<vmem>>
        %parallel_loop3A_711 = tpu.vector_load_idx %parallel_loop3A_710[%parallel_loop3A_157] : memref<1000xf32, #tpu.memory_space<vmem>>[vector<16xi32>], vector<16xf32>,
        %parallel_loop3A_712 = arith.constant 2 : i32
        %parallel_loop3A_713 = arith.constant 61 : i32
        %parallel_loop3A_714 = arith.index_cast %parallel_loop3A_712 : i32 to index
        %parallel_loop3A_715 = arith.index_cast %parallel_loop3A_713 : i32 to index
        %parallel_loop3A_716 = arith.index_cast %parallel_loop3A_159 : i32 to index
        %parallel_loop3A_717 = tpu.vector_load %arg7[%parallel_loop3A_714, %parallel_loop3A_715, %parallel_loop3A_716] {strides = array<i32>} : memref<4x64x128xf32, #tpu.memory_space<vmem>>, vector<16xf32>,
        tpu.vector_store %arg7[%parallel_loop3A_714, %parallel_loop3A_715, %parallel_loop3A_716], %parallel_loop3A_711 {strides = array<i32>} : memref<4x64x128xf32, #tpu.memory_space<vmem>>, vector<16xf32>,
        %parallel_loop3A_718 = arith.constant 62000 : i32
        %parallel_loop3A_719 = tpu.memref_slice %arg5[%parallel_loop3A_718] : memref<64000xf32, #tpu.memory_space<vmem>> -> memref<1000xf32, #tpu.memory_space<vmem>>
        %parallel_loop3A_720 = tpu.vector_load_idx %parallel_loop3A_719[%parallel_loop3A_157] : memref<1000xf32, #tpu.memory_space<vmem>>[vector<16xi32>], vector<16xf32>,
        %parallel_loop3A_721 = arith.constant 2 : i32
        %parallel_loop3A_722 = arith.constant 62 : i32
        %parallel_loop3A_723 = arith.index_cast %parallel_loop3A_721 : i32 to index
        %parallel_loop3A_724 = arith.index_cast %parallel_loop3A_722 : i32 to index
        %parallel_loop3A_725 = arith.index_cast %parallel_loop3A_159 : i32 to index
        %parallel_loop3A_726 = tpu.vector_load %arg7[%parallel_loop3A_723, %parallel_loop3A_724, %parallel_loop3A_725] {strides = array<i32>} : memref<4x64x128xf32, #tpu.memory_space<vmem>>, vector<16xf32>,
        tpu.vector_store %arg7[%parallel_loop3A_723, %parallel_loop3A_724, %parallel_loop3A_725], %parallel_loop3A_720 {strides = array<i32>} : memref<4x64x128xf32, #tpu.memory_space<vmem>>, vector<16xf32>,
        %parallel_loop3A_727 = arith.constant 63000 : i32
        %parallel_loop3A_728 = tpu.memref_slice %arg5[%parallel_loop3A_727] : memref<64000xf32, #tpu.memory_space<vmem>> -> memref<1000xf32, #tpu.memory_space<vmem>>
        %parallel_loop3A_729 = tpu.vector_load_idx %parallel_loop3A_728[%parallel_loop3A_157] : memref<1000xf32, #tpu.memory_space<vmem>>[vector<16xi32>], vector<16xf32>,
        %parallel_loop3A_730 = arith.constant 2 : i32
        %parallel_loop3A_731 = arith.constant 63 : i32
        %parallel_loop3A_732 = arith.index_cast %parallel_loop3A_730 : i32 to index
        %parallel_loop3A_733 = arith.index_cast %parallel_loop3A_731 : i32 to index
        %parallel_loop3A_734 = arith.index_cast %parallel_loop3A_159 : i32 to index
        %parallel_loop3A_735 = tpu.vector_load %arg7[%parallel_loop3A_732, %parallel_loop3A_733, %parallel_loop3A_734] {strides = array<i32>} : memref<4x64x128xf32, #tpu.memory_space<vmem>>, vector<16xf32>,
        tpu.vector_store %arg7[%parallel_loop3A_732, %parallel_loop3A_733, %parallel_loop3A_734], %parallel_loop3A_729 {strides = array<i32>} : memref<4x64x128xf32, #tpu.memory_space<vmem>>, vector<16xf32>,
      } {sc.loop_unroll_factor = 4 : i64, sc.parallel_access}
      %mul3A_111 = arith.constant 64 : i32
      %mul3A_112 = arith.muli %scan3A_60, %mul3A_111 : i32
      %add3A_113 = arith.constant 256 : i32
      %add3A_114 = arith.addi %mul3A_2, %add3A_113 : i32
      %dma_start3A_115 = arith.constant 2 : i32
      %dma_start3A_116 = arith.constant 0 : i32
      %dma_start3A_117 = arith.constant 0 : i32
      %dma_start3A_118 = tpu.memref_slice %arg7[%dma_start3A_115, %dma_start3A_116, %dma_start3A_117] : memref<4x64x128xf32, #tpu.memory_space<vmem>> -> memref<1x64x128xf32, #tpu.memory_space<vmem>>
      %dma_start3A_119 = tpu.memref_squeeze %dma_start3A_118 : memref<1x64x128xf32, #tpu.memory_space<vmem>> -> memref<64x128xf32, #tpu.memory_space<vmem>>
      %dma_start3A_120 = tpu.memref_slice %arg4[%mul3A_112, %add3A_114] : memref<3200x16384xf32, #tpu.memory_space<hbm>> -> memref<64x128xf32, #tpu.memory_space<hbm>>
      %dma_start3A_121 = tpu.memref_slice %arg4[%mul3A_112, %add3A_114] : memref<3200x16384xf32, #tpu.memory_space<hbm>> -> memref<64x128xf32, #tpu.memory_space<hbm>>
      %dma_start3A_122 = arith.constant 0 : i32
      %dma_start3A_123 = arith.constant 0 : i32
      %dma_start3A_124 = tpu.memref_slice %arg7[%dma_start3A_115, %dma_start3A_122, %dma_start3A_123] : memref<4x64x128xf32, #tpu.memory_space<vmem>> -> memref<1x64x128xf32, #tpu.memory_space<vmem>>
      %dma_start3A_125 = tpu.memref_squeeze %dma_start3A_124 : memref<1x64x128xf32, #tpu.memory_space<vmem>> -> memref<64x128xf32, #tpu.memory_space<vmem>>
      tpu.enqueue_dma source(%dma_start3A_125 : memref<64x128xf32, #tpu.memory_space<vmem>>) target(%dma_start3A_121 : memref<64x128xf32, #tpu.memory_space<hbm>>) target_semaphore(%arg10 : memref<!tpu.dma_semaphore, #tpu.memory_space<semaphore_mem>>)
      %gt3A_126 = arith.constant 0 : i32
      %gt3A_127 = arith.cmpi sgt, %scan3A_60, %gt3A_126 : i32
      %convert_element_type3A_128 = arith.extui %gt3A_127 : i1 to i32
      %cond3A_129 = arith.constant 0 : i32
      %cond3A_130 = arith.cmpi ne, %convert_element_type3A_128, %cond3A_129 : i32
      scf.if %cond3A_130 {
        %dma_wait3A_150 = arith.constant 3 : i32
        %dma_wait3A_151 = arith.constant 0 : i32
        %dma_wait3A_152 = arith.constant 0 : i32
        %dma_wait3A_153 = tpu.memref_slice %arg7[%dma_wait3A_150, %dma_wait3A_151, %dma_wait3A_152] : memref<4x64x128xf32, #tpu.memory_space<vmem>> -> memref<1x64x128xf32, #tpu.memory_space<vmem>>
        %dma_wait3A_154 = tpu.memref_squeeze %dma_wait3A_153 : memref<1x64x128xf32, #tpu.memory_space<vmem>> -> memref<64x128xf32, #tpu.memory_space<vmem>>
        %dma_wait3A_155 = arith.constant 0 : i32
        %dma_wait3A_156 = tpu.memref_slice %arg4[%dma_wait3A_155, %mul3A_2] : memref<3200x16384xf32, #tpu.memory_space<hbm>> -> memref<64x128xf32, #tpu.memory_space<hbm>>
        %dma_wait3A_157 = arith.constant 0 : i32
        %dma_wait3A_158 = tpu.memref_slice %arg4[%dma_wait3A_157, %mul3A_2] : memref<3200x16384xf32, #tpu.memory_space<hbm>> -> memref<64x128xf32, #tpu.memory_space<hbm>>
        %dma_wait3A_159 = arith.constant 0 : i32
        %dma_wait3A_160 = arith.constant 0 : i32
        %dma_wait3A_161 = tpu.memref_slice %arg7[%dma_wait3A_150, %dma_wait3A_159, %dma_wait3A_160] : memref<4x64x128xf32, #tpu.memory_space<vmem>> -> memref<1x64x128xf32, #tpu.memory_space<vmem>>
        %dma_wait3A_162 = tpu.memref_squeeze %dma_wait3A_161 : memref<1x64x128xf32, #tpu.memory_space<vmem>> -> memref<64x128xf32, #tpu.memory_space<vmem>>
        tpu.wait_dma2 semaphore(%arg11 : memref<!tpu.dma_semaphore, #tpu.memory_space<semaphore_mem>>) src(%dma_wait3A_162 : memref<64x128xf32, #tpu.memory_space<vmem>>) dst(%dma_wait3A_158 : memref<64x128xf32, #tpu.memory_space<hbm>>)
      } else {
      }
      %parallel_loop3A_131 = arith.constant 0 : i32
      %parallel_loop3A_132 = arith.constant 8 : i32
      %parallel_loop3A_133 = arith.constant 1 : i32
      scf.for %parallel_loop3A_150 = %parallel_loop3A_131 to %parallel_loop3A_132 step %parallel_loop3A_133  : i32 {
        %parallel_loop3A_151 = arith.constant 16 : i32
        %parallel_loop3A_152 = arith.muli %parallel_loop3A_150, %parallel_loop3A_151 : i32
        %parallel_loop3A_153 = arith.constant 384 : i32
        %parallel_loop3A_154 = arith.addi %parallel_loop3A_153, %parallel_loop3A_152 : i32
        %parallel_loop3A_155 = arith.index_cast %scan3A_60 : i32 to index
        %parallel_loop3A_156 = arith.index_cast %parallel_loop3A_154 : i32 to index
        %parallel_loop3A_157 = tpu.vector_load %arg6[%parallel_loop3A_155, %parallel_loop3A_156] {strides = array<i32>} : memref<50x512xi32, #tpu.memory_space<vmem>>, vector<16xi32>,
        %parallel_loop3A_158 = arith.constant 16 : i32
        %parallel_loop3A_159 = arith.muli %parallel_loop3A_150, %parallel_loop3A_158 : i32
        %parallel_loop3A_160 = arith.constant 0 : i32
        %parallel_loop3A_161 = tpu.memref_slice %arg5[%parallel_loop3A_160] : memref<64000xf32, #tpu.memory_space<vmem>> -> memref<1000xf32, #tpu.memory_space<vmem>>
        %parallel_loop3A_162 = tpu.vector_load_idx %parallel_loop3A_161[%parallel_loop3A_157] : memref<1000xf32, #tpu.memory_space<vmem>>[vector<16xi32>], vector<16xf32>,
        %parallel_loop3A_163 = arith.constant 3 : i32
        %parallel_loop3A_164 = arith.constant 0 : i32
        %parallel_loop3A_165 = arith.index_cast %parallel_loop3A_163 : i32 to index
        %parallel_loop3A_166 = arith.index_cast %parallel_loop3A_164 : i32 to index
        %parallel_loop3A_167 = arith.index_cast %parallel_loop3A_159 : i32 to index
        %parallel_loop3A_168 = tpu.vector_load %arg7[%parallel_loop3A_165, %parallel_loop3A_166, %parallel_loop3A_167] {strides = array<i32>} : memref<4x64x128xf32, #tpu.memory_space<vmem>>, vector<16xf32>,
        tpu.vector_store %arg7[%parallel_loop3A_165, %parallel_loop3A_166, %parallel_loop3A_167], %parallel_loop3A_162 {strides = array<i32>} : memref<4x64x128xf32, #tpu.memory_space<vmem>>, vector<16xf32>,
        %parallel_loop3A_169 = arith.constant 1000 : i32
        %parallel_loop3A_170 = tpu.memref_slice %arg5[%parallel_loop3A_169] : memref<64000xf32, #tpu.memory_space<vmem>> -> memref<1000xf32, #tpu.memory_space<vmem>>
        %parallel_loop3A_171 = tpu.vector_load_idx %parallel_loop3A_170[%parallel_loop3A_157] : memref<1000xf32, #tpu.memory_space<vmem>>[vector<16xi32>], vector<16xf32>,
        %parallel_loop3A_172 = arith.constant 3 : i32
        %parallel_loop3A_173 = arith.constant 1 : i32
        %parallel_loop3A_174 = arith.index_cast %parallel_loop3A_172 : i32 to index
        %parallel_loop3A_175 = arith.index_cast %parallel_loop3A_173 : i32 to index
        %parallel_loop3A_176 = arith.index_cast %parallel_loop3A_159 : i32 to index
        %parallel_loop3A_177 = tpu.vector_load %arg7[%parallel_loop3A_174, %parallel_loop3A_175, %parallel_loop3A_176] {strides = array<i32>} : memref<4x64x128xf32, #tpu.memory_space<vmem>>, vector<16xf32>,
        tpu.vector_store %arg7[%parallel_loop3A_174, %parallel_loop3A_175, %parallel_loop3A_176], %parallel_loop3A_171 {strides = array<i32>} : memref<4x64x128xf32, #tpu.memory_space<vmem>>, vector<16xf32>,
        %parallel_loop3A_178 = arith.constant 2000 : i32
        %parallel_loop3A_179 = tpu.memref_slice %arg5[%parallel_loop3A_178] : memref<64000xf32, #tpu.memory_space<vmem>> -> memref<1000xf32, #tpu.memory_space<vmem>>
        %parallel_loop3A_180 = tpu.vector_load_idx %parallel_loop3A_179[%parallel_loop3A_157] : memref<1000xf32, #tpu.memory_space<vmem>>[vector<16xi32>], vector<16xf32>,
        %parallel_loop3A_181 = arith.constant 3 : i32
        %parallel_loop3A_182 = arith.constant 2 : i32
        %parallel_loop3A_183 = arith.index_cast %parallel_loop3A_181 : i32 to index
        %parallel_loop3A_184 = arith.index_cast %parallel_loop3A_182 : i32 to index
        %parallel_loop3A_185 = arith.index_cast %parallel_loop3A_159 : i32 to index
        %parallel_loop3A_186 = tpu.vector_load %arg7[%parallel_loop3A_183, %parallel_loop3A_184, %parallel_loop3A_185] {strides = array<i32>} : memref<4x64x128xf32, #tpu.memory_space<vmem>>, vector<16xf32>,
        tpu.vector_store %arg7[%parallel_loop3A_183, %parallel_loop3A_184, %parallel_loop3A_185], %parallel_loop3A_180 {strides = array<i32>} : memref<4x64x128xf32, #tpu.memory_space<vmem>>, vector<16xf32>,
        %parallel_loop3A_187 = arith.constant 3000 : i32
        %parallel_loop3A_188 = tpu.memref_slice %arg5[%parallel_loop3A_187] : memref<64000xf32, #tpu.memory_space<vmem>> -> memref<1000xf32, #tpu.memory_space<vmem>>
        %parallel_loop3A_189 = tpu.vector_load_idx %parallel_loop3A_188[%parallel_loop3A_157] : memref<1000xf32, #tpu.memory_space<vmem>>[vector<16xi32>], vector<16xf32>,
        %parallel_loop3A_190 = arith.constant 3 : i32
        %parallel_loop3A_191 = arith.constant 3 : i32
        %parallel_loop3A_192 = arith.index_cast %parallel_loop3A_190 : i32 to index
        %parallel_loop3A_193 = arith.index_cast %parallel_loop3A_191 : i32 to index
        %parallel_loop3A_194 = arith.index_cast %parallel_loop3A_159 : i32 to index
        %parallel_loop3A_195 = tpu.vector_load %arg7[%parallel_loop3A_192, %parallel_loop3A_193, %parallel_loop3A_194] {strides = array<i32>} : memref<4x64x128xf32, #tpu.memory_space<vmem>>, vector<16xf32>,
        tpu.vector_store %arg7[%parallel_loop3A_192, %parallel_loop3A_193, %parallel_loop3A_194], %parallel_loop3A_189 {strides = array<i32>} : memref<4x64x128xf32, #tpu.memory_space<vmem>>, vector<16xf32>,
        %parallel_loop3A_196 = arith.constant 4000 : i32
        %parallel_loop3A_197 = tpu.memref_slice %arg5[%parallel_loop3A_196] : memref<64000xf32, #tpu.memory_space<vmem>> -> memref<1000xf32, #tpu.memory_space<vmem>>
        %parallel_loop3A_198 = tpu.vector_load_idx %parallel_loop3A_197[%parallel_loop3A_157] : memref<1000xf32, #tpu.memory_space<vmem>>[vector<16xi32>], vector<16xf32>,
        %parallel_loop3A_199 = arith.constant 3 : i32
        %parallel_loop3A_200 = arith.constant 4 : i32
        %parallel_loop3A_201 = arith.index_cast %parallel_loop3A_199 : i32 to index
        %parallel_loop3A_202 = arith.index_cast %parallel_loop3A_200 : i32 to index
        %parallel_loop3A_203 = arith.index_cast %parallel_loop3A_159 : i32 to index
        %parallel_loop3A_204 = tpu.vector_load %arg7[%parallel_loop3A_201, %parallel_loop3A_202, %parallel_loop3A_203] {strides = array<i32>} : memref<4x64x128xf32, #tpu.memory_space<vmem>>, vector<16xf32>,
        tpu.vector_store %arg7[%parallel_loop3A_201, %parallel_loop3A_202, %parallel_loop3A_203], %parallel_loop3A_198 {strides = array<i32>} : memref<4x64x128xf32, #tpu.memory_space<vmem>>, vector<16xf32>,
        %parallel_loop3A_205 = arith.constant 5000 : i32
        %parallel_loop3A_206 = tpu.memref_slice %arg5[%parallel_loop3A_205] : memref<64000xf32, #tpu.memory_space<vmem>> -> memref<1000xf32, #tpu.memory_space<vmem>>
        %parallel_loop3A_207 = tpu.vector_load_idx %parallel_loop3A_206[%parallel_loop3A_157] : memref<1000xf32, #tpu.memory_space<vmem>>[vector<16xi32>], vector<16xf32>,
        %parallel_loop3A_208 = arith.constant 3 : i32
        %parallel_loop3A_209 = arith.constant 5 : i32
        %parallel_loop3A_210 = arith.index_cast %parallel_loop3A_208 : i32 to index
        %parallel_loop3A_211 = arith.index_cast %parallel_loop3A_209 : i32 to index
        %parallel_loop3A_212 = arith.index_cast %parallel_loop3A_159 : i32 to index
        %parallel_loop3A_213 = tpu.vector_load %arg7[%parallel_loop3A_210, %parallel_loop3A_211, %parallel_loop3A_212] {strides = array<i32>} : memref<4x64x128xf32, #tpu.memory_space<vmem>>, vector<16xf32>,
        tpu.vector_store %arg7[%parallel_loop3A_210, %parallel_loop3A_211, %parallel_loop3A_212], %parallel_loop3A_207 {strides = array<i32>} : memref<4x64x128xf32, #tpu.memory_space<vmem>>, vector<16xf32>,
        %parallel_loop3A_214 = arith.constant 6000 : i32
        %parallel_loop3A_215 = tpu.memref_slice %arg5[%parallel_loop3A_214] : memref<64000xf32, #tpu.memory_space<vmem>> -> memref<1000xf32, #tpu.memory_space<vmem>>
        %parallel_loop3A_216 = tpu.vector_load_idx %parallel_loop3A_215[%parallel_loop3A_157] : memref<1000xf32, #tpu.memory_space<vmem>>[vector<16xi32>], vector<16xf32>,
        %parallel_loop3A_217 = arith.constant 3 : i32
        %parallel_loop3A_218 = arith.constant 6 : i32
        %parallel_loop3A_219 = arith.index_cast %parallel_loop3A_217 : i32 to index
        %parallel_loop3A_220 = arith.index_cast %parallel_loop3A_218 : i32 to index
        %parallel_loop3A_221 = arith.index_cast %parallel_loop3A_159 : i32 to index
        %parallel_loop3A_222 = tpu.vector_load %arg7[%parallel_loop3A_219, %parallel_loop3A_220, %parallel_loop3A_221] {strides = array<i32>} : memref<4x64x128xf32, #tpu.memory_space<vmem>>, vector<16xf32>,
        tpu.vector_store %arg7[%parallel_loop3A_219, %parallel_loop3A_220, %parallel_loop3A_221], %parallel_loop3A_216 {strides = array<i32>} : memref<4x64x128xf32, #tpu.memory_space<vmem>>, vector<16xf32>,
        %parallel_loop3A_223 = arith.constant 7000 : i32
        %parallel_loop3A_224 = tpu.memref_slice %arg5[%parallel_loop3A_223] : memref<64000xf32, #tpu.memory_space<vmem>> -> memref<1000xf32, #tpu.memory_space<vmem>>
        %parallel_loop3A_225 = tpu.vector_load_idx %parallel_loop3A_224[%parallel_loop3A_157] : memref<1000xf32, #tpu.memory_space<vmem>>[vector<16xi32>], vector<16xf32>,
        %parallel_loop3A_226 = arith.constant 3 : i32
        %parallel_loop3A_227 = arith.constant 7 : i32
        %parallel_loop3A_228 = arith.index_cast %parallel_loop3A_226 : i32 to index
        %parallel_loop3A_229 = arith.index_cast %parallel_loop3A_227 : i32 to index
        %parallel_loop3A_230 = arith.index_cast %parallel_loop3A_159 : i32 to index
        %parallel_loop3A_231 = tpu.vector_load %arg7[%parallel_loop3A_228, %parallel_loop3A_229, %parallel_loop3A_230] {strides = array<i32>} : memref<4x64x128xf32, #tpu.memory_space<vmem>>, vector<16xf32>,
        tpu.vector_store %arg7[%parallel_loop3A_228, %parallel_loop3A_229, %parallel_loop3A_230], %parallel_loop3A_225 {strides = array<i32>} : memref<4x64x128xf32, #tpu.memory_space<vmem>>, vector<16xf32>,
        %parallel_loop3A_232 = arith.constant 8000 : i32
        %parallel_loop3A_233 = tpu.memref_slice %arg5[%parallel_loop3A_232] : memref<64000xf32, #tpu.memory_space<vmem>> -> memref<1000xf32, #tpu.memory_space<vmem>>
        %parallel_loop3A_234 = tpu.vector_load_idx %parallel_loop3A_233[%parallel_loop3A_157] : memref<1000xf32, #tpu.memory_space<vmem>>[vector<16xi32>], vector<16xf32>,
        %parallel_loop3A_235 = arith.constant 3 : i32
        %parallel_loop3A_236 = arith.constant 8 : i32
        %parallel_loop3A_237 = arith.index_cast %parallel_loop3A_235 : i32 to index
        %parallel_loop3A_238 = arith.index_cast %parallel_loop3A_236 : i32 to index
        %parallel_loop3A_239 = arith.index_cast %parallel_loop3A_159 : i32 to index
        %parallel_loop3A_240 = tpu.vector_load %arg7[%parallel_loop3A_237, %parallel_loop3A_238, %parallel_loop3A_239] {strides = array<i32>} : memref<4x64x128xf32, #tpu.memory_space<vmem>>, vector<16xf32>,
        tpu.vector_store %arg7[%parallel_loop3A_237, %parallel_loop3A_238, %parallel_loop3A_239], %parallel_loop3A_234 {strides = array<i32>} : memref<4x64x128xf32, #tpu.memory_space<vmem>>, vector<16xf32>,
        %parallel_loop3A_241 = arith.constant 9000 : i32
        %parallel_loop3A_242 = tpu.memref_slice %arg5[%parallel_loop3A_241] : memref<64000xf32, #tpu.memory_space<vmem>> -> memref<1000xf32, #tpu.memory_space<vmem>>
        %parallel_loop3A_243 = tpu.vector_load_idx %parallel_loop3A_242[%parallel_loop3A_157] : memref<1000xf32, #tpu.memory_space<vmem>>[vector<16xi32>], vector<16xf32>,
        %parallel_loop3A_244 = arith.constant 3 : i32
        %parallel_loop3A_245 = arith.constant 9 : i32
        %parallel_loop3A_246 = arith.index_cast %parallel_loop3A_244 : i32 to index
        %parallel_loop3A_247 = arith.index_cast %parallel_loop3A_245 : i32 to index
        %parallel_loop3A_248 = arith.index_cast %parallel_loop3A_159 : i32 to index
        %parallel_loop3A_249 = tpu.vector_load %arg7[%parallel_loop3A_246, %parallel_loop3A_247, %parallel_loop3A_248] {strides = array<i32>} : memref<4x64x128xf32, #tpu.memory_space<vmem>>, vector<16xf32>,
        tpu.vector_store %arg7[%parallel_loop3A_246, %parallel_loop3A_247, %parallel_loop3A_248], %parallel_loop3A_243 {strides = array<i32>} : memref<4x64x128xf32, #tpu.memory_space<vmem>>, vector<16xf32>,
        %parallel_loop3A_250 = arith.constant 10000 : i32
        %parallel_loop3A_251 = tpu.memref_slice %arg5[%parallel_loop3A_250] : memref<64000xf32, #tpu.memory_space<vmem>> -> memref<1000xf32, #tpu.memory_space<vmem>>
        %parallel_loop3A_252 = tpu.vector_load_idx %parallel_loop3A_251[%parallel_loop3A_157] : memref<1000xf32, #tpu.memory_space<vmem>>[vector<16xi32>], vector<16xf32>,
        %parallel_loop3A_253 = arith.constant 3 : i32
        %parallel_loop3A_254 = arith.constant 10 : i32
        %parallel_loop3A_255 = arith.index_cast %parallel_loop3A_253 : i32 to index
        %parallel_loop3A_256 = arith.index_cast %parallel_loop3A_254 : i32 to index
        %parallel_loop3A_257 = arith.index_cast %parallel_loop3A_159 : i32 to index
        %parallel_loop3A_258 = tpu.vector_load %arg7[%parallel_loop3A_255, %parallel_loop3A_256, %parallel_loop3A_257] {strides = array<i32>} : memref<4x64x128xf32, #tpu.memory_space<vmem>>, vector<16xf32>,
        tpu.vector_store %arg7[%parallel_loop3A_255, %parallel_loop3A_256, %parallel_loop3A_257], %parallel_loop3A_252 {strides = array<i32>} : memref<4x64x128xf32, #tpu.memory_space<vmem>>, vector<16xf32>,
        %parallel_loop3A_259 = arith.constant 11000 : i32
        %parallel_loop3A_260 = tpu.memref_slice %arg5[%parallel_loop3A_259] : memref<64000xf32, #tpu.memory_space<vmem>> -> memref<1000xf32, #tpu.memory_space<vmem>>
        %parallel_loop3A_261 = tpu.vector_load_idx %parallel_loop3A_260[%parallel_loop3A_157] : memref<1000xf32, #tpu.memory_space<vmem>>[vector<16xi32>], vector<16xf32>,
        %parallel_loop3A_262 = arith.constant 3 : i32
        %parallel_loop3A_263 = arith.constant 11 : i32
        %parallel_loop3A_264 = arith.index_cast %parallel_loop3A_262 : i32 to index
        %parallel_loop3A_265 = arith.index_cast %parallel_loop3A_263 : i32 to index
        %parallel_loop3A_266 = arith.index_cast %parallel_loop3A_159 : i32 to index
        %parallel_loop3A_267 = tpu.vector_load %arg7[%parallel_loop3A_264, %parallel_loop3A_265, %parallel_loop3A_266] {strides = array<i32>} : memref<4x64x128xf32, #tpu.memory_space<vmem>>, vector<16xf32>,
        tpu.vector_store %arg7[%parallel_loop3A_264, %parallel_loop3A_265, %parallel_loop3A_266], %parallel_loop3A_261 {strides = array<i32>} : memref<4x64x128xf32, #tpu.memory_space<vmem>>, vector<16xf32>,
        %parallel_loop3A_268 = arith.constant 12000 : i32
        %parallel_loop3A_269 = tpu.memref_slice %arg5[%parallel_loop3A_268] : memref<64000xf32, #tpu.memory_space<vmem>> -> memref<1000xf32, #tpu.memory_space<vmem>>
        %parallel_loop3A_270 = tpu.vector_load_idx %parallel_loop3A_269[%parallel_loop3A_157] : memref<1000xf32, #tpu.memory_space<vmem>>[vector<16xi32>], vector<16xf32>,
        %parallel_loop3A_271 = arith.constant 3 : i32
        %parallel_loop3A_272 = arith.constant 12 : i32
        %parallel_loop3A_273 = arith.index_cast %parallel_loop3A_271 : i32 to index
        %parallel_loop3A_274 = arith.index_cast %parallel_loop3A_272 : i32 to index
        %parallel_loop3A_275 = arith.index_cast %parallel_loop3A_159 : i32 to index
        %parallel_loop3A_276 = tpu.vector_load %arg7[%parallel_loop3A_273, %parallel_loop3A_274, %parallel_loop3A_275] {strides = array<i32>} : memref<4x64x128xf32, #tpu.memory_space<vmem>>, vector<16xf32>,
        tpu.vector_store %arg7[%parallel_loop3A_273, %parallel_loop3A_274, %parallel_loop3A_275], %parallel_loop3A_270 {strides = array<i32>} : memref<4x64x128xf32, #tpu.memory_space<vmem>>, vector<16xf32>,
        %parallel_loop3A_277 = arith.constant 13000 : i32
        %parallel_loop3A_278 = tpu.memref_slice %arg5[%parallel_loop3A_277] : memref<64000xf32, #tpu.memory_space<vmem>> -> memref<1000xf32, #tpu.memory_space<vmem>>
        %parallel_loop3A_279 = tpu.vector_load_idx %parallel_loop3A_278[%parallel_loop3A_157] : memref<1000xf32, #tpu.memory_space<vmem>>[vector<16xi32>], vector<16xf32>,
        %parallel_loop3A_280 = arith.constant 3 : i32
        %parallel_loop3A_281 = arith.constant 13 : i32
        %parallel_loop3A_282 = arith.index_cast %parallel_loop3A_280 : i32 to index
        %parallel_loop3A_283 = arith.index_cast %parallel_loop3A_281 : i32 to index
        %parallel_loop3A_284 = arith.index_cast %parallel_loop3A_159 : i32 to index
        %parallel_loop3A_285 = tpu.vector_load %arg7[%parallel_loop3A_282, %parallel_loop3A_283, %parallel_loop3A_284] {strides = array<i32>} : memref<4x64x128xf32, #tpu.memory_space<vmem>>, vector<16xf32>,
        tpu.vector_store %arg7[%parallel_loop3A_282, %parallel_loop3A_283, %parallel_loop3A_284], %parallel_loop3A_279 {strides = array<i32>} : memref<4x64x128xf32, #tpu.memory_space<vmem>>, vector<16xf32>,
        %parallel_loop3A_286 = arith.constant 14000 : i32
        %parallel_loop3A_287 = tpu.memref_slice %arg5[%parallel_loop3A_286] : memref<64000xf32, #tpu.memory_space<vmem>> -> memref<1000xf32, #tpu.memory_space<vmem>>
        %parallel_loop3A_288 = tpu.vector_load_idx %parallel_loop3A_287[%parallel_loop3A_157] : memref<1000xf32, #tpu.memory_space<vmem>>[vector<16xi32>], vector<16xf32>,
        %parallel_loop3A_289 = arith.constant 3 : i32
        %parallel_loop3A_290 = arith.constant 14 : i32
        %parallel_loop3A_291 = arith.index_cast %parallel_loop3A_289 : i32 to index
        %parallel_loop3A_292 = arith.index_cast %parallel_loop3A_290 : i32 to index
        %parallel_loop3A_293 = arith.index_cast %parallel_loop3A_159 : i32 to index
        %parallel_loop3A_294 = tpu.vector_load %arg7[%parallel_loop3A_291, %parallel_loop3A_292, %parallel_loop3A_293] {strides = array<i32>} : memref<4x64x128xf32, #tpu.memory_space<vmem>>, vector<16xf32>,
        tpu.vector_store %arg7[%parallel_loop3A_291, %parallel_loop3A_292, %parallel_loop3A_293], %parallel_loop3A_288 {strides = array<i32>} : memref<4x64x128xf32, #tpu.memory_space<vmem>>, vector<16xf32>,
        %parallel_loop3A_295 = arith.constant 15000 : i32
        %parallel_loop3A_296 = tpu.memref_slice %arg5[%parallel_loop3A_295] : memref<64000xf32, #tpu.memory_space<vmem>> -> memref<1000xf32, #tpu.memory_space<vmem>>
        %parallel_loop3A_297 = tpu.vector_load_idx %parallel_loop3A_296[%parallel_loop3A_157] : memref<1000xf32, #tpu.memory_space<vmem>>[vector<16xi32>], vector<16xf32>,
        %parallel_loop3A_298 = arith.constant 3 : i32
        %parallel_loop3A_299 = arith.constant 15 : i32
        %parallel_loop3A_300 = arith.index_cast %parallel_loop3A_298 : i32 to index
        %parallel_loop3A_301 = arith.index_cast %parallel_loop3A_299 : i32 to index
        %parallel_loop3A_302 = arith.index_cast %parallel_loop3A_159 : i32 to index
        %parallel_loop3A_303 = tpu.vector_load %arg7[%parallel_loop3A_300, %parallel_loop3A_301, %parallel_loop3A_302] {strides = array<i32>} : memref<4x64x128xf32, #tpu.memory_space<vmem>>, vector<16xf32>,
        tpu.vector_store %arg7[%parallel_loop3A_300, %parallel_loop3A_301, %parallel_loop3A_302], %parallel_loop3A_297 {strides = array<i32>} : memref<4x64x128xf32, #tpu.memory_space<vmem>>, vector<16xf32>,
        %parallel_loop3A_304 = arith.constant 16000 : i32
        %parallel_loop3A_305 = tpu.memref_slice %arg5[%parallel_loop3A_304] : memref<64000xf32, #tpu.memory_space<vmem>> -> memref<1000xf32, #tpu.memory_space<vmem>>
        %parallel_loop3A_306 = tpu.vector_load_idx %parallel_loop3A_305[%parallel_loop3A_157] : memref<1000xf32, #tpu.memory_space<vmem>>[vector<16xi32>], vector<16xf32>,
        %parallel_loop3A_307 = arith.constant 3 : i32
        %parallel_loop3A_308 = arith.constant 16 : i32
        %parallel_loop3A_309 = arith.index_cast %parallel_loop3A_307 : i32 to index
        %parallel_loop3A_310 = arith.index_cast %parallel_loop3A_308 : i32 to index
        %parallel_loop3A_311 = arith.index_cast %parallel_loop3A_159 : i32 to index
        %parallel_loop3A_312 = tpu.vector_load %arg7[%parallel_loop3A_309, %parallel_loop3A_310, %parallel_loop3A_311] {strides = array<i32>} : memref<4x64x128xf32, #tpu.memory_space<vmem>>, vector<16xf32>,
        tpu.vector_store %arg7[%parallel_loop3A_309, %parallel_loop3A_310, %parallel_loop3A_311], %parallel_loop3A_306 {strides = array<i32>} : memref<4x64x128xf32, #tpu.memory_space<vmem>>, vector<16xf32>,
        %parallel_loop3A_313 = arith.constant 17000 : i32
        %parallel_loop3A_314 = tpu.memref_slice %arg5[%parallel_loop3A_313] : memref<64000xf32, #tpu.memory_space<vmem>> -> memref<1000xf32, #tpu.memory_space<vmem>>
        %parallel_loop3A_315 = tpu.vector_load_idx %parallel_loop3A_314[%parallel_loop3A_157] : memref<1000xf32, #tpu.memory_space<vmem>>[vector<16xi32>], vector<16xf32>,
        %parallel_loop3A_316 = arith.constant 3 : i32
        %parallel_loop3A_317 = arith.constant 17 : i32
        %parallel_loop3A_318 = arith.index_cast %parallel_loop3A_316 : i32 to index
        %parallel_loop3A_319 = arith.index_cast %parallel_loop3A_317 : i32 to index
        %parallel_loop3A_320 = arith.index_cast %parallel_loop3A_159 : i32 to index
        %parallel_loop3A_321 = tpu.vector_load %arg7[%parallel_loop3A_318, %parallel_loop3A_319, %parallel_loop3A_320] {strides = array<i32>} : memref<4x64x128xf32, #tpu.memory_space<vmem>>, vector<16xf32>,
        tpu.vector_store %arg7[%parallel_loop3A_318, %parallel_loop3A_319, %parallel_loop3A_320], %parallel_loop3A_315 {strides = array<i32>} : memref<4x64x128xf32, #tpu.memory_space<vmem>>, vector<16xf32>,
        %parallel_loop3A_322 = arith.constant 18000 : i32
        %parallel_loop3A_323 = tpu.memref_slice %arg5[%parallel_loop3A_322] : memref<64000xf32, #tpu.memory_space<vmem>> -> memref<1000xf32, #tpu.memory_space<vmem>>
        %parallel_loop3A_324 = tpu.vector_load_idx %parallel_loop3A_323[%parallel_loop3A_157] : memref<1000xf32, #tpu.memory_space<vmem>>[vector<16xi32>], vector<16xf32>,
        %parallel_loop3A_325 = arith.constant 3 : i32
        %parallel_loop3A_326 = arith.constant 18 : i32
        %parallel_loop3A_327 = arith.index_cast %parallel_loop3A_325 : i32 to index
        %parallel_loop3A_328 = arith.index_cast %parallel_loop3A_326 : i32 to index
        %parallel_loop3A_329 = arith.index_cast %parallel_loop3A_159 : i32 to index
        %parallel_loop3A_330 = tpu.vector_load %arg7[%parallel_loop3A_327, %parallel_loop3A_328, %parallel_loop3A_329] {strides = array<i32>} : memref<4x64x128xf32, #tpu.memory_space<vmem>>, vector<16xf32>,
        tpu.vector_store %arg7[%parallel_loop3A_327, %parallel_loop3A_328, %parallel_loop3A_329], %parallel_loop3A_324 {strides = array<i32>} : memref<4x64x128xf32, #tpu.memory_space<vmem>>, vector<16xf32>,
        %parallel_loop3A_331 = arith.constant 19000 : i32
        %parallel_loop3A_332 = tpu.memref_slice %arg5[%parallel_loop3A_331] : memref<64000xf32, #tpu.memory_space<vmem>> -> memref<1000xf32, #tpu.memory_space<vmem>>
        %parallel_loop3A_333 = tpu.vector_load_idx %parallel_loop3A_332[%parallel_loop3A_157] : memref<1000xf32, #tpu.memory_space<vmem>>[vector<16xi32>], vector<16xf32>,
        %parallel_loop3A_334 = arith.constant 3 : i32
        %parallel_loop3A_335 = arith.constant 19 : i32
        %parallel_loop3A_336 = arith.index_cast %parallel_loop3A_334 : i32 to index
        %parallel_loop3A_337 = arith.index_cast %parallel_loop3A_335 : i32 to index
        %parallel_loop3A_338 = arith.index_cast %parallel_loop3A_159 : i32 to index
        %parallel_loop3A_339 = tpu.vector_load %arg7[%parallel_loop3A_336, %parallel_loop3A_337, %parallel_loop3A_338] {strides = array<i32>} : memref<4x64x128xf32, #tpu.memory_space<vmem>>, vector<16xf32>,
        tpu.vector_store %arg7[%parallel_loop3A_336, %parallel_loop3A_337, %parallel_loop3A_338], %parallel_loop3A_333 {strides = array<i32>} : memref<4x64x128xf32, #tpu.memory_space<vmem>>, vector<16xf32>,
        %parallel_loop3A_340 = arith.constant 20000 : i32
        %parallel_loop3A_341 = tpu.memref_slice %arg5[%parallel_loop3A_340] : memref<64000xf32, #tpu.memory_space<vmem>> -> memref<1000xf32, #tpu.memory_space<vmem>>
        %parallel_loop3A_342 = tpu.vector_load_idx %parallel_loop3A_341[%parallel_loop3A_157] : memref<1000xf32, #tpu.memory_space<vmem>>[vector<16xi32>], vector<16xf32>,
        %parallel_loop3A_343 = arith.constant 3 : i32
        %parallel_loop3A_344 = arith.constant 20 : i32
        %parallel_loop3A_345 = arith.index_cast %parallel_loop3A_343 : i32 to index
        %parallel_loop3A_346 = arith.index_cast %parallel_loop3A_344 : i32 to index
        %parallel_loop3A_347 = arith.index_cast %parallel_loop3A_159 : i32 to index
        %parallel_loop3A_348 = tpu.vector_load %arg7[%parallel_loop3A_345, %parallel_loop3A_346, %parallel_loop3A_347] {strides = array<i32>} : memref<4x64x128xf32, #tpu.memory_space<vmem>>, vector<16xf32>,
        tpu.vector_store %arg7[%parallel_loop3A_345, %parallel_loop3A_346, %parallel_loop3A_347], %parallel_loop3A_342 {strides = array<i32>} : memref<4x64x128xf32, #tpu.memory_space<vmem>>, vector<16xf32>,
        %parallel_loop3A_349 = arith.constant 21000 : i32
        %parallel_loop3A_350 = tpu.memref_slice %arg5[%parallel_loop3A_349] : memref<64000xf32, #tpu.memory_space<vmem>> -> memref<1000xf32, #tpu.memory_space<vmem>>
        %parallel_loop3A_351 = tpu.vector_load_idx %parallel_loop3A_350[%parallel_loop3A_157] : memref<1000xf32, #tpu.memory_space<vmem>>[vector<16xi32>], vector<16xf32>,
        %parallel_loop3A_352 = arith.constant 3 : i32
        %parallel_loop3A_353 = arith.constant 21 : i32
        %parallel_loop3A_354 = arith.index_cast %parallel_loop3A_352 : i32 to index
        %parallel_loop3A_355 = arith.index_cast %parallel_loop3A_353 : i32 to index
        %parallel_loop3A_356 = arith.index_cast %parallel_loop3A_159 : i32 to index
        %parallel_loop3A_357 = tpu.vector_load %arg7[%parallel_loop3A_354, %parallel_loop3A_355, %parallel_loop3A_356] {strides = array<i32>} : memref<4x64x128xf32, #tpu.memory_space<vmem>>, vector<16xf32>,
        tpu.vector_store %arg7[%parallel_loop3A_354, %parallel_loop3A_355, %parallel_loop3A_356], %parallel_loop3A_351 {strides = array<i32>} : memref<4x64x128xf32, #tpu.memory_space<vmem>>, vector<16xf32>,
        %parallel_loop3A_358 = arith.constant 22000 : i32
        %parallel_loop3A_359 = tpu.memref_slice %arg5[%parallel_loop3A_358] : memref<64000xf32, #tpu.memory_space<vmem>> -> memref<1000xf32, #tpu.memory_space<vmem>>
        %parallel_loop3A_360 = tpu.vector_load_idx %parallel_loop3A_359[%parallel_loop3A_157] : memref<1000xf32, #tpu.memory_space<vmem>>[vector<16xi32>], vector<16xf32>,
        %parallel_loop3A_361 = arith.constant 3 : i32
        %parallel_loop3A_362 = arith.constant 22 : i32
        %parallel_loop3A_363 = arith.index_cast %parallel_loop3A_361 : i32 to index
        %parallel_loop3A_364 = arith.index_cast %parallel_loop3A_362 : i32 to index
        %parallel_loop3A_365 = arith.index_cast %parallel_loop3A_159 : i32 to index
        %parallel_loop3A_366 = tpu.vector_load %arg7[%parallel_loop3A_363, %parallel_loop3A_364, %parallel_loop3A_365] {strides = array<i32>} : memref<4x64x128xf32, #tpu.memory_space<vmem>>, vector<16xf32>,
        tpu.vector_store %arg7[%parallel_loop3A_363, %parallel_loop3A_364, %parallel_loop3A_365], %parallel_loop3A_360 {strides = array<i32>} : memref<4x64x128xf32, #tpu.memory_space<vmem>>, vector<16xf32>,
        %parallel_loop3A_367 = arith.constant 23000 : i32
        %parallel_loop3A_368 = tpu.memref_slice %arg5[%parallel_loop3A_367] : memref<64000xf32, #tpu.memory_space<vmem>> -> memref<1000xf32, #tpu.memory_space<vmem>>
        %parallel_loop3A_369 = tpu.vector_load_idx %parallel_loop3A_368[%parallel_loop3A_157] : memref<1000xf32, #tpu.memory_space<vmem>>[vector<16xi32>], vector<16xf32>,
        %parallel_loop3A_370 = arith.constant 3 : i32
        %parallel_loop3A_371 = arith.constant 23 : i32
        %parallel_loop3A_372 = arith.index_cast %parallel_loop3A_370 : i32 to index
        %parallel_loop3A_373 = arith.index_cast %parallel_loop3A_371 : i32 to index
        %parallel_loop3A_374 = arith.index_cast %parallel_loop3A_159 : i32 to index
        %parallel_loop3A_375 = tpu.vector_load %arg7[%parallel_loop3A_372, %parallel_loop3A_373, %parallel_loop3A_374] {strides = array<i32>} : memref<4x64x128xf32, #tpu.memory_space<vmem>>, vector<16xf32>,
        tpu.vector_store %arg7[%parallel_loop3A_372, %parallel_loop3A_373, %parallel_loop3A_374], %parallel_loop3A_369 {strides = array<i32>} : memref<4x64x128xf32, #tpu.memory_space<vmem>>, vector<16xf32>,
        %parallel_loop3A_376 = arith.constant 24000 : i32
        %parallel_loop3A_377 = tpu.memref_slice %arg5[%parallel_loop3A_376] : memref<64000xf32, #tpu.memory_space<vmem>> -> memref<1000xf32, #tpu.memory_space<vmem>>
        %parallel_loop3A_378 = tpu.vector_load_idx %parallel_loop3A_377[%parallel_loop3A_157] : memref<1000xf32, #tpu.memory_space<vmem>>[vector<16xi32>], vector<16xf32>,
        %parallel_loop3A_379 = arith.constant 3 : i32
        %parallel_loop3A_380 = arith.constant 24 : i32
        %parallel_loop3A_381 = arith.index_cast %parallel_loop3A_379 : i32 to index
        %parallel_loop3A_382 = arith.index_cast %parallel_loop3A_380 : i32 to index
        %parallel_loop3A_383 = arith.index_cast %parallel_loop3A_159 : i32 to index
        %parallel_loop3A_384 = tpu.vector_load %arg7[%parallel_loop3A_381, %parallel_loop3A_382, %parallel_loop3A_383] {strides = array<i32>} : memref<4x64x128xf32, #tpu.memory_space<vmem>>, vector<16xf32>,
        tpu.vector_store %arg7[%parallel_loop3A_381, %parallel_loop3A_382, %parallel_loop3A_383], %parallel_loop3A_378 {strides = array<i32>} : memref<4x64x128xf32, #tpu.memory_space<vmem>>, vector<16xf32>,
        %parallel_loop3A_385 = arith.constant 25000 : i32
        %parallel_loop3A_386 = tpu.memref_slice %arg5[%parallel_loop3A_385] : memref<64000xf32, #tpu.memory_space<vmem>> -> memref<1000xf32, #tpu.memory_space<vmem>>
        %parallel_loop3A_387 = tpu.vector_load_idx %parallel_loop3A_386[%parallel_loop3A_157] : memref<1000xf32, #tpu.memory_space<vmem>>[vector<16xi32>], vector<16xf32>,
        %parallel_loop3A_388 = arith.constant 3 : i32
        %parallel_loop3A_389 = arith.constant 25 : i32
        %parallel_loop3A_390 = arith.index_cast %parallel_loop3A_388 : i32 to index
        %parallel_loop3A_391 = arith.index_cast %parallel_loop3A_389 : i32 to index
        %parallel_loop3A_392 = arith.index_cast %parallel_loop3A_159 : i32 to index
        %parallel_loop3A_393 = tpu.vector_load %arg7[%parallel_loop3A_390, %parallel_loop3A_391, %parallel_loop3A_392] {strides = array<i32>} : memref<4x64x128xf32, #tpu.memory_space<vmem>>, vector<16xf32>,
        tpu.vector_store %arg7[%parallel_loop3A_390, %parallel_loop3A_391, %parallel_loop3A_392], %parallel_loop3A_387 {strides = array<i32>} : memref<4x64x128xf32, #tpu.memory_space<vmem>>, vector<16xf32>,
        %parallel_loop3A_394 = arith.constant 26000 : i32
        %parallel_loop3A_395 = tpu.memref_slice %arg5[%parallel_loop3A_394] : memref<64000xf32, #tpu.memory_space<vmem>> -> memref<1000xf32, #tpu.memory_space<vmem>>
        %parallel_loop3A_396 = tpu.vector_load_idx %parallel_loop3A_395[%parallel_loop3A_157] : memref<1000xf32, #tpu.memory_space<vmem>>[vector<16xi32>], vector<16xf32>,
        %parallel_loop3A_397 = arith.constant 3 : i32
        %parallel_loop3A_398 = arith.constant 26 : i32
        %parallel_loop3A_399 = arith.index_cast %parallel_loop3A_397 : i32 to index
        %parallel_loop3A_400 = arith.index_cast %parallel_loop3A_398 : i32 to index
        %parallel_loop3A_401 = arith.index_cast %parallel_loop3A_159 : i32 to index
        %parallel_loop3A_402 = tpu.vector_load %arg7[%parallel_loop3A_399, %parallel_loop3A_400, %parallel_loop3A_401] {strides = array<i32>} : memref<4x64x128xf32, #tpu.memory_space<vmem>>, vector<16xf32>,
        tpu.vector_store %arg7[%parallel_loop3A_399, %parallel_loop3A_400, %parallel_loop3A_401], %parallel_loop3A_396 {strides = array<i32>} : memref<4x64x128xf32, #tpu.memory_space<vmem>>, vector<16xf32>,
        %parallel_loop3A_403 = arith.constant 27000 : i32
        %parallel_loop3A_404 = tpu.memref_slice %arg5[%parallel_loop3A_403] : memref<64000xf32, #tpu.memory_space<vmem>> -> memref<1000xf32, #tpu.memory_space<vmem>>
        %parallel_loop3A_405 = tpu.vector_load_idx %parallel_loop3A_404[%parallel_loop3A_157] : memref<1000xf32, #tpu.memory_space<vmem>>[vector<16xi32>], vector<16xf32>,
        %parallel_loop3A_406 = arith.constant 3 : i32
        %parallel_loop3A_407 = arith.constant 27 : i32
        %parallel_loop3A_408 = arith.index_cast %parallel_loop3A_406 : i32 to index
        %parallel_loop3A_409 = arith.index_cast %parallel_loop3A_407 : i32 to index
        %parallel_loop3A_410 = arith.index_cast %parallel_loop3A_159 : i32 to index
        %parallel_loop3A_411 = tpu.vector_load %arg7[%parallel_loop3A_408, %parallel_loop3A_409, %parallel_loop3A_410] {strides = array<i32>} : memref<4x64x128xf32, #tpu.memory_space<vmem>>, vector<16xf32>,
        tpu.vector_store %arg7[%parallel_loop3A_408, %parallel_loop3A_409, %parallel_loop3A_410], %parallel_loop3A_405 {strides = array<i32>} : memref<4x64x128xf32, #tpu.memory_space<vmem>>, vector<16xf32>,
        %parallel_loop3A_412 = arith.constant 28000 : i32
        %parallel_loop3A_413 = tpu.memref_slice %arg5[%parallel_loop3A_412] : memref<64000xf32, #tpu.memory_space<vmem>> -> memref<1000xf32, #tpu.memory_space<vmem>>
        %parallel_loop3A_414 = tpu.vector_load_idx %parallel_loop3A_413[%parallel_loop3A_157] : memref<1000xf32, #tpu.memory_space<vmem>>[vector<16xi32>], vector<16xf32>,
        %parallel_loop3A_415 = arith.constant 3 : i32
        %parallel_loop3A_416 = arith.constant 28 : i32
        %parallel_loop3A_417 = arith.index_cast %parallel_loop3A_415 : i32 to index
        %parallel_loop3A_418 = arith.index_cast %parallel_loop3A_416 : i32 to index
        %parallel_loop3A_419 = arith.index_cast %parallel_loop3A_159 : i32 to index
        %parallel_loop3A_420 = tpu.vector_load %arg7[%parallel_loop3A_417, %parallel_loop3A_418, %parallel_loop3A_419] {strides = array<i32>} : memref<4x64x128xf32, #tpu.memory_space<vmem>>, vector<16xf32>,
        tpu.vector_store %arg7[%parallel_loop3A_417, %parallel_loop3A_418, %parallel_loop3A_419], %parallel_loop3A_414 {strides = array<i32>} : memref<4x64x128xf32, #tpu.memory_space<vmem>>, vector<16xf32>,
        %parallel_loop3A_421 = arith.constant 29000 : i32
        %parallel_loop3A_422 = tpu.memref_slice %arg5[%parallel_loop3A_421] : memref<64000xf32, #tpu.memory_space<vmem>> -> memref<1000xf32, #tpu.memory_space<vmem>>
        %parallel_loop3A_423 = tpu.vector_load_idx %parallel_loop3A_422[%parallel_loop3A_157] : memref<1000xf32, #tpu.memory_space<vmem>>[vector<16xi32>], vector<16xf32>,
        %parallel_loop3A_424 = arith.constant 3 : i32
        %parallel_loop3A_425 = arith.constant 29 : i32
        %parallel_loop3A_426 = arith.index_cast %parallel_loop3A_424 : i32 to index
        %parallel_loop3A_427 = arith.index_cast %parallel_loop3A_425 : i32 to index
        %parallel_loop3A_428 = arith.index_cast %parallel_loop3A_159 : i32 to index
        %parallel_loop3A_429 = tpu.vector_load %arg7[%parallel_loop3A_426, %parallel_loop3A_427, %parallel_loop3A_428] {strides = array<i32>} : memref<4x64x128xf32, #tpu.memory_space<vmem>>, vector<16xf32>,
        tpu.vector_store %arg7[%parallel_loop3A_426, %parallel_loop3A_427, %parallel_loop3A_428], %parallel_loop3A_423 {strides = array<i32>} : memref<4x64x128xf32, #tpu.memory_space<vmem>>, vector<16xf32>,
        %parallel_loop3A_430 = arith.constant 30000 : i32
        %parallel_loop3A_431 = tpu.memref_slice %arg5[%parallel_loop3A_430] : memref<64000xf32, #tpu.memory_space<vmem>> -> memref<1000xf32, #tpu.memory_space<vmem>>
        %parallel_loop3A_432 = tpu.vector_load_idx %parallel_loop3A_431[%parallel_loop3A_157] : memref<1000xf32, #tpu.memory_space<vmem>>[vector<16xi32>], vector<16xf32>,
        %parallel_loop3A_433 = arith.constant 3 : i32
        %parallel_loop3A_434 = arith.constant 30 : i32
        %parallel_loop3A_435 = arith.index_cast %parallel_loop3A_433 : i32 to index
        %parallel_loop3A_436 = arith.index_cast %parallel_loop3A_434 : i32 to index
        %parallel_loop3A_437 = arith.index_cast %parallel_loop3A_159 : i32 to index
        %parallel_loop3A_438 = tpu.vector_load %arg7[%parallel_loop3A_435, %parallel_loop3A_436, %parallel_loop3A_437] {strides = array<i32>} : memref<4x64x128xf32, #tpu.memory_space<vmem>>, vector<16xf32>,
        tpu.vector_store %arg7[%parallel_loop3A_435, %parallel_loop3A_436, %parallel_loop3A_437], %parallel_loop3A_432 {strides = array<i32>} : memref<4x64x128xf32, #tpu.memory_space<vmem>>, vector<16xf32>,
        %parallel_loop3A_439 = arith.constant 31000 : i32
        %parallel_loop3A_440 = tpu.memref_slice %arg5[%parallel_loop3A_439] : memref<64000xf32, #tpu.memory_space<vmem>> -> memref<1000xf32, #tpu.memory_space<vmem>>
        %parallel_loop3A_441 = tpu.vector_load_idx %parallel_loop3A_440[%parallel_loop3A_157] : memref<1000xf32, #tpu.memory_space<vmem>>[vector<16xi32>], vector<16xf32>,
        %parallel_loop3A_442 = arith.constant 3 : i32
        %parallel_loop3A_443 = arith.constant 31 : i32
        %parallel_loop3A_444 = arith.index_cast %parallel_loop3A_442 : i32 to index
        %parallel_loop3A_445 = arith.index_cast %parallel_loop3A_443 : i32 to index
        %parallel_loop3A_446 = arith.index_cast %parallel_loop3A_159 : i32 to index
        %parallel_loop3A_447 = tpu.vector_load %arg7[%parallel_loop3A_444, %parallel_loop3A_445, %parallel_loop3A_446] {strides = array<i32>} : memref<4x64x128xf32, #tpu.memory_space<vmem>>, vector<16xf32>,
        tpu.vector_store %arg7[%parallel_loop3A_444, %parallel_loop3A_445, %parallel_loop3A_446], %parallel_loop3A_441 {strides = array<i32>} : memref<4x64x128xf32, #tpu.memory_space<vmem>>, vector<16xf32>,
        %parallel_loop3A_448 = arith.constant 32000 : i32
        %parallel_loop3A_449 = tpu.memref_slice %arg5[%parallel_loop3A_448] : memref<64000xf32, #tpu.memory_space<vmem>> -> memref<1000xf32, #tpu.memory_space<vmem>>
        %parallel_loop3A_450 = tpu.vector_load_idx %parallel_loop3A_449[%parallel_loop3A_157] : memref<1000xf32, #tpu.memory_space<vmem>>[vector<16xi32>], vector<16xf32>,
        %parallel_loop3A_451 = arith.constant 3 : i32
        %parallel_loop3A_452 = arith.constant 32 : i32
        %parallel_loop3A_453 = arith.index_cast %parallel_loop3A_451 : i32 to index
        %parallel_loop3A_454 = arith.index_cast %parallel_loop3A_452 : i32 to index
        %parallel_loop3A_455 = arith.index_cast %parallel_loop3A_159 : i32 to index
        %parallel_loop3A_456 = tpu.vector_load %arg7[%parallel_loop3A_453, %parallel_loop3A_454, %parallel_loop3A_455] {strides = array<i32>} : memref<4x64x128xf32, #tpu.memory_space<vmem>>, vector<16xf32>,
        tpu.vector_store %arg7[%parallel_loop3A_453, %parallel_loop3A_454, %parallel_loop3A_455], %parallel_loop3A_450 {strides = array<i32>} : memref<4x64x128xf32, #tpu.memory_space<vmem>>, vector<16xf32>,
        %parallel_loop3A_457 = arith.constant 33000 : i32
        %parallel_loop3A_458 = tpu.memref_slice %arg5[%parallel_loop3A_457] : memref<64000xf32, #tpu.memory_space<vmem>> -> memref<1000xf32, #tpu.memory_space<vmem>>
        %parallel_loop3A_459 = tpu.vector_load_idx %parallel_loop3A_458[%parallel_loop3A_157] : memref<1000xf32, #tpu.memory_space<vmem>>[vector<16xi32>], vector<16xf32>,
        %parallel_loop3A_460 = arith.constant 3 : i32
        %parallel_loop3A_461 = arith.constant 33 : i32
        %parallel_loop3A_462 = arith.index_cast %parallel_loop3A_460 : i32 to index
        %parallel_loop3A_463 = arith.index_cast %parallel_loop3A_461 : i32 to index
        %parallel_loop3A_464 = arith.index_cast %parallel_loop3A_159 : i32 to index
        %parallel_loop3A_465 = tpu.vector_load %arg7[%parallel_loop3A_462, %parallel_loop3A_463, %parallel_loop3A_464] {strides = array<i32>} : memref<4x64x128xf32, #tpu.memory_space<vmem>>, vector<16xf32>,
        tpu.vector_store %arg7[%parallel_loop3A_462, %parallel_loop3A_463, %parallel_loop3A_464], %parallel_loop3A_459 {strides = array<i32>} : memref<4x64x128xf32, #tpu.memory_space<vmem>>, vector<16xf32>,
        %parallel_loop3A_466 = arith.constant 34000 : i32
        %parallel_loop3A_467 = tpu.memref_slice %arg5[%parallel_loop3A_466] : memref<64000xf32, #tpu.memory_space<vmem>> -> memref<1000xf32, #tpu.memory_space<vmem>>
        %parallel_loop3A_468 = tpu.vector_load_idx %parallel_loop3A_467[%parallel_loop3A_157] : memref<1000xf32, #tpu.memory_space<vmem>>[vector<16xi32>], vector<16xf32>,
        %parallel_loop3A_469 = arith.constant 3 : i32
        %parallel_loop3A_470 = arith.constant 34 : i32
        %parallel_loop3A_471 = arith.index_cast %parallel_loop3A_469 : i32 to index
        %parallel_loop3A_472 = arith.index_cast %parallel_loop3A_470 : i32 to index
        %parallel_loop3A_473 = arith.index_cast %parallel_loop3A_159 : i32 to index
        %parallel_loop3A_474 = tpu.vector_load %arg7[%parallel_loop3A_471, %parallel_loop3A_472, %parallel_loop3A_473] {strides = array<i32>} : memref<4x64x128xf32, #tpu.memory_space<vmem>>, vector<16xf32>,
        tpu.vector_store %arg7[%parallel_loop3A_471, %parallel_loop3A_472, %parallel_loop3A_473], %parallel_loop3A_468 {strides = array<i32>} : memref<4x64x128xf32, #tpu.memory_space<vmem>>, vector<16xf32>,
        %parallel_loop3A_475 = arith.constant 35000 : i32
        %parallel_loop3A_476 = tpu.memref_slice %arg5[%parallel_loop3A_475] : memref<64000xf32, #tpu.memory_space<vmem>> -> memref<1000xf32, #tpu.memory_space<vmem>>
        %parallel_loop3A_477 = tpu.vector_load_idx %parallel_loop3A_476[%parallel_loop3A_157] : memref<1000xf32, #tpu.memory_space<vmem>>[vector<16xi32>], vector<16xf32>,
        %parallel_loop3A_478 = arith.constant 3 : i32
        %parallel_loop3A_479 = arith.constant 35 : i32
        %parallel_loop3A_480 = arith.index_cast %parallel_loop3A_478 : i32 to index
        %parallel_loop3A_481 = arith.index_cast %parallel_loop3A_479 : i32 to index
        %parallel_loop3A_482 = arith.index_cast %parallel_loop3A_159 : i32 to index
        %parallel_loop3A_483 = tpu.vector_load %arg7[%parallel_loop3A_480, %parallel_loop3A_481, %parallel_loop3A_482] {strides = array<i32>} : memref<4x64x128xf32, #tpu.memory_space<vmem>>, vector<16xf32>,
        tpu.vector_store %arg7[%parallel_loop3A_480, %parallel_loop3A_481, %parallel_loop3A_482], %parallel_loop3A_477 {strides = array<i32>} : memref<4x64x128xf32, #tpu.memory_space<vmem>>, vector<16xf32>,
        %parallel_loop3A_484 = arith.constant 36000 : i32
        %parallel_loop3A_485 = tpu.memref_slice %arg5[%parallel_loop3A_484] : memref<64000xf32, #tpu.memory_space<vmem>> -> memref<1000xf32, #tpu.memory_space<vmem>>
        %parallel_loop3A_486 = tpu.vector_load_idx %parallel_loop3A_485[%parallel_loop3A_157] : memref<1000xf32, #tpu.memory_space<vmem>>[vector<16xi32>], vector<16xf32>,
        %parallel_loop3A_487 = arith.constant 3 : i32
        %parallel_loop3A_488 = arith.constant 36 : i32
        %parallel_loop3A_489 = arith.index_cast %parallel_loop3A_487 : i32 to index
        %parallel_loop3A_490 = arith.index_cast %parallel_loop3A_488 : i32 to index
        %parallel_loop3A_491 = arith.index_cast %parallel_loop3A_159 : i32 to index
        %parallel_loop3A_492 = tpu.vector_load %arg7[%parallel_loop3A_489, %parallel_loop3A_490, %parallel_loop3A_491] {strides = array<i32>} : memref<4x64x128xf32, #tpu.memory_space<vmem>>, vector<16xf32>,
        tpu.vector_store %arg7[%parallel_loop3A_489, %parallel_loop3A_490, %parallel_loop3A_491], %parallel_loop3A_486 {strides = array<i32>} : memref<4x64x128xf32, #tpu.memory_space<vmem>>, vector<16xf32>,
        %parallel_loop3A_493 = arith.constant 37000 : i32
        %parallel_loop3A_494 = tpu.memref_slice %arg5[%parallel_loop3A_493] : memref<64000xf32, #tpu.memory_space<vmem>> -> memref<1000xf32, #tpu.memory_space<vmem>>
        %parallel_loop3A_495 = tpu.vector_load_idx %parallel_loop3A_494[%parallel_loop3A_157] : memref<1000xf32, #tpu.memory_space<vmem>>[vector<16xi32>], vector<16xf32>,
        %parallel_loop3A_496 = arith.constant 3 : i32
        %parallel_loop3A_497 = arith.constant 37 : i32
        %parallel_loop3A_498 = arith.index_cast %parallel_loop3A_496 : i32 to index
        %parallel_loop3A_499 = arith.index_cast %parallel_loop3A_497 : i32 to index
        %parallel_loop3A_500 = arith.index_cast %parallel_loop3A_159 : i32 to index
        %parallel_loop3A_501 = tpu.vector_load %arg7[%parallel_loop3A_498, %parallel_loop3A_499, %parallel_loop3A_500] {strides = array<i32>} : memref<4x64x128xf32, #tpu.memory_space<vmem>>, vector<16xf32>,
        tpu.vector_store %arg7[%parallel_loop3A_498, %parallel_loop3A_499, %parallel_loop3A_500], %parallel_loop3A_495 {strides = array<i32>} : memref<4x64x128xf32, #tpu.memory_space<vmem>>, vector<16xf32>,
        %parallel_loop3A_502 = arith.constant 38000 : i32
        %parallel_loop3A_503 = tpu.memref_slice %arg5[%parallel_loop3A_502] : memref<64000xf32, #tpu.memory_space<vmem>> -> memref<1000xf32, #tpu.memory_space<vmem>>
        %parallel_loop3A_504 = tpu.vector_load_idx %parallel_loop3A_503[%parallel_loop3A_157] : memref<1000xf32, #tpu.memory_space<vmem>>[vector<16xi32>], vector<16xf32>,
        %parallel_loop3A_505 = arith.constant 3 : i32
        %parallel_loop3A_506 = arith.constant 38 : i32
        %parallel_loop3A_507 = arith.index_cast %parallel_loop3A_505 : i32 to index
        %parallel_loop3A_508 = arith.index_cast %parallel_loop3A_506 : i32 to index
        %parallel_loop3A_509 = arith.index_cast %parallel_loop3A_159 : i32 to index
        %parallel_loop3A_510 = tpu.vector_load %arg7[%parallel_loop3A_507, %parallel_loop3A_508, %parallel_loop3A_509] {strides = array<i32>} : memref<4x64x128xf32, #tpu.memory_space<vmem>>, vector<16xf32>,
        tpu.vector_store %arg7[%parallel_loop3A_507, %parallel_loop3A_508, %parallel_loop3A_509], %parallel_loop3A_504 {strides = array<i32>} : memref<4x64x128xf32, #tpu.memory_space<vmem>>, vector<16xf32>,
        %parallel_loop3A_511 = arith.constant 39000 : i32
        %parallel_loop3A_512 = tpu.memref_slice %arg5[%parallel_loop3A_511] : memref<64000xf32, #tpu.memory_space<vmem>> -> memref<1000xf32, #tpu.memory_space<vmem>>
        %parallel_loop3A_513 = tpu.vector_load_idx %parallel_loop3A_512[%parallel_loop3A_157] : memref<1000xf32, #tpu.memory_space<vmem>>[vector<16xi32>], vector<16xf32>,
        %parallel_loop3A_514 = arith.constant 3 : i32
        %parallel_loop3A_515 = arith.constant 39 : i32
        %parallel_loop3A_516 = arith.index_cast %parallel_loop3A_514 : i32 to index
        %parallel_loop3A_517 = arith.index_cast %parallel_loop3A_515 : i32 to index
        %parallel_loop3A_518 = arith.index_cast %parallel_loop3A_159 : i32 to index
        %parallel_loop3A_519 = tpu.vector_load %arg7[%parallel_loop3A_516, %parallel_loop3A_517, %parallel_loop3A_518] {strides = array<i32>} : memref<4x64x128xf32, #tpu.memory_space<vmem>>, vector<16xf32>,
        tpu.vector_store %arg7[%parallel_loop3A_516, %parallel_loop3A_517, %parallel_loop3A_518], %parallel_loop3A_513 {strides = array<i32>} : memref<4x64x128xf32, #tpu.memory_space<vmem>>, vector<16xf32>,
        %parallel_loop3A_520 = arith.constant 40000 : i32
        %parallel_loop3A_521 = tpu.memref_slice %arg5[%parallel_loop3A_520] : memref<64000xf32, #tpu.memory_space<vmem>> -> memref<1000xf32, #tpu.memory_space<vmem>>
        %parallel_loop3A_522 = tpu.vector_load_idx %parallel_loop3A_521[%parallel_loop3A_157] : memref<1000xf32, #tpu.memory_space<vmem>>[vector<16xi32>], vector<16xf32>,
        %parallel_loop3A_523 = arith.constant 3 : i32
        %parallel_loop3A_524 = arith.constant 40 : i32
        %parallel_loop3A_525 = arith.index_cast %parallel_loop3A_523 : i32 to index
        %parallel_loop3A_526 = arith.index_cast %parallel_loop3A_524 : i32 to index
        %parallel_loop3A_527 = arith.index_cast %parallel_loop3A_159 : i32 to index
        %parallel_loop3A_528 = tpu.vector_load %arg7[%parallel_loop3A_525, %parallel_loop3A_526, %parallel_loop3A_527] {strides = array<i32>} : memref<4x64x128xf32, #tpu.memory_space<vmem>>, vector<16xf32>,
        tpu.vector_store %arg7[%parallel_loop3A_525, %parallel_loop3A_526, %parallel_loop3A_527], %parallel_loop3A_522 {strides = array<i32>} : memref<4x64x128xf32, #tpu.memory_space<vmem>>, vector<16xf32>,
        %parallel_loop3A_529 = arith.constant 41000 : i32
        %parallel_loop3A_530 = tpu.memref_slice %arg5[%parallel_loop3A_529] : memref<64000xf32, #tpu.memory_space<vmem>> -> memref<1000xf32, #tpu.memory_space<vmem>>
        %parallel_loop3A_531 = tpu.vector_load_idx %parallel_loop3A_530[%parallel_loop3A_157] : memref<1000xf32, #tpu.memory_space<vmem>>[vector<16xi32>], vector<16xf32>,
        %parallel_loop3A_532 = arith.constant 3 : i32
        %parallel_loop3A_533 = arith.constant 41 : i32
        %parallel_loop3A_534 = arith.index_cast %parallel_loop3A_532 : i32 to index
        %parallel_loop3A_535 = arith.index_cast %parallel_loop3A_533 : i32 to index
        %parallel_loop3A_536 = arith.index_cast %parallel_loop3A_159 : i32 to index
        %parallel_loop3A_537 = tpu.vector_load %arg7[%parallel_loop3A_534, %parallel_loop3A_535, %parallel_loop3A_536] {strides = array<i32>} : memref<4x64x128xf32, #tpu.memory_space<vmem>>, vector<16xf32>,
        tpu.vector_store %arg7[%parallel_loop3A_534, %parallel_loop3A_535, %parallel_loop3A_536], %parallel_loop3A_531 {strides = array<i32>} : memref<4x64x128xf32, #tpu.memory_space<vmem>>, vector<16xf32>,
        %parallel_loop3A_538 = arith.constant 42000 : i32
        %parallel_loop3A_539 = tpu.memref_slice %arg5[%parallel_loop3A_538] : memref<64000xf32, #tpu.memory_space<vmem>> -> memref<1000xf32, #tpu.memory_space<vmem>>
        %parallel_loop3A_540 = tpu.vector_load_idx %parallel_loop3A_539[%parallel_loop3A_157] : memref<1000xf32, #tpu.memory_space<vmem>>[vector<16xi32>], vector<16xf32>,
        %parallel_loop3A_541 = arith.constant 3 : i32
        %parallel_loop3A_542 = arith.constant 42 : i32
        %parallel_loop3A_543 = arith.index_cast %parallel_loop3A_541 : i32 to index
        %parallel_loop3A_544 = arith.index_cast %parallel_loop3A_542 : i32 to index
        %parallel_loop3A_545 = arith.index_cast %parallel_loop3A_159 : i32 to index
        %parallel_loop3A_546 = tpu.vector_load %arg7[%parallel_loop3A_543, %parallel_loop3A_544, %parallel_loop3A_545] {strides = array<i32>} : memref<4x64x128xf32, #tpu.memory_space<vmem>>, vector<16xf32>,
        tpu.vector_store %arg7[%parallel_loop3A_543, %parallel_loop3A_544, %parallel_loop3A_545], %parallel_loop3A_540 {strides = array<i32>} : memref<4x64x128xf32, #tpu.memory_space<vmem>>, vector<16xf32>,
        %parallel_loop3A_547 = arith.constant 43000 : i32
        %parallel_loop3A_548 = tpu.memref_slice %arg5[%parallel_loop3A_547] : memref<64000xf32, #tpu.memory_space<vmem>> -> memref<1000xf32, #tpu.memory_space<vmem>>
        %parallel_loop3A_549 = tpu.vector_load_idx %parallel_loop3A_548[%parallel_loop3A_157] : memref<1000xf32, #tpu.memory_space<vmem>>[vector<16xi32>], vector<16xf32>,
        %parallel_loop3A_550 = arith.constant 3 : i32
        %parallel_loop3A_551 = arith.constant 43 : i32
        %parallel_loop3A_552 = arith.index_cast %parallel_loop3A_550 : i32 to index
        %parallel_loop3A_553 = arith.index_cast %parallel_loop3A_551 : i32 to index
        %parallel_loop3A_554 = arith.index_cast %parallel_loop3A_159 : i32 to index
        %parallel_loop3A_555 = tpu.vector_load %arg7[%parallel_loop3A_552, %parallel_loop3A_553, %parallel_loop3A_554] {strides = array<i32>} : memref<4x64x128xf32, #tpu.memory_space<vmem>>, vector<16xf32>,
        tpu.vector_store %arg7[%parallel_loop3A_552, %parallel_loop3A_553, %parallel_loop3A_554], %parallel_loop3A_549 {strides = array<i32>} : memref<4x64x128xf32, #tpu.memory_space<vmem>>, vector<16xf32>,
        %parallel_loop3A_556 = arith.constant 44000 : i32
        %parallel_loop3A_557 = tpu.memref_slice %arg5[%parallel_loop3A_556] : memref<64000xf32, #tpu.memory_space<vmem>> -> memref<1000xf32, #tpu.memory_space<vmem>>
        %parallel_loop3A_558 = tpu.vector_load_idx %parallel_loop3A_557[%parallel_loop3A_157] : memref<1000xf32, #tpu.memory_space<vmem>>[vector<16xi32>], vector<16xf32>,
        %parallel_loop3A_559 = arith.constant 3 : i32
        %parallel_loop3A_560 = arith.constant 44 : i32
        %parallel_loop3A_561 = arith.index_cast %parallel_loop3A_559 : i32 to index
        %parallel_loop3A_562 = arith.index_cast %parallel_loop3A_560 : i32 to index
        %parallel_loop3A_563 = arith.index_cast %parallel_loop3A_159 : i32 to index
        %parallel_loop3A_564 = tpu.vector_load %arg7[%parallel_loop3A_561, %parallel_loop3A_562, %parallel_loop3A_563] {strides = array<i32>} : memref<4x64x128xf32, #tpu.memory_space<vmem>>, vector<16xf32>,
        tpu.vector_store %arg7[%parallel_loop3A_561, %parallel_loop3A_562, %parallel_loop3A_563], %parallel_loop3A_558 {strides = array<i32>} : memref<4x64x128xf32, #tpu.memory_space<vmem>>, vector<16xf32>,
        %parallel_loop3A_565 = arith.constant 45000 : i32
        %parallel_loop3A_566 = tpu.memref_slice %arg5[%parallel_loop3A_565] : memref<64000xf32, #tpu.memory_space<vmem>> -> memref<1000xf32, #tpu.memory_space<vmem>>
        %parallel_loop3A_567 = tpu.vector_load_idx %parallel_loop3A_566[%parallel_loop3A_157] : memref<1000xf32, #tpu.memory_space<vmem>>[vector<16xi32>], vector<16xf32>,
        %parallel_loop3A_568 = arith.constant 3 : i32
        %parallel_loop3A_569 = arith.constant 45 : i32
        %parallel_loop3A_570 = arith.index_cast %parallel_loop3A_568 : i32 to index
        %parallel_loop3A_571 = arith.index_cast %parallel_loop3A_569 : i32 to index
        %parallel_loop3A_572 = arith.index_cast %parallel_loop3A_159 : i32 to index
        %parallel_loop3A_573 = tpu.vector_load %arg7[%parallel_loop3A_570, %parallel_loop3A_571, %parallel_loop3A_572] {strides = array<i32>} : memref<4x64x128xf32, #tpu.memory_space<vmem>>, vector<16xf32>,
        tpu.vector_store %arg7[%parallel_loop3A_570, %parallel_loop3A_571, %parallel_loop3A_572], %parallel_loop3A_567 {strides = array<i32>} : memref<4x64x128xf32, #tpu.memory_space<vmem>>, vector<16xf32>,
        %parallel_loop3A_574 = arith.constant 46000 : i32
        %parallel_loop3A_575 = tpu.memref_slice %arg5[%parallel_loop3A_574] : memref<64000xf32, #tpu.memory_space<vmem>> -> memref<1000xf32, #tpu.memory_space<vmem>>
        %parallel_loop3A_576 = tpu.vector_load_idx %parallel_loop3A_575[%parallel_loop3A_157] : memref<1000xf32, #tpu.memory_space<vmem>>[vector<16xi32>], vector<16xf32>,
        %parallel_loop3A_577 = arith.constant 3 : i32
        %parallel_loop3A_578 = arith.constant 46 : i32
        %parallel_loop3A_579 = arith.index_cast %parallel_loop3A_577 : i32 to index
        %parallel_loop3A_580 = arith.index_cast %parallel_loop3A_578 : i32 to index
        %parallel_loop3A_581 = arith.index_cast %parallel_loop3A_159 : i32 to index
        %parallel_loop3A_582 = tpu.vector_load %arg7[%parallel_loop3A_579, %parallel_loop3A_580, %parallel_loop3A_581] {strides = array<i32>} : memref<4x64x128xf32, #tpu.memory_space<vmem>>, vector<16xf32>,
        tpu.vector_store %arg7[%parallel_loop3A_579, %parallel_loop3A_580, %parallel_loop3A_581], %parallel_loop3A_576 {strides = array<i32>} : memref<4x64x128xf32, #tpu.memory_space<vmem>>, vector<16xf32>,
        %parallel_loop3A_583 = arith.constant 47000 : i32
        %parallel_loop3A_584 = tpu.memref_slice %arg5[%parallel_loop3A_583] : memref<64000xf32, #tpu.memory_space<vmem>> -> memref<1000xf32, #tpu.memory_space<vmem>>
        %parallel_loop3A_585 = tpu.vector_load_idx %parallel_loop3A_584[%parallel_loop3A_157] : memref<1000xf32, #tpu.memory_space<vmem>>[vector<16xi32>], vector<16xf32>,
        %parallel_loop3A_586 = arith.constant 3 : i32
        %parallel_loop3A_587 = arith.constant 47 : i32
        %parallel_loop3A_588 = arith.index_cast %parallel_loop3A_586 : i32 to index
        %parallel_loop3A_589 = arith.index_cast %parallel_loop3A_587 : i32 to index
        %parallel_loop3A_590 = arith.index_cast %parallel_loop3A_159 : i32 to index
        %parallel_loop3A_591 = tpu.vector_load %arg7[%parallel_loop3A_588, %parallel_loop3A_589, %parallel_loop3A_590] {strides = array<i32>} : memref<4x64x128xf32, #tpu.memory_space<vmem>>, vector<16xf32>,
        tpu.vector_store %arg7[%parallel_loop3A_588, %parallel_loop3A_589, %parallel_loop3A_590], %parallel_loop3A_585 {strides = array<i32>} : memref<4x64x128xf32, #tpu.memory_space<vmem>>, vector<16xf32>,
        %parallel_loop3A_592 = arith.constant 48000 : i32
        %parallel_loop3A_593 = tpu.memref_slice %arg5[%parallel_loop3A_592] : memref<64000xf32, #tpu.memory_space<vmem>> -> memref<1000xf32, #tpu.memory_space<vmem>>
        %parallel_loop3A_594 = tpu.vector_load_idx %parallel_loop3A_593[%parallel_loop3A_157] : memref<1000xf32, #tpu.memory_space<vmem>>[vector<16xi32>], vector<16xf32>,
        %parallel_loop3A_595 = arith.constant 3 : i32
        %parallel_loop3A_596 = arith.constant 48 : i32
        %parallel_loop3A_597 = arith.index_cast %parallel_loop3A_595 : i32 to index
        %parallel_loop3A_598 = arith.index_cast %parallel_loop3A_596 : i32 to index
        %parallel_loop3A_599 = arith.index_cast %parallel_loop3A_159 : i32 to index
        %parallel_loop3A_600 = tpu.vector_load %arg7[%parallel_loop3A_597, %parallel_loop3A_598, %parallel_loop3A_599] {strides = array<i32>} : memref<4x64x128xf32, #tpu.memory_space<vmem>>, vector<16xf32>,
        tpu.vector_store %arg7[%parallel_loop3A_597, %parallel_loop3A_598, %parallel_loop3A_599], %parallel_loop3A_594 {strides = array<i32>} : memref<4x64x128xf32, #tpu.memory_space<vmem>>, vector<16xf32>,
        %parallel_loop3A_601 = arith.constant 49000 : i32
        %parallel_loop3A_602 = tpu.memref_slice %arg5[%parallel_loop3A_601] : memref<64000xf32, #tpu.memory_space<vmem>> -> memref<1000xf32, #tpu.memory_space<vmem>>
        %parallel_loop3A_603 = tpu.vector_load_idx %parallel_loop3A_602[%parallel_loop3A_157] : memref<1000xf32, #tpu.memory_space<vmem>>[vector<16xi32>], vector<16xf32>,
        %parallel_loop3A_604 = arith.constant 3 : i32
        %parallel_loop3A_605 = arith.constant 49 : i32
        %parallel_loop3A_606 = arith.index_cast %parallel_loop3A_604 : i32 to index
        %parallel_loop3A_607 = arith.index_cast %parallel_loop3A_605 : i32 to index
        %parallel_loop3A_608 = arith.index_cast %parallel_loop3A_159 : i32 to index
        %parallel_loop3A_609 = tpu.vector_load %arg7[%parallel_loop3A_606, %parallel_loop3A_607, %parallel_loop3A_608] {strides = array<i32>} : memref<4x64x128xf32, #tpu.memory_space<vmem>>, vector<16xf32>,
        tpu.vector_store %arg7[%parallel_loop3A_606, %parallel_loop3A_607, %parallel_loop3A_608], %parallel_loop3A_603 {strides = array<i32>} : memref<4x64x128xf32, #tpu.memory_space<vmem>>, vector<16xf32>,
        %parallel_loop3A_610 = arith.constant 50000 : i32
        %parallel_loop3A_611 = tpu.memref_slice %arg5[%parallel_loop3A_610] : memref<64000xf32, #tpu.memory_space<vmem>> -> memref<1000xf32, #tpu.memory_space<vmem>>
        %parallel_loop3A_612 = tpu.vector_load_idx %parallel_loop3A_611[%parallel_loop3A_157] : memref<1000xf32, #tpu.memory_space<vmem>>[vector<16xi32>], vector<16xf32>,
        %parallel_loop3A_613 = arith.constant 3 : i32
        %parallel_loop3A_614 = arith.constant 50 : i32
        %parallel_loop3A_615 = arith.index_cast %parallel_loop3A_613 : i32 to index
        %parallel_loop3A_616 = arith.index_cast %parallel_loop3A_614 : i32 to index
        %parallel_loop3A_617 = arith.index_cast %parallel_loop3A_159 : i32 to index
        %parallel_loop3A_618 = tpu.vector_load %arg7[%parallel_loop3A_615, %parallel_loop3A_616, %parallel_loop3A_617] {strides = array<i32>} : memref<4x64x128xf32, #tpu.memory_space<vmem>>, vector<16xf32>,
        tpu.vector_store %arg7[%parallel_loop3A_615, %parallel_loop3A_616, %parallel_loop3A_617], %parallel_loop3A_612 {strides = array<i32>} : memref<4x64x128xf32, #tpu.memory_space<vmem>>, vector<16xf32>,
        %parallel_loop3A_619 = arith.constant 51000 : i32
        %parallel_loop3A_620 = tpu.memref_slice %arg5[%parallel_loop3A_619] : memref<64000xf32, #tpu.memory_space<vmem>> -> memref<1000xf32, #tpu.memory_space<vmem>>
        %parallel_loop3A_621 = tpu.vector_load_idx %parallel_loop3A_620[%parallel_loop3A_157] : memref<1000xf32, #tpu.memory_space<vmem>>[vector<16xi32>], vector<16xf32>,
        %parallel_loop3A_622 = arith.constant 3 : i32
        %parallel_loop3A_623 = arith.constant 51 : i32
        %parallel_loop3A_624 = arith.index_cast %parallel_loop3A_622 : i32 to index
        %parallel_loop3A_625 = arith.index_cast %parallel_loop3A_623 : i32 to index
        %parallel_loop3A_626 = arith.index_cast %parallel_loop3A_159 : i32 to index
        %parallel_loop3A_627 = tpu.vector_load %arg7[%parallel_loop3A_624, %parallel_loop3A_625, %parallel_loop3A_626] {strides = array<i32>} : memref<4x64x128xf32, #tpu.memory_space<vmem>>, vector<16xf32>,
        tpu.vector_store %arg7[%parallel_loop3A_624, %parallel_loop3A_625, %parallel_loop3A_626], %parallel_loop3A_621 {strides = array<i32>} : memref<4x64x128xf32, #tpu.memory_space<vmem>>, vector<16xf32>,
        %parallel_loop3A_628 = arith.constant 52000 : i32
        %parallel_loop3A_629 = tpu.memref_slice %arg5[%parallel_loop3A_628] : memref<64000xf32, #tpu.memory_space<vmem>> -> memref<1000xf32, #tpu.memory_space<vmem>>
        %parallel_loop3A_630 = tpu.vector_load_idx %parallel_loop3A_629[%parallel_loop3A_157] : memref<1000xf32, #tpu.memory_space<vmem>>[vector<16xi32>], vector<16xf32>,
        %parallel_loop3A_631 = arith.constant 3 : i32
        %parallel_loop3A_632 = arith.constant 52 : i32
        %parallel_loop3A_633 = arith.index_cast %parallel_loop3A_631 : i32 to index
        %parallel_loop3A_634 = arith.index_cast %parallel_loop3A_632 : i32 to index
        %parallel_loop3A_635 = arith.index_cast %parallel_loop3A_159 : i32 to index
        %parallel_loop3A_636 = tpu.vector_load %arg7[%parallel_loop3A_633, %parallel_loop3A_634, %parallel_loop3A_635] {strides = array<i32>} : memref<4x64x128xf32, #tpu.memory_space<vmem>>, vector<16xf32>,
        tpu.vector_store %arg7[%parallel_loop3A_633, %parallel_loop3A_634, %parallel_loop3A_635], %parallel_loop3A_630 {strides = array<i32>} : memref<4x64x128xf32, #tpu.memory_space<vmem>>, vector<16xf32>,
        %parallel_loop3A_637 = arith.constant 53000 : i32
        %parallel_loop3A_638 = tpu.memref_slice %arg5[%parallel_loop3A_637] : memref<64000xf32, #tpu.memory_space<vmem>> -> memref<1000xf32, #tpu.memory_space<vmem>>
        %parallel_loop3A_639 = tpu.vector_load_idx %parallel_loop3A_638[%parallel_loop3A_157] : memref<1000xf32, #tpu.memory_space<vmem>>[vector<16xi32>], vector<16xf32>,
        %parallel_loop3A_640 = arith.constant 3 : i32
        %parallel_loop3A_641 = arith.constant 53 : i32
        %parallel_loop3A_642 = arith.index_cast %parallel_loop3A_640 : i32 to index
        %parallel_loop3A_643 = arith.index_cast %parallel_loop3A_641 : i32 to index
        %parallel_loop3A_644 = arith.index_cast %parallel_loop3A_159 : i32 to index
        %parallel_loop3A_645 = tpu.vector_load %arg7[%parallel_loop3A_642, %parallel_loop3A_643, %parallel_loop3A_644] {strides = array<i32>} : memref<4x64x128xf32, #tpu.memory_space<vmem>>, vector<16xf32>,
        tpu.vector_store %arg7[%parallel_loop3A_642, %parallel_loop3A_643, %parallel_loop3A_644], %parallel_loop3A_639 {strides = array<i32>} : memref<4x64x128xf32, #tpu.memory_space<vmem>>, vector<16xf32>,
        %parallel_loop3A_646 = arith.constant 54000 : i32
        %parallel_loop3A_647 = tpu.memref_slice %arg5[%parallel_loop3A_646] : memref<64000xf32, #tpu.memory_space<vmem>> -> memref<1000xf32, #tpu.memory_space<vmem>>
        %parallel_loop3A_648 = tpu.vector_load_idx %parallel_loop3A_647[%parallel_loop3A_157] : memref<1000xf32, #tpu.memory_space<vmem>>[vector<16xi32>], vector<16xf32>,
        %parallel_loop3A_649 = arith.constant 3 : i32
        %parallel_loop3A_650 = arith.constant 54 : i32
        %parallel_loop3A_651 = arith.index_cast %parallel_loop3A_649 : i32 to index
        %parallel_loop3A_652 = arith.index_cast %parallel_loop3A_650 : i32 to index
        %parallel_loop3A_653 = arith.index_cast %parallel_loop3A_159 : i32 to index
        %parallel_loop3A_654 = tpu.vector_load %arg7[%parallel_loop3A_651, %parallel_loop3A_652, %parallel_loop3A_653] {strides = array<i32>} : memref<4x64x128xf32, #tpu.memory_space<vmem>>, vector<16xf32>,
        tpu.vector_store %arg7[%parallel_loop3A_651, %parallel_loop3A_652, %parallel_loop3A_653], %parallel_loop3A_648 {strides = array<i32>} : memref<4x64x128xf32, #tpu.memory_space<vmem>>, vector<16xf32>,
        %parallel_loop3A_655 = arith.constant 55000 : i32
        %parallel_loop3A_656 = tpu.memref_slice %arg5[%parallel_loop3A_655] : memref<64000xf32, #tpu.memory_space<vmem>> -> memref<1000xf32, #tpu.memory_space<vmem>>
        %parallel_loop3A_657 = tpu.vector_load_idx %parallel_loop3A_656[%parallel_loop3A_157] : memref<1000xf32, #tpu.memory_space<vmem>>[vector<16xi32>], vector<16xf32>,
        %parallel_loop3A_658 = arith.constant 3 : i32
        %parallel_loop3A_659 = arith.constant 55 : i32
        %parallel_loop3A_660 = arith.index_cast %parallel_loop3A_658 : i32 to index
        %parallel_loop3A_661 = arith.index_cast %parallel_loop3A_659 : i32 to index
        %parallel_loop3A_662 = arith.index_cast %parallel_loop3A_159 : i32 to index
        %parallel_loop3A_663 = tpu.vector_load %arg7[%parallel_loop3A_660, %parallel_loop3A_661, %parallel_loop3A_662] {strides = array<i32>} : memref<4x64x128xf32, #tpu.memory_space<vmem>>, vector<16xf32>,
        tpu.vector_store %arg7[%parallel_loop3A_660, %parallel_loop3A_661, %parallel_loop3A_662], %parallel_loop3A_657 {strides = array<i32>} : memref<4x64x128xf32, #tpu.memory_space<vmem>>, vector<16xf32>,
        %parallel_loop3A_664 = arith.constant 56000 : i32
        %parallel_loop3A_665 = tpu.memref_slice %arg5[%parallel_loop3A_664] : memref<64000xf32, #tpu.memory_space<vmem>> -> memref<1000xf32, #tpu.memory_space<vmem>>
        %parallel_loop3A_666 = tpu.vector_load_idx %parallel_loop3A_665[%parallel_loop3A_157] : memref<1000xf32, #tpu.memory_space<vmem>>[vector<16xi32>], vector<16xf32>,
        %parallel_loop3A_667 = arith.constant 3 : i32
        %parallel_loop3A_668 = arith.constant 56 : i32
        %parallel_loop3A_669 = arith.index_cast %parallel_loop3A_667 : i32 to index
        %parallel_loop3A_670 = arith.index_cast %parallel_loop3A_668 : i32 to index
        %parallel_loop3A_671 = arith.index_cast %parallel_loop3A_159 : i32 to index
        %parallel_loop3A_672 = tpu.vector_load %arg7[%parallel_loop3A_669, %parallel_loop3A_670, %parallel_loop3A_671] {strides = array<i32>} : memref<4x64x128xf32, #tpu.memory_space<vmem>>, vector<16xf32>,
        tpu.vector_store %arg7[%parallel_loop3A_669, %parallel_loop3A_670, %parallel_loop3A_671], %parallel_loop3A_666 {strides = array<i32>} : memref<4x64x128xf32, #tpu.memory_space<vmem>>, vector<16xf32>,
        %parallel_loop3A_673 = arith.constant 57000 : i32
        %parallel_loop3A_674 = tpu.memref_slice %arg5[%parallel_loop3A_673] : memref<64000xf32, #tpu.memory_space<vmem>> -> memref<1000xf32, #tpu.memory_space<vmem>>
        %parallel_loop3A_675 = tpu.vector_load_idx %parallel_loop3A_674[%parallel_loop3A_157] : memref<1000xf32, #tpu.memory_space<vmem>>[vector<16xi32>], vector<16xf32>,
        %parallel_loop3A_676 = arith.constant 3 : i32
        %parallel_loop3A_677 = arith.constant 57 : i32
        %parallel_loop3A_678 = arith.index_cast %parallel_loop3A_676 : i32 to index
        %parallel_loop3A_679 = arith.index_cast %parallel_loop3A_677 : i32 to index
        %parallel_loop3A_680 = arith.index_cast %parallel_loop3A_159 : i32 to index
        %parallel_loop3A_681 = tpu.vector_load %arg7[%parallel_loop3A_678, %parallel_loop3A_679, %parallel_loop3A_680] {strides = array<i32>} : memref<4x64x128xf32, #tpu.memory_space<vmem>>, vector<16xf32>,
        tpu.vector_store %arg7[%parallel_loop3A_678, %parallel_loop3A_679, %parallel_loop3A_680], %parallel_loop3A_675 {strides = array<i32>} : memref<4x64x128xf32, #tpu.memory_space<vmem>>, vector<16xf32>,
        %parallel_loop3A_682 = arith.constant 58000 : i32
        %parallel_loop3A_683 = tpu.memref_slice %arg5[%parallel_loop3A_682] : memref<64000xf32, #tpu.memory_space<vmem>> -> memref<1000xf32, #tpu.memory_space<vmem>>
        %parallel_loop3A_684 = tpu.vector_load_idx %parallel_loop3A_683[%parallel_loop3A_157] : memref<1000xf32, #tpu.memory_space<vmem>>[vector<16xi32>], vector<16xf32>,
        %parallel_loop3A_685 = arith.constant 3 : i32
        %parallel_loop3A_686 = arith.constant 58 : i32
        %parallel_loop3A_687 = arith.index_cast %parallel_loop3A_685 : i32 to index
        %parallel_loop3A_688 = arith.index_cast %parallel_loop3A_686 : i32 to index
        %parallel_loop3A_689 = arith.index_cast %parallel_loop3A_159 : i32 to index
        %parallel_loop3A_690 = tpu.vector_load %arg7[%parallel_loop3A_687, %parallel_loop3A_688, %parallel_loop3A_689] {strides = array<i32>} : memref<4x64x128xf32, #tpu.memory_space<vmem>>, vector<16xf32>,
        tpu.vector_store %arg7[%parallel_loop3A_687, %parallel_loop3A_688, %parallel_loop3A_689], %parallel_loop3A_684 {strides = array<i32>} : memref<4x64x128xf32, #tpu.memory_space<vmem>>, vector<16xf32>,
        %parallel_loop3A_691 = arith.constant 59000 : i32
        %parallel_loop3A_692 = tpu.memref_slice %arg5[%parallel_loop3A_691] : memref<64000xf32, #tpu.memory_space<vmem>> -> memref<1000xf32, #tpu.memory_space<vmem>>
        %parallel_loop3A_693 = tpu.vector_load_idx %parallel_loop3A_692[%parallel_loop3A_157] : memref<1000xf32, #tpu.memory_space<vmem>>[vector<16xi32>], vector<16xf32>,
        %parallel_loop3A_694 = arith.constant 3 : i32
        %parallel_loop3A_695 = arith.constant 59 : i32
        %parallel_loop3A_696 = arith.index_cast %parallel_loop3A_694 : i32 to index
        %parallel_loop3A_697 = arith.index_cast %parallel_loop3A_695 : i32 to index
        %parallel_loop3A_698 = arith.index_cast %parallel_loop3A_159 : i32 to index
        %parallel_loop3A_699 = tpu.vector_load %arg7[%parallel_loop3A_696, %parallel_loop3A_697, %parallel_loop3A_698] {strides = array<i32>} : memref<4x64x128xf32, #tpu.memory_space<vmem>>, vector<16xf32>,
        tpu.vector_store %arg7[%parallel_loop3A_696, %parallel_loop3A_697, %parallel_loop3A_698], %parallel_loop3A_693 {strides = array<i32>} : memref<4x64x128xf32, #tpu.memory_space<vmem>>, vector<16xf32>,
        %parallel_loop3A_700 = arith.constant 60000 : i32
        %parallel_loop3A_701 = tpu.memref_slice %arg5[%parallel_loop3A_700] : memref<64000xf32, #tpu.memory_space<vmem>> -> memref<1000xf32, #tpu.memory_space<vmem>>
        %parallel_loop3A_702 = tpu.vector_load_idx %parallel_loop3A_701[%parallel_loop3A_157] : memref<1000xf32, #tpu.memory_space<vmem>>[vector<16xi32>], vector<16xf32>,
        %parallel_loop3A_703 = arith.constant 3 : i32
        %parallel_loop3A_704 = arith.constant 60 : i32
        %parallel_loop3A_705 = arith.index_cast %parallel_loop3A_703 : i32 to index
        %parallel_loop3A_706 = arith.index_cast %parallel_loop3A_704 : i32 to index
        %parallel_loop3A_707 = arith.index_cast %parallel_loop3A_159 : i32 to index
        %parallel_loop3A_708 = tpu.vector_load %arg7[%parallel_loop3A_705, %parallel_loop3A_706, %parallel_loop3A_707] {strides = array<i32>} : memref<4x64x128xf32, #tpu.memory_space<vmem>>, vector<16xf32>,
        tpu.vector_store %arg7[%parallel_loop3A_705, %parallel_loop3A_706, %parallel_loop3A_707], %parallel_loop3A_702 {strides = array<i32>} : memref<4x64x128xf32, #tpu.memory_space<vmem>>, vector<16xf32>,
        %parallel_loop3A_709 = arith.constant 61000 : i32
        %parallel_loop3A_710 = tpu.memref_slice %arg5[%parallel_loop3A_709] : memref<64000xf32, #tpu.memory_space<vmem>> -> memref<1000xf32, #tpu.memory_space<vmem>>
        %parallel_loop3A_711 = tpu.vector_load_idx %parallel_loop3A_710[%parallel_loop3A_157] : memref<1000xf32, #tpu.memory_space<vmem>>[vector<16xi32>], vector<16xf32>,
        %parallel_loop3A_712 = arith.constant 3 : i32
        %parallel_loop3A_713 = arith.constant 61 : i32
        %parallel_loop3A_714 = arith.index_cast %parallel_loop3A_712 : i32 to index
        %parallel_loop3A_715 = arith.index_cast %parallel_loop3A_713 : i32 to index
        %parallel_loop3A_716 = arith.index_cast %parallel_loop3A_159 : i32 to index
        %parallel_loop3A_717 = tpu.vector_load %arg7[%parallel_loop3A_714, %parallel_loop3A_715, %parallel_loop3A_716] {strides = array<i32>} : memref<4x64x128xf32, #tpu.memory_space<vmem>>, vector<16xf32>,
        tpu.vector_store %arg7[%parallel_loop3A_714, %parallel_loop3A_715, %parallel_loop3A_716], %parallel_loop3A_711 {strides = array<i32>} : memref<4x64x128xf32, #tpu.memory_space<vmem>>, vector<16xf32>,
        %parallel_loop3A_718 = arith.constant 62000 : i32
        %parallel_loop3A_719 = tpu.memref_slice %arg5[%parallel_loop3A_718] : memref<64000xf32, #tpu.memory_space<vmem>> -> memref<1000xf32, #tpu.memory_space<vmem>>
        %parallel_loop3A_720 = tpu.vector_load_idx %parallel_loop3A_719[%parallel_loop3A_157] : memref<1000xf32, #tpu.memory_space<vmem>>[vector<16xi32>], vector<16xf32>,
        %parallel_loop3A_721 = arith.constant 3 : i32
        %parallel_loop3A_722 = arith.constant 62 : i32
        %parallel_loop3A_723 = arith.index_cast %parallel_loop3A_721 : i32 to index
        %parallel_loop3A_724 = arith.index_cast %parallel_loop3A_722 : i32 to index
        %parallel_loop3A_725 = arith.index_cast %parallel_loop3A_159 : i32 to index
        %parallel_loop3A_726 = tpu.vector_load %arg7[%parallel_loop3A_723, %parallel_loop3A_724, %parallel_loop3A_725] {strides = array<i32>} : memref<4x64x128xf32, #tpu.memory_space<vmem>>, vector<16xf32>,
        tpu.vector_store %arg7[%parallel_loop3A_723, %parallel_loop3A_724, %parallel_loop3A_725], %parallel_loop3A_720 {strides = array<i32>} : memref<4x64x128xf32, #tpu.memory_space<vmem>>, vector<16xf32>,
        %parallel_loop3A_727 = arith.constant 63000 : i32
        %parallel_loop3A_728 = tpu.memref_slice %arg5[%parallel_loop3A_727] : memref<64000xf32, #tpu.memory_space<vmem>> -> memref<1000xf32, #tpu.memory_space<vmem>>
        %parallel_loop3A_729 = tpu.vector_load_idx %parallel_loop3A_728[%parallel_loop3A_157] : memref<1000xf32, #tpu.memory_space<vmem>>[vector<16xi32>], vector<16xf32>,
        %parallel_loop3A_730 = arith.constant 3 : i32
        %parallel_loop3A_731 = arith.constant 63 : i32
        %parallel_loop3A_732 = arith.index_cast %parallel_loop3A_730 : i32 to index
        %parallel_loop3A_733 = arith.index_cast %parallel_loop3A_731 : i32 to index
        %parallel_loop3A_734 = arith.index_cast %parallel_loop3A_159 : i32 to index
        %parallel_loop3A_735 = tpu.vector_load %arg7[%parallel_loop3A_732, %parallel_loop3A_733, %parallel_loop3A_734] {strides = array<i32>} : memref<4x64x128xf32, #tpu.memory_space<vmem>>, vector<16xf32>,
        tpu.vector_store %arg7[%parallel_loop3A_732, %parallel_loop3A_733, %parallel_loop3A_734], %parallel_loop3A_729 {strides = array<i32>} : memref<4x64x128xf32, #tpu.memory_space<vmem>>, vector<16xf32>,
      } {sc.loop_unroll_factor = 4 : i64, sc.parallel_access}
      %mul3A_134 = arith.constant 64 : i32
      %mul3A_135 = arith.muli %scan3A_60, %mul3A_134 : i32
      %add3A_136 = arith.constant 384 : i32
      %add3A_137 = arith.addi %mul3A_2, %add3A_136 : i32
      %dma_start3A_138 = arith.constant 3 : i32
      %dma_start3A_139 = arith.constant 0 : i32
      %dma_start3A_140 = arith.constant 0 : i32
      %dma_start3A_141 = tpu.memref_slice %arg7[%dma_start3A_138, %dma_start3A_139, %dma_start3A_140] : memref<4x64x128xf32, #tpu.memory_space<vmem>> -> memref<1x64x128xf32, #tpu.memory_space<vmem>>
      %dma_start3A_142 = tpu.memref_squeeze %dma_start3A_141 : memref<1x64x128xf32, #tpu.memory_space<vmem>> -> memref<64x128xf32, #tpu.memory_space<vmem>>
      %dma_start3A_143 = tpu.memref_slice %arg4[%mul3A_135, %add3A_137] : memref<3200x16384xf32, #tpu.memory_space<hbm>> -> memref<64x128xf32, #tpu.memory_space<hbm>>
      %dma_start3A_144 = tpu.memref_slice %arg4[%mul3A_135, %add3A_137] : memref<3200x16384xf32, #tpu.memory_space<hbm>> -> memref<64x128xf32, #tpu.memory_space<hbm>>
      %dma_start3A_145 = arith.constant 0 : i32
      %dma_start3A_146 = arith.constant 0 : i32
      %dma_start3A_147 = tpu.memref_slice %arg7[%dma_start3A_138, %dma_start3A_145, %dma_start3A_146] : memref<4x64x128xf32, #tpu.memory_space<vmem>> -> memref<1x64x128xf32, #tpu.memory_space<vmem>>
      %dma_start3A_148 = tpu.memref_squeeze %dma_start3A_147 : memref<1x64x128xf32, #tpu.memory_space<vmem>> -> memref<64x128xf32, #tpu.memory_space<vmem>>
      tpu.enqueue_dma source(%dma_start3A_148 : memref<64x128xf32, #tpu.memory_space<vmem>>) target(%dma_start3A_144 : memref<64x128xf32, #tpu.memory_space<hbm>>) target_semaphore(%arg11 : memref<!tpu.dma_semaphore, #tpu.memory_space<semaphore_mem>>)
      %scan3A_149 = arith.constant 0 : i32
      scf.yield %scan3A_149 : i32
    }
    %scan3A_8 = arith.constant 50 : i32
    %dma_wait3A = arith.constant 0 : i32
    %dma_wait3A_9 = arith.constant 0 : i32
    %dma_wait3A_10 = arith.constant 0 : i32
    %dma_wait3A_11 = tpu.memref_slice %arg7[%dma_wait3A, %dma_wait3A_9, %dma_wait3A_10] : memref<4x64x128xf32, #tpu.memory_space<vmem>> -> memref<1x64x128xf32, #tpu.memory_space<vmem>>
    %dma_wait3A_12 = tpu.memref_squeeze %dma_wait3A_11 : memref<1x64x128xf32, #tpu.memory_space<vmem>> -> memref<64x128xf32, #tpu.memory_space<vmem>>
    %dma_wait3A_13 = arith.constant 0 : i32
    %dma_wait3A_14 = tpu.memref_slice %arg4[%dma_wait3A_13, %mul3A_2] : memref<3200x16384xf32, #tpu.memory_space<hbm>> -> memref<64x128xf32, #tpu.memory_space<hbm>>
    %dma_wait3A_15 = arith.constant 0 : i32
    %dma_wait3A_16 = tpu.memref_slice %arg4[%dma_wait3A_15, %mul3A_2] : memref<3200x16384xf32, #tpu.memory_space<hbm>> -> memref<64x128xf32, #tpu.memory_space<hbm>>
    %dma_wait3A_17 = arith.constant 0 : i32
    %dma_wait3A_18 = arith.constant 0 : i32
    %dma_wait3A_19 = tpu.memref_slice %arg7[%dma_wait3A, %dma_wait3A_17, %dma_wait3A_18] : memref<4x64x128xf32, #tpu.memory_space<vmem>> -> memref<1x64x128xf32, #tpu.memory_space<vmem>>
    %dma_wait3A_20 = tpu.memref_squeeze %dma_wait3A_19 : memref<1x64x128xf32, #tpu.memory_space<vmem>> -> memref<64x128xf32, #tpu.memory_space<vmem>>
    tpu.wait_dma2 semaphore(%arg8 : memref<!tpu.dma_semaphore, #tpu.memory_space<semaphore_mem>>) src(%dma_wait3A_20 : memref<64x128xf32, #tpu.memory_space<vmem>>) dst(%dma_wait3A_16 : memref<64x128xf32, #tpu.memory_space<hbm>>)
    %dma_wait3A_21 = arith.constant 1 : i32
    %dma_wait3A_22 = arith.constant 0 : i32
    %dma_wait3A_23 = arith.constant 0 : i32
    %dma_wait3A_24 = tpu.memref_slice %arg7[%dma_wait3A_21, %dma_wait3A_22, %dma_wait3A_23] : memref<4x64x128xf32, #tpu.memory_space<vmem>> -> memref<1x64x128xf32, #tpu.memory_space<vmem>>
    %dma_wait3A_25 = tpu.memref_squeeze %dma_wait3A_24 : memref<1x64x128xf32, #tpu.memory_space<vmem>> -> memref<64x128xf32, #tpu.memory_space<vmem>>
    %dma_wait3A_26 = arith.constant 0 : i32
    %dma_wait3A_27 = tpu.memref_slice %arg4[%dma_wait3A_26, %mul3A_2] : memref<3200x16384xf32, #tpu.memory_space<hbm>> -> memref<64x128xf32, #tpu.memory_space<hbm>>
    %dma_wait3A_28 = arith.constant 0 : i32
    %dma_wait3A_29 = tpu.memref_slice %arg4[%dma_wait3A_28, %mul3A_2] : memref<3200x16384xf32, #tpu.memory_space<hbm>> -> memref<64x128xf32, #tpu.memory_space<hbm>>
    %dma_wait3A_30 = arith.constant 0 : i32
    %dma_wait3A_31 = arith.constant 0 : i32
    %dma_wait3A_32 = tpu.memref_slice %arg7[%dma_wait3A_21, %dma_wait3A_30, %dma_wait3A_31] : memref<4x64x128xf32, #tpu.memory_space<vmem>> -> memref<1x64x128xf32, #tpu.memory_space<vmem>>
    %dma_wait3A_33 = tpu.memref_squeeze %dma_wait3A_32 : memref<1x64x128xf32, #tpu.memory_space<vmem>> -> memref<64x128xf32, #tpu.memory_space<vmem>>
    tpu.wait_dma2 semaphore(%arg9 : memref<!tpu.dma_semaphore, #tpu.memory_space<semaphore_mem>>) src(%dma_wait3A_33 : memref<64x128xf32, #tpu.memory_space<vmem>>) dst(%dma_wait3A_29 : memref<64x128xf32, #tpu.memory_space<hbm>>)
    %dma_wait3A_34 = arith.constant 2 : i32
    %dma_wait3A_35 = arith.constant 0 : i32
    %dma_wait3A_36 = arith.constant 0 : i32
    %dma_wait3A_37 = tpu.memref_slice %arg7[%dma_wait3A_34, %dma_wait3A_35, %dma_wait3A_36] : memref<4x64x128xf32, #tpu.memory_space<vmem>> -> memref<1x64x128xf32, #tpu.memory_space<vmem>>
    %dma_wait3A_38 = tpu.memref_squeeze %dma_wait3A_37 : memref<1x64x128xf32, #tpu.memory_space<vmem>> -> memref<64x128xf32, #tpu.memory_space<vmem>>
    %dma_wait3A_39 = arith.constant 0 : i32
    %dma_wait3A_40 = tpu.memref_slice %arg4[%dma_wait3A_39, %mul3A_2] : memref<3200x16384xf32, #tpu.memory_space<hbm>> -> memref<64x128xf32, #tpu.memory_space<hbm>>
    %dma_wait3A_41 = arith.constant 0 : i32
    %dma_wait3A_42 = tpu.memref_slice %arg4[%dma_wait3A_41, %mul3A_2] : memref<3200x16384xf32, #tpu.memory_space<hbm>> -> memref<64x128xf32, #tpu.memory_space<hbm>>
    %dma_wait3A_43 = arith.constant 0 : i32
    %dma_wait3A_44 = arith.constant 0 : i32
    %dma_wait3A_45 = tpu.memref_slice %arg7[%dma_wait3A_34, %dma_wait3A_43, %dma_wait3A_44] : memref<4x64x128xf32, #tpu.memory_space<vmem>> -> memref<1x64x128xf32, #tpu.memory_space<vmem>>
    %dma_wait3A_46 = tpu.memref_squeeze %dma_wait3A_45 : memref<1x64x128xf32, #tpu.memory_space<vmem>> -> memref<64x128xf32, #tpu.memory_space<vmem>>
    tpu.wait_dma2 semaphore(%arg10 : memref<!tpu.dma_semaphore, #tpu.memory_space<semaphore_mem>>) src(%dma_wait3A_46 : memref<64x128xf32, #tpu.memory_space<vmem>>) dst(%dma_wait3A_42 : memref<64x128xf32, #tpu.memory_space<hbm>>)
    %dma_wait3A_47 = arith.constant 3 : i32
    %dma_wait3A_48 = arith.constant 0 : i32
    %dma_wait3A_49 = arith.constant 0 : i32
    %dma_wait3A_50 = tpu.memref_slice %arg7[%dma_wait3A_47, %dma_wait3A_48, %dma_wait3A_49] : memref<4x64x128xf32, #tpu.memory_space<vmem>> -> memref<1x64x128xf32, #tpu.memory_space<vmem>>
    %dma_wait3A_51 = tpu.memref_squeeze %dma_wait3A_50 : memref<1x64x128xf32, #tpu.memory_space<vmem>> -> memref<64x128xf32, #tpu.memory_space<vmem>>
    %dma_wait3A_52 = arith.constant 0 : i32
    %dma_wait3A_53 = tpu.memref_slice %arg4[%dma_wait3A_52, %mul3A_2] : memref<3200x16384xf32, #tpu.memory_space<hbm>> -> memref<64x128xf32, #tpu.memory_space<hbm>>
    %dma_wait3A_54 = arith.constant 0 : i32
    %dma_wait3A_55 = tpu.memref_slice %arg4[%dma_wait3A_54, %mul3A_2] : memref<3200x16384xf32, #tpu.memory_space<hbm>> -> memref<64x128xf32, #tpu.memory_space<hbm>>
    %dma_wait3A_56 = arith.constant 0 : i32
    %dma_wait3A_57 = arith.constant 0 : i32
    %dma_wait3A_58 = tpu.memref_slice %arg7[%dma_wait3A_47, %dma_wait3A_56, %dma_wait3A_57] : memref<4x64x128xf32, #tpu.memory_space<vmem>> -> memref<1x64x128xf32, #tpu.memory_space<vmem>>
    %dma_wait3A_59 = tpu.memref_squeeze %dma_wait3A_58 : memref<1x64x128xf32, #tpu.memory_space<vmem>> -> memref<64x128xf32, #tpu.memory_space<vmem>>
    tpu.wait_dma2 semaphore(%arg11 : memref<!tpu.dma_semaphore, #tpu.memory_space<semaphore_mem>>) src(%dma_wait3A_59 : memref<64x128xf32, #tpu.memory_space<vmem>>) dst(%dma_wait3A_55 : memref<64x128xf32, #tpu.memory_space<hbm>>)
    return
  }
}

</mosaic_0001>

<sc_bundles>
// kernel: _lookup.3.cloned.1.call-start
scs
__scs_entry_jumppad:
0x0: {  	(pc) =	sbr.rel $0x88, $3  }
0x1: {  	(tag) =	ssettag $0x0;
	lr =	simm.s32 $0x1  }
0x2: {  	[smem:$0x3F9F] =	sst lr;
	_ =	strace $0xD0000000  }
0x3: {  	_ = 	snop  }
0x4: {  	_ = 	snop  }
0x5: {  	_ = 	snop  }
0x6: {  	_ = 	snop  }
0x7: {  	_ = 	snop  }
__scs_overlays_trampoline_lowered:
0x8: {  	[smem:$0x3FAE] =	sst s0  }
0x9: {  	[smem:$0x3FAF] =	sst s1  }
0xa: {  	[smem:$0x3FB0] =	sst s2  }
0xb: {  	[smem:$0x3FB1] =	sst s3  }
0xc: {  	[smem:$0x3FB2] =	sst s4  }
0xd: {  	[smem:$0x3FB3] =	sst s5  }
0xe: {  	[smem:$0x3FB4] =	sst s6  }
0xf: {  	[smem:$0x3FB5] =	sst s7  }
0x10: {  	[smem:$0x3FB6] =	sst s8  }
0x11: {  	[smem:$0x3FB7] =	sst s9;
	s0 =	simm.s32 @!p0 $0x0  }
0x12: {  	s1 =	sld [smem:$0x3F9D];
	s0 =	simm.s32 @p0 $0x1  }
0x13: {  	[smem:$0x3FB8] =	sst s0;
	s0 =	simm.s32 @!p1 $0x0  }
0x14: {  	s2 =	sld [smem:$0x3F9C];
	s0 =	simm.s32 @p1 $0x1  }
0x15: {  	[smem:$0x3FB9] =	sst s0;
	s0 =	simm.s32 @!p2 $0x0  }
0x16: {  	s3 =	sld [smem:$0x3FDB];
	s0 =	simm.s32 @p2 $0x1  }
0x17: {  	s4 =	simm.s32 $0x1BF5;
	[smem:$0x3FBB] =	sst s0  }
0x18: {  	s0 =	sld [smem:$0x3F9E];
	_ =	swait.ge [sflag:s4], $0x0  }
0x19: {  	s7 =	sld [smem:$0x3F9F]  }
0x1a: {  	s8 =	sadd.s32 $0xFFFFE003, lr  }
0x1b: {  	s9 =	sadd.s32 $0xFFFFFEF7, lr;
	s5 =	simm.s32 $0xFFFFFFFF;
	p2 =	slt.u32 s8, $0xFFFFF086  }
0x1c: {  	p1 =	slt.u32 s9, $0xF7A;
	s5 =	simm.s32 @!p2 $0x0  }
0x1d: {  	s5 =	simm.s32 @p1 $0x1;
	p0 =	seq.s32 s7, s2  }
0x1e: {  	s7 =	smul.u32 @!p0 $0xF7A, s2;
	p2 =	seq.s32 @!p0 s5, $0x0  }
0x1f: {  	s9 =	smul.u32 $0xF7A, s1;
	s8 =	simm.s32 @!p0 $0x1BF5;
	p2 =	por !p2, p0  }
0x20: {  	[sflag:s8] =	ssyncset.s32 @!p0 $0xFFFFF086;
	s6 =	sadd.s32 @!p0 s3, s7;
	s7 =	simm.s32 @!p0 $0x108  }
0x21: {  	s3 =	sadd.s32 s3, s9;
	s6 =	sadd.s32 @!p0 $0x88, s6;
	s7 =	simm.s32 @p2 $0x1082  }
0x22: {  	[simem:s7], [sflag:s8] =	dma.local @!p0 [hbm:s6], $0xF7A  }
0x23: {  	s9 =	sor.u32 $0xD0000000, s2;
	s6 =	simm.s32 $0x108;
	_ =	swait.ge @!p0 [sflag:s8], $0x0  }
0x24: {  	s3 =	sadd.s32 $0x88, s3;
	s6 =	simm.s32 @!p1 $0x1082;
	[sflag:s4] =	ssyncset.s32 $0xFFFFF086  }
0x25: {  	[simem:s6], [sflag:s4] =	dma.local [hbm:s3], $0xF7A  }
0x26: {  	[smem:$0x3F9F] =	sst s1;
	(tag) =	ssettag s2;
	_ =	strace s9  }
0x27: {  	s1 =	sld [smem:$0x3FAF]  }
0x28: {  	s2 =	sld [smem:$0x3FB0]  }
0x29: {  	s4 =	sld [smem:$0x3FB2]  }
0x2a: {  	p0 =	seq.s32 s5, $0x0;
	s5 =	sld [smem:$0x3FB3]  }
0x2b: {  	s6 =	sld [smem:$0x3FB4]  }
0x2c: {  	s7 =	sld [smem:$0x3FB5]  }
0x2d: {  	s3 =	simm.s32 $0x108;
	s8 =	sld [smem:$0x3FB6]  }
0x2e: {  	s3 =	simm.s32 @!p0 $0x1082;
	s9 =	sld [smem:$0x3FB7]  }
0x2f: {  	lr =	sadd.s32 s0, s3;
	s0 =	sld [smem:$0x3FAE]  }
0x30: {  	s3 =	sld [smem:$0x3FB1]  }
0x31: {  	[smem:$0x3FBA] =	sst s10  }
0x32: {  	s10 =	sld [smem:$0x3FB8];
	_ =	sdelay $0x3  }
0x33: {  	p0 =	seq.s32 s10, $0x1;
	s10 =	sld [smem:$0x3FBA];
	_ =	sdelay $0x3  }
0x34: {  	[smem:$0x3FBA] =	sst s10  }
0x35: {  	s10 =	sld [smem:$0x3FB9];
	_ =	sdelay $0x3  }
0x36: {  	p1 =	seq.s32 s10, $0x1;
	s10 =	sld [smem:$0x3FBA];
	_ =	sdelay $0x3  }
0x37: {  	[smem:$0x3FBA] =	sst s10  }
0x38: {  	s10 =	sld [smem:$0x3FBB]  }
0x39: {  	_ = 	snop;
	(pc) =	sbr.ind lr, $3  }
0x3a: {  	_ = 	snop  }
0x3b: {  	_ = 	snop  }
0x3c: {  	p2 =	seq.s32 s10, $0x1;
	s10 =	sld [smem:$0x3FBA]  }
0x3d: {  	_ =	shalt  }
0x3e: {  	_ =	shalt  }
0x3f: {  	_ =	shalt  }
0x40: {  	_ =	shalt  }
0x41: {  	_ =	shalt  }
0x42: {  	_ =	shalt  }
0x43: {  	_ =	shalt  }
0x44: {  	_ =	shalt  }
0x45: {  	_ =	shalt  }
0x46: {  	_ =	shalt  }
0x47: {  	_ =	shalt  }
0x48: {  	_ =	shalt  }
0x49: {  	_ =	shalt  }
0x4a: {  	_ =	shalt  }
0x4b: {  	_ =	shalt  }
0x4c: {  	_ =	shalt  }
0x4d: {  	_ =	shalt  }
0x4e: {  	_ =	shalt  }
0x4f: {  	_ =	shalt  }
0x50: {  	_ =	shalt  }
0x51: {  	_ =	shalt  }
0x52: {  	_ =	shalt  }
0x53: {  	_ =	shalt  }
0x54: {  	_ =	shalt  }
0x55: {  	_ =	shalt  }
0x56: {  	_ =	shalt  }
0x57: {  	_ =	shalt  }
0x58: {  	_ =	shalt  }
0x59: {  	_ =	shalt  }
0x5a: {  	_ =	shalt  }
0x5b: {  	_ =	shalt  }
0x5c: {  	_ =	shalt  }
0x5d: {  	_ =	shalt  }
0x5e: {  	_ =	shalt  }
0x5f: {  	_ =	shalt  }
0x60: {  	_ =	shalt  }
0x61: {  	_ =	shalt  }
0x62: {  	_ =	shalt  }
0x63: {  	_ =	shalt  }
0x64: {  	_ =	shalt  }
0x65: {  	_ =	shalt  }
0x66: {  	_ =	shalt  }
0x67: {  	_ =	shalt  }
0x68: {  	_ =	shalt  }
0x69: {  	_ =	shalt  }
0x6a: {  	_ =	shalt  }
0x6b: {  	_ =	shalt  }
0x6c: {  	_ =	shalt  }
0x6d: {  	_ =	shalt  }
0x6e: {  	_ =	shalt  }
0x6f: {  	_ =	shalt  }
0x70: {  	_ =	shalt  }
0x71: {  	_ =	shalt  }
0x72: {  	_ =	shalt  }
0x73: {  	_ =	shalt  }
0x74: {  	_ =	shalt  }
0x75: {  	_ =	shalt  }
0x76: {  	_ =	shalt  }
0x77: {  	_ =	shalt  }
0x78: {  	_ =	shalt  }
0x79: {  	_ =	shalt  }
0x7a: {  	_ =	shalt  }
0x7b: {  	_ =	shalt  }
0x7c: {  	_ =	shalt  }
0x7d: {  	_ =	shalt  }
0x7e: {  	_ =	shalt  }
0x7f: {  	_ =	shalt  }
0x80: {  	_ =	shalt  }
0x81: {  	_ =	shalt  }
0x82: {  	_ =	shalt  }
0x83: {  	_ =	shalt  }
0x84: {  	_ =	shalt  }
0x85: {  	_ =	shalt  }
0x86: {  	_ =	shalt  }
0x87: {  	_ =	shalt  }
.Lfunc_end0:
.L_simem_size_0:
called_computation_lowered:
.L_overlay_start_0:
0x88: {  	s2 =	sld [smem:$0x3FD9]  }
0x89: {  	s3 =	sld [smem:$0x3FFE];
	_ =	sdelay $0x1  }
0x8a: {  	s1 =	srdreg.scid  }
0x8b: {  	s0 =	sand.u32 $0x1, s1  }
0x8c: {  	s18 =	sshll.u32 s0, $0xA;
	s2 =	sadd.s32 s3, s2  }
0x8d: {  	s2 =	sadd.s32 s2, s18  }
0x8e: {  	[smem:$0x3FC6] =	sst s2  }
0x8f: {  	_ = 	snop  }
0x90: {  	s2 =	sld [smem:$0x3FC9]  }
0x91: {  	s19 =	sld [smem:$0x3FC8]  }
0x92: {  	s4 =	sld [smem:$0x3FD0];
	(tm) =	ssettm $0x1  }
0x93: {  	s5 =	sld [smem:$0x3FFB];
	_ =	sdelay $0x3  }
0x94: {  	_ =	strace s5  }
0x95: {  	s5 =	sld [smem:$0x3FFC];
	_ =	sdelay $0x3  }
0x96: {  	_ =	strace s5  }
0x97: {  	s5 =	sld [smem:$0x3FFD];
	_ =	sdelay $0x3  }
0x98: {  	_ =	strace s5  }
0x99: {  	_ =	strace $0x8FFFFFFF  }
0x9a: {  	s20 =	sld [smem:$0x3FDB];
	_ =	sdelay $0x1  }
0x9b: {  	s6 =	simm.s32 $_scs_section_size  }
0x9c: {  	s7 =	simm.s32 $_size__tile_overlayer_lowered;
	s8 =	simm.s32 $_tile_overlayer_lowered  }
0x9d: {  	s23 =	simm.s32 $0x1BFF;
	s22 =	sshll.u32 s8, $0x1;
	s5 =	sadd.s32 s6, s20  }
0x9e: {  	s9 =	simm.s32 $0x0;
	s21 =	sshll.u32 s7, $0x1;
	s7 =	sadd.s32 s22, s5  }
0x9f: {  	[timem:s9], [sflag:s23] =	dma.local [hbm:s7], s21  }
0xa0: {  	_ =	swait.ge [sflag:s23], s21  }
0xa1: {  	s6 =	ssub.s32 $0x0, s21;
	[sflag:s23] =	ssyncset.done $0x0  }
0xa2: {  	[sflag:s23] =	ssyncadd.s32 s6;
	_ =	sdelay $0x1  }
0xa3: {  	s24 =	simm.s32 $0x1B8B  }
0xa4: {  	_ =	swait.ge [sflag:s24], $0x1  }
0xa5: {  	[sflag:s24] =	ssyncset.done $0x0  }
0xa6: {  	s25 =	simm.s32 $0x1B8E;
	[sflag:s24] =	ssyncadd.s32 $0xFFFFFFFF  }
0xa7: {  	s26 =	simm.s32 $execute0_lowered;
	[smem:$0x3FD2] =	sst s25  }
0xa8: {  	s6 =	sshll.u32 s26, $0x1;
	_ =	strace $0x80000046;
	[dreg:$0x1] =	wrdreg $0xFFFFFFFF  }
0xa9: {  	s28 =	simm.s32 $_size_execute0_lowered;
	s5 =	sadd.s32 s5, s6;
	[dreg:$0x0] =	wrdreg $0x0  }
0xaa: {  	s6 =	sshll.u32 s28, $0x1;
	[dreg:$0x2] =	wrdreg s5  }
0xab: {  	[dreg:$0x3] =	wrdreg s6  }
0xac: {  	[dreg:$0x4] =	wrdreg $0xC0  }
0xad: {  	_ =	task [dreg:s9], $0x5FFFF  }
0xae: {  	[dreg:$0x1] =	wrdreg $0xFFFFFFFF  }
0xaf: {  	[dreg:$0x0] =	wrdreg $0x60  }
0xb0: {  	[dreg:$0x2] =	wrdreg s2  }
0xb1: {  	[dreg:$0x3] =	wrdreg s19  }
0xb2: {  	[dreg:$0x4] =	wrdreg s4  }
0xb3: {  	[dreg:$0x5] =	wrdreg $0x9  }
0xb4: {  	_ =	task.clear_ibuf [dreg:s9], $0x6FFFF;
	_ =	strace $0x90000046  }
0xb5: {  	s29 =	simm.s32 $0x9;
	_ =	strace $0x80000048  }
0xb6: {  	_ =	swait.ge [sflag:s29], $0x1  }
0xb7: {  	[sflag:s29] =	ssyncadd.s32 $0xFFFFFFFF  }
0xb8: {  	_ =	strace $0x90000048  }
0xb9: {  	_ =	sfence  }
0xba: {  	s30 =	sld [smem:$0x0];
	_ =	sdelay $0x2  }
0xbb: {  	s31 =	sshll.u32 s1, $0xD;
	s1 =	sshrl.u32 s1, $0x2  }
0xbc: {  	s3 =	sand.u32 $0x4000, s31;
	s1 =	sadd.s32 s1, s30  }
0xbd: {  	s0 =	sor.u32 s3, s0;
	s1 =	sshll.u32 s1, $0x11  }
0xbe: {  	s0 =	sor.u32 s1, s0  }
0xbf: {  	s0 =	sadd.s32 $0x8F2B, s0  }
0xc0: {  	[sflag:s0] =	ssyncadd.remote.s32 $0x1  }
0xc1: {  	_ =	sfence.sel $0xFFFF  }
0xc2: {  	[dreg:$0x0] =	wrdreg $0xFFFFFFFF;
	(pc) =	sbr.abs _section_cstart, $3  }
0xc3: {  	[dreg:$0x1] =	wrdreg $0xFFFFFFFF  }
0xc4: {  	_ =	task.clear_ibuf [dreg:s9], $0x2FFFF;
	_ =	strace $0x9FFFFFFF  }
0xc5: {  	(tm) =	ssettm $0x7FFFFFFF  }
tec
execute0_lowered:
.L_overlay_start_1:
0x0: {  	(tag) =	ssettag $0x1  }
0x1: {  	s0 =	rddreg [dreg:$0x0]  }
0x2: {  	s5 =	rddreg [dreg:$0x2]  }
0x3: {  	s15 =	simm.s32 $0x0;
	s1 =	srdreg.scid;
	s3 =	stileid.u32  }
0x4: {  	s10 =	simm.s32 $0xBB80;
	s12 =	simm.s32 $0xBF68;
	s6 =	simm.s32 $0xC350  }
0x5: {  	s8 =	simm.s32 $0xC738;
	s9 =	simm.s32 $0xCB20;
	s7 =	simm.s32 $0xD2F0  }
0x6: {  	s11 =	simm.s32 $0xDAC0;
	s13 =	simm.s32 $0xE290;
	s19 =	simm.s32 $0xF230  }
0x7: {  	s20 =	simm.s32 $0xF618;
	[smem:$0x7FF] =	sst s15;
	s1 =	sand.u32 $0x1, s1  }
0x8: {  	s3 =	sshll.u32 s3, $0xA;
	s2 =	ssub.s32 $0x2, s1;
	s1 =	sshll.u32 s1, $0x9  }
0x9: {  	_ =	strace $0x80000047;
	s4 =	sshrl.u32 s2, $0x1;
	s3 =	sor.u32 s1, s3  }
0xa: {  	s1 =	simm.s32 $0x0;
	s0 =	sadd.s32 s0, s3;
	[dreg:$0x4] =	wrdreg s3  }
0xb: {  	s29 =	ssub.s32 s2, s4;
	s30 =	sadd.s32 s5, s3;
	[dreg:$0x5] =	wrdreg s0  }
0xc: {  	s3 =	simm.s32 $0xB3B0;
	[dreg:$0x6] =	wrdreg s30;
	s31 =	smax.u32 s29, $0x1  }
0xd: {  	s5 =	simm.s32 $0xD6D8;
	s4 =	simm.s32 $0xDEA8;
	[dreg:$0x7] =	wrdreg s31  }
.LBB2_1:
0xe: {  	[dreg:$0x8] =	wrdreg s1  }
0xf: {  	s14 =	rddreg [dreg:$0x1];
	s0 =	simm.s32 $0x5  }
0x10: {  	[tilespmem:s15], [sflag:$0x5] =	stream.linear.gather [hbm4b:s14+s15], $0xFA00, $0x38;
	[tilespmem:$0x1EA00] =	vst v63  }
0x11: {  	_ =	swait.ge [sflag:s0], $0xFA00  }
0x12: {  	s16 =	simm.s32 $0x1000;
	s17 =	simm.s32 $0x20000;
	[sflag:s0] =	ssyncset.done $0x0  }
0x13: {  	s18 =	simm.s32 $0xFA00;
	s31 =	rddreg [dreg:$0x5];
	[sflag:s0] =	ssyncadd.s32 $0xFFFF0600  }
0x14: {  	[tilespmem:s18], [sflag:$0x5] =	stream.strided.gather [hbm4b:s31+s16], $0x7000, s17, s16, $0x38;
	[tilespmem:$0x1EA00] =	vst v63  }
0x15: {  	_ =	swait.ge [sflag:s0], $0x7000  }
0x16: {  	s22 =	simm.s32 $0x7D0;
	[sflag:s0] =	ssyncset.done $0x0  }
0x17: {  	s21 =	simm.s32 $0x3E8;
	[sflag:s0] =	ssyncadd.s32 $0xFFFF9000;
	s0 =	simm.s32 $0x0  }
.LBB2_2:
0x18: {  	s14 =	sshll.u32 s0, $0x9;
	s1 =	sshll.u32 s0, $0x7  }
0x19: {  	p0 =	seq.s32 s0, $0x0;
	s26 =	sand.u32 $0x7000, s14;
	s1 =	sand.u32 $0x380, s1  }
0x1a: {  	[dreg:$0x9] =	wrdreg s0;
	p1 =	por $0x1, $0x1;
	s14 =	sor.u32 s1, s26  }
0x1b: {  	s28 =	simm.s32 $0xA028;
	s29 =	simm.s32 $0xA410;
	s0 =	sadd.s32 $0xFA00, s14  }
0x1c: {  	s30 =	simm.s32 $0xA7F8;
	s31 =	simm.s32 $0xABE0;
	s2 =	simm.s32 @!p0 $0x1;
	v0 =	vmov s0  }
0x1d: {  	s18 =	simm.s32 $0xE678;
	_ =	swait.ge @!p0 [sflag:s2], $0x2000;
	[dreg:$0xd] =	wrdreg s26  }
0x1e: {  	s17 =	simm.s32 $0xEA60;
	s16 =	simm.s32 $0xEE48;
	[dreg:$0xe] =	wrdreg s1  }
0x1f: {  	s26 =	simm.s32 $0x9C40;
	s1 =	simm.s32 $0xB798;
	[sflag:s2] =	ssyncset.done @!p0 $0x0  }
0x20: {  	s14 =	simm.s32 $0x0;
	[sflag:s2] =	ssyncadd.s32 @!p0 $0xFFFFE000;
	s2 =	simm.s32 $0xCF08  }
.LBB2_3:
0x21: {  	v1 =	vld.idx.msk [tilespmem:v0+s14+$0x0 ss:$0x1], $0xffff;
	_ =	sdelay $0x7  }
0x22: {  	v2 =	vld.idx.msk [tilespmem:v1+s15+$0x0], $0xffff;
	_ =	sdelay $0x4  }
0x23: {  	[tilespmem:s14+$0x16A00] =	vst v2  }
0x24: {  	v2 =	vld.idx.msk [tilespmem:v1+s21+$0x0], $0xffff;
	_ =	sdelay $0x4  }
0x25: {  	[tilespmem:s14+$0x16A80] =	vst v2  }
0x26: {  	v2 =	vld.idx.msk [tilespmem:v1+s22+$0x0], $0xffff;
	_ =	sdelay $0x4  }
0x27: {  	s0 =	simm.s32 $0xBB8;
	[tilespmem:s14+$0x16B00] =	vst v2  }
0x28: {  	v2 =	vld.idx.msk [tilespmem:v1+s0+$0x0], $0xffff;
	_ =	sdelay $0x4  }
0x29: {  	s23 =	simm.s32 $0xFA0;
	[tilespmem:s14+$0x16B80] =	vst v2  }
0x2a: {  	v2 =	vld.idx.msk [tilespmem:v1+s23+$0x0], $0xffff;
	_ =	sdelay $0x4  }
0x2b: {  	s24 =	simm.s32 $0x1388;
	[tilespmem:s14+$0x16C00] =	vst v2  }
0x2c: {  	v2 =	vld.idx.msk [tilespmem:v1+s24+$0x0], $0xffff;
	_ =	sdelay $0x4  }
0x2d: {  	s25 =	simm.s32 $0x1770;
	[tilespmem:s14+$0x16C80] =	vst v2  }
0x2e: {  	v2 =	vld.idx.msk [tilespmem:v1+s25+$0x0], $0xffff;
	_ =	sdelay $0x4  }
0x2f: {  	s25 =	simm.s32 $0x1B58;
	[tilespmem:s14+$0x16D00] =	vst v2  }
0x30: {  	v2 =	vld.idx.msk [tilespmem:v1+s25+$0x0], $0xffff;
	_ =	sdelay $0x4  }
0x31: {  	[tilespmem:s14+$0x16D80] =	vst v2  }
0x32: {  	v4 =	vld.idx.msk [tilespmem:v0+s14+$0x10 ss:$0x1], $0xffff  }
0x33: {  	v2 =	vld.idx.msk [tilespmem:v0+s14+$0x20 ss:$0x1], $0xffff  }
0x34: {  	v3 =	vld.idx.msk [tilespmem:v0+s14+$0x30 ss:$0x1], $0xffff;
	_ =	sdelay $0x5  }
0x35: {  	v5 =	vld.idx.msk [tilespmem:v4+s15+$0x0], $0xffff  }
0x36: {  	v6 =	vld.idx.msk [tilespmem:v2+s15+$0x0], $0xffff  }
0x37: {  	v7 =	vld.idx.msk [tilespmem:v3+s15+$0x0], $0xffff;
	_ =	sdelay $0x2  }
0x38: {  	[tilespmem:s14+$0x16A10] =	vst v5  }
0x39: {  	[tilespmem:s14+$0x16A20] =	vst v6;
	v5 =	vld.idx.msk [tilespmem:v4+s21+$0x0], $0xffff  }
0x3a: {  	[tilespmem:s14+$0x16A30] =	vst v7;
	v6 =	vld.idx.msk [tilespmem:v2+s21+$0x0], $0xffff  }
0x3b: {  	v7 =	vld.idx.msk [tilespmem:v3+s21+$0x0], $0xffff;
	_ =	sdelay $0x2  }
0x3c: {  	[tilespmem:s14+$0x16A90] =	vst v5  }
0x3d: {  	[tilespmem:s14+$0x16AA0] =	vst v6;
	v5 =	vld.idx.msk [tilespmem:v4+s22+$0x0], $0xffff  }
0x3e: {  	[tilespmem:s14+$0x16AB0] =	vst v7;
	v6 =	vld.idx.msk [tilespmem:v2+s22+$0x0], $0xffff  }
0x3f: {  	v7 =	vld.idx.msk [tilespmem:v3+s22+$0x0], $0xffff;
	_ =	sdelay $0x2  }
0x40: {  	[tilespmem:s14+$0x16B10] =	vst v5  }
0x41: {  	[tilespmem:s14+$0x16B20] =	vst v6;
	v5 =	vld.idx.msk [tilespmem:v4+s0+$0x0], $0xffff  }
0x42: {  	[tilespmem:s14+$0x16B30] =	vst v7;
	v6 =	vld.idx.msk [tilespmem:v2+s0+$0x0], $0xffff  }
0x43: {  	v7 =	vld.idx.msk [tilespmem:v3+s0+$0x0], $0xffff;
	_ =	sdelay $0x2  }
0x44: {  	[tilespmem:s14+$0x16B90] =	vst v5  }
0x45: {  	[tilespmem:s14+$0x16BA0] =	vst v6;
	v5 =	vld.idx.msk [tilespmem:v4+s23+$0x0], $0xffff  }
0x46: {  	[tilespmem:s14+$0x16BB0] =	vst v7;
	v6 =	vld.idx.msk [tilespmem:v2+s23+$0x0], $0xffff  }
0x47: {  	v7 =	vld.idx.msk [tilespmem:v3+s23+$0x0], $0xffff;
	_ =	sdelay $0x2  }
0x48: {  	[tilespmem:s14+$0x16C10] =	vst v5  }
0x49: {  	[tilespmem:s14+$0x16C20] =	vst v6;
	v5 =	vld.idx.msk [tilespmem:v4+s24+$0x0], $0xffff  }
0x4a: {  	[tilespmem:s14+$0x16C30] =	vst v7;
	v6 =	vld.idx.msk [tilespmem:v2+s24+$0x0], $0xffff  }
0x4b: {  	v7 =	vld.idx.msk [tilespmem:v3+s24+$0x0], $0xffff;
	_ =	sdelay $0x2  }
0x4c: {  	s23 =	simm.s32 $0x1770;
	[tilespmem:s14+$0x16C90] =	vst v5  }
0x4d: {  	[tilespmem:s14+$0x16CA0] =	vst v6;
	v5 =	vld.idx.msk [tilespmem:v4+s23+$0x0], $0xffff  }
0x4e: {  	[tilespmem:s14+$0x16CB0] =	vst v7;
	v6 =	vld.idx.msk [tilespmem:v2+s23+$0x0], $0xffff  }
0x4f: {  	v7 =	vld.idx.msk [tilespmem:v3+s23+$0x0], $0xffff;
	_ =	sdelay $0x2  }
0x50: {  	[tilespmem:s14+$0x16D10] =	vst v5  }
0x51: {  	[tilespmem:s14+$0x16D20] =	vst v6;
	v5 =	vld.idx.msk [tilespmem:v4+s25+$0x0], $0xffff  }
0x52: {  	[tilespmem:s14+$0x16D30] =	vst v7;
	v6 =	vld.idx.msk [tilespmem:v2+s25+$0x0], $0xffff  }
0x53: {  	v7 =	vld.idx.msk [tilespmem:v3+s25+$0x0], $0xffff;
	_ =	sdelay $0x1  }
0x54: {  	s24 =	simm.s32 $0x1F40  }
0x55: {  	v8 =	vld.idx.msk [tilespmem:v1+s24+$0x0], $0xffff;
	[tilespmem:s14+$0x16D90] =	vst v5  }
0x56: {  	[tilespmem:s14+$0x16DA0] =	vst v6;
	v5 =	vld.idx.msk [tilespmem:v4+s24+$0x0], $0xffff  }
0x57: {  	[tilespmem:s14+$0x16DB0] =	vst v7;
	v6 =	vld.idx.msk [tilespmem:v2+s24+$0x0], $0xffff  }
0x58: {  	v7 =	vld.idx.msk [tilespmem:v3+s24+$0x0], $0xffff;
	_ =	sdelay $0x1  }
0x59: {  	s23 =	simm.s32 $0x2328;
	[tilespmem:s14+$0x16E00] =	vst v8  }
0x5a: {  	v8 =	vld.idx.msk [tilespmem:v1+s23+$0x0], $0xffff;
	[tilespmem:s14+$0x16E10] =	vst v5  }
0x5b: {  	[tilespmem:s14+$0x16E20] =	vst v6;
	v5 =	vld.idx.msk [tilespmem:v4+s23+$0x0], $0xffff  }
0x5c: {  	[tilespmem:s14+$0x16E30] =	vst v7;
	v6 =	vld.idx.msk [tilespmem:v2+s23+$0x0], $0xffff  }
0x5d: {  	v7 =	vld.idx.msk [tilespmem:v3+s23+$0x0], $0xffff;
	_ =	sdelay $0x1  }
0x5e: {  	[tilespmem:s14+$0x16E80] =	vst v8;
	s24 =	simm.s32 $0x2710  }
0x5f: {  	v8 =	vld.idx.msk [tilespmem:v1+s24+$0x0], $0xffff;
	[tilespmem:s14+$0x16E90] =	vst v5  }
0x60: {  	[tilespmem:s14+$0x16EA0] =	vst v6;
	v5 =	vld.idx.msk [tilespmem:v4+s24+$0x0], $0xffff  }
0x61: {  	[tilespmem:s14+$0x16EB0] =	vst v7;
	v6 =	vld.idx.msk [tilespmem:v2+s24+$0x0], $0xffff  }
0x62: {  	v7 =	vld.idx.msk [tilespmem:v3+s24+$0x0], $0xffff;
	_ =	sdelay $0x1  }
0x63: {  	s23 =	simm.s32 $0x2AF8;
	[tilespmem:s14+$0x16F00] =	vst v8  }
0x64: {  	v8 =	vld.idx.msk [tilespmem:v1+s23+$0x0], $0xffff;
	[tilespmem:s14+$0x16F10] =	vst v5  }
0x65: {  	[tilespmem:s14+$0x16F20] =	vst v6;
	v5 =	vld.idx.msk [tilespmem:v4+s23+$0x0], $0xffff  }
0x66: {  	[tilespmem:s14+$0x16F30] =	vst v7;
	v6 =	vld.idx.msk [tilespmem:v2+s23+$0x0], $0xffff  }
0x67: {  	v7 =	vld.idx.msk [tilespmem:v3+s23+$0x0], $0xffff;
	_ =	sdelay $0x1  }
0x68: {  	s24 =	simm.s32 $0x2EE0;
	[tilespmem:s14+$0x16F80] =	vst v8  }
0x69: {  	v8 =	vld.idx.msk [tilespmem:v1+s24+$0x0], $0xffff;
	[tilespmem:s14+$0x16F90] =	vst v5  }
0x6a: {  	[tilespmem:s14+$0x16FA0] =	vst v6;
	v5 =	vld.idx.msk [tilespmem:v4+s24+$0x0], $0xffff  }
0x6b: {  	[tilespmem:s14+$0x16FB0] =	vst v7;
	v6 =	vld.idx.msk [tilespmem:v2+s24+$0x0], $0xffff  }
0x6c: {  	v7 =	vld.idx.msk [tilespmem:v3+s24+$0x0], $0xffff;
	_ =	sdelay $0x1  }
0x6d: {  	s23 =	simm.s32 $0x32C8;
	[tilespmem:s14+$0x17000] =	vst v8  }
0x6e: {  	v8 =	vld.idx.msk [tilespmem:v1+s23+$0x0], $0xffff;
	[tilespmem:s14+$0x17010] =	vst v5  }
0x6f: {  	[tilespmem:s14+$0x17020] =	vst v6;
	v5 =	vld.idx.msk [tilespmem:v4+s23+$0x0], $0xffff  }
0x70: {  	[tilespmem:s14+$0x17030] =	vst v7;
	v6 =	vld.idx.msk [tilespmem:v2+s23+$0x0], $0xffff  }
0x71: {  	v7 =	vld.idx.msk [tilespmem:v3+s23+$0x0], $0xffff;
	_ =	sdelay $0x1  }
0x72: {  	s24 =	simm.s32 $0x36B0;
	[tilespmem:s14+$0x17080] =	vst v8  }
0x73: {  	v8 =	vld.idx.msk [tilespmem:v1+s24+$0x0], $0xffff;
	[tilespmem:s14+$0x17090] =	vst v5  }
0x74: {  	[tilespmem:s14+$0x170A0] =	vst v6;
	v5 =	vld.idx.msk [tilespmem:v4+s24+$0x0], $0xffff  }
0x75: {  	[tilespmem:s14+$0x170B0] =	vst v7;
	v6 =	vld.idx.msk [tilespmem:v2+s24+$0x0], $0xffff  }
0x76: {  	v7 =	vld.idx.msk [tilespmem:v3+s24+$0x0], $0xffff;
	_ =	sdelay $0x1  }
0x77: {  	s23 =	simm.s32 $0x3A98;
	[tilespmem:s14+$0x17100] =	vst v8  }
0x78: {  	v8 =	vld.idx.msk [tilespmem:v1+s23+$0x0], $0xffff;
	[tilespmem:s14+$0x17110] =	vst v5  }
0x79: {  	[tilespmem:s14+$0x17120] =	vst v6;
	v5 =	vld.idx.msk [tilespmem:v4+s23+$0x0], $0xffff  }
0x7a: {  	[tilespmem:s14+$0x17130] =	vst v7;
	v6 =	vld.idx.msk [tilespmem:v2+s23+$0x0], $0xffff  }
0x7b: {  	v7 =	vld.idx.msk [tilespmem:v3+s23+$0x0], $0xffff;
	_ =	sdelay $0x1  }
0x7c: {  	s24 =	simm.s32 $0x3E80;
	[tilespmem:s14+$0x17180] =	vst v8  }
0x7d: {  	v8 =	vld.idx.msk [tilespmem:v1+s24+$0x0], $0xffff;
	[tilespmem:s14+$0x17190] =	vst v5  }
0x7e: {  	[tilespmem:s14+$0x171A0] =	vst v6;
	v5 =	vld.idx.msk [tilespmem:v4+s24+$0x0], $0xffff  }
0x7f: {  	[tilespmem:s14+$0x171B0] =	vst v7;
	v6 =	vld.idx.msk [tilespmem:v2+s24+$0x0], $0xffff  }
0x80: {  	v7 =	vld.idx.msk [tilespmem:v3+s24+$0x0], $0xffff;
	_ =	sdelay $0x1  }
0x81: {  	s23 =	simm.s32 $0x4268;
	[tilespmem:s14+$0x17200] =	vst v8  }
0x82: {  	v8 =	vld.idx.msk [tilespmem:v1+s23+$0x0], $0xffff;
	[tilespmem:s14+$0x17210] =	vst v5  }
0x83: {  	[tilespmem:s14+$0x17220] =	vst v6;
	v5 =	vld.idx.msk [tilespmem:v4+s23+$0x0], $0xffff  }
0x84: {  	[tilespmem:s14+$0x17230] =	vst v7;
	v6 =	vld.idx.msk [tilespmem:v2+s23+$0x0], $0xffff  }
0x85: {  	v7 =	vld.idx.msk [tilespmem:v3+s23+$0x0], $0xffff;
	_ =	sdelay $0x1  }
0x86: {  	s24 =	simm.s32 $0x4650;
	[tilespmem:s14+$0x17280] =	vst v8  }
0x87: {  	v8 =	vld.idx.msk [tilespmem:v1+s24+$0x0], $0xffff;
	[tilespmem:s14+$0x17290] =	vst v5  }
0x88: {  	[tilespmem:s14+$0x172A0] =	vst v6;
	v5 =	vld.idx.msk [tilespmem:v4+s24+$0x0], $0xffff  }
0x89: {  	[tilespmem:s14+$0x172B0] =	vst v7;
	v6 =	vld.idx.msk [tilespmem:v2+s24+$0x0], $0xffff  }
0x8a: {  	v7 =	vld.idx.msk [tilespmem:v3+s24+$0x0], $0xffff;
	_ =	sdelay $0x1  }
0x8b: {  	s23 =	simm.s32 $0x4A38;
	[tilespmem:s14+$0x17300] =	vst v8  }
0x8c: {  	v8 =	vld.idx.msk [tilespmem:v1+s23+$0x0], $0xffff;
	[tilespmem:s14+$0x17310] =	vst v5  }
0x8d: {  	[tilespmem:s14+$0x17320] =	vst v6;
	v5 =	vld.idx.msk [tilespmem:v4+s23+$0x0], $0xffff  }
0x8e: {  	[tilespmem:s14+$0x17330] =	vst v7;
	v6 =	vld.idx.msk [tilespmem:v2+s23+$0x0], $0xffff  }
0x8f: {  	v7 =	vld.idx.msk [tilespmem:v3+s23+$0x0], $0xffff;
	_ =	sdelay $0x1  }
0x90: {  	s24 =	simm.s32 $0x4E20;
	[tilespmem:s14+$0x17380] =	vst v8  }
0x91: {  	v8 =	vld.idx.msk [tilespmem:v1+s24+$0x0], $0xffff;
	[tilespmem:s14+$0x17390] =	vst v5  }
0x92: {  	[tilespmem:s14+$0x173A0] =	vst v6;
	v5 =	vld.idx.msk [tilespmem:v4+s24+$0x0], $0xffff  }
0x93: {  	[tilespmem:s14+$0x173B0] =	vst v7;
	v6 =	vld.idx.msk [tilespmem:v2+s24+$0x0], $0xffff  }
0x94: {  	v7 =	vld.idx.msk [tilespmem:v3+s24+$0x0], $0xffff;
	_ =	sdelay $0x1  }
0x95: {  	s23 =	simm.s32 $0x5208;
	[tilespmem:s14+$0x17400] =	vst v8  }
0x96: {  	v8 =	vld.idx.msk [tilespmem:v1+s23+$0x0], $0xffff;
	[tilespmem:s14+$0x17410] =	vst v5  }
0x97: {  	[tilespmem:s14+$0x17420] =	vst v6;
	v5 =	vld.idx.msk [tilespmem:v4+s23+$0x0], $0xffff  }
0x98: {  	[tilespmem:s14+$0x17430] =	vst v7;
	v6 =	vld.idx.msk [tilespmem:v2+s23+$0x0], $0xffff  }
0x99: {  	v7 =	vld.idx.msk [tilespmem:v3+s23+$0x0], $0xffff;
	_ =	sdelay $0x1  }
0x9a: {  	s24 =	simm.s32 $0x55F0;
	[tilespmem:s14+$0x17480] =	vst v8  }
0x9b: {  	v8 =	vld.idx.msk [tilespmem:v1+s24+$0x0], $0xffff;
	[tilespmem:s14+$0x17490] =	vst v5  }
0x9c: {  	[tilespmem:s14+$0x174A0] =	vst v6;
	v5 =	vld.idx.msk [tilespmem:v4+s24+$0x0], $0xffff  }
0x9d: {  	[tilespmem:s14+$0x174B0] =	vst v7;
	v6 =	vld.idx.msk [tilespmem:v2+s24+$0x0], $0xffff  }
0x9e: {  	v7 =	vld.idx.msk [tilespmem:v3+s24+$0x0], $0xffff;
	_ =	sdelay $0x1  }
0x9f: {  	s23 =	simm.s32 $0x59D8;
	[tilespmem:s14+$0x17500] =	vst v8  }
0xa0: {  	v8 =	vld.idx.msk [tilespmem:v1+s23+$0x0], $0xffff;
	[tilespmem:s14+$0x17510] =	vst v5  }
0xa1: {  	[tilespmem:s14+$0x17520] =	vst v6;
	v5 =	vld.idx.msk [tilespmem:v4+s23+$0x0], $0xffff  }
0xa2: {  	[tilespmem:s14+$0x17530] =	vst v7;
	v6 =	vld.idx.msk [tilespmem:v2+s23+$0x0], $0xffff  }
0xa3: {  	v7 =	vld.idx.msk [tilespmem:v3+s23+$0x0], $0xffff;
	_ =	sdelay $0x1  }
0xa4: {  	s24 =	simm.s32 $0x5DC0;
	[tilespmem:s14+$0x17580] =	vst v8  }
0xa5: {  	v8 =	vld.idx.msk [tilespmem:v1+s24+$0x0], $0xffff;
	[tilespmem:s14+$0x17590] =	vst v5  }
0xa6: {  	[tilespmem:s14+$0x175A0] =	vst v6;
	v5 =	vld.idx.msk [tilespmem:v4+s24+$0x0], $0xffff  }
0xa7: {  	[tilespmem:s14+$0x175B0] =	vst v7;
	v6 =	vld.idx.msk [tilespmem:v2+s24+$0x0], $0xffff  }
0xa8: {  	v7 =	vld.idx.msk [tilespmem:v3+s24+$0x0], $0xffff;
	_ =	sdelay $0x1  }
0xa9: {  	s23 =	simm.s32 $0x61A8;
	[tilespmem:s14+$0x17600] =	vst v8  }
0xaa: {  	v8 =	vld.idx.msk [tilespmem:v1+s23+$0x0], $0xffff;
	[tilespmem:s14+$0x17610] =	vst v5  }
0xab: {  	[tilespmem:s14+$0x17620] =	vst v6;
	v5 =	vld.idx.msk [tilespmem:v4+s23+$0x0], $0xffff  }
0xac: {  	[tilespmem:s14+$0x17630] =	vst v7;
	v6 =	vld.idx.msk [tilespmem:v2+s23+$0x0], $0xffff  }
0xad: {  	v7 =	vld.idx.msk [tilespmem:v3+s23+$0x0], $0xffff;
	_ =	sdelay $0x1  }
0xae: {  	s24 =	simm.s32 $0x6590;
	[tilespmem:s14+$0x17680] =	vst v8  }
0xaf: {  	v8 =	vld.idx.msk [tilespmem:v1+s24+$0x0], $0xffff;
	[tilespmem:s14+$0x17690] =	vst v5  }
0xb0: {  	[tilespmem:s14+$0x176A0] =	vst v6;
	v5 =	vld.idx.msk [tilespmem:v4+s24+$0x0], $0xffff  }
0xb1: {  	[tilespmem:s14+$0x176B0] =	vst v7;
	v6 =	vld.idx.msk [tilespmem:v2+s24+$0x0], $0xffff  }
0xb2: {  	v7 =	vld.idx.msk [tilespmem:v3+s24+$0x0], $0xffff;
	_ =	sdelay $0x1  }
0xb3: {  	s23 =	simm.s32 $0x6978;
	[tilespmem:s14+$0x17700] =	vst v8  }
0xb4: {  	v8 =	vld.idx.msk [tilespmem:v1+s23+$0x0], $0xffff;
	[tilespmem:s14+$0x17710] =	vst v5  }
0xb5: {  	[tilespmem:s14+$0x17720] =	vst v6;
	v5 =	vld.idx.msk [tilespmem:v4+s23+$0x0], $0xffff  }
0xb6: {  	[tilespmem:s14+$0x17730] =	vst v7;
	v6 =	vld.idx.msk [tilespmem:v2+s23+$0x0], $0xffff  }
0xb7: {  	v7 =	vld.idx.msk [tilespmem:v3+s23+$0x0], $0xffff;
	_ =	sdelay $0x1  }
0xb8: {  	s24 =	simm.s32 $0x6D60;
	[tilespmem:s14+$0x17780] =	vst v8  }
0xb9: {  	v8 =	vld.idx.msk [tilespmem:v1+s24+$0x0], $0xffff;
	[tilespmem:s14+$0x17790] =	vst v5  }
0xba: {  	[tilespmem:s14+$0x177A0] =	vst v6;
	v5 =	vld.idx.msk [tilespmem:v4+s24+$0x0], $0xffff  }
0xbb: {  	[tilespmem:s14+$0x177B0] =	vst v7;
	v6 =	vld.idx.msk [tilespmem:v2+s24+$0x0], $0xffff  }
0xbc: {  	v7 =	vld.idx.msk [tilespmem:v3+s24+$0x0], $0xffff;
	_ =	sdelay $0x1  }
0xbd: {  	s23 =	simm.s32 $0x7148;
	[tilespmem:s14+$0x17800] =	vst v8  }
0xbe: {  	v8 =	vld.idx.msk [tilespmem:v1+s23+$0x0], $0xffff;
	[tilespmem:s14+$0x17810] =	vst v5  }
0xbf: {  	[tilespmem:s14+$0x17820] =	vst v6;
	v5 =	vld.idx.msk [tilespmem:v4+s23+$0x0], $0xffff  }
0xc0: {  	[tilespmem:s14+$0x17830] =	vst v7;
	v6 =	vld.idx.msk [tilespmem:v2+s23+$0x0], $0xffff  }
0xc1: {  	v7 =	vld.idx.msk [tilespmem:v3+s23+$0x0], $0xffff;
	_ =	sdelay $0x1  }
0xc2: {  	s24 =	simm.s32 $0x7530;
	[tilespmem:s14+$0x17880] =	vst v8  }
0xc3: {  	v8 =	vld.idx.msk [tilespmem:v1+s24+$0x0], $0xffff;
	[tilespmem:s14+$0x17890] =	vst v5  }
0xc4: {  	[tilespmem:s14+$0x178A0] =	vst v6;
	v5 =	vld.idx.msk [tilespmem:v4+s24+$0x0], $0xffff  }
0xc5: {  	[tilespmem:s14+$0x178B0] =	vst v7;
	v6 =	vld.idx.msk [tilespmem:v2+s24+$0x0], $0xffff  }
0xc6: {  	v7 =	vld.idx.msk [tilespmem:v3+s24+$0x0], $0xffff;
	_ =	sdelay $0x1  }
0xc7: {  	s23 =	simm.s32 $0x7918;
	[tilespmem:s14+$0x17900] =	vst v8  }
0xc8: {  	v8 =	vld.idx.msk [tilespmem:v1+s23+$0x0], $0xffff;
	[tilespmem:s14+$0x17910] =	vst v5  }
0xc9: {  	[tilespmem:s14+$0x17920] =	vst v6;
	v5 =	vld.idx.msk [tilespmem:v4+s23+$0x0], $0xffff  }
0xca: {  	[tilespmem:s14+$0x17930] =	vst v7;
	v6 =	vld.idx.msk [tilespmem:v2+s23+$0x0], $0xffff  }
0xcb: {  	v7 =	vld.idx.msk [tilespmem:v3+s23+$0x0], $0xffff;
	_ =	sdelay $0x1  }
0xcc: {  	s24 =	simm.s32 $0x7D00;
	[tilespmem:s14+$0x17980] =	vst v8  }
0xcd: {  	v8 =	vld.idx.msk [tilespmem:v1+s24+$0x0], $0xffff;
	[tilespmem:s14+$0x17990] =	vst v5  }
0xce: {  	[tilespmem:s14+$0x179A0] =	vst v6;
	v5 =	vld.idx.msk [tilespmem:v4+s24+$0x0], $0xffff  }
0xcf: {  	[tilespmem:s14+$0x179B0] =	vst v7;
	v6 =	vld.idx.msk [tilespmem:v2+s24+$0x0], $0xffff  }
0xd0: {  	v7 =	vld.idx.msk [tilespmem:v3+s24+$0x0], $0xffff;
	_ =	sdelay $0x1  }
0xd1: {  	s23 =	simm.s32 $0x80E8;
	[tilespmem:s14+$0x17A00] =	vst v8  }
0xd2: {  	v8 =	vld.idx.msk [tilespmem:v1+s23+$0x0], $0xffff;
	[tilespmem:s14+$0x17A10] =	vst v5  }
0xd3: {  	[tilespmem:s14+$0x17A20] =	vst v6;
	v5 =	vld.idx.msk [tilespmem:v4+s23+$0x0], $0xffff  }
0xd4: {  	[tilespmem:s14+$0x17A30] =	vst v7;
	v6 =	vld.idx.msk [tilespmem:v2+s23+$0x0], $0xffff  }
0xd5: {  	v7 =	vld.idx.msk [tilespmem:v3+s23+$0x0], $0xffff;
	_ =	sdelay $0x1  }
0xd6: {  	s24 =	simm.s32 $0x84D0;
	[tilespmem:s14+$0x17A80] =	vst v8  }
0xd7: {  	v8 =	vld.idx.msk [tilespmem:v1+s24+$0x0], $0xffff;
	[tilespmem:s14+$0x17A90] =	vst v5  }
0xd8: {  	[tilespmem:s14+$0x17AA0] =	vst v6;
	v5 =	vld.idx.msk [tilespmem:v4+s24+$0x0], $0xffff  }
0xd9: {  	[tilespmem:s14+$0x17AB0] =	vst v7;
	v6 =	vld.idx.msk [tilespmem:v2+s24+$0x0], $0xffff  }
0xda: {  	v7 =	vld.idx.msk [tilespmem:v3+s24+$0x0], $0xffff;
	_ =	sdelay $0x1  }
0xdb: {  	s23 =	simm.s32 $0x88B8;
	[tilespmem:s14+$0x17B00] =	vst v8  }
0xdc: {  	v8 =	vld.idx.msk [tilespmem:v1+s23+$0x0], $0xffff;
	[tilespmem:s14+$0x17B10] =	vst v5  }
0xdd: {  	[tilespmem:s14+$0x17B20] =	vst v6;
	v5 =	vld.idx.msk [tilespmem:v4+s23+$0x0], $0xffff  }
0xde: {  	[tilespmem:s14+$0x17B30] =	vst v7;
	v6 =	vld.idx.msk [tilespmem:v2+s23+$0x0], $0xffff  }
0xdf: {  	v7 =	vld.idx.msk [tilespmem:v3+s23+$0x0], $0xffff;
	_ =	sdelay $0x1  }
0xe0: {  	s24 =	simm.s32 $0x8CA0;
	[tilespmem:s14+$0x17B80] =	vst v8  }
0xe1: {  	v8 =	vld.idx.msk [tilespmem:v1+s24+$0x0], $0xffff;
	[tilespmem:s14+$0x17B90] =	vst v5  }
0xe2: {  	[tilespmem:s14+$0x17BA0] =	vst v6;
	v5 =	vld.idx.msk [tilespmem:v4+s24+$0x0], $0xffff  }
0xe3: {  	[tilespmem:s14+$0x17BB0] =	vst v7;
	v6 =	vld.idx.msk [tilespmem:v2+s24+$0x0], $0xffff  }
0xe4: {  	v7 =	vld.idx.msk [tilespmem:v3+s24+$0x0], $0xffff;
	_ =	sdelay $0x1  }
0xe5: {  	s23 =	simm.s32 $0x9088;
	[tilespmem:s14+$0x17C00] =	vst v8  }
0xe6: {  	v8 =	vld.idx.msk [tilespmem:v1+s23+$0x0], $0xffff;
	[tilespmem:s14+$0x17C10] =	vst v5  }
0xe7: {  	[tilespmem:s14+$0x17C20] =	vst v6;
	v5 =	vld.idx.msk [tilespmem:v4+s23+$0x0], $0xffff  }
0xe8: {  	[tilespmem:s14+$0x17C30] =	vst v7;
	v6 =	vld.idx.msk [tilespmem:v2+s23+$0x0], $0xffff  }
0xe9: {  	v7 =	vld.idx.msk [tilespmem:v3+s23+$0x0], $0xffff;
	_ =	sdelay $0x1  }
0xea: {  	s24 =	simm.s32 $0x9470;
	[tilespmem:s14+$0x17C80] =	vst v8  }
0xeb: {  	v8 =	vld.idx.msk [tilespmem:v1+s24+$0x0], $0xffff;
	[tilespmem:s14+$0x17C90] =	vst v5  }
0xec: {  	[tilespmem:s14+$0x17CA0] =	vst v6;
	v5 =	vld.idx.msk [tilespmem:v4+s24+$0x0], $0xffff  }
0xed: {  	[tilespmem:s14+$0x17CB0] =	vst v7;
	v6 =	vld.idx.msk [tilespmem:v2+s24+$0x0], $0xffff  }
0xee: {  	v7 =	vld.idx.msk [tilespmem:v3+s24+$0x0], $0xffff;
	_ =	sdelay $0x1  }
0xef: {  	[tilespmem:s14+$0x17D00] =	vst v8;
	s24 =	simm.s32 $0x9858  }
0xf0: {  	v8 =	vld.idx.msk [tilespmem:v1+s24+$0x0], $0xffff;
	[tilespmem:s14+$0x17D10] =	vst v5  }
0xf1: {  	[tilespmem:s14+$0x17D20] =	vst v6;
	v5 =	vld.idx.msk [tilespmem:v4+s24+$0x0], $0xffff  }
0xf2: {  	[tilespmem:s14+$0x17D30] =	vst v7;
	v6 =	vld.idx.msk [tilespmem:v2+s24+$0x0], $0xffff  }
0xf3: {  	v7 =	vld.idx.msk [tilespmem:v3+s24+$0x0], $0xffff;
	_ =	sdelay $0x1  }
0xf4: {  	[tilespmem:s14+$0x17D80] =	vst v8  }
0xf5: {  	v8 =	vld.idx.msk [tilespmem:v1+s26+$0x0], $0xffff;
	[tilespmem:s14+$0x17D90] =	vst v5  }
0xf6: {  	[tilespmem:s14+$0x17DA0] =	vst v6;
	v5 =	vld.idx.msk [tilespmem:v4+s26+$0x0], $0xffff  }
0xf7: {  	[tilespmem:s14+$0x17DB0] =	vst v7;
	v6 =	vld.idx.msk [tilespmem:v2+s26+$0x0], $0xffff  }
0xf8: {  	v7 =	vld.idx.msk [tilespmem:v3+s26+$0x0], $0xffff;
	_ =	sdelay $0x1  }
0xf9: {  	[tilespmem:s14+$0x17E00] =	vst v8  }
0xfa: {  	v8 =	vld.idx.msk [tilespmem:v1+s28+$0x0], $0xffff;
	[tilespmem:s14+$0x17E10] =	vst v5  }
0xfb: {  	[tilespmem:s14+$0x17E20] =	vst v6;
	v5 =	vld.idx.msk [tilespmem:v4+s28+$0x0], $0xffff  }
0xfc: {  	[tilespmem:s14+$0x17E30] =	vst v7;
	v6 =	vld.idx.msk [tilespmem:v2+s28+$0x0], $0xffff  }
0xfd: {  	v7 =	vld.idx.msk [tilespmem:v3+s28+$0x0], $0xffff;
	_ =	sdelay $0x1  }
0xfe: {  	[tilespmem:s14+$0x17E80] =	vst v8  }
0xff: {  	v8 =	vld.idx.msk [tilespmem:v1+s29+$0x0], $0xffff;
	[tilespmem:s14+$0x17E90] =	vst v5  }
0x100: {  	[tilespmem:s14+$0x17EA0] =	vst v6;
	v5 =	vld.idx.msk [tilespmem:v4+s29+$0x0], $0xffff  }
0x101: {  	[tilespmem:s14+$0x17EB0] =	vst v7;
	v6 =	vld.idx.msk [tilespmem:v2+s29+$0x0], $0xffff  }
0x102: {  	v7 =	vld.idx.msk [tilespmem:v3+s29+$0x0], $0xffff;
	_ =	sdelay $0x1  }
0x103: {  	[tilespmem:s14+$0x17F00] =	vst v8  }
0x104: {  	v8 =	vld.idx.msk [tilespmem:v1+s30+$0x0], $0xffff;
	[tilespmem:s14+$0x17F10] =	vst v5  }
0x105: {  	[tilespmem:s14+$0x17F20] =	vst v6;
	v5 =	vld.idx.msk [tilespmem:v4+s30+$0x0], $0xffff  }
0x106: {  	[tilespmem:s14+$0x17F30] =	vst v7;
	v6 =	vld.idx.msk [tilespmem:v2+s30+$0x0], $0xffff  }
0x107: {  	v7 =	vld.idx.msk [tilespmem:v3+s30+$0x0], $0xffff;
	_ =	sdelay $0x1  }
0x108: {  	[tilespmem:s14+$0x17F80] =	vst v8  }
0x109: {  	v8 =	vld.idx.msk [tilespmem:v1+s31+$0x0], $0xffff;
	[tilespmem:s14+$0x17F90] =	vst v5  }
0x10a: {  	[tilespmem:s14+$0x17FA0] =	vst v6;
	v5 =	vld.idx.msk [tilespmem:v4+s31+$0x0], $0xffff  }
0x10b: {  	[tilespmem:s14+$0x17FB0] =	vst v7;
	v6 =	vld.idx.msk [tilespmem:v2+s31+$0x0], $0xffff  }
0x10c: {  	v7 =	vld.idx.msk [tilespmem:v3+s31+$0x0], $0xffff;
	_ =	sdelay $0x1  }
0x10d: {  	s0 =	simm.s32 $0xAFC8;
	[tilespmem:s14+$0x18000] =	vst v8  }
0x10e: {  	v8 =	vld.idx.msk [tilespmem:v1+s0+$0x0], $0xffff;
	[tilespmem:s14+$0x18010] =	vst v5  }
0x10f: {  	[tilespmem:s14+$0x18020] =	vst v6;
	v5 =	vld.idx.msk [tilespmem:v4+s0+$0x0], $0xffff  }
0x110: {  	[tilespmem:s14+$0x18030] =	vst v7;
	v6 =	vld.idx.msk [tilespmem:v2+s0+$0x0], $0xffff  }
0x111: {  	v7 =	vld.idx.msk [tilespmem:v3+s0+$0x0], $0xffff;
	_ =	sdelay $0x1  }
0x112: {  	[tilespmem:s14+$0x18080] =	vst v8  }
0x113: {  	v8 =	vld.idx.msk [tilespmem:v1+s3+$0x0], $0xffff;
	[tilespmem:s14+$0x18090] =	vst v5  }
0x114: {  	[tilespmem:s14+$0x180A0] =	vst v6;
	v5 =	vld.idx.msk [tilespmem:v4+s3+$0x0], $0xffff  }
0x115: {  	[tilespmem:s14+$0x180B0] =	vst v7;
	v6 =	vld.idx.msk [tilespmem:v2+s3+$0x0], $0xffff  }
0x116: {  	v7 =	vld.idx.msk [tilespmem:v3+s3+$0x0], $0xffff;
	_ =	sdelay $0x1  }
0x117: {  	[tilespmem:s14+$0x18100] =	vst v8  }
0x118: {  	v8 =	vld.idx.msk [tilespmem:v1+s1+$0x0], $0xffff;
	[tilespmem:s14+$0x18110] =	vst v5  }
0x119: {  	[tilespmem:s14+$0x18120] =	vst v6;
	v5 =	vld.idx.msk [tilespmem:v4+s1+$0x0], $0xffff  }
0x11a: {  	[tilespmem:s14+$0x18130] =	vst v7;
	v6 =	vld.idx.msk [tilespmem:v2+s1+$0x0], $0xffff  }
0x11b: {  	v7 =	vld.idx.msk [tilespmem:v3+s1+$0x0], $0xffff;
	_ =	sdelay $0x1  }
0x11c: {  	[tilespmem:s14+$0x18180] =	vst v8  }
0x11d: {  	v8 =	vld.idx.msk [tilespmem:v1+s10+$0x0], $0xffff;
	[tilespmem:s14+$0x18190] =	vst v5  }
0x11e: {  	[tilespmem:s14+$0x181A0] =	vst v6;
	v5 =	vld.idx.msk [tilespmem:v4+s10+$0x0], $0xffff  }
0x11f: {  	[tilespmem:s14+$0x181B0] =	vst v7;
	v6 =	vld.idx.msk [tilespmem:v2+s10+$0x0], $0xffff  }
0x120: {  	v7 =	vld.idx.msk [tilespmem:v3+s10+$0x0], $0xffff;
	_ =	sdelay $0x1  }
0x121: {  	[tilespmem:s14+$0x18200] =	vst v8  }
0x122: {  	v8 =	vld.idx.msk [tilespmem:v1+s12+$0x0], $0xffff;
	[tilespmem:s14+$0x18210] =	vst v5  }
0x123: {  	[tilespmem:s14+$0x18220] =	vst v6;
	v5 =	vld.idx.msk [tilespmem:v4+s12+$0x0], $0xffff  }
0x124: {  	[tilespmem:s14+$0x18230] =	vst v7;
	v6 =	vld.idx.msk [tilespmem:v2+s12+$0x0], $0xffff  }
0x125: {  	v7 =	vld.idx.msk [tilespmem:v3+s12+$0x0], $0xffff;
	_ =	sdelay $0x1  }
0x126: {  	[tilespmem:s14+$0x18280] =	vst v8  }
0x127: {  	v8 =	vld.idx.msk [tilespmem:v1+s6+$0x0], $0xffff;
	[tilespmem:s14+$0x18290] =	vst v5  }
0x128: {  	[tilespmem:s14+$0x182A0] =	vst v6;
	v5 =	vld.idx.msk [tilespmem:v4+s6+$0x0], $0xffff  }
0x129: {  	[tilespmem:s14+$0x182B0] =	vst v7;
	v6 =	vld.idx.msk [tilespmem:v2+s6+$0x0], $0xffff  }
0x12a: {  	v7 =	vld.idx.msk [tilespmem:v3+s6+$0x0], $0xffff;
	_ =	sdelay $0x1  }
0x12b: {  	[tilespmem:s14+$0x18300] =	vst v8  }
0x12c: {  	v8 =	vld.idx.msk [tilespmem:v1+s8+$0x0], $0xffff;
	[tilespmem:s14+$0x18310] =	vst v5  }
0x12d: {  	[tilespmem:s14+$0x18320] =	vst v6;
	v5 =	vld.idx.msk [tilespmem:v4+s8+$0x0], $0xffff  }
0x12e: {  	[tilespmem:s14+$0x18330] =	vst v7;
	v6 =	vld.idx.msk [tilespmem:v2+s8+$0x0], $0xffff  }
0x12f: {  	v7 =	vld.idx.msk [tilespmem:v3+s8+$0x0], $0xffff;
	_ =	sdelay $0x1  }
0x130: {  	[tilespmem:s14+$0x18380] =	vst v8  }
0x131: {  	v8 =	vld.idx.msk [tilespmem:v1+s9+$0x0], $0xffff;
	[tilespmem:s14+$0x18390] =	vst v5  }
0x132: {  	[tilespmem:s14+$0x183A0] =	vst v6;
	v5 =	vld.idx.msk [tilespmem:v4+s9+$0x0], $0xffff  }
0x133: {  	[tilespmem:s14+$0x183B0] =	vst v7;
	v6 =	vld.idx.msk [tilespmem:v2+s9+$0x0], $0xffff  }
0x134: {  	v7 =	vld.idx.msk [tilespmem:v3+s9+$0x0], $0xffff;
	_ =	sdelay $0x1  }
0x135: {  	[tilespmem:s14+$0x18400] =	vst v8  }
0x136: {  	v8 =	vld.idx.msk [tilespmem:v1+s2+$0x0], $0xffff;
	[tilespmem:s14+$0x18410] =	vst v5  }
0x137: {  	[tilespmem:s14+$0x18420] =	vst v6;
	v5 =	vld.idx.msk [tilespmem:v4+s2+$0x0], $0xffff  }
0x138: {  	[tilespmem:s14+$0x18430] =	vst v7;
	v6 =	vld.idx.msk [tilespmem:v2+s2+$0x0], $0xffff  }
0x139: {  	v7 =	vld.idx.msk [tilespmem:v3+s2+$0x0], $0xffff;
	_ =	sdelay $0x1  }
0x13a: {  	[tilespmem:s14+$0x18480] =	vst v8  }
0x13b: {  	v8 =	vld.idx.msk [tilespmem:v1+s7+$0x0], $0xffff;
	[tilespmem:s14+$0x18490] =	vst v5  }
0x13c: {  	[tilespmem:s14+$0x184A0] =	vst v6;
	v5 =	vld.idx.msk [tilespmem:v4+s7+$0x0], $0xffff  }
0x13d: {  	[tilespmem:s14+$0x184B0] =	vst v7;
	v6 =	vld.idx.msk [tilespmem:v2+s7+$0x0], $0xffff  }
0x13e: {  	v7 =	vld.idx.msk [tilespmem:v3+s7+$0x0], $0xffff;
	_ =	sdelay $0x1  }
0x13f: {  	[tilespmem:s14+$0x18500] =	vst v8  }
0x140: {  	v8 =	vld.idx.msk [tilespmem:v1+s5+$0x0], $0xffff;
	[tilespmem:s14+$0x18510] =	vst v5  }
0x141: {  	[tilespmem:s14+$0x18520] =	vst v6;
	v5 =	vld.idx.msk [tilespmem:v4+s5+$0x0], $0xffff  }
0x142: {  	[tilespmem:s14+$0x18530] =	vst v7;
	v6 =	vld.idx.msk [tilespmem:v2+s5+$0x0], $0xffff  }
0x143: {  	v7 =	vld.idx.msk [tilespmem:v3+s5+$0x0], $0xffff;
	_ =	sdelay $0x1  }
0x144: {  	[tilespmem:s14+$0x18580] =	vst v8  }
0x145: {  	v8 =	vld.idx.msk [tilespmem:v1+s11+$0x0], $0xffff;
	[tilespmem:s14+$0x18590] =	vst v5  }
0x146: {  	[tilespmem:s14+$0x185A0] =	vst v6;
	v5 =	vld.idx.msk [tilespmem:v4+s11+$0x0], $0xffff  }
0x147: {  	[tilespmem:s14+$0x185B0] =	vst v7;
	v6 =	vld.idx.msk [tilespmem:v2+s11+$0x0], $0xffff  }
0x148: {  	v7 =	vld.idx.msk [tilespmem:v3+s11+$0x0], $0xffff;
	_ =	sdelay $0x1  }
0x149: {  	[tilespmem:s14+$0x18600] =	vst v8  }
0x14a: {  	v8 =	vld.idx.msk [tilespmem:v1+s4+$0x0], $0xffff;
	[tilespmem:s14+$0x18610] =	vst v5  }
0x14b: {  	[tilespmem:s14+$0x18620] =	vst v6;
	v5 =	vld.idx.msk [tilespmem:v4+s4+$0x0], $0xffff  }
0x14c: {  	[tilespmem:s14+$0x18630] =	vst v7;
	v6 =	vld.idx.msk [tilespmem:v2+s4+$0x0], $0xffff  }
0x14d: {  	v7 =	vld.idx.msk [tilespmem:v3+s4+$0x0], $0xffff;
	_ =	sdelay $0x1  }
0x14e: {  	[tilespmem:s14+$0x18680] =	vst v8  }
0x14f: {  	v8 =	vld.idx.msk [tilespmem:v1+s13+$0x0], $0xffff;
	[tilespmem:s14+$0x18690] =	vst v5  }
0x150: {  	[tilespmem:s14+$0x186A0] =	vst v6;
	v5 =	vld.idx.msk [tilespmem:v4+s13+$0x0], $0xffff  }
0x151: {  	[tilespmem:s14+$0x186B0] =	vst v7;
	v6 =	vld.idx.msk [tilespmem:v2+s13+$0x0], $0xffff  }
0x152: {  	v7 =	vld.idx.msk [tilespmem:v3+s13+$0x0], $0xffff;
	_ =	sdelay $0x1  }
0x153: {  	[tilespmem:s14+$0x18700] =	vst v8  }
0x154: {  	v8 =	vld.idx.msk [tilespmem:v1+s18+$0x0], $0xffff;
	[tilespmem:s14+$0x18710] =	vst v5  }
0x155: {  	[tilespmem:s14+$0x18720] =	vst v6;
	v5 =	vld.idx.msk [tilespmem:v4+s18+$0x0], $0xffff  }
0x156: {  	[tilespmem:s14+$0x18730] =	vst v7;
	v6 =	vld.idx.msk [tilespmem:v2+s18+$0x0], $0xffff  }
0x157: {  	v7 =	vld.idx.msk [tilespmem:v3+s18+$0x0], $0xffff;
	_ =	sdelay $0x1  }
0x158: {  	[tilespmem:s14+$0x18780] =	vst v8  }
0x159: {  	v8 =	vld.idx.msk [tilespmem:v1+s17+$0x0], $0xffff;
	[tilespmem:s14+$0x18790] =	vst v5  }
0x15a: {  	[tilespmem:s14+$0x187A0] =	vst v6;
	v5 =	vld.idx.msk [tilespmem:v4+s17+$0x0], $0xffff  }
0x15b: {  	[tilespmem:s14+$0x187B0] =	vst v7;
	v6 =	vld.idx.msk [tilespmem:v2+s17+$0x0], $0xffff  }
0x15c: {  	v7 =	vld.idx.msk [tilespmem:v3+s17+$0x0], $0xffff;
	_ =	sdelay $0x1  }
0x15d: {  	[tilespmem:s14+$0x18800] =	vst v8  }
0x15e: {  	v8 =	vld.idx.msk [tilespmem:v1+s16+$0x0], $0xffff;
	[tilespmem:s14+$0x18810] =	vst v5  }
0x15f: {  	[tilespmem:s14+$0x18820] =	vst v6;
	v5 =	vld.idx.msk [tilespmem:v4+s16+$0x0], $0xffff  }
0x160: {  	[tilespmem:s14+$0x18830] =	vst v7;
	v6 =	vld.idx.msk [tilespmem:v2+s16+$0x0], $0xffff  }
0x161: {  	v7 =	vld.idx.msk [tilespmem:v3+s16+$0x0], $0xffff;
	_ =	sdelay $0x1  }
0x162: {  	[tilespmem:s14+$0x18880] =	vst v8  }
0x163: {  	v8 =	vld.idx.msk [tilespmem:v1+s19+$0x0], $0xffff;
	[tilespmem:s14+$0x18890] =	vst v5  }
0x164: {  	[tilespmem:s14+$0x188A0] =	vst v6;
	v5 =	vld.idx.msk [tilespmem:v4+s19+$0x0], $0xffff  }
0x165: {  	[tilespmem:s14+$0x188B0] =	vst v7;
	v6 =	vld.idx.msk [tilespmem:v2+s19+$0x0], $0xffff  }
0x166: {  	v7 =	vld.idx.msk [tilespmem:v3+s19+$0x0], $0xffff;
	_ =	sdelay $0x1  }
0x167: {  	[tilespmem:s14+$0x18900] =	vst v8  }
0x168: {  	v1 =	vld.idx.msk [tilespmem:v1+s20+$0x0], $0xffff;
	[tilespmem:s14+$0x18910] =	vst v5  }
0x169: {  	[tilespmem:s14+$0x18920] =	vst v6;
	v4 =	vld.idx.msk [tilespmem:v4+s20+$0x0], $0xffff  }
0x16a: {  	[tilespmem:s14+$0x18930] =	vst v7;
	v2 =	vld.idx.msk [tilespmem:v2+s20+$0x0], $0xffff  }
0x16b: {  	p2 =	por p1, p1;
	v3 =	vld.idx.msk [tilespmem:v3+s20+$0x0], $0xffff  }
.Ltmp0:
0x16c: {  	_ = 	snop;
	(pc) =	sbr.rel @p2 .LBB2_3-.Ltmp0, $4  }
0x16d: {  	[tilespmem:s14+$0x18980] =	vst v1  }
0x16e: {  	[tilespmem:s14+$0x18990] =	vst v4  }
0x16f: {  	[tilespmem:s14+$0x189A0] =	vst v2  }
0x170: {  	p1 =	por $0x0, $0x0;
	[tilespmem:s14+$0x189B0] =	vst v3;
	s14 =	simm.s32 $0x40  }
0x171: {  	s14 =	rddreg [dreg:$0x9]  }
0x172: {  	s26 =	rddreg [dreg:$0x6];
	s31 =	simm.s32 $0x400;
	s21 =	sshll.u32 s14, $0x11  }
0x173: {  	s22 =	simm.s32 $0x16A00;
	s23 =	simm.s32 $0x20000;
	s14 =	sadd.s32 s21, s26  }
0x174: {  	[hbm4b:s14+s31] =	stream.strided.scatter [tilespmem:s22], [sflag:$0x1], $0x2000, s23, s31, $0x38;
	[tilespmem:$0x1EA00] =	vst v63  }
0x175: {  	[dreg:$0xc] =	wrdreg s21;
	s22 =	simm.s32 @!p0 $0x2  }
0x176: {  	_ =	swait.ge @!p0 [sflag:s22], $0x2000  }
0x177: {  	s24 =	rddreg [dreg:$0xd]  }
0x178: {  	s26 =	rddreg [dreg:$0xe]  }
0x179: {  	s21 =	sadd.s32 s26, s24  }
0x17a: {  	s14 =	sadd.s32 $0xFE00, s21  }
0x17b: {  	v0 =	vmov s14;
	_ =	sdelay $0x1  }
0x17c: {  	[sflag:s22] =	ssyncset.done @!p0 $0x0;
	s31 =	sadd.s32 $0xFE10, s21  }
0x17d: {  	s24 =	sadd.s32 $0xFE20, s21;
	[dreg:$0xa] =	wrdreg s21;
	s21 =	sadd.s32 $0xFE30, s21  }
0x17e: {  	p1 =	por $0x1, $0x1;
	[sflag:s22] =	ssyncadd.s32 @!p0 $0xFFFFE000;
	s14 =	simm.s32 $0x0;
	v1 =	vmov s31;
	v2 =	vmov s24;
	v3 =	vmov s21  }
.LBB2_5:
0x17f: {  	v4 =	vld.idx.msk [tilespmem:v0+s14+$0x0 ss:$0x1], $0xffff;
	_ =	sdelay $0x7  }
0x180: {  	v5 =	vld.idx.msk [tilespmem:v4+s15+$0x0], $0xffff;
	_ =	sdelay $0x4  }
0x181: {  	s26 =	simm.s32 $0x3E8;
	[tilespmem:s14+$0x18A00] =	vst v5  }
0x182: {  	v5 =	vld.idx.msk [tilespmem:v4+s26+$0x0], $0xffff;
	_ =	sdelay $0x4  }
0x183: {  	s23 =	simm.s32 $0x7D0;
	[tilespmem:s14+$0x18A80] =	vst v5  }
0x184: {  	v5 =	vld.idx.msk [tilespmem:v4+s23+$0x0], $0xffff;
	_ =	sdelay $0x4  }
0x185: {  	s31 =	simm.s32 $0xBB8;
	[tilespmem:s14+$0x18B00] =	vst v5  }
0x186: {  	v5 =	vld.idx.msk [tilespmem:v4+s31+$0x0], $0xffff;
	_ =	sdelay $0x4  }
0x187: {  	s21 =	simm.s32 $0xFA0;
	[tilespmem:s14+$0x18B80] =	vst v5  }
0x188: {  	v5 =	vld.idx.msk [tilespmem:v4+s21+$0x0], $0xffff;
	_ =	sdelay $0x4  }
0x189: {  	s24 =	simm.s32 $0x1388;
	[tilespmem:s14+$0x18C00] =	vst v5  }
0x18a: {  	v5 =	vld.idx.msk [tilespmem:v4+s24+$0x0], $0xffff;
	_ =	sdelay $0x4  }
0x18b: {  	s22 =	simm.s32 $0x1770;
	[tilespmem:s14+$0x18C80] =	vst v5  }
0x18c: {  	v5 =	vld.idx.msk [tilespmem:v4+s22+$0x0], $0xffff;
	_ =	sdelay $0x4  }
0x18d: {  	[tilespmem:s14+$0x18D00] =	vst v5  }
0x18e: {  	v5 =	vld.idx.msk [tilespmem:v4+s25+$0x0], $0xffff;
	_ =	sdelay $0x4  }
0x18f: {  	[tilespmem:s14+$0x18D80] =	vst v5  }
0x190: {  	v7 =	vld.idx.msk [tilespmem:v1+s14+$0x0 ss:$0x1], $0xffff  }
0x191: {  	v5 =	vld.idx.msk [tilespmem:v2+s14+$0x0 ss:$0x1], $0xffff  }
0x192: {  	v6 =	vld.idx.msk [tilespmem:v3+s14+$0x0 ss:$0x1], $0xffff;
	_ =	sdelay $0x5  }
0x193: {  	v8 =	vld.idx.msk [tilespmem:v7+s15+$0x0], $0xffff  }
0x194: {  	v9 =	vld.idx.msk [tilespmem:v5+s15+$0x0], $0xffff  }
0x195: {  	v10 =	vld.idx.msk [tilespmem:v6+s15+$0x0], $0xffff;
	_ =	sdelay $0x2  }
0x196: {  	[tilespmem:s14+$0x18A10] =	vst v8  }
0x197: {  	[tilespmem:s14+$0x18A20] =	vst v9;
	v8 =	vld.idx.msk [tilespmem:v7+s26+$0x0], $0xffff  }
0x198: {  	[tilespmem:s14+$0x18A30] =	vst v10;
	v9 =	vld.idx.msk [tilespmem:v5+s26+$0x0], $0xffff  }
0x199: {  	v10 =	vld.idx.msk [tilespmem:v6+s26+$0x0], $0xffff;
	_ =	sdelay $0x2  }
0x19a: {  	[tilespmem:s14+$0x18A90] =	vst v8  }
0x19b: {  	[tilespmem:s14+$0x18AA0] =	vst v9;
	v8 =	vld.idx.msk [tilespmem:v7+s23+$0x0], $0xffff  }
0x19c: {  	[tilespmem:s14+$0x18AB0] =	vst v10;
	v9 =	vld.idx.msk [tilespmem:v5+s23+$0x0], $0xffff  }
0x19d: {  	v10 =	vld.idx.msk [tilespmem:v6+s23+$0x0], $0xffff;
	_ =	sdelay $0x2  }
0x19e: {  	[tilespmem:s14+$0x18B10] =	vst v8  }
0x19f: {  	[tilespmem:s14+$0x18B20] =	vst v9;
	v8 =	vld.idx.msk [tilespmem:v7+s31+$0x0], $0xffff  }
0x1a0: {  	[tilespmem:s14+$0x18B30] =	vst v10;
	v9 =	vld.idx.msk [tilespmem:v5+s31+$0x0], $0xffff  }
0x1a1: {  	v10 =	vld.idx.msk [tilespmem:v6+s31+$0x0], $0xffff;
	_ =	sdelay $0x2  }
0x1a2: {  	[tilespmem:s14+$0x18B90] =	vst v8  }
0x1a3: {  	[tilespmem:s14+$0x18BA0] =	vst v9;
	v8 =	vld.idx.msk [tilespmem:v7+s21+$0x0], $0xffff  }
0x1a4: {  	[tilespmem:s14+$0x18BB0] =	vst v10;
	v9 =	vld.idx.msk [tilespmem:v5+s21+$0x0], $0xffff  }
0x1a5: {  	v10 =	vld.idx.msk [tilespmem:v6+s21+$0x0], $0xffff;
	_ =	sdelay $0x2  }
0x1a6: {  	[tilespmem:s14+$0x18C10] =	vst v8  }
0x1a7: {  	[tilespmem:s14+$0x18C20] =	vst v9;
	v8 =	vld.idx.msk [tilespmem:v7+s24+$0x0], $0xffff  }
0x1a8: {  	[tilespmem:s14+$0x18C30] =	vst v10;
	v9 =	vld.idx.msk [tilespmem:v5+s24+$0x0], $0xffff  }
0x1a9: {  	v10 =	vld.idx.msk [tilespmem:v6+s24+$0x0], $0xffff;
	_ =	sdelay $0x2  }
0x1aa: {  	s23 =	simm.s32 $0x1770;
	[tilespmem:s14+$0x18C90] =	vst v8  }
0x1ab: {  	[tilespmem:s14+$0x18CA0] =	vst v9;
	v8 =	vld.idx.msk [tilespmem:v7+s23+$0x0], $0xffff  }
0x1ac: {  	[tilespmem:s14+$0x18CB0] =	vst v10;
	v9 =	vld.idx.msk [tilespmem:v5+s23+$0x0], $0xffff  }
0x1ad: {  	v10 =	vld.idx.msk [tilespmem:v6+s23+$0x0], $0xffff;
	_ =	sdelay $0x2  }
0x1ae: {  	[tilespmem:s14+$0x18D10] =	vst v8  }
0x1af: {  	[tilespmem:s14+$0x18D20] =	vst v9;
	v8 =	vld.idx.msk [tilespmem:v7+s25+$0x0], $0xffff  }
0x1b0: {  	[tilespmem:s14+$0x18D30] =	vst v10;
	v9 =	vld.idx.msk [tilespmem:v5+s25+$0x0], $0xffff  }
0x1b1: {  	v10 =	vld.idx.msk [tilespmem:v6+s25+$0x0], $0xffff;
	_ =	sdelay $0x1  }
0x1b2: {  	s22 =	simm.s32 $0x1F40  }
0x1b3: {  	v11 =	vld.idx.msk [tilespmem:v4+s22+$0x0], $0xffff;
	[tilespmem:s14+$0x18D90] =	vst v8  }
0x1b4: {  	[tilespmem:s14+$0x18DA0] =	vst v9;
	v8 =	vld.idx.msk [tilespmem:v7+s22+$0x0], $0xffff  }
0x1b5: {  	[tilespmem:s14+$0x18DB0] =	vst v10;
	v9 =	vld.idx.msk [tilespmem:v5+s22+$0x0], $0xffff  }
0x1b6: {  	v10 =	vld.idx.msk [tilespmem:v6+s22+$0x0], $0xffff;
	_ =	sdelay $0x1  }
0x1b7: {  	[tilespmem:s14+$0x18E00] =	vst v11;
	s24 =	simm.s32 $0x2328  }
0x1b8: {  	v11 =	vld.idx.msk [tilespmem:v4+s24+$0x0], $0xffff;
	[tilespmem:s14+$0x18E10] =	vst v8  }
0x1b9: {  	[tilespmem:s14+$0x18E20] =	vst v9;
	v8 =	vld.idx.msk [tilespmem:v7+s24+$0x0], $0xffff  }
0x1ba: {  	[tilespmem:s14+$0x18E30] =	vst v10;
	v9 =	vld.idx.msk [tilespmem:v5+s24+$0x0], $0xffff  }
0x1bb: {  	v10 =	vld.idx.msk [tilespmem:v6+s24+$0x0], $0xffff;
	_ =	sdelay $0x1  }
0x1bc: {  	s23 =	simm.s32 $0x2710;
	[tilespmem:s14+$0x18E80] =	vst v11  }
0x1bd: {  	v11 =	vld.idx.msk [tilespmem:v4+s23+$0x0], $0xffff;
	[tilespmem:s14+$0x18E90] =	vst v8  }
0x1be: {  	[tilespmem:s14+$0x18EA0] =	vst v9;
	v8 =	vld.idx.msk [tilespmem:v7+s23+$0x0], $0xffff  }
0x1bf: {  	[tilespmem:s14+$0x18EB0] =	vst v10;
	v9 =	vld.idx.msk [tilespmem:v5+s23+$0x0], $0xffff  }
0x1c0: {  	v10 =	vld.idx.msk [tilespmem:v6+s23+$0x0], $0xffff;
	_ =	sdelay $0x1  }
0x1c1: {  	[tilespmem:s14+$0x18F00] =	vst v11;
	s22 =	simm.s32 $0x2AF8  }
0x1c2: {  	v11 =	vld.idx.msk [tilespmem:v4+s22+$0x0], $0xffff;
	[tilespmem:s14+$0x18F10] =	vst v8  }
0x1c3: {  	[tilespmem:s14+$0x18F20] =	vst v9;
	v8 =	vld.idx.msk [tilespmem:v7+s22+$0x0], $0xffff  }
0x1c4: {  	[tilespmem:s14+$0x18F30] =	vst v10;
	v9 =	vld.idx.msk [tilespmem:v5+s22+$0x0], $0xffff  }
0x1c5: {  	v10 =	vld.idx.msk [tilespmem:v6+s22+$0x0], $0xffff;
	_ =	sdelay $0x1  }
0x1c6: {  	s24 =	simm.s32 $0x2EE0;
	[tilespmem:s14+$0x18F80] =	vst v11  }
0x1c7: {  	v11 =	vld.idx.msk [tilespmem:v4+s24+$0x0], $0xffff;
	[tilespmem:s14+$0x18F90] =	vst v8  }
0x1c8: {  	[tilespmem:s14+$0x18FA0] =	vst v9;
	v8 =	vld.idx.msk [tilespmem:v7+s24+$0x0], $0xffff  }
0x1c9: {  	[tilespmem:s14+$0x18FB0] =	vst v10;
	v9 =	vld.idx.msk [tilespmem:v5+s24+$0x0], $0xffff  }
0x1ca: {  	v10 =	vld.idx.msk [tilespmem:v6+s24+$0x0], $0xffff;
	_ =	sdelay $0x1  }
0x1cb: {  	s23 =	simm.s32 $0x32C8;
	[tilespmem:s14+$0x19000] =	vst v11  }
0x1cc: {  	v11 =	vld.idx.msk [tilespmem:v4+s23+$0x0], $0xffff;
	[tilespmem:s14+$0x19010] =	vst v8  }
0x1cd: {  	[tilespmem:s14+$0x19020] =	vst v9;
	v8 =	vld.idx.msk [tilespmem:v7+s23+$0x0], $0xffff  }
0x1ce: {  	[tilespmem:s14+$0x19030] =	vst v10;
	v9 =	vld.idx.msk [tilespmem:v5+s23+$0x0], $0xffff  }
0x1cf: {  	v10 =	vld.idx.msk [tilespmem:v6+s23+$0x0], $0xffff;
	_ =	sdelay $0x1  }
0x1d0: {  	s22 =	simm.s32 $0x36B0;
	[tilespmem:s14+$0x19080] =	vst v11  }
0x1d1: {  	v11 =	vld.idx.msk [tilespmem:v4+s22+$0x0], $0xffff;
	[tilespmem:s14+$0x19090] =	vst v8  }
0x1d2: {  	[tilespmem:s14+$0x190A0] =	vst v9;
	v8 =	vld.idx.msk [tilespmem:v7+s22+$0x0], $0xffff  }
0x1d3: {  	[tilespmem:s14+$0x190B0] =	vst v10;
	v9 =	vld.idx.msk [tilespmem:v5+s22+$0x0], $0xffff  }
0x1d4: {  	v10 =	vld.idx.msk [tilespmem:v6+s22+$0x0], $0xffff;
	_ =	sdelay $0x1  }
0x1d5: {  	s24 =	simm.s32 $0x3A98;
	[tilespmem:s14+$0x19100] =	vst v11  }
0x1d6: {  	v11 =	vld.idx.msk [tilespmem:v4+s24+$0x0], $0xffff;
	[tilespmem:s14+$0x19110] =	vst v8  }
0x1d7: {  	[tilespmem:s14+$0x19120] =	vst v9;
	v8 =	vld.idx.msk [tilespmem:v7+s24+$0x0], $0xffff  }
0x1d8: {  	[tilespmem:s14+$0x19130] =	vst v10;
	v9 =	vld.idx.msk [tilespmem:v5+s24+$0x0], $0xffff  }
0x1d9: {  	v10 =	vld.idx.msk [tilespmem:v6+s24+$0x0], $0xffff;
	_ =	sdelay $0x1  }
0x1da: {  	s23 =	simm.s32 $0x3E80;
	[tilespmem:s14+$0x19180] =	vst v11  }
0x1db: {  	v11 =	vld.idx.msk [tilespmem:v4+s23+$0x0], $0xffff;
	[tilespmem:s14+$0x19190] =	vst v8  }
0x1dc: {  	[tilespmem:s14+$0x191A0] =	vst v9;
	v8 =	vld.idx.msk [tilespmem:v7+s23+$0x0], $0xffff  }
0x1dd: {  	[tilespmem:s14+$0x191B0] =	vst v10;
	v9 =	vld.idx.msk [tilespmem:v5+s23+$0x0], $0xffff  }
0x1de: {  	v10 =	vld.idx.msk [tilespmem:v6+s23+$0x0], $0xffff;
	_ =	sdelay $0x1  }
0x1df: {  	s22 =	simm.s32 $0x4268;
	[tilespmem:s14+$0x19200] =	vst v11  }
0x1e0: {  	v11 =	vld.idx.msk [tilespmem:v4+s22+$0x0], $0xffff;
	[tilespmem:s14+$0x19210] =	vst v8  }
0x1e1: {  	[tilespmem:s14+$0x19220] =	vst v9;
	v8 =	vld.idx.msk [tilespmem:v7+s22+$0x0], $0xffff  }
0x1e2: {  	[tilespmem:s14+$0x19230] =	vst v10;
	v9 =	vld.idx.msk [tilespmem:v5+s22+$0x0], $0xffff  }
0x1e3: {  	v10 =	vld.idx.msk [tilespmem:v6+s22+$0x0], $0xffff;
	_ =	sdelay $0x1  }
0x1e4: {  	s24 =	simm.s32 $0x4650;
	[tilespmem:s14+$0x19280] =	vst v11  }
0x1e5: {  	v11 =	vld.idx.msk [tilespmem:v4+s24+$0x0], $0xffff;
	[tilespmem:s14+$0x19290] =	vst v8  }
0x1e6: {  	[tilespmem:s14+$0x192A0] =	vst v9;
	v8 =	vld.idx.msk [tilespmem:v7+s24+$0x0], $0xffff  }
0x1e7: {  	[tilespmem:s14+$0x192B0] =	vst v10;
	v9 =	vld.idx.msk [tilespmem:v5+s24+$0x0], $0xffff  }
0x1e8: {  	v10 =	vld.idx.msk [tilespmem:v6+s24+$0x0], $0xffff;
	_ =	sdelay $0x1  }
0x1e9: {  	s23 =	simm.s32 $0x4A38;
	[tilespmem:s14+$0x19300] =	vst v11  }
0x1ea: {  	v11 =	vld.idx.msk [tilespmem:v4+s23+$0x0], $0xffff;
	[tilespmem:s14+$0x19310] =	vst v8  }
0x1eb: {  	[tilespmem:s14+$0x19320] =	vst v9;
	v8 =	vld.idx.msk [tilespmem:v7+s23+$0x0], $0xffff  }
0x1ec: {  	[tilespmem:s14+$0x19330] =	vst v10;
	v9 =	vld.idx.msk [tilespmem:v5+s23+$0x0], $0xffff  }
0x1ed: {  	v10 =	vld.idx.msk [tilespmem:v6+s23+$0x0], $0xffff;
	_ =	sdelay $0x1  }
0x1ee: {  	s22 =	simm.s32 $0x4E20;
	[tilespmem:s14+$0x19380] =	vst v11  }
0x1ef: {  	v11 =	vld.idx.msk [tilespmem:v4+s22+$0x0], $0xffff;
	[tilespmem:s14+$0x19390] =	vst v8  }
0x1f0: {  	[tilespmem:s14+$0x193A0] =	vst v9;
	v8 =	vld.idx.msk [tilespmem:v7+s22+$0x0], $0xffff  }
0x1f1: {  	[tilespmem:s14+$0x193B0] =	vst v10;
	v9 =	vld.idx.msk [tilespmem:v5+s22+$0x0], $0xffff  }
0x1f2: {  	v10 =	vld.idx.msk [tilespmem:v6+s22+$0x0], $0xffff;
	_ =	sdelay $0x1  }
0x1f3: {  	s24 =	simm.s32 $0x5208;
	[tilespmem:s14+$0x19400] =	vst v11  }
0x1f4: {  	v11 =	vld.idx.msk [tilespmem:v4+s24+$0x0], $0xffff;
	[tilespmem:s14+$0x19410] =	vst v8  }
0x1f5: {  	[tilespmem:s14+$0x19420] =	vst v9;
	v8 =	vld.idx.msk [tilespmem:v7+s24+$0x0], $0xffff  }
0x1f6: {  	[tilespmem:s14+$0x19430] =	vst v10;
	v9 =	vld.idx.msk [tilespmem:v5+s24+$0x0], $0xffff  }
0x1f7: {  	v10 =	vld.idx.msk [tilespmem:v6+s24+$0x0], $0xffff;
	_ =	sdelay $0x1  }
0x1f8: {  	s23 =	simm.s32 $0x55F0;
	[tilespmem:s14+$0x19480] =	vst v11  }
0x1f9: {  	v11 =	vld.idx.msk [tilespmem:v4+s23+$0x0], $0xffff;
	[tilespmem:s14+$0x19490] =	vst v8  }
0x1fa: {  	[tilespmem:s14+$0x194A0] =	vst v9;
	v8 =	vld.idx.msk [tilespmem:v7+s23+$0x0], $0xffff  }
0x1fb: {  	[tilespmem:s14+$0x194B0] =	vst v10;
	v9 =	vld.idx.msk [tilespmem:v5+s23+$0x0], $0xffff  }
0x1fc: {  	v10 =	vld.idx.msk [tilespmem:v6+s23+$0x0], $0xffff;
	_ =	sdelay $0x1  }
0x1fd: {  	s22 =	simm.s32 $0x59D8;
	[tilespmem:s14+$0x19500] =	vst v11  }
0x1fe: {  	v11 =	vld.idx.msk [tilespmem:v4+s22+$0x0], $0xffff;
	[tilespmem:s14+$0x19510] =	vst v8  }
0x1ff: {  	[tilespmem:s14+$0x19520] =	vst v9;
	v8 =	vld.idx.msk [tilespmem:v7+s22+$0x0], $0xffff  }
0x200: {  	[tilespmem:s14+$0x19530] =	vst v10;
	v9 =	vld.idx.msk [tilespmem:v5+s22+$0x0], $0xffff  }
0x201: {  	v10 =	vld.idx.msk [tilespmem:v6+s22+$0x0], $0xffff;
	_ =	sdelay $0x1  }
0x202: {  	s24 =	simm.s32 $0x5DC0;
	[tilespmem:s14+$0x19580] =	vst v11  }
0x203: {  	v11 =	vld.idx.msk [tilespmem:v4+s24+$0x0], $0xffff;
	[tilespmem:s14+$0x19590] =	vst v8  }
0x204: {  	[tilespmem:s14+$0x195A0] =	vst v9;
	v8 =	vld.idx.msk [tilespmem:v7+s24+$0x0], $0xffff  }
0x205: {  	[tilespmem:s14+$0x195B0] =	vst v10;
	v9 =	vld.idx.msk [tilespmem:v5+s24+$0x0], $0xffff  }
0x206: {  	v10 =	vld.idx.msk [tilespmem:v6+s24+$0x0], $0xffff;
	_ =	sdelay $0x1  }
0x207: {  	s23 =	simm.s32 $0x61A8;
	[tilespmem:s14+$0x19600] =	vst v11  }
0x208: {  	v11 =	vld.idx.msk [tilespmem:v4+s23+$0x0], $0xffff;
	[tilespmem:s14+$0x19610] =	vst v8  }
0x209: {  	[tilespmem:s14+$0x19620] =	vst v9;
	v8 =	vld.idx.msk [tilespmem:v7+s23+$0x0], $0xffff  }
0x20a: {  	[tilespmem:s14+$0x19630] =	vst v10;
	v9 =	vld.idx.msk [tilespmem:v5+s23+$0x0], $0xffff  }
0x20b: {  	v10 =	vld.idx.msk [tilespmem:v6+s23+$0x0], $0xffff;
	_ =	sdelay $0x1  }
0x20c: {  	s22 =	simm.s32 $0x6590;
	[tilespmem:s14+$0x19680] =	vst v11  }
0x20d: {  	v11 =	vld.idx.msk [tilespmem:v4+s22+$0x0], $0xffff;
	[tilespmem:s14+$0x19690] =	vst v8  }
0x20e: {  	[tilespmem:s14+$0x196A0] =	vst v9;
	v8 =	vld.idx.msk [tilespmem:v7+s22+$0x0], $0xffff  }
0x20f: {  	[tilespmem:s14+$0x196B0] =	vst v10;
	v9 =	vld.idx.msk [tilespmem:v5+s22+$0x0], $0xffff  }
0x210: {  	v10 =	vld.idx.msk [tilespmem:v6+s22+$0x0], $0xffff;
	_ =	sdelay $0x1  }
0x211: {  	s24 =	simm.s32 $0x6978;
	[tilespmem:s14+$0x19700] =	vst v11  }
0x212: {  	v11 =	vld.idx.msk [tilespmem:v4+s24+$0x0], $0xffff;
	[tilespmem:s14+$0x19710] =	vst v8  }
0x213: {  	[tilespmem:s14+$0x19720] =	vst v9;
	v8 =	vld.idx.msk [tilespmem:v7+s24+$0x0], $0xffff  }
0x214: {  	[tilespmem:s14+$0x19730] =	vst v10;
	v9 =	vld.idx.msk [tilespmem:v5+s24+$0x0], $0xffff  }
0x215: {  	v10 =	vld.idx.msk [tilespmem:v6+s24+$0x0], $0xffff;
	_ =	sdelay $0x1  }
0x216: {  	s23 =	simm.s32 $0x6D60;
	[tilespmem:s14+$0x19780] =	vst v11  }
0x217: {  	v11 =	vld.idx.msk [tilespmem:v4+s23+$0x0], $0xffff;
	[tilespmem:s14+$0x19790] =	vst v8  }
0x218: {  	[tilespmem:s14+$0x197A0] =	vst v9;
	v8 =	vld.idx.msk [tilespmem:v7+s23+$0x0], $0xffff  }
0x219: {  	[tilespmem:s14+$0x197B0] =	vst v10;
	v9 =	vld.idx.msk [tilespmem:v5+s23+$0x0], $0xffff  }
0x21a: {  	v10 =	vld.idx.msk [tilespmem:v6+s23+$0x0], $0xffff;
	_ =	sdelay $0x1  }
0x21b: {  	s22 =	simm.s32 $0x7148;
	[tilespmem:s14+$0x19800] =	vst v11  }
0x21c: {  	v11 =	vld.idx.msk [tilespmem:v4+s22+$0x0], $0xffff;
	[tilespmem:s14+$0x19810] =	vst v8  }
0x21d: {  	[tilespmem:s14+$0x19820] =	vst v9;
	v8 =	vld.idx.msk [tilespmem:v7+s22+$0x0], $0xffff  }
0x21e: {  	[tilespmem:s14+$0x19830] =	vst v10;
	v9 =	vld.idx.msk [tilespmem:v5+s22+$0x0], $0xffff  }
0x21f: {  	v10 =	vld.idx.msk [tilespmem:v6+s22+$0x0], $0xffff;
	_ =	sdelay $0x1  }
0x220: {  	s24 =	simm.s32 $0x7530;
	[tilespmem:s14+$0x19880] =	vst v11  }
0x221: {  	v11 =	vld.idx.msk [tilespmem:v4+s24+$0x0], $0xffff;
	[tilespmem:s14+$0x19890] =	vst v8  }
0x222: {  	[tilespmem:s14+$0x198A0] =	vst v9;
	v8 =	vld.idx.msk [tilespmem:v7+s24+$0x0], $0xffff  }
0x223: {  	[tilespmem:s14+$0x198B0] =	vst v10;
	v9 =	vld.idx.msk [tilespmem:v5+s24+$0x0], $0xffff  }
0x224: {  	v10 =	vld.idx.msk [tilespmem:v6+s24+$0x0], $0xffff;
	_ =	sdelay $0x1  }
0x225: {  	s23 =	simm.s32 $0x7918;
	[tilespmem:s14+$0x19900] =	vst v11  }
0x226: {  	v11 =	vld.idx.msk [tilespmem:v4+s23+$0x0], $0xffff;
	[tilespmem:s14+$0x19910] =	vst v8  }
0x227: {  	[tilespmem:s14+$0x19920] =	vst v9;
	v8 =	vld.idx.msk [tilespmem:v7+s23+$0x0], $0xffff  }
0x228: {  	[tilespmem:s14+$0x19930] =	vst v10;
	v9 =	vld.idx.msk [tilespmem:v5+s23+$0x0], $0xffff  }
0x229: {  	v10 =	vld.idx.msk [tilespmem:v6+s23+$0x0], $0xffff;
	_ =	sdelay $0x1  }
0x22a: {  	s22 =	simm.s32 $0x7D00;
	[tilespmem:s14+$0x19980] =	vst v11  }
0x22b: {  	v11 =	vld.idx.msk [tilespmem:v4+s22+$0x0], $0xffff;
	[tilespmem:s14+$0x19990] =	vst v8  }
0x22c: {  	[tilespmem:s14+$0x199A0] =	vst v9;
	v8 =	vld.idx.msk [tilespmem:v7+s22+$0x0], $0xffff  }
0x22d: {  	[tilespmem:s14+$0x199B0] =	vst v10;
	v9 =	vld.idx.msk [tilespmem:v5+s22+$0x0], $0xffff  }
0x22e: {  	v10 =	vld.idx.msk [tilespmem:v6+s22+$0x0], $0xffff;
	_ =	sdelay $0x1  }
0x22f: {  	s24 =	simm.s32 $0x80E8;
	[tilespmem:s14+$0x19A00] =	vst v11  }
0x230: {  	v11 =	vld.idx.msk [tilespmem:v4+s24+$0x0], $0xffff;
	[tilespmem:s14+$0x19A10] =	vst v8  }
0x231: {  	[tilespmem:s14+$0x19A20] =	vst v9;
	v8 =	vld.idx.msk [tilespmem:v7+s24+$0x0], $0xffff  }
0x232: {  	[tilespmem:s14+$0x19A30] =	vst v10;
	v9 =	vld.idx.msk [tilespmem:v5+s24+$0x0], $0xffff  }
0x233: {  	v10 =	vld.idx.msk [tilespmem:v6+s24+$0x0], $0xffff;
	_ =	sdelay $0x1  }
0x234: {  	s23 =	simm.s32 $0x84D0;
	[tilespmem:s14+$0x19A80] =	vst v11  }
0x235: {  	v11 =	vld.idx.msk [tilespmem:v4+s23+$0x0], $0xffff;
	[tilespmem:s14+$0x19A90] =	vst v8  }
0x236: {  	[tilespmem:s14+$0x19AA0] =	vst v9;
	v8 =	vld.idx.msk [tilespmem:v7+s23+$0x0], $0xffff  }
0x237: {  	[tilespmem:s14+$0x19AB0] =	vst v10;
	v9 =	vld.idx.msk [tilespmem:v5+s23+$0x0], $0xffff  }
0x238: {  	v10 =	vld.idx.msk [tilespmem:v6+s23+$0x0], $0xffff;
	_ =	sdelay $0x1  }
0x239: {  	s22 =	simm.s32 $0x88B8;
	[tilespmem:s14+$0x19B00] =	vst v11  }
0x23a: {  	v11 =	vld.idx.msk [tilespmem:v4+s22+$0x0], $0xffff;
	[tilespmem:s14+$0x19B10] =	vst v8  }
0x23b: {  	[tilespmem:s14+$0x19B20] =	vst v9;
	v8 =	vld.idx.msk [tilespmem:v7+s22+$0x0], $0xffff  }
0x23c: {  	[tilespmem:s14+$0x19B30] =	vst v10;
	v9 =	vld.idx.msk [tilespmem:v5+s22+$0x0], $0xffff  }
0x23d: {  	v10 =	vld.idx.msk [tilespmem:v6+s22+$0x0], $0xffff;
	_ =	sdelay $0x1  }
0x23e: {  	s24 =	simm.s32 $0x8CA0;
	[tilespmem:s14+$0x19B80] =	vst v11  }
0x23f: {  	v11 =	vld.idx.msk [tilespmem:v4+s24+$0x0], $0xffff;
	[tilespmem:s14+$0x19B90] =	vst v8  }
0x240: {  	[tilespmem:s14+$0x19BA0] =	vst v9;
	v8 =	vld.idx.msk [tilespmem:v7+s24+$0x0], $0xffff  }
0x241: {  	[tilespmem:s14+$0x19BB0] =	vst v10;
	v9 =	vld.idx.msk [tilespmem:v5+s24+$0x0], $0xffff  }
0x242: {  	v10 =	vld.idx.msk [tilespmem:v6+s24+$0x0], $0xffff;
	_ =	sdelay $0x1  }
0x243: {  	s23 =	simm.s32 $0x9088;
	[tilespmem:s14+$0x19C00] =	vst v11  }
0x244: {  	v11 =	vld.idx.msk [tilespmem:v4+s23+$0x0], $0xffff;
	[tilespmem:s14+$0x19C10] =	vst v8  }
0x245: {  	[tilespmem:s14+$0x19C20] =	vst v9;
	v8 =	vld.idx.msk [tilespmem:v7+s23+$0x0], $0xffff  }
0x246: {  	[tilespmem:s14+$0x19C30] =	vst v10;
	v9 =	vld.idx.msk [tilespmem:v5+s23+$0x0], $0xffff  }
0x247: {  	v10 =	vld.idx.msk [tilespmem:v6+s23+$0x0], $0xffff;
	_ =	sdelay $0x1  }
0x248: {  	s22 =	simm.s32 $0x9470;
	[tilespmem:s14+$0x19C80] =	vst v11  }
0x249: {  	v11 =	vld.idx.msk [tilespmem:v4+s22+$0x0], $0xffff;
	[tilespmem:s14+$0x19C90] =	vst v8  }
0x24a: {  	[tilespmem:s14+$0x19CA0] =	vst v9;
	v8 =	vld.idx.msk [tilespmem:v7+s22+$0x0], $0xffff  }
0x24b: {  	[tilespmem:s14+$0x19CB0] =	vst v10;
	v9 =	vld.idx.msk [tilespmem:v5+s22+$0x0], $0xffff  }
0x24c: {  	v10 =	vld.idx.msk [tilespmem:v6+s22+$0x0], $0xffff;
	_ =	sdelay $0x1  }
0x24d: {  	s24 =	simm.s32 $0x9858;
	[tilespmem:s14+$0x19D00] =	vst v11  }
0x24e: {  	v11 =	vld.idx.msk [tilespmem:v4+s24+$0x0], $0xffff;
	[tilespmem:s14+$0x19D10] =	vst v8  }
0x24f: {  	[tilespmem:s14+$0x19D20] =	vst v9;
	v8 =	vld.idx.msk [tilespmem:v7+s24+$0x0], $0xffff  }
0x250: {  	[tilespmem:s14+$0x19D30] =	vst v10;
	v9 =	vld.idx.msk [tilespmem:v5+s24+$0x0], $0xffff  }
0x251: {  	v10 =	vld.idx.msk [tilespmem:v6+s24+$0x0], $0xffff;
	_ =	sdelay $0x1  }
0x252: {  	s26 =	simm.s32 $0x9C40;
	[tilespmem:s14+$0x19D80] =	vst v11  }
0x253: {  	v11 =	vld.idx.msk [tilespmem:v4+s26+$0x0], $0xffff;
	[tilespmem:s14+$0x19D90] =	vst v8  }
0x254: {  	[tilespmem:s14+$0x19DA0] =	vst v9;
	v8 =	vld.idx.msk [tilespmem:v7+s26+$0x0], $0xffff  }
0x255: {  	[tilespmem:s14+$0x19DB0] =	vst v10;
	v9 =	vld.idx.msk [tilespmem:v5+s26+$0x0], $0xffff  }
0x256: {  	v10 =	vld.idx.msk [tilespmem:v6+s26+$0x0], $0xffff;
	_ =	sdelay $0x1  }
0x257: {  	[tilespmem:s14+$0x19E00] =	vst v11  }
0x258: {  	v11 =	vld.idx.msk [tilespmem:v4+s28+$0x0], $0xffff;
	[tilespmem:s14+$0x19E10] =	vst v8  }
0x259: {  	[tilespmem:s14+$0x19E20] =	vst v9;
	v8 =	vld.idx.msk [tilespmem:v7+s28+$0x0], $0xffff  }
0x25a: {  	[tilespmem:s14+$0x19E30] =	vst v10;
	v9 =	vld.idx.msk [tilespmem:v5+s28+$0x0], $0xffff  }
0x25b: {  	v10 =	vld.idx.msk [tilespmem:v6+s28+$0x0], $0xffff;
	_ =	sdelay $0x1  }
0x25c: {  	[tilespmem:s14+$0x19E80] =	vst v11  }
0x25d: {  	v11 =	vld.idx.msk [tilespmem:v4+s29+$0x0], $0xffff;
	[tilespmem:s14+$0x19E90] =	vst v8  }
0x25e: {  	[tilespmem:s14+$0x19EA0] =	vst v9;
	v8 =	vld.idx.msk [tilespmem:v7+s29+$0x0], $0xffff  }
0x25f: {  	[tilespmem:s14+$0x19EB0] =	vst v10;
	v9 =	vld.idx.msk [tilespmem:v5+s29+$0x0], $0xffff  }
0x260: {  	v10 =	vld.idx.msk [tilespmem:v6+s29+$0x0], $0xffff;
	_ =	sdelay $0x1  }
0x261: {  	[tilespmem:s14+$0x19F00] =	vst v11  }
0x262: {  	v11 =	vld.idx.msk [tilespmem:v4+s30+$0x0], $0xffff;
	[tilespmem:s14+$0x19F10] =	vst v8  }
0x263: {  	[tilespmem:s14+$0x19F20] =	vst v9;
	v8 =	vld.idx.msk [tilespmem:v7+s30+$0x0], $0xffff  }
0x264: {  	[tilespmem:s14+$0x19F30] =	vst v10;
	v9 =	vld.idx.msk [tilespmem:v5+s30+$0x0], $0xffff  }
0x265: {  	v10 =	vld.idx.msk [tilespmem:v6+s30+$0x0], $0xffff;
	_ =	sdelay $0x1  }
0x266: {  	s31 =	simm.s32 $0xABE0;
	[tilespmem:s14+$0x19F80] =	vst v11  }
0x267: {  	v11 =	vld.idx.msk [tilespmem:v4+s31+$0x0], $0xffff;
	[tilespmem:s14+$0x19F90] =	vst v8  }
0x268: {  	[tilespmem:s14+$0x19FA0] =	vst v9;
	v8 =	vld.idx.msk [tilespmem:v7+s31+$0x0], $0xffff  }
0x269: {  	[tilespmem:s14+$0x19FB0] =	vst v10;
	v9 =	vld.idx.msk [tilespmem:v5+s31+$0x0], $0xffff  }
0x26a: {  	v10 =	vld.idx.msk [tilespmem:v6+s31+$0x0], $0xffff;
	_ =	sdelay $0x1  }
0x26b: {  	[tilespmem:s14+$0x1A000] =	vst v11  }
0x26c: {  	v11 =	vld.idx.msk [tilespmem:v4+s0+$0x0], $0xffff;
	[tilespmem:s14+$0x1A010] =	vst v8  }
0x26d: {  	[tilespmem:s14+$0x1A020] =	vst v9;
	v8 =	vld.idx.msk [tilespmem:v7+s0+$0x0], $0xffff  }
0x26e: {  	[tilespmem:s14+$0x1A030] =	vst v10;
	v9 =	vld.idx.msk [tilespmem:v5+s0+$0x0], $0xffff  }
0x26f: {  	v10 =	vld.idx.msk [tilespmem:v6+s0+$0x0], $0xffff;
	_ =	sdelay $0x1  }
0x270: {  	[tilespmem:s14+$0x1A080] =	vst v11  }
0x271: {  	v11 =	vld.idx.msk [tilespmem:v4+s3+$0x0], $0xffff;
	[tilespmem:s14+$0x1A090] =	vst v8  }
0x272: {  	[tilespmem:s14+$0x1A0A0] =	vst v9;
	v8 =	vld.idx.msk [tilespmem:v7+s3+$0x0], $0xffff  }
0x273: {  	[tilespmem:s14+$0x1A0B0] =	vst v10;
	v9 =	vld.idx.msk [tilespmem:v5+s3+$0x0], $0xffff  }
0x274: {  	v10 =	vld.idx.msk [tilespmem:v6+s3+$0x0], $0xffff;
	_ =	sdelay $0x1  }
0x275: {  	[tilespmem:s14+$0x1A100] =	vst v11  }
0x276: {  	v11 =	vld.idx.msk [tilespmem:v4+s1+$0x0], $0xffff;
	[tilespmem:s14+$0x1A110] =	vst v8  }
0x277: {  	[tilespmem:s14+$0x1A120] =	vst v9;
	v8 =	vld.idx.msk [tilespmem:v7+s1+$0x0], $0xffff  }
0x278: {  	[tilespmem:s14+$0x1A130] =	vst v10;
	v9 =	vld.idx.msk [tilespmem:v5+s1+$0x0], $0xffff  }
0x279: {  	v10 =	vld.idx.msk [tilespmem:v6+s1+$0x0], $0xffff;
	_ =	sdelay $0x1  }
0x27a: {  	[tilespmem:s14+$0x1A180] =	vst v11  }
0x27b: {  	v11 =	vld.idx.msk [tilespmem:v4+s10+$0x0], $0xffff;
	[tilespmem:s14+$0x1A190] =	vst v8  }
0x27c: {  	[tilespmem:s14+$0x1A1A0] =	vst v9;
	v8 =	vld.idx.msk [tilespmem:v7+s10+$0x0], $0xffff  }
0x27d: {  	[tilespmem:s14+$0x1A1B0] =	vst v10;
	v9 =	vld.idx.msk [tilespmem:v5+s10+$0x0], $0xffff  }
0x27e: {  	v10 =	vld.idx.msk [tilespmem:v6+s10+$0x0], $0xffff;
	_ =	sdelay $0x1  }
0x27f: {  	[tilespmem:s14+$0x1A200] =	vst v11  }
0x280: {  	v11 =	vld.idx.msk [tilespmem:v4+s12+$0x0], $0xffff;
	[tilespmem:s14+$0x1A210] =	vst v8  }
0x281: {  	[tilespmem:s14+$0x1A220] =	vst v9;
	v8 =	vld.idx.msk [tilespmem:v7+s12+$0x0], $0xffff  }
0x282: {  	[tilespmem:s14+$0x1A230] =	vst v10;
	v9 =	vld.idx.msk [tilespmem:v5+s12+$0x0], $0xffff  }
0x283: {  	v10 =	vld.idx.msk [tilespmem:v6+s12+$0x0], $0xffff;
	_ =	sdelay $0x1  }
0x284: {  	[tilespmem:s14+$0x1A280] =	vst v11  }
0x285: {  	v11 =	vld.idx.msk [tilespmem:v4+s6+$0x0], $0xffff;
	[tilespmem:s14+$0x1A290] =	vst v8  }
0x286: {  	[tilespmem:s14+$0x1A2A0] =	vst v9;
	v8 =	vld.idx.msk [tilespmem:v7+s6+$0x0], $0xffff  }
0x287: {  	[tilespmem:s14+$0x1A2B0] =	vst v10;
	v9 =	vld.idx.msk [tilespmem:v5+s6+$0x0], $0xffff  }
0x288: {  	v10 =	vld.idx.msk [tilespmem:v6+s6+$0x0], $0xffff;
	_ =	sdelay $0x1  }
0x289: {  	[tilespmem:s14+$0x1A300] =	vst v11  }
0x28a: {  	v11 =	vld.idx.msk [tilespmem:v4+s8+$0x0], $0xffff;
	[tilespmem:s14+$0x1A310] =	vst v8  }
0x28b: {  	[tilespmem:s14+$0x1A320] =	vst v9;
	v8 =	vld.idx.msk [tilespmem:v7+s8+$0x0], $0xffff  }
0x28c: {  	[tilespmem:s14+$0x1A330] =	vst v10;
	v9 =	vld.idx.msk [tilespmem:v5+s8+$0x0], $0xffff  }
0x28d: {  	v10 =	vld.idx.msk [tilespmem:v6+s8+$0x0], $0xffff;
	_ =	sdelay $0x1  }
0x28e: {  	[tilespmem:s14+$0x1A380] =	vst v11  }
0x28f: {  	v11 =	vld.idx.msk [tilespmem:v4+s9+$0x0], $0xffff;
	[tilespmem:s14+$0x1A390] =	vst v8  }
0x290: {  	[tilespmem:s14+$0x1A3A0] =	vst v9;
	v8 =	vld.idx.msk [tilespmem:v7+s9+$0x0], $0xffff  }
0x291: {  	[tilespmem:s14+$0x1A3B0] =	vst v10;
	v9 =	vld.idx.msk [tilespmem:v5+s9+$0x0], $0xffff  }
0x292: {  	v10 =	vld.idx.msk [tilespmem:v6+s9+$0x0], $0xffff;
	_ =	sdelay $0x1  }
0x293: {  	[tilespmem:s14+$0x1A400] =	vst v11  }
0x294: {  	v11 =	vld.idx.msk [tilespmem:v4+s2+$0x0], $0xffff;
	[tilespmem:s14+$0x1A410] =	vst v8  }
0x295: {  	[tilespmem:s14+$0x1A420] =	vst v9;
	v8 =	vld.idx.msk [tilespmem:v7+s2+$0x0], $0xffff  }
0x296: {  	[tilespmem:s14+$0x1A430] =	vst v10;
	v9 =	vld.idx.msk [tilespmem:v5+s2+$0x0], $0xffff  }
0x297: {  	v10 =	vld.idx.msk [tilespmem:v6+s2+$0x0], $0xffff;
	_ =	sdelay $0x1  }
0x298: {  	[tilespmem:s14+$0x1A480] =	vst v11  }
0x299: {  	v11 =	vld.idx.msk [tilespmem:v4+s7+$0x0], $0xffff;
	[tilespmem:s14+$0x1A490] =	vst v8  }
0x29a: {  	[tilespmem:s14+$0x1A4A0] =	vst v9;
	v8 =	vld.idx.msk [tilespmem:v7+s7+$0x0], $0xffff  }
0x29b: {  	[tilespmem:s14+$0x1A4B0] =	vst v10;
	v9 =	vld.idx.msk [tilespmem:v5+s7+$0x0], $0xffff  }
0x29c: {  	v10 =	vld.idx.msk [tilespmem:v6+s7+$0x0], $0xffff;
	_ =	sdelay $0x1  }
0x29d: {  	[tilespmem:s14+$0x1A500] =	vst v11  }
0x29e: {  	v11 =	vld.idx.msk [tilespmem:v4+s5+$0x0], $0xffff;
	[tilespmem:s14+$0x1A510] =	vst v8  }
0x29f: {  	[tilespmem:s14+$0x1A520] =	vst v9;
	v8 =	vld.idx.msk [tilespmem:v7+s5+$0x0], $0xffff  }
0x2a0: {  	[tilespmem:s14+$0x1A530] =	vst v10;
	v9 =	vld.idx.msk [tilespmem:v5+s5+$0x0], $0xffff  }
0x2a1: {  	v10 =	vld.idx.msk [tilespmem:v6+s5+$0x0], $0xffff;
	_ =	sdelay $0x1  }
0x2a2: {  	[tilespmem:s14+$0x1A580] =	vst v11  }
0x2a3: {  	v11 =	vld.idx.msk [tilespmem:v4+s11+$0x0], $0xffff;
	[tilespmem:s14+$0x1A590] =	vst v8  }
0x2a4: {  	[tilespmem:s14+$0x1A5A0] =	vst v9;
	v8 =	vld.idx.msk [tilespmem:v7+s11+$0x0], $0xffff  }
0x2a5: {  	[tilespmem:s14+$0x1A5B0] =	vst v10;
	v9 =	vld.idx.msk [tilespmem:v5+s11+$0x0], $0xffff  }
0x2a6: {  	v10 =	vld.idx.msk [tilespmem:v6+s11+$0x0], $0xffff;
	_ =	sdelay $0x1  }
0x2a7: {  	[tilespmem:s14+$0x1A600] =	vst v11  }
0x2a8: {  	v11 =	vld.idx.msk [tilespmem:v4+s4+$0x0], $0xffff;
	[tilespmem:s14+$0x1A610] =	vst v8  }
0x2a9: {  	[tilespmem:s14+$0x1A620] =	vst v9;
	v8 =	vld.idx.msk [tilespmem:v7+s4+$0x0], $0xffff  }
0x2aa: {  	[tilespmem:s14+$0x1A630] =	vst v10;
	v9 =	vld.idx.msk [tilespmem:v5+s4+$0x0], $0xffff  }
0x2ab: {  	v10 =	vld.idx.msk [tilespmem:v6+s4+$0x0], $0xffff;
	_ =	sdelay $0x1  }
0x2ac: {  	[tilespmem:s14+$0x1A680] =	vst v11  }
0x2ad: {  	v11 =	vld.idx.msk [tilespmem:v4+s13+$0x0], $0xffff;
	[tilespmem:s14+$0x1A690] =	vst v8  }
0x2ae: {  	[tilespmem:s14+$0x1A6A0] =	vst v9;
	v8 =	vld.idx.msk [tilespmem:v7+s13+$0x0], $0xffff  }
0x2af: {  	[tilespmem:s14+$0x1A6B0] =	vst v10;
	v9 =	vld.idx.msk [tilespmem:v5+s13+$0x0], $0xffff  }
0x2b0: {  	v10 =	vld.idx.msk [tilespmem:v6+s13+$0x0], $0xffff;
	_ =	sdelay $0x1  }
0x2b1: {  	[tilespmem:s14+$0x1A700] =	vst v11  }
0x2b2: {  	v11 =	vld.idx.msk [tilespmem:v4+s18+$0x0], $0xffff;
	[tilespmem:s14+$0x1A710] =	vst v8  }
0x2b3: {  	[tilespmem:s14+$0x1A720] =	vst v9;
	v8 =	vld.idx.msk [tilespmem:v7+s18+$0x0], $0xffff  }
0x2b4: {  	[tilespmem:s14+$0x1A730] =	vst v10;
	v9 =	vld.idx.msk [tilespmem:v5+s18+$0x0], $0xffff  }
0x2b5: {  	v10 =	vld.idx.msk [tilespmem:v6+s18+$0x0], $0xffff;
	_ =	sdelay $0x1  }
0x2b6: {  	[tilespmem:s14+$0x1A780] =	vst v11  }
0x2b7: {  	v11 =	vld.idx.msk [tilespmem:v4+s17+$0x0], $0xffff;
	[tilespmem:s14+$0x1A790] =	vst v8  }
0x2b8: {  	[tilespmem:s14+$0x1A7A0] =	vst v9;
	v8 =	vld.idx.msk [tilespmem:v7+s17+$0x0], $0xffff  }
0x2b9: {  	[tilespmem:s14+$0x1A7B0] =	vst v10;
	v9 =	vld.idx.msk [tilespmem:v5+s17+$0x0], $0xffff  }
0x2ba: {  	v10 =	vld.idx.msk [tilespmem:v6+s17+$0x0], $0xffff;
	_ =	sdelay $0x1  }
0x2bb: {  	[tilespmem:s14+$0x1A800] =	vst v11  }
0x2bc: {  	v11 =	vld.idx.msk [tilespmem:v4+s16+$0x0], $0xffff;
	[tilespmem:s14+$0x1A810] =	vst v8  }
0x2bd: {  	[tilespmem:s14+$0x1A820] =	vst v9;
	v8 =	vld.idx.msk [tilespmem:v7+s16+$0x0], $0xffff  }
0x2be: {  	[tilespmem:s14+$0x1A830] =	vst v10;
	v9 =	vld.idx.msk [tilespmem:v5+s16+$0x0], $0xffff  }
0x2bf: {  	v10 =	vld.idx.msk [tilespmem:v6+s16+$0x0], $0xffff;
	_ =	sdelay $0x1  }
0x2c0: {  	[tilespmem:s14+$0x1A880] =	vst v11  }
0x2c1: {  	v11 =	vld.idx.msk [tilespmem:v4+s19+$0x0], $0xffff;
	[tilespmem:s14+$0x1A890] =	vst v8  }
0x2c2: {  	[tilespmem:s14+$0x1A8A0] =	vst v9;
	v8 =	vld.idx.msk [tilespmem:v7+s19+$0x0], $0xffff  }
0x2c3: {  	[tilespmem:s14+$0x1A8B0] =	vst v10;
	v9 =	vld.idx.msk [tilespmem:v5+s19+$0x0], $0xffff  }
0x2c4: {  	v10 =	vld.idx.msk [tilespmem:v6+s19+$0x0], $0xffff;
	_ =	sdelay $0x1  }
0x2c5: {  	[tilespmem:s14+$0x1A900] =	vst v11  }
0x2c6: {  	v4 =	vld.idx.msk [tilespmem:v4+s20+$0x0], $0xffff;
	[tilespmem:s14+$0x1A910] =	vst v8  }
0x2c7: {  	[tilespmem:s14+$0x1A920] =	vst v9;
	v7 =	vld.idx.msk [tilespmem:v7+s20+$0x0], $0xffff  }
0x2c8: {  	[tilespmem:s14+$0x1A930] =	vst v10;
	v5 =	vld.idx.msk [tilespmem:v5+s20+$0x0], $0xffff  }
0x2c9: {  	p2 =	por p1, p1;
	v6 =	vld.idx.msk [tilespmem:v6+s20+$0x0], $0xffff  }
.Ltmp1:
0x2ca: {  	_ = 	snop;
	(pc) =	sbr.rel @p2 .LBB2_5-.Ltmp1, $4  }
0x2cb: {  	[tilespmem:s14+$0x1A980] =	vst v4  }
0x2cc: {  	[tilespmem:s14+$0x1A990] =	vst v7  }
0x2cd: {  	[tilespmem:s14+$0x1A9A0] =	vst v5  }
0x2ce: {  	p1 =	por $0x0, $0x0;
	[tilespmem:s14+$0x1A9B0] =	vst v6;
	s14 =	simm.s32 $0x40  }
0x2cf: {  	s14 =	rddreg [dreg:$0x4]  }
0x2d0: {  	s15 =	rddreg [dreg:$0xc]  }
0x2d1: {  	s22 =	rddreg [dreg:$0x2];
	s14 =	sor.u32 s14, s15  }
0x2d2: {  	s21 =	simm.s32 $0x400;
	s23 =	simm.s32 $0x20000;
	s14 =	sadd.s32 s14, s22  }
0x2d3: {  	s22 =	simm.s32 $0x18A00;
	[dreg:$0xb] =	wrdreg s14;
	s14 =	sadd.s32 $0x80, s14  }
0x2d4: {  	[hbm4b:s14+s21] =	stream.strided.scatter [tilespmem:s22], [sflag:$0x2], $0x2000, s23, s21, $0x38;
	[tilespmem:$0x1EA00] =	vst v63  }
0x2d5: {  	s22 =	simm.s32 @!p0 $0x3  }
0x2d6: {  	_ =	swait.ge @!p0 [sflag:s22], $0x2000  }
0x2d7: {  	s23 =	rddreg [dreg:$0xa]  }
0x2d8: {  	s29 =	sadd.s32 $0x10200, s23  }
0x2d9: {  	v0 =	vmov s29;
	_ =	sdelay $0x1  }
0x2da: {  	p1 =	por $0x1, $0x1;
	[sflag:s22] =	ssyncset.done @!p0 $0x0  }
0x2db: {  	s30 =	sadd.s32 $0x10210, s23;
	s24 =	sadd.s32 $0x10220, s23;
	s21 =	sadd.s32 $0x10230, s23  }
0x2dc: {  	s15 =	simm.s32 $0x0;
	s14 =	simm.s32 $0x0;
	[sflag:s22] =	ssyncadd.s32 @!p0 $0xFFFFE000;
	v1 =	vmov s30;
	v2 =	vmov s24;
	v3 =	vmov s21  }
.LBB2_7:
0x2dd: {  	v4 =	vld.idx.msk [tilespmem:v0+s14+$0x0 ss:$0x1], $0xffff;
	_ =	sdelay $0x7  }
0x2de: {  	v5 =	vld.idx.msk [tilespmem:v4+s15+$0x0], $0xffff;
	_ =	sdelay $0x4  }
0x2df: {  	s30 =	simm.s32 $0x3E8;
	[tilespmem:s14+$0x1AA00] =	vst v5  }
0x2e0: {  	v5 =	vld.idx.msk [tilespmem:v4+s30+$0x0], $0xffff;
	_ =	sdelay $0x4  }
0x2e1: {  	s23 =	simm.s32 $0x7D0;
	[tilespmem:s14+$0x1AA80] =	vst v5  }
0x2e2: {  	v5 =	vld.idx.msk [tilespmem:v4+s23+$0x0], $0xffff;
	_ =	sdelay $0x4  }
0x2e3: {  	s29 =	simm.s32 $0xBB8;
	[tilespmem:s14+$0x1AB00] =	vst v5  }
0x2e4: {  	v5 =	vld.idx.msk [tilespmem:v4+s29+$0x0], $0xffff;
	_ =	sdelay $0x4  }
0x2e5: {  	s21 =	simm.s32 $0xFA0;
	[tilespmem:s14+$0x1AB80] =	vst v5  }
0x2e6: {  	v5 =	vld.idx.msk [tilespmem:v4+s21+$0x0], $0xffff;
	_ =	sdelay $0x4  }
0x2e7: {  	s24 =	simm.s32 $0x1388;
	[tilespmem:s14+$0x1AC00] =	vst v5  }
0x2e8: {  	v5 =	vld.idx.msk [tilespmem:v4+s24+$0x0], $0xffff;
	_ =	sdelay $0x4  }
0x2e9: {  	s22 =	simm.s32 $0x1770;
	[tilespmem:s14+$0x1AC80] =	vst v5  }
0x2ea: {  	v5 =	vld.idx.msk [tilespmem:v4+s22+$0x0], $0xffff;
	_ =	sdelay $0x4  }
0x2eb: {  	[tilespmem:s14+$0x1AD00] =	vst v5  }
0x2ec: {  	v5 =	vld.idx.msk [tilespmem:v4+s25+$0x0], $0xffff;
	_ =	sdelay $0x4  }
0x2ed: {  	[tilespmem:s14+$0x1AD80] =	vst v5  }
0x2ee: {  	v7 =	vld.idx.msk [tilespmem:v1+s14+$0x0 ss:$0x1], $0xffff  }
0x2ef: {  	v5 =	vld.idx.msk [tilespmem:v2+s14+$0x0 ss:$0x1], $0xffff  }
0x2f0: {  	v6 =	vld.idx.msk [tilespmem:v3+s14+$0x0 ss:$0x1], $0xffff;
	_ =	sdelay $0x5  }
0x2f1: {  	v8 =	vld.idx.msk [tilespmem:v7+s15+$0x0], $0xffff  }
0x2f2: {  	v9 =	vld.idx.msk [tilespmem:v5+s15+$0x0], $0xffff  }
0x2f3: {  	v10 =	vld.idx.msk [tilespmem:v6+s15+$0x0], $0xffff;
	_ =	sdelay $0x2  }
0x2f4: {  	[tilespmem:s14+$0x1AA10] =	vst v8  }
0x2f5: {  	[tilespmem:s14+$0x1AA20] =	vst v9;
	v8 =	vld.idx.msk [tilespmem:v7+s30+$0x0], $0xffff  }
0x2f6: {  	[tilespmem:s14+$0x1AA30] =	vst v10;
	v9 =	vld.idx.msk [tilespmem:v5+s30+$0x0], $0xffff  }
0x2f7: {  	v10 =	vld.idx.msk [tilespmem:v6+s30+$0x0], $0xffff;
	_ =	sdelay $0x2  }
0x2f8: {  	[tilespmem:s14+$0x1AA90] =	vst v8  }
0x2f9: {  	[tilespmem:s14+$0x1AAA0] =	vst v9;
	v8 =	vld.idx.msk [tilespmem:v7+s23+$0x0], $0xffff  }
0x2fa: {  	[tilespmem:s14+$0x1AAB0] =	vst v10;
	v9 =	vld.idx.msk [tilespmem:v5+s23+$0x0], $0xffff  }
0x2fb: {  	v10 =	vld.idx.msk [tilespmem:v6+s23+$0x0], $0xffff;
	_ =	sdelay $0x2  }
0x2fc: {  	[tilespmem:s14+$0x1AB10] =	vst v8  }
0x2fd: {  	[tilespmem:s14+$0x1AB20] =	vst v9;
	v8 =	vld.idx.msk [tilespmem:v7+s29+$0x0], $0xffff  }
0x2fe: {  	[tilespmem:s14+$0x1AB30] =	vst v10;
	v9 =	vld.idx.msk [tilespmem:v5+s29+$0x0], $0xffff  }
0x2ff: {  	v10 =	vld.idx.msk [tilespmem:v6+s29+$0x0], $0xffff;
	_ =	sdelay $0x2  }
0x300: {  	[tilespmem:s14+$0x1AB90] =	vst v8  }
0x301: {  	[tilespmem:s14+$0x1ABA0] =	vst v9;
	v8 =	vld.idx.msk [tilespmem:v7+s21+$0x0], $0xffff  }
0x302: {  	[tilespmem:s14+$0x1ABB0] =	vst v10;
	v9 =	vld.idx.msk [tilespmem:v5+s21+$0x0], $0xffff  }
0x303: {  	v10 =	vld.idx.msk [tilespmem:v6+s21+$0x0], $0xffff;
	_ =	sdelay $0x2  }
0x304: {  	[tilespmem:s14+$0x1AC10] =	vst v8  }
0x305: {  	[tilespmem:s14+$0x1AC20] =	vst v9;
	v8 =	vld.idx.msk [tilespmem:v7+s24+$0x0], $0xffff  }
0x306: {  	[tilespmem:s14+$0x1AC30] =	vst v10;
	v9 =	vld.idx.msk [tilespmem:v5+s24+$0x0], $0xffff  }
0x307: {  	v10 =	vld.idx.msk [tilespmem:v6+s24+$0x0], $0xffff;
	_ =	sdelay $0x2  }
0x308: {  	s23 =	simm.s32 $0x1770;
	[tilespmem:s14+$0x1AC90] =	vst v8  }
0x309: {  	[tilespmem:s14+$0x1ACA0] =	vst v9;
	v8 =	vld.idx.msk [tilespmem:v7+s23+$0x0], $0xffff  }
0x30a: {  	[tilespmem:s14+$0x1ACB0] =	vst v10;
	v9 =	vld.idx.msk [tilespmem:v5+s23+$0x0], $0xffff  }
0x30b: {  	v10 =	vld.idx.msk [tilespmem:v6+s23+$0x0], $0xffff;
	_ =	sdelay $0x2  }
0x30c: {  	[tilespmem:s14+$0x1AD10] =	vst v8  }
0x30d: {  	[tilespmem:s14+$0x1AD20] =	vst v9;
	v8 =	vld.idx.msk [tilespmem:v7+s25+$0x0], $0xffff  }
0x30e: {  	[tilespmem:s14+$0x1AD30] =	vst v10;
	v9 =	vld.idx.msk [tilespmem:v5+s25+$0x0], $0xffff  }
0x30f: {  	v10 =	vld.idx.msk [tilespmem:v6+s25+$0x0], $0xffff;
	_ =	sdelay $0x1  }
0x310: {  	s22 =	simm.s32 $0x1F40  }
0x311: {  	v11 =	vld.idx.msk [tilespmem:v4+s22+$0x0], $0xffff;
	[tilespmem:s14+$0x1AD90] =	vst v8  }
0x312: {  	[tilespmem:s14+$0x1ADA0] =	vst v9;
	v8 =	vld.idx.msk [tilespmem:v7+s22+$0x0], $0xffff  }
0x313: {  	[tilespmem:s14+$0x1ADB0] =	vst v10;
	v9 =	vld.idx.msk [tilespmem:v5+s22+$0x0], $0xffff  }
0x314: {  	v10 =	vld.idx.msk [tilespmem:v6+s22+$0x0], $0xffff;
	_ =	sdelay $0x1  }
0x315: {  	[tilespmem:s14+$0x1AE00] =	vst v11;
	s24 =	simm.s32 $0x2328  }
0x316: {  	v11 =	vld.idx.msk [tilespmem:v4+s24+$0x0], $0xffff;
	[tilespmem:s14+$0x1AE10] =	vst v8  }
0x317: {  	[tilespmem:s14+$0x1AE20] =	vst v9;
	v8 =	vld.idx.msk [tilespmem:v7+s24+$0x0], $0xffff  }
0x318: {  	[tilespmem:s14+$0x1AE30] =	vst v10;
	v9 =	vld.idx.msk [tilespmem:v5+s24+$0x0], $0xffff  }
0x319: {  	v10 =	vld.idx.msk [tilespmem:v6+s24+$0x0], $0xffff;
	_ =	sdelay $0x1  }
0x31a: {  	s23 =	simm.s32 $0x2710;
	[tilespmem:s14+$0x1AE80] =	vst v11  }
0x31b: {  	v11 =	vld.idx.msk [tilespmem:v4+s23+$0x0], $0xffff;
	[tilespmem:s14+$0x1AE90] =	vst v8  }
0x31c: {  	[tilespmem:s14+$0x1AEA0] =	vst v9;
	v8 =	vld.idx.msk [tilespmem:v7+s23+$0x0], $0xffff  }
0x31d: {  	[tilespmem:s14+$0x1AEB0] =	vst v10;
	v9 =	vld.idx.msk [tilespmem:v5+s23+$0x0], $0xffff  }
0x31e: {  	v10 =	vld.idx.msk [tilespmem:v6+s23+$0x0], $0xffff;
	_ =	sdelay $0x1  }
0x31f: {  	[tilespmem:s14+$0x1AF00] =	vst v11;
	s22 =	simm.s32 $0x2AF8  }
0x320: {  	v11 =	vld.idx.msk [tilespmem:v4+s22+$0x0], $0xffff;
	[tilespmem:s14+$0x1AF10] =	vst v8  }
0x321: {  	[tilespmem:s14+$0x1AF20] =	vst v9;
	v8 =	vld.idx.msk [tilespmem:v7+s22+$0x0], $0xffff  }
0x322: {  	[tilespmem:s14+$0x1AF30] =	vst v10;
	v9 =	vld.idx.msk [tilespmem:v5+s22+$0x0], $0xffff  }
0x323: {  	v10 =	vld.idx.msk [tilespmem:v6+s22+$0x0], $0xffff;
	_ =	sdelay $0x1  }
0x324: {  	s24 =	simm.s32 $0x2EE0;
	[tilespmem:s14+$0x1AF80] =	vst v11  }
0x325: {  	v11 =	vld.idx.msk [tilespmem:v4+s24+$0x0], $0xffff;
	[tilespmem:s14+$0x1AF90] =	vst v8  }
0x326: {  	[tilespmem:s14+$0x1AFA0] =	vst v9;
	v8 =	vld.idx.msk [tilespmem:v7+s24+$0x0], $0xffff  }
0x327: {  	[tilespmem:s14+$0x1AFB0] =	vst v10;
	v9 =	vld.idx.msk [tilespmem:v5+s24+$0x0], $0xffff  }
0x328: {  	v10 =	vld.idx.msk [tilespmem:v6+s24+$0x0], $0xffff;
	_ =	sdelay $0x1  }
0x329: {  	s23 =	simm.s32 $0x32C8;
	[tilespmem:s14+$0x1B000] =	vst v11  }
0x32a: {  	v11 =	vld.idx.msk [tilespmem:v4+s23+$0x0], $0xffff;
	[tilespmem:s14+$0x1B010] =	vst v8  }
0x32b: {  	[tilespmem:s14+$0x1B020] =	vst v9;
	v8 =	vld.idx.msk [tilespmem:v7+s23+$0x0], $0xffff  }
0x32c: {  	[tilespmem:s14+$0x1B030] =	vst v10;
	v9 =	vld.idx.msk [tilespmem:v5+s23+$0x0], $0xffff  }
0x32d: {  	v10 =	vld.idx.msk [tilespmem:v6+s23+$0x0], $0xffff;
	_ =	sdelay $0x1  }
0x32e: {  	s22 =	simm.s32 $0x36B0;
	[tilespmem:s14+$0x1B080] =	vst v11  }
0x32f: {  	v11 =	vld.idx.msk [tilespmem:v4+s22+$0x0], $0xffff;
	[tilespmem:s14+$0x1B090] =	vst v8  }
0x330: {  	[tilespmem:s14+$0x1B0A0] =	vst v9;
	v8 =	vld.idx.msk [tilespmem:v7+s22+$0x0], $0xffff  }
0x331: {  	[tilespmem:s14+$0x1B0B0] =	vst v10;
	v9 =	vld.idx.msk [tilespmem:v5+s22+$0x0], $0xffff  }
0x332: {  	v10 =	vld.idx.msk [tilespmem:v6+s22+$0x0], $0xffff;
	_ =	sdelay $0x1  }
0x333: {  	s24 =	simm.s32 $0x3A98;
	[tilespmem:s14+$0x1B100] =	vst v11  }
0x334: {  	v11 =	vld.idx.msk [tilespmem:v4+s24+$0x0], $0xffff;
	[tilespmem:s14+$0x1B110] =	vst v8  }
0x335: {  	[tilespmem:s14+$0x1B120] =	vst v9;
	v8 =	vld.idx.msk [tilespmem:v7+s24+$0x0], $0xffff  }
0x336: {  	[tilespmem:s14+$0x1B130] =	vst v10;
	v9 =	vld.idx.msk [tilespmem:v5+s24+$0x0], $0xffff  }
0x337: {  	v10 =	vld.idx.msk [tilespmem:v6+s24+$0x0], $0xffff;
	_ =	sdelay $0x1  }
0x338: {  	s23 =	simm.s32 $0x3E80;
	[tilespmem:s14+$0x1B180] =	vst v11  }
0x339: {  	v11 =	vld.idx.msk [tilespmem:v4+s23+$0x0], $0xffff;
	[tilespmem:s14+$0x1B190] =	vst v8  }
0x33a: {  	[tilespmem:s14+$0x1B1A0] =	vst v9;
	v8 =	vld.idx.msk [tilespmem:v7+s23+$0x0], $0xffff  }
0x33b: {  	[tilespmem:s14+$0x1B1B0] =	vst v10;
	v9 =	vld.idx.msk [tilespmem:v5+s23+$0x0], $0xffff  }
0x33c: {  	v10 =	vld.idx.msk [tilespmem:v6+s23+$0x0], $0xffff;
	_ =	sdelay $0x1  }
0x33d: {  	s22 =	simm.s32 $0x4268;
	[tilespmem:s14+$0x1B200] =	vst v11  }
0x33e: {  	v11 =	vld.idx.msk [tilespmem:v4+s22+$0x0], $0xffff;
	[tilespmem:s14+$0x1B210] =	vst v8  }
0x33f: {  	[tilespmem:s14+$0x1B220] =	vst v9;
	v8 =	vld.idx.msk [tilespmem:v7+s22+$0x0], $0xffff  }
0x340: {  	[tilespmem:s14+$0x1B230] =	vst v10;
	v9 =	vld.idx.msk [tilespmem:v5+s22+$0x0], $0xffff  }
0x341: {  	v10 =	vld.idx.msk [tilespmem:v6+s22+$0x0], $0xffff;
	_ =	sdelay $0x1  }
0x342: {  	s24 =	simm.s32 $0x4650;
	[tilespmem:s14+$0x1B280] =	vst v11  }
0x343: {  	v11 =	vld.idx.msk [tilespmem:v4+s24+$0x0], $0xffff;
	[tilespmem:s14+$0x1B290] =	vst v8  }
0x344: {  	[tilespmem:s14+$0x1B2A0] =	vst v9;
	v8 =	vld.idx.msk [tilespmem:v7+s24+$0x0], $0xffff  }
0x345: {  	[tilespmem:s14+$0x1B2B0] =	vst v10;
	v9 =	vld.idx.msk [tilespmem:v5+s24+$0x0], $0xffff  }
0x346: {  	v10 =	vld.idx.msk [tilespmem:v6+s24+$0x0], $0xffff;
	_ =	sdelay $0x1  }
0x347: {  	s23 =	simm.s32 $0x4A38;
	[tilespmem:s14+$0x1B300] =	vst v11  }
0x348: {  	v11 =	vld.idx.msk [tilespmem:v4+s23+$0x0], $0xffff;
	[tilespmem:s14+$0x1B310] =	vst v8  }
0x349: {  	[tilespmem:s14+$0x1B320] =	vst v9;
	v8 =	vld.idx.msk [tilespmem:v7+s23+$0x0], $0xffff  }
0x34a: {  	[tilespmem:s14+$0x1B330] =	vst v10;
	v9 =	vld.idx.msk [tilespmem:v5+s23+$0x0], $0xffff  }
0x34b: {  	v10 =	vld.idx.msk [tilespmem:v6+s23+$0x0], $0xffff;
	_ =	sdelay $0x1  }
0x34c: {  	s22 =	simm.s32 $0x4E20;
	[tilespmem:s14+$0x1B380] =	vst v11  }
0x34d: {  	v11 =	vld.idx.msk [tilespmem:v4+s22+$0x0], $0xffff;
	[tilespmem:s14+$0x1B390] =	vst v8  }
0x34e: {  	[tilespmem:s14+$0x1B3A0] =	vst v9;
	v8 =	vld.idx.msk [tilespmem:v7+s22+$0x0], $0xffff  }
0x34f: {  	[tilespmem:s14+$0x1B3B0] =	vst v10;
	v9 =	vld.idx.msk [tilespmem:v5+s22+$0x0], $0xffff  }
0x350: {  	v10 =	vld.idx.msk [tilespmem:v6+s22+$0x0], $0xffff;
	_ =	sdelay $0x1  }
0x351: {  	s24 =	simm.s32 $0x5208;
	[tilespmem:s14+$0x1B400] =	vst v11  }
0x352: {  	v11 =	vld.idx.msk [tilespmem:v4+s24+$0x0], $0xffff;
	[tilespmem:s14+$0x1B410] =	vst v8  }
0x353: {  	[tilespmem:s14+$0x1B420] =	vst v9;
	v8 =	vld.idx.msk [tilespmem:v7+s24+$0x0], $0xffff  }
0x354: {  	[tilespmem:s14+$0x1B430] =	vst v10;
	v9 =	vld.idx.msk [tilespmem:v5+s24+$0x0], $0xffff  }
0x355: {  	v10 =	vld.idx.msk [tilespmem:v6+s24+$0x0], $0xffff;
	_ =	sdelay $0x1  }
0x356: {  	s23 =	simm.s32 $0x55F0;
	[tilespmem:s14+$0x1B480] =	vst v11  }
0x357: {  	v11 =	vld.idx.msk [tilespmem:v4+s23+$0x0], $0xffff;
	[tilespmem:s14+$0x1B490] =	vst v8  }
0x358: {  	[tilespmem:s14+$0x1B4A0] =	vst v9;
	v8 =	vld.idx.msk [tilespmem:v7+s23+$0x0], $0xffff  }
0x359: {  	[tilespmem:s14+$0x1B4B0] =	vst v10;
	v9 =	vld.idx.msk [tilespmem:v5+s23+$0x0], $0xffff  }
0x35a: {  	v10 =	vld.idx.msk [tilespmem:v6+s23+$0x0], $0xffff;
	_ =	sdelay $0x1  }
0x35b: {  	s22 =	simm.s32 $0x59D8;
	[tilespmem:s14+$0x1B500] =	vst v11  }
0x35c: {  	v11 =	vld.idx.msk [tilespmem:v4+s22+$0x0], $0xffff;
	[tilespmem:s14+$0x1B510] =	vst v8  }
0x35d: {  	[tilespmem:s14+$0x1B520] =	vst v9;
	v8 =	vld.idx.msk [tilespmem:v7+s22+$0x0], $0xffff  }
0x35e: {  	[tilespmem:s14+$0x1B530] =	vst v10;
	v9 =	vld.idx.msk [tilespmem:v5+s22+$0x0], $0xffff  }
0x35f: {  	v10 =	vld.idx.msk [tilespmem:v6+s22+$0x0], $0xffff;
	_ =	sdelay $0x1  }
0x360: {  	s24 =	simm.s32 $0x5DC0;
	[tilespmem:s14+$0x1B580] =	vst v11  }
0x361: {  	v11 =	vld.idx.msk [tilespmem:v4+s24+$0x0], $0xffff;
	[tilespmem:s14+$0x1B590] =	vst v8  }
0x362: {  	[tilespmem:s14+$0x1B5A0] =	vst v9;
	v8 =	vld.idx.msk [tilespmem:v7+s24+$0x0], $0xffff  }
0x363: {  	[tilespmem:s14+$0x1B5B0] =	vst v10;
	v9 =	vld.idx.msk [tilespmem:v5+s24+$0x0], $0xffff  }
0x364: {  	v10 =	vld.idx.msk [tilespmem:v6+s24+$0x0], $0xffff;
	_ =	sdelay $0x1  }
0x365: {  	s23 =	simm.s32 $0x61A8;
	[tilespmem:s14+$0x1B600] =	vst v11  }
0x366: {  	v11 =	vld.idx.msk [tilespmem:v4+s23+$0x0], $0xffff;
	[tilespmem:s14+$0x1B610] =	vst v8  }
0x367: {  	[tilespmem:s14+$0x1B620] =	vst v9;
	v8 =	vld.idx.msk [tilespmem:v7+s23+$0x0], $0xffff  }
0x368: {  	[tilespmem:s14+$0x1B630] =	vst v10;
	v9 =	vld.idx.msk [tilespmem:v5+s23+$0x0], $0xffff  }
0x369: {  	v10 =	vld.idx.msk [tilespmem:v6+s23+$0x0], $0xffff;
	_ =	sdelay $0x1  }
0x36a: {  	s22 =	simm.s32 $0x6590;
	[tilespmem:s14+$0x1B680] =	vst v11  }
0x36b: {  	v11 =	vld.idx.msk [tilespmem:v4+s22+$0x0], $0xffff;
	[tilespmem:s14+$0x1B690] =	vst v8  }
0x36c: {  	[tilespmem:s14+$0x1B6A0] =	vst v9;
	v8 =	vld.idx.msk [tilespmem:v7+s22+$0x0], $0xffff  }
0x36d: {  	[tilespmem:s14+$0x1B6B0] =	vst v10;
	v9 =	vld.idx.msk [tilespmem:v5+s22+$0x0], $0xffff  }
0x36e: {  	v10 =	vld.idx.msk [tilespmem:v6+s22+$0x0], $0xffff;
	_ =	sdelay $0x1  }
0x36f: {  	s24 =	simm.s32 $0x6978;
	[tilespmem:s14+$0x1B700] =	vst v11  }
0x370: {  	v11 =	vld.idx.msk [tilespmem:v4+s24+$0x0], $0xffff;
	[tilespmem:s14+$0x1B710] =	vst v8  }
0x371: {  	[tilespmem:s14+$0x1B720] =	vst v9;
	v8 =	vld.idx.msk [tilespmem:v7+s24+$0x0], $0xffff  }
0x372: {  	[tilespmem:s14+$0x1B730] =	vst v10;
	v9 =	vld.idx.msk [tilespmem:v5+s24+$0x0], $0xffff  }
0x373: {  	v10 =	vld.idx.msk [tilespmem:v6+s24+$0x0], $0xffff;
	_ =	sdelay $0x1  }
0x374: {  	s23 =	simm.s32 $0x6D60;
	[tilespmem:s14+$0x1B780] =	vst v11  }
0x375: {  	v11 =	vld.idx.msk [tilespmem:v4+s23+$0x0], $0xffff;
	[tilespmem:s14+$0x1B790] =	vst v8  }
0x376: {  	[tilespmem:s14+$0x1B7A0] =	vst v9;
	v8 =	vld.idx.msk [tilespmem:v7+s23+$0x0], $0xffff  }
0x377: {  	[tilespmem:s14+$0x1B7B0] =	vst v10;
	v9 =	vld.idx.msk [tilespmem:v5+s23+$0x0], $0xffff  }
0x378: {  	v10 =	vld.idx.msk [tilespmem:v6+s23+$0x0], $0xffff;
	_ =	sdelay $0x1  }
0x379: {  	s22 =	simm.s32 $0x7148;
	[tilespmem:s14+$0x1B800] =	vst v11  }
0x37a: {  	v11 =	vld.idx.msk [tilespmem:v4+s22+$0x0], $0xffff;
	[tilespmem:s14+$0x1B810] =	vst v8  }
0x37b: {  	[tilespmem:s14+$0x1B820] =	vst v9;
	v8 =	vld.idx.msk [tilespmem:v7+s22+$0x0], $0xffff  }
0x37c: {  	[tilespmem:s14+$0x1B830] =	vst v10;
	v9 =	vld.idx.msk [tilespmem:v5+s22+$0x0], $0xffff  }
0x37d: {  	v10 =	vld.idx.msk [tilespmem:v6+s22+$0x0], $0xffff;
	_ =	sdelay $0x1  }
0x37e: {  	s24 =	simm.s32 $0x7530;
	[tilespmem:s14+$0x1B880] =	vst v11  }
0x37f: {  	v11 =	vld.idx.msk [tilespmem:v4+s24+$0x0], $0xffff;
	[tilespmem:s14+$0x1B890] =	vst v8  }
0x380: {  	[tilespmem:s14+$0x1B8A0] =	vst v9;
	v8 =	vld.idx.msk [tilespmem:v7+s24+$0x0], $0xffff  }
0x381: {  	[tilespmem:s14+$0x1B8B0] =	vst v10;
	v9 =	vld.idx.msk [tilespmem:v5+s24+$0x0], $0xffff  }
0x382: {  	v10 =	vld.idx.msk [tilespmem:v6+s24+$0x0], $0xffff;
	_ =	sdelay $0x1  }
0x383: {  	s23 =	simm.s32 $0x7918;
	[tilespmem:s14+$0x1B900] =	vst v11  }
0x384: {  	v11 =	vld.idx.msk [tilespmem:v4+s23+$0x0], $0xffff;
	[tilespmem:s14+$0x1B910] =	vst v8  }
0x385: {  	[tilespmem:s14+$0x1B920] =	vst v9;
	v8 =	vld.idx.msk [tilespmem:v7+s23+$0x0], $0xffff  }
0x386: {  	[tilespmem:s14+$0x1B930] =	vst v10;
	v9 =	vld.idx.msk [tilespmem:v5+s23+$0x0], $0xffff  }
0x387: {  	v10 =	vld.idx.msk [tilespmem:v6+s23+$0x0], $0xffff;
	_ =	sdelay $0x1  }
0x388: {  	s22 =	simm.s32 $0x7D00;
	[tilespmem:s14+$0x1B980] =	vst v11  }
0x389: {  	v11 =	vld.idx.msk [tilespmem:v4+s22+$0x0], $0xffff;
	[tilespmem:s14+$0x1B990] =	vst v8  }
0x38a: {  	[tilespmem:s14+$0x1B9A0] =	vst v9;
	v8 =	vld.idx.msk [tilespmem:v7+s22+$0x0], $0xffff  }
0x38b: {  	[tilespmem:s14+$0x1B9B0] =	vst v10;
	v9 =	vld.idx.msk [tilespmem:v5+s22+$0x0], $0xffff  }
0x38c: {  	v10 =	vld.idx.msk [tilespmem:v6+s22+$0x0], $0xffff;
	_ =	sdelay $0x1  }
0x38d: {  	s24 =	simm.s32 $0x80E8;
	[tilespmem:s14+$0x1BA00] =	vst v11  }
0x38e: {  	v11 =	vld.idx.msk [tilespmem:v4+s24+$0x0], $0xffff;
	[tilespmem:s14+$0x1BA10] =	vst v8  }
0x38f: {  	[tilespmem:s14+$0x1BA20] =	vst v9;
	v8 =	vld.idx.msk [tilespmem:v7+s24+$0x0], $0xffff  }
0x390: {  	[tilespmem:s14+$0x1BA30] =	vst v10;
	v9 =	vld.idx.msk [tilespmem:v5+s24+$0x0], $0xffff  }
0x391: {  	v10 =	vld.idx.msk [tilespmem:v6+s24+$0x0], $0xffff;
	_ =	sdelay $0x1  }
0x392: {  	s23 =	simm.s32 $0x84D0;
	[tilespmem:s14+$0x1BA80] =	vst v11  }
0x393: {  	v11 =	vld.idx.msk [tilespmem:v4+s23+$0x0], $0xffff;
	[tilespmem:s14+$0x1BA90] =	vst v8  }
0x394: {  	[tilespmem:s14+$0x1BAA0] =	vst v9;
	v8 =	vld.idx.msk [tilespmem:v7+s23+$0x0], $0xffff  }
0x395: {  	[tilespmem:s14+$0x1BAB0] =	vst v10;
	v9 =	vld.idx.msk [tilespmem:v5+s23+$0x0], $0xffff  }
0x396: {  	v10 =	vld.idx.msk [tilespmem:v6+s23+$0x0], $0xffff;
	_ =	sdelay $0x1  }
0x397: {  	s22 =	simm.s32 $0x88B8;
	[tilespmem:s14+$0x1BB00] =	vst v11  }
0x398: {  	v11 =	vld.idx.msk [tilespmem:v4+s22+$0x0], $0xffff;
	[tilespmem:s14+$0x1BB10] =	vst v8  }
0x399: {  	[tilespmem:s14+$0x1BB20] =	vst v9;
	v8 =	vld.idx.msk [tilespmem:v7+s22+$0x0], $0xffff  }
0x39a: {  	[tilespmem:s14+$0x1BB30] =	vst v10;
	v9 =	vld.idx.msk [tilespmem:v5+s22+$0x0], $0xffff  }
0x39b: {  	v10 =	vld.idx.msk [tilespmem:v6+s22+$0x0], $0xffff;
	_ =	sdelay $0x1  }
0x39c: {  	s24 =	simm.s32 $0x8CA0;
	[tilespmem:s14+$0x1BB80] =	vst v11  }
0x39d: {  	v11 =	vld.idx.msk [tilespmem:v4+s24+$0x0], $0xffff;
	[tilespmem:s14+$0x1BB90] =	vst v8  }
0x39e: {  	[tilespmem:s14+$0x1BBA0] =	vst v9;
	v8 =	vld.idx.msk [tilespmem:v7+s24+$0x0], $0xffff  }
0x39f: {  	[tilespmem:s14+$0x1BBB0] =	vst v10;
	v9 =	vld.idx.msk [tilespmem:v5+s24+$0x0], $0xffff  }
0x3a0: {  	v10 =	vld.idx.msk [tilespmem:v6+s24+$0x0], $0xffff;
	_ =	sdelay $0x1  }
0x3a1: {  	s23 =	simm.s32 $0x9088;
	[tilespmem:s14+$0x1BC00] =	vst v11  }
0x3a2: {  	v11 =	vld.idx.msk [tilespmem:v4+s23+$0x0], $0xffff;
	[tilespmem:s14+$0x1BC10] =	vst v8  }
0x3a3: {  	[tilespmem:s14+$0x1BC20] =	vst v9;
	v8 =	vld.idx.msk [tilespmem:v7+s23+$0x0], $0xffff  }
0x3a4: {  	[tilespmem:s14+$0x1BC30] =	vst v10;
	v9 =	vld.idx.msk [tilespmem:v5+s23+$0x0], $0xffff  }
0x3a5: {  	v10 =	vld.idx.msk [tilespmem:v6+s23+$0x0], $0xffff;
	_ =	sdelay $0x1  }
0x3a6: {  	s22 =	simm.s32 $0x9470;
	[tilespmem:s14+$0x1BC80] =	vst v11  }
0x3a7: {  	v11 =	vld.idx.msk [tilespmem:v4+s22+$0x0], $0xffff;
	[tilespmem:s14+$0x1BC90] =	vst v8  }
0x3a8: {  	[tilespmem:s14+$0x1BCA0] =	vst v9;
	v8 =	vld.idx.msk [tilespmem:v7+s22+$0x0], $0xffff  }
0x3a9: {  	[tilespmem:s14+$0x1BCB0] =	vst v10;
	v9 =	vld.idx.msk [tilespmem:v5+s22+$0x0], $0xffff  }
0x3aa: {  	v10 =	vld.idx.msk [tilespmem:v6+s22+$0x0], $0xffff;
	_ =	sdelay $0x1  }
0x3ab: {  	s24 =	simm.s32 $0x9858;
	[tilespmem:s14+$0x1BD00] =	vst v11  }
0x3ac: {  	v11 =	vld.idx.msk [tilespmem:v4+s24+$0x0], $0xffff;
	[tilespmem:s14+$0x1BD10] =	vst v8  }
0x3ad: {  	[tilespmem:s14+$0x1BD20] =	vst v9;
	v8 =	vld.idx.msk [tilespmem:v7+s24+$0x0], $0xffff  }
0x3ae: {  	[tilespmem:s14+$0x1BD30] =	vst v10;
	v9 =	vld.idx.msk [tilespmem:v5+s24+$0x0], $0xffff  }
0x3af: {  	v10 =	vld.idx.msk [tilespmem:v6+s24+$0x0], $0xffff;
	_ =	sdelay $0x1  }
0x3b0: {  	[tilespmem:s14+$0x1BD80] =	vst v11  }
0x3b1: {  	v11 =	vld.idx.msk [tilespmem:v4+s26+$0x0], $0xffff;
	[tilespmem:s14+$0x1BD90] =	vst v8  }
0x3b2: {  	[tilespmem:s14+$0x1BDA0] =	vst v9;
	v8 =	vld.idx.msk [tilespmem:v7+s26+$0x0], $0xffff  }
0x3b3: {  	[tilespmem:s14+$0x1BDB0] =	vst v10;
	v9 =	vld.idx.msk [tilespmem:v5+s26+$0x0], $0xffff  }
0x3b4: {  	v10 =	vld.idx.msk [tilespmem:v6+s26+$0x0], $0xffff;
	_ =	sdelay $0x1  }
0x3b5: {  	[tilespmem:s14+$0x1BE00] =	vst v11  }
0x3b6: {  	v11 =	vld.idx.msk [tilespmem:v4+s28+$0x0], $0xffff;
	[tilespmem:s14+$0x1BE10] =	vst v8  }
0x3b7: {  	[tilespmem:s14+$0x1BE20] =	vst v9;
	v8 =	vld.idx.msk [tilespmem:v7+s28+$0x0], $0xffff  }
0x3b8: {  	[tilespmem:s14+$0x1BE30] =	vst v10;
	v9 =	vld.idx.msk [tilespmem:v5+s28+$0x0], $0xffff  }
0x3b9: {  	v10 =	vld.idx.msk [tilespmem:v6+s28+$0x0], $0xffff;
	_ =	sdelay $0x1  }
0x3ba: {  	s29 =	simm.s32 $0xA410;
	[tilespmem:s14+$0x1BE80] =	vst v11  }
0x3bb: {  	v11 =	vld.idx.msk [tilespmem:v4+s29+$0x0], $0xffff;
	[tilespmem:s14+$0x1BE90] =	vst v8  }
0x3bc: {  	[tilespmem:s14+$0x1BEA0] =	vst v9;
	v8 =	vld.idx.msk [tilespmem:v7+s29+$0x0], $0xffff  }
0x3bd: {  	[tilespmem:s14+$0x1BEB0] =	vst v10;
	v9 =	vld.idx.msk [tilespmem:v5+s29+$0x0], $0xffff  }
0x3be: {  	v10 =	vld.idx.msk [tilespmem:v6+s29+$0x0], $0xffff;
	_ =	sdelay $0x1  }
0x3bf: {  	s30 =	simm.s32 $0xA7F8;
	[tilespmem:s14+$0x1BF00] =	vst v11  }
0x3c0: {  	v11 =	vld.idx.msk [tilespmem:v4+s30+$0x0], $0xffff;
	[tilespmem:s14+$0x1BF10] =	vst v8  }
0x3c1: {  	[tilespmem:s14+$0x1BF20] =	vst v9;
	v8 =	vld.idx.msk [tilespmem:v7+s30+$0x0], $0xffff  }
0x3c2: {  	[tilespmem:s14+$0x1BF30] =	vst v10;
	v9 =	vld.idx.msk [tilespmem:v5+s30+$0x0], $0xffff  }
0x3c3: {  	v10 =	vld.idx.msk [tilespmem:v6+s30+$0x0], $0xffff;
	_ =	sdelay $0x1  }
0x3c4: {  	[tilespmem:s14+$0x1BF80] =	vst v11  }
0x3c5: {  	v11 =	vld.idx.msk [tilespmem:v4+s31+$0x0], $0xffff;
	[tilespmem:s14+$0x1BF90] =	vst v8  }
0x3c6: {  	[tilespmem:s14+$0x1BFA0] =	vst v9;
	v8 =	vld.idx.msk [tilespmem:v7+s31+$0x0], $0xffff  }
0x3c7: {  	[tilespmem:s14+$0x1BFB0] =	vst v10;
	v9 =	vld.idx.msk [tilespmem:v5+s31+$0x0], $0xffff  }
0x3c8: {  	v10 =	vld.idx.msk [tilespmem:v6+s31+$0x0], $0xffff;
	_ =	sdelay $0x1  }
0x3c9: {  	[tilespmem:s14+$0x1C000] =	vst v11  }
0x3ca: {  	v11 =	vld.idx.msk [tilespmem:v4+s0+$0x0], $0xffff;
	[tilespmem:s14+$0x1C010] =	vst v8  }
0x3cb: {  	[tilespmem:s14+$0x1C020] =	vst v9;
	v8 =	vld.idx.msk [tilespmem:v7+s0+$0x0], $0xffff  }
0x3cc: {  	[tilespmem:s14+$0x1C030] =	vst v10;
	v9 =	vld.idx.msk [tilespmem:v5+s0+$0x0], $0xffff  }
0x3cd: {  	v10 =	vld.idx.msk [tilespmem:v6+s0+$0x0], $0xffff;
	_ =	sdelay $0x1  }
0x3ce: {  	[tilespmem:s14+$0x1C080] =	vst v11  }
0x3cf: {  	v11 =	vld.idx.msk [tilespmem:v4+s3+$0x0], $0xffff;
	[tilespmem:s14+$0x1C090] =	vst v8  }
0x3d0: {  	[tilespmem:s14+$0x1C0A0] =	vst v9;
	v8 =	vld.idx.msk [tilespmem:v7+s3+$0x0], $0xffff  }
0x3d1: {  	[tilespmem:s14+$0x1C0B0] =	vst v10;
	v9 =	vld.idx.msk [tilespmem:v5+s3+$0x0], $0xffff  }
0x3d2: {  	v10 =	vld.idx.msk [tilespmem:v6+s3+$0x0], $0xffff;
	_ =	sdelay $0x1  }
0x3d3: {  	[tilespmem:s14+$0x1C100] =	vst v11  }
0x3d4: {  	v11 =	vld.idx.msk [tilespmem:v4+s1+$0x0], $0xffff;
	[tilespmem:s14+$0x1C110] =	vst v8  }
0x3d5: {  	[tilespmem:s14+$0x1C120] =	vst v9;
	v8 =	vld.idx.msk [tilespmem:v7+s1+$0x0], $0xffff  }
0x3d6: {  	[tilespmem:s14+$0x1C130] =	vst v10;
	v9 =	vld.idx.msk [tilespmem:v5+s1+$0x0], $0xffff  }
0x3d7: {  	v10 =	vld.idx.msk [tilespmem:v6+s1+$0x0], $0xffff;
	_ =	sdelay $0x1  }
0x3d8: {  	[tilespmem:s14+$0x1C180] =	vst v11  }
0x3d9: {  	v11 =	vld.idx.msk [tilespmem:v4+s10+$0x0], $0xffff;
	[tilespmem:s14+$0x1C190] =	vst v8  }
0x3da: {  	[tilespmem:s14+$0x1C1A0] =	vst v9;
	v8 =	vld.idx.msk [tilespmem:v7+s10+$0x0], $0xffff  }
0x3db: {  	[tilespmem:s14+$0x1C1B0] =	vst v10;
	v9 =	vld.idx.msk [tilespmem:v5+s10+$0x0], $0xffff  }
0x3dc: {  	v10 =	vld.idx.msk [tilespmem:v6+s10+$0x0], $0xffff;
	_ =	sdelay $0x1  }
0x3dd: {  	[tilespmem:s14+$0x1C200] =	vst v11  }
0x3de: {  	v11 =	vld.idx.msk [tilespmem:v4+s12+$0x0], $0xffff;
	[tilespmem:s14+$0x1C210] =	vst v8  }
0x3df: {  	[tilespmem:s14+$0x1C220] =	vst v9;
	v8 =	vld.idx.msk [tilespmem:v7+s12+$0x0], $0xffff  }
0x3e0: {  	[tilespmem:s14+$0x1C230] =	vst v10;
	v9 =	vld.idx.msk [tilespmem:v5+s12+$0x0], $0xffff  }
0x3e1: {  	v10 =	vld.idx.msk [tilespmem:v6+s12+$0x0], $0xffff;
	_ =	sdelay $0x1  }
0x3e2: {  	[tilespmem:s14+$0x1C280] =	vst v11  }
0x3e3: {  	v11 =	vld.idx.msk [tilespmem:v4+s6+$0x0], $0xffff;
	[tilespmem:s14+$0x1C290] =	vst v8  }
0x3e4: {  	[tilespmem:s14+$0x1C2A0] =	vst v9;
	v8 =	vld.idx.msk [tilespmem:v7+s6+$0x0], $0xffff  }
0x3e5: {  	[tilespmem:s14+$0x1C2B0] =	vst v10;
	v9 =	vld.idx.msk [tilespmem:v5+s6+$0x0], $0xffff  }
0x3e6: {  	v10 =	vld.idx.msk [tilespmem:v6+s6+$0x0], $0xffff;
	_ =	sdelay $0x1  }
0x3e7: {  	[tilespmem:s14+$0x1C300] =	vst v11  }
0x3e8: {  	v11 =	vld.idx.msk [tilespmem:v4+s8+$0x0], $0xffff;
	[tilespmem:s14+$0x1C310] =	vst v8  }
0x3e9: {  	[tilespmem:s14+$0x1C320] =	vst v9;
	v8 =	vld.idx.msk [tilespmem:v7+s8+$0x0], $0xffff  }
0x3ea: {  	[tilespmem:s14+$0x1C330] =	vst v10;
	v9 =	vld.idx.msk [tilespmem:v5+s8+$0x0], $0xffff  }
0x3eb: {  	v10 =	vld.idx.msk [tilespmem:v6+s8+$0x0], $0xffff;
	_ =	sdelay $0x1  }
0x3ec: {  	[tilespmem:s14+$0x1C380] =	vst v11  }
0x3ed: {  	v11 =	vld.idx.msk [tilespmem:v4+s9+$0x0], $0xffff;
	[tilespmem:s14+$0x1C390] =	vst v8  }
0x3ee: {  	[tilespmem:s14+$0x1C3A0] =	vst v9;
	v8 =	vld.idx.msk [tilespmem:v7+s9+$0x0], $0xffff  }
0x3ef: {  	[tilespmem:s14+$0x1C3B0] =	vst v10;
	v9 =	vld.idx.msk [tilespmem:v5+s9+$0x0], $0xffff  }
0x3f0: {  	v10 =	vld.idx.msk [tilespmem:v6+s9+$0x0], $0xffff;
	_ =	sdelay $0x1  }
0x3f1: {  	[tilespmem:s14+$0x1C400] =	vst v11  }
0x3f2: {  	v11 =	vld.idx.msk [tilespmem:v4+s2+$0x0], $0xffff;
	[tilespmem:s14+$0x1C410] =	vst v8  }
0x3f3: {  	[tilespmem:s14+$0x1C420] =	vst v9;
	v8 =	vld.idx.msk [tilespmem:v7+s2+$0x0], $0xffff  }
0x3f4: {  	[tilespmem:s14+$0x1C430] =	vst v10;
	v9 =	vld.idx.msk [tilespmem:v5+s2+$0x0], $0xffff  }
0x3f5: {  	v10 =	vld.idx.msk [tilespmem:v6+s2+$0x0], $0xffff;
	_ =	sdelay $0x1  }
0x3f6: {  	[tilespmem:s14+$0x1C480] =	vst v11  }
0x3f7: {  	v11 =	vld.idx.msk [tilespmem:v4+s7+$0x0], $0xffff;
	[tilespmem:s14+$0x1C490] =	vst v8  }
0x3f8: {  	[tilespmem:s14+$0x1C4A0] =	vst v9;
	v8 =	vld.idx.msk [tilespmem:v7+s7+$0x0], $0xffff  }
0x3f9: {  	[tilespmem:s14+$0x1C4B0] =	vst v10;
	v9 =	vld.idx.msk [tilespmem:v5+s7+$0x0], $0xffff  }
0x3fa: {  	v10 =	vld.idx.msk [tilespmem:v6+s7+$0x0], $0xffff;
	_ =	sdelay $0x1  }
0x3fb: {  	[tilespmem:s14+$0x1C500] =	vst v11  }
0x3fc: {  	v11 =	vld.idx.msk [tilespmem:v4+s5+$0x0], $0xffff;
	[tilespmem:s14+$0x1C510] =	vst v8  }
0x3fd: {  	[tilespmem:s14+$0x1C520] =	vst v9;
	v8 =	vld.idx.msk [tilespmem:v7+s5+$0x0], $0xffff  }
0x3fe: {  	[tilespmem:s14+$0x1C530] =	vst v10;
	v9 =	vld.idx.msk [tilespmem:v5+s5+$0x0], $0xffff  }
0x3ff: {  	v10 =	vld.idx.msk [tilespmem:v6+s5+$0x0], $0xffff;
	_ =	sdelay $0x1  }
0x400: {  	[tilespmem:s14+$0x1C580] =	vst v11  }
0x401: {  	v11 =	vld.idx.msk [tilespmem:v4+s11+$0x0], $0xffff;
	[tilespmem:s14+$0x1C590] =	vst v8  }
0x402: {  	[tilespmem:s14+$0x1C5A0] =	vst v9;
	v8 =	vld.idx.msk [tilespmem:v7+s11+$0x0], $0xffff  }
0x403: {  	[tilespmem:s14+$0x1C5B0] =	vst v10;
	v9 =	vld.idx.msk [tilespmem:v5+s11+$0x0], $0xffff  }
0x404: {  	v10 =	vld.idx.msk [tilespmem:v6+s11+$0x0], $0xffff;
	_ =	sdelay $0x1  }
0x405: {  	[tilespmem:s14+$0x1C600] =	vst v11  }
0x406: {  	v11 =	vld.idx.msk [tilespmem:v4+s4+$0x0], $0xffff;
	[tilespmem:s14+$0x1C610] =	vst v8  }
0x407: {  	[tilespmem:s14+$0x1C620] =	vst v9;
	v8 =	vld.idx.msk [tilespmem:v7+s4+$0x0], $0xffff  }
0x408: {  	[tilespmem:s14+$0x1C630] =	vst v10;
	v9 =	vld.idx.msk [tilespmem:v5+s4+$0x0], $0xffff  }
0x409: {  	v10 =	vld.idx.msk [tilespmem:v6+s4+$0x0], $0xffff;
	_ =	sdelay $0x1  }
0x40a: {  	[tilespmem:s14+$0x1C680] =	vst v11  }
0x40b: {  	v11 =	vld.idx.msk [tilespmem:v4+s13+$0x0], $0xffff;
	[tilespmem:s14+$0x1C690] =	vst v8  }
0x40c: {  	[tilespmem:s14+$0x1C6A0] =	vst v9;
	v8 =	vld.idx.msk [tilespmem:v7+s13+$0x0], $0xffff  }
0x40d: {  	[tilespmem:s14+$0x1C6B0] =	vst v10;
	v9 =	vld.idx.msk [tilespmem:v5+s13+$0x0], $0xffff  }
0x40e: {  	v10 =	vld.idx.msk [tilespmem:v6+s13+$0x0], $0xffff;
	_ =	sdelay $0x1  }
0x40f: {  	[tilespmem:s14+$0x1C700] =	vst v11  }
0x410: {  	v11 =	vld.idx.msk [tilespmem:v4+s18+$0x0], $0xffff;
	[tilespmem:s14+$0x1C710] =	vst v8  }
0x411: {  	[tilespmem:s14+$0x1C720] =	vst v9;
	v8 =	vld.idx.msk [tilespmem:v7+s18+$0x0], $0xffff  }
0x412: {  	[tilespmem:s14+$0x1C730] =	vst v10;
	v9 =	vld.idx.msk [tilespmem:v5+s18+$0x0], $0xffff  }
0x413: {  	v10 =	vld.idx.msk [tilespmem:v6+s18+$0x0], $0xffff;
	_ =	sdelay $0x1  }
0x414: {  	[tilespmem:s14+$0x1C780] =	vst v11  }
0x415: {  	v11 =	vld.idx.msk [tilespmem:v4+s17+$0x0], $0xffff;
	[tilespmem:s14+$0x1C790] =	vst v8  }
0x416: {  	[tilespmem:s14+$0x1C7A0] =	vst v9;
	v8 =	vld.idx.msk [tilespmem:v7+s17+$0x0], $0xffff  }
0x417: {  	[tilespmem:s14+$0x1C7B0] =	vst v10;
	v9 =	vld.idx.msk [tilespmem:v5+s17+$0x0], $0xffff  }
0x418: {  	v10 =	vld.idx.msk [tilespmem:v6+s17+$0x0], $0xffff;
	_ =	sdelay $0x1  }
0x419: {  	[tilespmem:s14+$0x1C800] =	vst v11  }
0x41a: {  	v11 =	vld.idx.msk [tilespmem:v4+s16+$0x0], $0xffff;
	[tilespmem:s14+$0x1C810] =	vst v8  }
0x41b: {  	[tilespmem:s14+$0x1C820] =	vst v9;
	v8 =	vld.idx.msk [tilespmem:v7+s16+$0x0], $0xffff  }
0x41c: {  	[tilespmem:s14+$0x1C830] =	vst v10;
	v9 =	vld.idx.msk [tilespmem:v5+s16+$0x0], $0xffff  }
0x41d: {  	v10 =	vld.idx.msk [tilespmem:v6+s16+$0x0], $0xffff;
	_ =	sdelay $0x1  }
0x41e: {  	[tilespmem:s14+$0x1C880] =	vst v11  }
0x41f: {  	v11 =	vld.idx.msk [tilespmem:v4+s19+$0x0], $0xffff;
	[tilespmem:s14+$0x1C890] =	vst v8  }
0x420: {  	[tilespmem:s14+$0x1C8A0] =	vst v9;
	v8 =	vld.idx.msk [tilespmem:v7+s19+$0x0], $0xffff  }
0x421: {  	[tilespmem:s14+$0x1C8B0] =	vst v10;
	v9 =	vld.idx.msk [tilespmem:v5+s19+$0x0], $0xffff  }
0x422: {  	v10 =	vld.idx.msk [tilespmem:v6+s19+$0x0], $0xffff;
	_ =	sdelay $0x1  }
0x423: {  	[tilespmem:s14+$0x1C900] =	vst v11  }
0x424: {  	v4 =	vld.idx.msk [tilespmem:v4+s20+$0x0], $0xffff;
	[tilespmem:s14+$0x1C910] =	vst v8  }
0x425: {  	[tilespmem:s14+$0x1C920] =	vst v9;
	v7 =	vld.idx.msk [tilespmem:v7+s20+$0x0], $0xffff  }
0x426: {  	[tilespmem:s14+$0x1C930] =	vst v10;
	v5 =	vld.idx.msk [tilespmem:v5+s20+$0x0], $0xffff  }
0x427: {  	p2 =	por p1, p1;
	v6 =	vld.idx.msk [tilespmem:v6+s20+$0x0], $0xffff  }
.Ltmp2:
0x428: {  	_ = 	snop;
	(pc) =	sbr.rel @p2 .LBB2_7-.Ltmp2, $4  }
0x429: {  	[tilespmem:s14+$0x1C980] =	vst v4  }
0x42a: {  	[tilespmem:s14+$0x1C990] =	vst v7  }
0x42b: {  	[tilespmem:s14+$0x1C9A0] =	vst v5  }
0x42c: {  	p1 =	por $0x0, $0x0;
	[tilespmem:s14+$0x1C9B0] =	vst v6;
	s14 =	simm.s32 $0x40  }
0x42d: {  	s14 =	rddreg [dreg:$0xb];
	s21 =	simm.s32 $0x400;
	s22 =	simm.s32 $0x1AA00  }
0x42e: {  	s23 =	simm.s32 $0x20000;
	s24 =	simm.s32 @!p0 $0x4;
	s14 =	sadd.s32 $0x100, s14  }
0x42f: {  	[hbm4b:s14+s21] =	stream.strided.scatter [tilespmem:s22], [sflag:$0x3], $0x2000, s23, s21, $0x38;
	[tilespmem:$0x1EA00] =	vst v63  }
0x430: {  	_ =	swait.ge @!p0 [sflag:s24], $0x2000  }
0x431: {  	s23 =	rddreg [dreg:$0xa]  }
0x432: {  	s14 =	sadd.s32 $0x10600, s23  }
0x433: {  	v0 =	vmov s14;
	_ =	sdelay $0x1  }
0x434: {  	s22 =	simm.s32 $0x7D0;
	s21 =	simm.s32 $0x3E8;
	[sflag:s24] =	ssyncset.done @!p0 $0x0  }
0x435: {  	s25 =	sadd.s32 $0x10610, s23;
	s28 =	sadd.s32 $0x10620, s23;
	s23 =	sadd.s32 $0x10630, s23  }
0x436: {  	[sflag:s24] =	ssyncadd.s32 @!p0 $0xFFFFE000;
	p0 =	por $0x1, $0x1;
	s14 =	simm.s32 $0x0;
	v1 =	vmov s25;
	v2 =	vmov s28;
	v3 =	vmov s23  }
.LBB2_9:
0x437: {  	v4 =	vld.idx.msk [tilespmem:v0+s14+$0x0 ss:$0x1], $0xffff;
	_ =	sdelay $0x7  }
0x438: {  	v5 =	vld.idx.msk [tilespmem:v4+s15+$0x0], $0xffff;
	_ =	sdelay $0x4  }
0x439: {  	[tilespmem:s14+$0x1CA00] =	vst v5  }
0x43a: {  	v5 =	vld.idx.msk [tilespmem:v4+s21+$0x0], $0xffff;
	_ =	sdelay $0x4  }
0x43b: {  	[tilespmem:s14+$0x1CA80] =	vst v5  }
0x43c: {  	v5 =	vld.idx.msk [tilespmem:v4+s22+$0x0], $0xffff;
	_ =	sdelay $0x4  }
0x43d: {  	s28 =	simm.s32 $0xBB8;
	[tilespmem:s14+$0x1CB00] =	vst v5  }
0x43e: {  	v5 =	vld.idx.msk [tilespmem:v4+s28+$0x0], $0xffff;
	_ =	sdelay $0x4  }
0x43f: {  	s23 =	simm.s32 $0xFA0;
	[tilespmem:s14+$0x1CB80] =	vst v5  }
0x440: {  	v5 =	vld.idx.msk [tilespmem:v4+s23+$0x0], $0xffff;
	_ =	sdelay $0x4  }
0x441: {  	s24 =	simm.s32 $0x1388;
	[tilespmem:s14+$0x1CC00] =	vst v5  }
0x442: {  	v5 =	vld.idx.msk [tilespmem:v4+s24+$0x0], $0xffff;
	_ =	sdelay $0x4  }
0x443: {  	s25 =	simm.s32 $0x1770;
	[tilespmem:s14+$0x1CC80] =	vst v5  }
0x444: {  	v5 =	vld.idx.msk [tilespmem:v4+s25+$0x0], $0xffff;
	_ =	sdelay $0x4  }
0x445: {  	s25 =	simm.s32 $0x1B58;
	[tilespmem:s14+$0x1CD00] =	vst v5  }
0x446: {  	v5 =	vld.idx.msk [tilespmem:v4+s25+$0x0], $0xffff;
	_ =	sdelay $0x4  }
0x447: {  	[tilespmem:s14+$0x1CD80] =	vst v5  }
0x448: {  	v7 =	vld.idx.msk [tilespmem:v1+s14+$0x0 ss:$0x1], $0xffff  }
0x449: {  	v5 =	vld.idx.msk [tilespmem:v2+s14+$0x0 ss:$0x1], $0xffff  }
0x44a: {  	v6 =	vld.idx.msk [tilespmem:v3+s14+$0x0 ss:$0x1], $0xffff;
	_ =	sdelay $0x5  }
0x44b: {  	v8 =	vld.idx.msk [tilespmem:v7+s15+$0x0], $0xffff  }
0x44c: {  	v9 =	vld.idx.msk [tilespmem:v5+s15+$0x0], $0xffff  }
0x44d: {  	v10 =	vld.idx.msk [tilespmem:v6+s15+$0x0], $0xffff;
	_ =	sdelay $0x2  }
0x44e: {  	[tilespmem:s14+$0x1CA10] =	vst v8  }
0x44f: {  	[tilespmem:s14+$0x1CA20] =	vst v9;
	v8 =	vld.idx.msk [tilespmem:v7+s21+$0x0], $0xffff  }
0x450: {  	[tilespmem:s14+$0x1CA30] =	vst v10;
	v9 =	vld.idx.msk [tilespmem:v5+s21+$0x0], $0xffff  }
0x451: {  	v10 =	vld.idx.msk [tilespmem:v6+s21+$0x0], $0xffff;
	_ =	sdelay $0x2  }
0x452: {  	[tilespmem:s14+$0x1CA90] =	vst v8  }
0x453: {  	[tilespmem:s14+$0x1CAA0] =	vst v9;
	v8 =	vld.idx.msk [tilespmem:v7+s22+$0x0], $0xffff  }
0x454: {  	[tilespmem:s14+$0x1CAB0] =	vst v10;
	v9 =	vld.idx.msk [tilespmem:v5+s22+$0x0], $0xffff  }
0x455: {  	v10 =	vld.idx.msk [tilespmem:v6+s22+$0x0], $0xffff;
	_ =	sdelay $0x2  }
0x456: {  	[tilespmem:s14+$0x1CB10] =	vst v8  }
0x457: {  	[tilespmem:s14+$0x1CB20] =	vst v9;
	v8 =	vld.idx.msk [tilespmem:v7+s28+$0x0], $0xffff  }
0x458: {  	[tilespmem:s14+$0x1CB30] =	vst v10;
	v9 =	vld.idx.msk [tilespmem:v5+s28+$0x0], $0xffff  }
0x459: {  	v10 =	vld.idx.msk [tilespmem:v6+s28+$0x0], $0xffff;
	_ =	sdelay $0x2  }
0x45a: {  	[tilespmem:s14+$0x1CB90] =	vst v8  }
0x45b: {  	[tilespmem:s14+$0x1CBA0] =	vst v9;
	v8 =	vld.idx.msk [tilespmem:v7+s23+$0x0], $0xffff  }
0x45c: {  	[tilespmem:s14+$0x1CBB0] =	vst v10;
	v9 =	vld.idx.msk [tilespmem:v5+s23+$0x0], $0xffff  }
0x45d: {  	v10 =	vld.idx.msk [tilespmem:v6+s23+$0x0], $0xffff;
	_ =	sdelay $0x2  }
0x45e: {  	[tilespmem:s14+$0x1CC10] =	vst v8  }
0x45f: {  	[tilespmem:s14+$0x1CC20] =	vst v9;
	v8 =	vld.idx.msk [tilespmem:v7+s24+$0x0], $0xffff  }
0x460: {  	[tilespmem:s14+$0x1CC30] =	vst v10;
	v9 =	vld.idx.msk [tilespmem:v5+s24+$0x0], $0xffff  }
0x461: {  	v10 =	vld.idx.msk [tilespmem:v6+s24+$0x0], $0xffff;
	_ =	sdelay $0x2  }
0x462: {  	s23 =	simm.s32 $0x1770;
	[tilespmem:s14+$0x1CC90] =	vst v8  }
0x463: {  	[tilespmem:s14+$0x1CCA0] =	vst v9;
	v8 =	vld.idx.msk [tilespmem:v7+s23+$0x0], $0xffff  }
0x464: {  	[tilespmem:s14+$0x1CCB0] =	vst v10;
	v9 =	vld.idx.msk [tilespmem:v5+s23+$0x0], $0xffff  }
0x465: {  	v10 =	vld.idx.msk [tilespmem:v6+s23+$0x0], $0xffff;
	_ =	sdelay $0x2  }
0x466: {  	[tilespmem:s14+$0x1CD10] =	vst v8  }
0x467: {  	[tilespmem:s14+$0x1CD20] =	vst v9;
	v8 =	vld.idx.msk [tilespmem:v7+s25+$0x0], $0xffff  }
0x468: {  	[tilespmem:s14+$0x1CD30] =	vst v10;
	v9 =	vld.idx.msk [tilespmem:v5+s25+$0x0], $0xffff  }
0x469: {  	v10 =	vld.idx.msk [tilespmem:v6+s25+$0x0], $0xffff;
	_ =	sdelay $0x1  }
0x46a: {  	s24 =	simm.s32 $0x1F40  }
0x46b: {  	v11 =	vld.idx.msk [tilespmem:v4+s24+$0x0], $0xffff;
	[tilespmem:s14+$0x1CD90] =	vst v8  }
0x46c: {  	[tilespmem:s14+$0x1CDA0] =	vst v9;
	v8 =	vld.idx.msk [tilespmem:v7+s24+$0x0], $0xffff  }
0x46d: {  	[tilespmem:s14+$0x1CDB0] =	vst v10;
	v9 =	vld.idx.msk [tilespmem:v5+s24+$0x0], $0xffff  }
0x46e: {  	v10 =	vld.idx.msk [tilespmem:v6+s24+$0x0], $0xffff;
	_ =	sdelay $0x1  }
0x46f: {  	[tilespmem:s14+$0x1CE00] =	vst v11;
	s25 =	simm.s32 $0x2328  }
0x470: {  	v11 =	vld.idx.msk [tilespmem:v4+s25+$0x0], $0xffff;
	[tilespmem:s14+$0x1CE10] =	vst v8  }
0x471: {  	[tilespmem:s14+$0x1CE20] =	vst v9;
	v8 =	vld.idx.msk [tilespmem:v7+s25+$0x0], $0xffff  }
0x472: {  	[tilespmem:s14+$0x1CE30] =	vst v10;
	v9 =	vld.idx.msk [tilespmem:v5+s25+$0x0], $0xffff  }
0x473: {  	v10 =	vld.idx.msk [tilespmem:v6+s25+$0x0], $0xffff;
	_ =	sdelay $0x1  }
0x474: {  	s24 =	simm.s32 $0x2710;
	[tilespmem:s14+$0x1CE80] =	vst v11  }
0x475: {  	v11 =	vld.idx.msk [tilespmem:v4+s24+$0x0], $0xffff;
	[tilespmem:s14+$0x1CE90] =	vst v8  }
0x476: {  	[tilespmem:s14+$0x1CEA0] =	vst v9;
	v8 =	vld.idx.msk [tilespmem:v7+s24+$0x0], $0xffff  }
0x477: {  	[tilespmem:s14+$0x1CEB0] =	vst v10;
	v9 =	vld.idx.msk [tilespmem:v5+s24+$0x0], $0xffff  }
0x478: {  	v10 =	vld.idx.msk [tilespmem:v6+s24+$0x0], $0xffff;
	_ =	sdelay $0x1  }
0x479: {  	s25 =	simm.s32 $0x2AF8;
	[tilespmem:s14+$0x1CF00] =	vst v11  }
0x47a: {  	v11 =	vld.idx.msk [tilespmem:v4+s25+$0x0], $0xffff;
	[tilespmem:s14+$0x1CF10] =	vst v8  }
0x47b: {  	[tilespmem:s14+$0x1CF20] =	vst v9;
	v8 =	vld.idx.msk [tilespmem:v7+s25+$0x0], $0xffff  }
0x47c: {  	[tilespmem:s14+$0x1CF30] =	vst v10;
	v9 =	vld.idx.msk [tilespmem:v5+s25+$0x0], $0xffff  }
0x47d: {  	v10 =	vld.idx.msk [tilespmem:v6+s25+$0x0], $0xffff;
	_ =	sdelay $0x1  }
0x47e: {  	s24 =	simm.s32 $0x2EE0;
	[tilespmem:s14+$0x1CF80] =	vst v11  }
0x47f: {  	v11 =	vld.idx.msk [tilespmem:v4+s24+$0x0], $0xffff;
	[tilespmem:s14+$0x1CF90] =	vst v8  }
0x480: {  	[tilespmem:s14+$0x1CFA0] =	vst v9;
	v8 =	vld.idx.msk [tilespmem:v7+s24+$0x0], $0xffff  }
0x481: {  	[tilespmem:s14+$0x1CFB0] =	vst v10;
	v9 =	vld.idx.msk [tilespmem:v5+s24+$0x0], $0xffff  }
0x482: {  	v10 =	vld.idx.msk [tilespmem:v6+s24+$0x0], $0xffff;
	_ =	sdelay $0x1  }
0x483: {  	s25 =	simm.s32 $0x32C8;
	[tilespmem:s14+$0x1D000] =	vst v11  }
0x484: {  	v11 =	vld.idx.msk [tilespmem:v4+s25+$0x0], $0xffff;
	[tilespmem:s14+$0x1D010] =	vst v8  }
0x485: {  	[tilespmem:s14+$0x1D020] =	vst v9;
	v8 =	vld.idx.msk [tilespmem:v7+s25+$0x0], $0xffff  }
0x486: {  	[tilespmem:s14+$0x1D030] =	vst v10;
	v9 =	vld.idx.msk [tilespmem:v5+s25+$0x0], $0xffff  }
0x487: {  	v10 =	vld.idx.msk [tilespmem:v6+s25+$0x0], $0xffff;
	_ =	sdelay $0x1  }
0x488: {  	s24 =	simm.s32 $0x36B0;
	[tilespmem:s14+$0x1D080] =	vst v11  }
0x489: {  	v11 =	vld.idx.msk [tilespmem:v4+s24+$0x0], $0xffff;
	[tilespmem:s14+$0x1D090] =	vst v8  }
0x48a: {  	[tilespmem:s14+$0x1D0A0] =	vst v9;
	v8 =	vld.idx.msk [tilespmem:v7+s24+$0x0], $0xffff  }
0x48b: {  	[tilespmem:s14+$0x1D0B0] =	vst v10;
	v9 =	vld.idx.msk [tilespmem:v5+s24+$0x0], $0xffff  }
0x48c: {  	v10 =	vld.idx.msk [tilespmem:v6+s24+$0x0], $0xffff;
	_ =	sdelay $0x1  }
0x48d: {  	s25 =	simm.s32 $0x3A98;
	[tilespmem:s14+$0x1D100] =	vst v11  }
0x48e: {  	v11 =	vld.idx.msk [tilespmem:v4+s25+$0x0], $0xffff;
	[tilespmem:s14+$0x1D110] =	vst v8  }
0x48f: {  	[tilespmem:s14+$0x1D120] =	vst v9;
	v8 =	vld.idx.msk [tilespmem:v7+s25+$0x0], $0xffff  }
0x490: {  	[tilespmem:s14+$0x1D130] =	vst v10;
	v9 =	vld.idx.msk [tilespmem:v5+s25+$0x0], $0xffff  }
0x491: {  	v10 =	vld.idx.msk [tilespmem:v6+s25+$0x0], $0xffff;
	_ =	sdelay $0x1  }
0x492: {  	s24 =	simm.s32 $0x3E80;
	[tilespmem:s14+$0x1D180] =	vst v11  }
0x493: {  	v11 =	vld.idx.msk [tilespmem:v4+s24+$0x0], $0xffff;
	[tilespmem:s14+$0x1D190] =	vst v8  }
0x494: {  	[tilespmem:s14+$0x1D1A0] =	vst v9;
	v8 =	vld.idx.msk [tilespmem:v7+s24+$0x0], $0xffff  }
0x495: {  	[tilespmem:s14+$0x1D1B0] =	vst v10;
	v9 =	vld.idx.msk [tilespmem:v5+s24+$0x0], $0xffff  }
0x496: {  	v10 =	vld.idx.msk [tilespmem:v6+s24+$0x0], $0xffff;
	_ =	sdelay $0x1  }
0x497: {  	s25 =	simm.s32 $0x4268;
	[tilespmem:s14+$0x1D200] =	vst v11  }
0x498: {  	v11 =	vld.idx.msk [tilespmem:v4+s25+$0x0], $0xffff;
	[tilespmem:s14+$0x1D210] =	vst v8  }
0x499: {  	[tilespmem:s14+$0x1D220] =	vst v9;
	v8 =	vld.idx.msk [tilespmem:v7+s25+$0x0], $0xffff  }
0x49a: {  	[tilespmem:s14+$0x1D230] =	vst v10;
	v9 =	vld.idx.msk [tilespmem:v5+s25+$0x0], $0xffff  }
0x49b: {  	v10 =	vld.idx.msk [tilespmem:v6+s25+$0x0], $0xffff;
	_ =	sdelay $0x1  }
0x49c: {  	s24 =	simm.s32 $0x4650;
	[tilespmem:s14+$0x1D280] =	vst v11  }
0x49d: {  	v11 =	vld.idx.msk [tilespmem:v4+s24+$0x0], $0xffff;
	[tilespmem:s14+$0x1D290] =	vst v8  }
0x49e: {  	[tilespmem:s14+$0x1D2A0] =	vst v9;
	v8 =	vld.idx.msk [tilespmem:v7+s24+$0x0], $0xffff  }
0x49f: {  	[tilespmem:s14+$0x1D2B0] =	vst v10;
	v9 =	vld.idx.msk [tilespmem:v5+s24+$0x0], $0xffff  }
0x4a0: {  	v10 =	vld.idx.msk [tilespmem:v6+s24+$0x0], $0xffff;
	_ =	sdelay $0x1  }
0x4a1: {  	s25 =	simm.s32 $0x4A38;
	[tilespmem:s14+$0x1D300] =	vst v11  }
0x4a2: {  	v11 =	vld.idx.msk [tilespmem:v4+s25+$0x0], $0xffff;
	[tilespmem:s14+$0x1D310] =	vst v8  }
0x4a3: {  	[tilespmem:s14+$0x1D320] =	vst v9;
	v8 =	vld.idx.msk [tilespmem:v7+s25+$0x0], $0xffff  }
0x4a4: {  	[tilespmem:s14+$0x1D330] =	vst v10;
	v9 =	vld.idx.msk [tilespmem:v5+s25+$0x0], $0xffff  }
0x4a5: {  	v10 =	vld.idx.msk [tilespmem:v6+s25+$0x0], $0xffff;
	_ =	sdelay $0x1  }
0x4a6: {  	s24 =	simm.s32 $0x4E20;
	[tilespmem:s14+$0x1D380] =	vst v11  }
0x4a7: {  	v11 =	vld.idx.msk [tilespmem:v4+s24+$0x0], $0xffff;
	[tilespmem:s14+$0x1D390] =	vst v8  }
0x4a8: {  	[tilespmem:s14+$0x1D3A0] =	vst v9;
	v8 =	vld.idx.msk [tilespmem:v7+s24+$0x0], $0xffff  }
0x4a9: {  	[tilespmem:s14+$0x1D3B0] =	vst v10;
	v9 =	vld.idx.msk [tilespmem:v5+s24+$0x0], $0xffff  }
0x4aa: {  	v10 =	vld.idx.msk [tilespmem:v6+s24+$0x0], $0xffff;
	_ =	sdelay $0x1  }
0x4ab: {  	s25 =	simm.s32 $0x5208;
	[tilespmem:s14+$0x1D400] =	vst v11  }
0x4ac: {  	v11 =	vld.idx.msk [tilespmem:v4+s25+$0x0], $0xffff;
	[tilespmem:s14+$0x1D410] =	vst v8  }
0x4ad: {  	[tilespmem:s14+$0x1D420] =	vst v9;
	v8 =	vld.idx.msk [tilespmem:v7+s25+$0x0], $0xffff  }
0x4ae: {  	[tilespmem:s14+$0x1D430] =	vst v10;
	v9 =	vld.idx.msk [tilespmem:v5+s25+$0x0], $0xffff  }
0x4af: {  	v10 =	vld.idx.msk [tilespmem:v6+s25+$0x0], $0xffff;
	_ =	sdelay $0x1  }
0x4b0: {  	s24 =	simm.s32 $0x55F0;
	[tilespmem:s14+$0x1D480] =	vst v11  }
0x4b1: {  	v11 =	vld.idx.msk [tilespmem:v4+s24+$0x0], $0xffff;
	[tilespmem:s14+$0x1D490] =	vst v8  }
0x4b2: {  	[tilespmem:s14+$0x1D4A0] =	vst v9;
	v8 =	vld.idx.msk [tilespmem:v7+s24+$0x0], $0xffff  }
0x4b3: {  	[tilespmem:s14+$0x1D4B0] =	vst v10;
	v9 =	vld.idx.msk [tilespmem:v5+s24+$0x0], $0xffff  }
0x4b4: {  	v10 =	vld.idx.msk [tilespmem:v6+s24+$0x0], $0xffff;
	_ =	sdelay $0x1  }
0x4b5: {  	s25 =	simm.s32 $0x59D8;
	[tilespmem:s14+$0x1D500] =	vst v11  }
0x4b6: {  	v11 =	vld.idx.msk [tilespmem:v4+s25+$0x0], $0xffff;
	[tilespmem:s14+$0x1D510] =	vst v8  }
0x4b7: {  	[tilespmem:s14+$0x1D520] =	vst v9;
	v8 =	vld.idx.msk [tilespmem:v7+s25+$0x0], $0xffff  }
0x4b8: {  	[tilespmem:s14+$0x1D530] =	vst v10;
	v9 =	vld.idx.msk [tilespmem:v5+s25+$0x0], $0xffff  }
0x4b9: {  	v10 =	vld.idx.msk [tilespmem:v6+s25+$0x0], $0xffff;
	_ =	sdelay $0x1  }
0x4ba: {  	s24 =	simm.s32 $0x5DC0;
	[tilespmem:s14+$0x1D580] =	vst v11  }
0x4bb: {  	v11 =	vld.idx.msk [tilespmem:v4+s24+$0x0], $0xffff;
	[tilespmem:s14+$0x1D590] =	vst v8  }
0x4bc: {  	[tilespmem:s14+$0x1D5A0] =	vst v9;
	v8 =	vld.idx.msk [tilespmem:v7+s24+$0x0], $0xffff  }
0x4bd: {  	[tilespmem:s14+$0x1D5B0] =	vst v10;
	v9 =	vld.idx.msk [tilespmem:v5+s24+$0x0], $0xffff  }
0x4be: {  	v10 =	vld.idx.msk [tilespmem:v6+s24+$0x0], $0xffff;
	_ =	sdelay $0x1  }
0x4bf: {  	s25 =	simm.s32 $0x61A8;
	[tilespmem:s14+$0x1D600] =	vst v11  }
0x4c0: {  	v11 =	vld.idx.msk [tilespmem:v4+s25+$0x0], $0xffff;
	[tilespmem:s14+$0x1D610] =	vst v8  }
0x4c1: {  	[tilespmem:s14+$0x1D620] =	vst v9;
	v8 =	vld.idx.msk [tilespmem:v7+s25+$0x0], $0xffff  }
0x4c2: {  	[tilespmem:s14+$0x1D630] =	vst v10;
	v9 =	vld.idx.msk [tilespmem:v5+s25+$0x0], $0xffff  }
0x4c3: {  	v10 =	vld.idx.msk [tilespmem:v6+s25+$0x0], $0xffff;
	_ =	sdelay $0x1  }
0x4c4: {  	s24 =	simm.s32 $0x6590;
	[tilespmem:s14+$0x1D680] =	vst v11  }
0x4c5: {  	v11 =	vld.idx.msk [tilespmem:v4+s24+$0x0], $0xffff;
	[tilespmem:s14+$0x1D690] =	vst v8  }
0x4c6: {  	[tilespmem:s14+$0x1D6A0] =	vst v9;
	v8 =	vld.idx.msk [tilespmem:v7+s24+$0x0], $0xffff  }
0x4c7: {  	[tilespmem:s14+$0x1D6B0] =	vst v10;
	v9 =	vld.idx.msk [tilespmem:v5+s24+$0x0], $0xffff  }
0x4c8: {  	v10 =	vld.idx.msk [tilespmem:v6+s24+$0x0], $0xffff;
	_ =	sdelay $0x1  }
0x4c9: {  	s25 =	simm.s32 $0x6978;
	[tilespmem:s14+$0x1D700] =	vst v11  }
0x4ca: {  	v11 =	vld.idx.msk [tilespmem:v4+s25+$0x0], $0xffff;
	[tilespmem:s14+$0x1D710] =	vst v8  }
0x4cb: {  	[tilespmem:s14+$0x1D720] =	vst v9;
	v8 =	vld.idx.msk [tilespmem:v7+s25+$0x0], $0xffff  }
0x4cc: {  	[tilespmem:s14+$0x1D730] =	vst v10;
	v9 =	vld.idx.msk [tilespmem:v5+s25+$0x0], $0xffff  }
0x4cd: {  	v10 =	vld.idx.msk [tilespmem:v6+s25+$0x0], $0xffff;
	_ =	sdelay $0x1  }
0x4ce: {  	s24 =	simm.s32 $0x6D60;
	[tilespmem:s14+$0x1D780] =	vst v11  }
0x4cf: {  	v11 =	vld.idx.msk [tilespmem:v4+s24+$0x0], $0xffff;
	[tilespmem:s14+$0x1D790] =	vst v8  }
0x4d0: {  	[tilespmem:s14+$0x1D7A0] =	vst v9;
	v8 =	vld.idx.msk [tilespmem:v7+s24+$0x0], $0xffff  }
0x4d1: {  	[tilespmem:s14+$0x1D7B0] =	vst v10;
	v9 =	vld.idx.msk [tilespmem:v5+s24+$0x0], $0xffff  }
0x4d2: {  	v10 =	vld.idx.msk [tilespmem:v6+s24+$0x0], $0xffff;
	_ =	sdelay $0x1  }
0x4d3: {  	s25 =	simm.s32 $0x7148;
	[tilespmem:s14+$0x1D800] =	vst v11  }
0x4d4: {  	v11 =	vld.idx.msk [tilespmem:v4+s25+$0x0], $0xffff;
	[tilespmem:s14+$0x1D810] =	vst v8  }
0x4d5: {  	[tilespmem:s14+$0x1D820] =	vst v9;
	v8 =	vld.idx.msk [tilespmem:v7+s25+$0x0], $0xffff  }
0x4d6: {  	[tilespmem:s14+$0x1D830] =	vst v10;
	v9 =	vld.idx.msk [tilespmem:v5+s25+$0x0], $0xffff  }
0x4d7: {  	v10 =	vld.idx.msk [tilespmem:v6+s25+$0x0], $0xffff;
	_ =	sdelay $0x1  }
0x4d8: {  	s24 =	simm.s32 $0x7530;
	[tilespmem:s14+$0x1D880] =	vst v11  }
0x4d9: {  	v11 =	vld.idx.msk [tilespmem:v4+s24+$0x0], $0xffff;
	[tilespmem:s14+$0x1D890] =	vst v8  }
0x4da: {  	[tilespmem:s14+$0x1D8A0] =	vst v9;
	v8 =	vld.idx.msk [tilespmem:v7+s24+$0x0], $0xffff  }
0x4db: {  	[tilespmem:s14+$0x1D8B0] =	vst v10;
	v9 =	vld.idx.msk [tilespmem:v5+s24+$0x0], $0xffff  }
0x4dc: {  	v10 =	vld.idx.msk [tilespmem:v6+s24+$0x0], $0xffff;
	_ =	sdelay $0x1  }
0x4dd: {  	s25 =	simm.s32 $0x7918;
	[tilespmem:s14+$0x1D900] =	vst v11  }
0x4de: {  	v11 =	vld.idx.msk [tilespmem:v4+s25+$0x0], $0xffff;
	[tilespmem:s14+$0x1D910] =	vst v8  }
0x4df: {  	[tilespmem:s14+$0x1D920] =	vst v9;
	v8 =	vld.idx.msk [tilespmem:v7+s25+$0x0], $0xffff  }
0x4e0: {  	[tilespmem:s14+$0x1D930] =	vst v10;
	v9 =	vld.idx.msk [tilespmem:v5+s25+$0x0], $0xffff  }
0x4e1: {  	v10 =	vld.idx.msk [tilespmem:v6+s25+$0x0], $0xffff;
	_ =	sdelay $0x1  }
0x4e2: {  	s24 =	simm.s32 $0x7D00;
	[tilespmem:s14+$0x1D980] =	vst v11  }
0x4e3: {  	v11 =	vld.idx.msk [tilespmem:v4+s24+$0x0], $0xffff;
	[tilespmem:s14+$0x1D990] =	vst v8  }
0x4e4: {  	[tilespmem:s14+$0x1D9A0] =	vst v9;
	v8 =	vld.idx.msk [tilespmem:v7+s24+$0x0], $0xffff  }
0x4e5: {  	[tilespmem:s14+$0x1D9B0] =	vst v10;
	v9 =	vld.idx.msk [tilespmem:v5+s24+$0x0], $0xffff  }
0x4e6: {  	v10 =	vld.idx.msk [tilespmem:v6+s24+$0x0], $0xffff;
	_ =	sdelay $0x1  }
0x4e7: {  	s25 =	simm.s32 $0x80E8;
	[tilespmem:s14+$0x1DA00] =	vst v11  }
0x4e8: {  	v11 =	vld.idx.msk [tilespmem:v4+s25+$0x0], $0xffff;
	[tilespmem:s14+$0x1DA10] =	vst v8  }
0x4e9: {  	[tilespmem:s14+$0x1DA20] =	vst v9;
	v8 =	vld.idx.msk [tilespmem:v7+s25+$0x0], $0xffff  }
0x4ea: {  	[tilespmem:s14+$0x1DA30] =	vst v10;
	v9 =	vld.idx.msk [tilespmem:v5+s25+$0x0], $0xffff  }
0x4eb: {  	v10 =	vld.idx.msk [tilespmem:v6+s25+$0x0], $0xffff;
	_ =	sdelay $0x1  }
0x4ec: {  	s24 =	simm.s32 $0x84D0;
	[tilespmem:s14+$0x1DA80] =	vst v11  }
0x4ed: {  	v11 =	vld.idx.msk [tilespmem:v4+s24+$0x0], $0xffff;
	[tilespmem:s14+$0x1DA90] =	vst v8  }
0x4ee: {  	[tilespmem:s14+$0x1DAA0] =	vst v9;
	v8 =	vld.idx.msk [tilespmem:v7+s24+$0x0], $0xffff  }
0x4ef: {  	[tilespmem:s14+$0x1DAB0] =	vst v10;
	v9 =	vld.idx.msk [tilespmem:v5+s24+$0x0], $0xffff  }
0x4f0: {  	v10 =	vld.idx.msk [tilespmem:v6+s24+$0x0], $0xffff;
	_ =	sdelay $0x1  }
0x4f1: {  	s25 =	simm.s32 $0x88B8;
	[tilespmem:s14+$0x1DB00] =	vst v11  }
0x4f2: {  	v11 =	vld.idx.msk [tilespmem:v4+s25+$0x0], $0xffff;
	[tilespmem:s14+$0x1DB10] =	vst v8  }
0x4f3: {  	[tilespmem:s14+$0x1DB20] =	vst v9;
	v8 =	vld.idx.msk [tilespmem:v7+s25+$0x0], $0xffff  }
0x4f4: {  	[tilespmem:s14+$0x1DB30] =	vst v10;
	v9 =	vld.idx.msk [tilespmem:v5+s25+$0x0], $0xffff  }
0x4f5: {  	v10 =	vld.idx.msk [tilespmem:v6+s25+$0x0], $0xffff;
	_ =	sdelay $0x1  }
0x4f6: {  	s24 =	simm.s32 $0x8CA0;
	[tilespmem:s14+$0x1DB80] =	vst v11  }
0x4f7: {  	v11 =	vld.idx.msk [tilespmem:v4+s24+$0x0], $0xffff;
	[tilespmem:s14+$0x1DB90] =	vst v8  }
0x4f8: {  	[tilespmem:s14+$0x1DBA0] =	vst v9;
	v8 =	vld.idx.msk [tilespmem:v7+s24+$0x0], $0xffff  }
0x4f9: {  	[tilespmem:s14+$0x1DBB0] =	vst v10;
	v9 =	vld.idx.msk [tilespmem:v5+s24+$0x0], $0xffff  }
0x4fa: {  	v10 =	vld.idx.msk [tilespmem:v6+s24+$0x0], $0xffff;
	_ =	sdelay $0x1  }
0x4fb: {  	s25 =	simm.s32 $0x9088;
	[tilespmem:s14+$0x1DC00] =	vst v11  }
0x4fc: {  	v11 =	vld.idx.msk [tilespmem:v4+s25+$0x0], $0xffff;
	[tilespmem:s14+$0x1DC10] =	vst v8  }
0x4fd: {  	[tilespmem:s14+$0x1DC20] =	vst v9;
	v8 =	vld.idx.msk [tilespmem:v7+s25+$0x0], $0xffff  }
0x4fe: {  	[tilespmem:s14+$0x1DC30] =	vst v10;
	v9 =	vld.idx.msk [tilespmem:v5+s25+$0x0], $0xffff  }
0x4ff: {  	v10 =	vld.idx.msk [tilespmem:v6+s25+$0x0], $0xffff;
	_ =	sdelay $0x1  }
0x500: {  	s24 =	simm.s32 $0x9470;
	[tilespmem:s14+$0x1DC80] =	vst v11  }
0x501: {  	v11 =	vld.idx.msk [tilespmem:v4+s24+$0x0], $0xffff;
	[tilespmem:s14+$0x1DC90] =	vst v8  }
0x502: {  	[tilespmem:s14+$0x1DCA0] =	vst v9;
	v8 =	vld.idx.msk [tilespmem:v7+s24+$0x0], $0xffff  }
0x503: {  	[tilespmem:s14+$0x1DCB0] =	vst v10;
	v9 =	vld.idx.msk [tilespmem:v5+s24+$0x0], $0xffff  }
0x504: {  	v10 =	vld.idx.msk [tilespmem:v6+s24+$0x0], $0xffff;
	_ =	sdelay $0x1  }
0x505: {  	s25 =	simm.s32 $0x9858;
	[tilespmem:s14+$0x1DD00] =	vst v11  }
0x506: {  	v11 =	vld.idx.msk [tilespmem:v4+s25+$0x0], $0xffff;
	[tilespmem:s14+$0x1DD10] =	vst v8  }
0x507: {  	[tilespmem:s14+$0x1DD20] =	vst v9;
	v8 =	vld.idx.msk [tilespmem:v7+s25+$0x0], $0xffff  }
0x508: {  	[tilespmem:s14+$0x1DD30] =	vst v10;
	v9 =	vld.idx.msk [tilespmem:v5+s25+$0x0], $0xffff  }
0x509: {  	v10 =	vld.idx.msk [tilespmem:v6+s25+$0x0], $0xffff;
	_ =	sdelay $0x1  }
0x50a: {  	[tilespmem:s14+$0x1DD80] =	vst v11  }
0x50b: {  	v11 =	vld.idx.msk [tilespmem:v4+s26+$0x0], $0xffff;
	[tilespmem:s14+$0x1DD90] =	vst v8  }
0x50c: {  	[tilespmem:s14+$0x1DDA0] =	vst v9;
	v8 =	vld.idx.msk [tilespmem:v7+s26+$0x0], $0xffff  }
0x50d: {  	[tilespmem:s14+$0x1DDB0] =	vst v10;
	v9 =	vld.idx.msk [tilespmem:v5+s26+$0x0], $0xffff  }
0x50e: {  	v10 =	vld.idx.msk [tilespmem:v6+s26+$0x0], $0xffff;
	_ =	sdelay $0x1  }
0x50f: {  	s28 =	simm.s32 $0xA028;
	[tilespmem:s14+$0x1DE00] =	vst v11  }
0x510: {  	v11 =	vld.idx.msk [tilespmem:v4+s28+$0x0], $0xffff;
	[tilespmem:s14+$0x1DE10] =	vst v8  }
0x511: {  	[tilespmem:s14+$0x1DE20] =	vst v9;
	v8 =	vld.idx.msk [tilespmem:v7+s28+$0x0], $0xffff  }
0x512: {  	[tilespmem:s14+$0x1DE30] =	vst v10;
	v9 =	vld.idx.msk [tilespmem:v5+s28+$0x0], $0xffff  }
0x513: {  	v10 =	vld.idx.msk [tilespmem:v6+s28+$0x0], $0xffff;
	_ =	sdelay $0x1  }
0x514: {  	[tilespmem:s14+$0x1DE80] =	vst v11  }
0x515: {  	v11 =	vld.idx.msk [tilespmem:v4+s29+$0x0], $0xffff;
	[tilespmem:s14+$0x1DE90] =	vst v8  }
0x516: {  	[tilespmem:s14+$0x1DEA0] =	vst v9;
	v8 =	vld.idx.msk [tilespmem:v7+s29+$0x0], $0xffff  }
0x517: {  	[tilespmem:s14+$0x1DEB0] =	vst v10;
	v9 =	vld.idx.msk [tilespmem:v5+s29+$0x0], $0xffff  }
0x518: {  	v10 =	vld.idx.msk [tilespmem:v6+s29+$0x0], $0xffff;
	_ =	sdelay $0x1  }
0x519: {  	[tilespmem:s14+$0x1DF00] =	vst v11  }
0x51a: {  	v11 =	vld.idx.msk [tilespmem:v4+s30+$0x0], $0xffff;
	[tilespmem:s14+$0x1DF10] =	vst v8  }
0x51b: {  	[tilespmem:s14+$0x1DF20] =	vst v9;
	v8 =	vld.idx.msk [tilespmem:v7+s30+$0x0], $0xffff  }
0x51c: {  	[tilespmem:s14+$0x1DF30] =	vst v10;
	v9 =	vld.idx.msk [tilespmem:v5+s30+$0x0], $0xffff  }
0x51d: {  	v10 =	vld.idx.msk [tilespmem:v6+s30+$0x0], $0xffff;
	_ =	sdelay $0x1  }
0x51e: {  	[tilespmem:s14+$0x1DF80] =	vst v11  }
0x51f: {  	v11 =	vld.idx.msk [tilespmem:v4+s31+$0x0], $0xffff;
	[tilespmem:s14+$0x1DF90] =	vst v8  }
0x520: {  	[tilespmem:s14+$0x1DFA0] =	vst v9;
	v8 =	vld.idx.msk [tilespmem:v7+s31+$0x0], $0xffff  }
0x521: {  	[tilespmem:s14+$0x1DFB0] =	vst v10;
	v9 =	vld.idx.msk [tilespmem:v5+s31+$0x0], $0xffff  }
0x522: {  	v10 =	vld.idx.msk [tilespmem:v6+s31+$0x0], $0xffff;
	_ =	sdelay $0x1  }
0x523: {  	[tilespmem:s14+$0x1E000] =	vst v11  }
0x524: {  	v11 =	vld.idx.msk [tilespmem:v4+s0+$0x0], $0xffff;
	[tilespmem:s14+$0x1E010] =	vst v8  }
0x525: {  	[tilespmem:s14+$0x1E020] =	vst v9;
	v8 =	vld.idx.msk [tilespmem:v7+s0+$0x0], $0xffff  }
0x526: {  	[tilespmem:s14+$0x1E030] =	vst v10;
	v9 =	vld.idx.msk [tilespmem:v5+s0+$0x0], $0xffff  }
0x527: {  	v10 =	vld.idx.msk [tilespmem:v6+s0+$0x0], $0xffff;
	_ =	sdelay $0x1  }
0x528: {  	[tilespmem:s14+$0x1E080] =	vst v11  }
0x529: {  	v11 =	vld.idx.msk [tilespmem:v4+s3+$0x0], $0xffff;
	[tilespmem:s14+$0x1E090] =	vst v8  }
0x52a: {  	[tilespmem:s14+$0x1E0A0] =	vst v9;
	v8 =	vld.idx.msk [tilespmem:v7+s3+$0x0], $0xffff  }
0x52b: {  	[tilespmem:s14+$0x1E0B0] =	vst v10;
	v9 =	vld.idx.msk [tilespmem:v5+s3+$0x0], $0xffff  }
0x52c: {  	v10 =	vld.idx.msk [tilespmem:v6+s3+$0x0], $0xffff;
	_ =	sdelay $0x1  }
0x52d: {  	[tilespmem:s14+$0x1E100] =	vst v11  }
0x52e: {  	v11 =	vld.idx.msk [tilespmem:v4+s1+$0x0], $0xffff;
	[tilespmem:s14+$0x1E110] =	vst v8  }
0x52f: {  	[tilespmem:s14+$0x1E120] =	vst v9;
	v8 =	vld.idx.msk [tilespmem:v7+s1+$0x0], $0xffff  }
0x530: {  	[tilespmem:s14+$0x1E130] =	vst v10;
	v9 =	vld.idx.msk [tilespmem:v5+s1+$0x0], $0xffff  }
0x531: {  	v10 =	vld.idx.msk [tilespmem:v6+s1+$0x0], $0xffff;
	_ =	sdelay $0x1  }
0x532: {  	[tilespmem:s14+$0x1E180] =	vst v11  }
0x533: {  	v11 =	vld.idx.msk [tilespmem:v4+s10+$0x0], $0xffff;
	[tilespmem:s14+$0x1E190] =	vst v8  }
0x534: {  	[tilespmem:s14+$0x1E1A0] =	vst v9;
	v8 =	vld.idx.msk [tilespmem:v7+s10+$0x0], $0xffff  }
0x535: {  	[tilespmem:s14+$0x1E1B0] =	vst v10;
	v9 =	vld.idx.msk [tilespmem:v5+s10+$0x0], $0xffff  }
0x536: {  	v10 =	vld.idx.msk [tilespmem:v6+s10+$0x0], $0xffff;
	_ =	sdelay $0x1  }
0x537: {  	[tilespmem:s14+$0x1E200] =	vst v11  }
0x538: {  	v11 =	vld.idx.msk [tilespmem:v4+s12+$0x0], $0xffff;
	[tilespmem:s14+$0x1E210] =	vst v8  }
0x539: {  	[tilespmem:s14+$0x1E220] =	vst v9;
	v8 =	vld.idx.msk [tilespmem:v7+s12+$0x0], $0xffff  }
0x53a: {  	[tilespmem:s14+$0x1E230] =	vst v10;
	v9 =	vld.idx.msk [tilespmem:v5+s12+$0x0], $0xffff  }
0x53b: {  	v10 =	vld.idx.msk [tilespmem:v6+s12+$0x0], $0xffff;
	_ =	sdelay $0x1  }
0x53c: {  	[tilespmem:s14+$0x1E280] =	vst v11  }
0x53d: {  	v11 =	vld.idx.msk [tilespmem:v4+s6+$0x0], $0xffff;
	[tilespmem:s14+$0x1E290] =	vst v8  }
0x53e: {  	[tilespmem:s14+$0x1E2A0] =	vst v9;
	v8 =	vld.idx.msk [tilespmem:v7+s6+$0x0], $0xffff  }
0x53f: {  	[tilespmem:s14+$0x1E2B0] =	vst v10;
	v9 =	vld.idx.msk [tilespmem:v5+s6+$0x0], $0xffff  }
0x540: {  	v10 =	vld.idx.msk [tilespmem:v6+s6+$0x0], $0xffff;
	_ =	sdelay $0x1  }
0x541: {  	[tilespmem:s14+$0x1E300] =	vst v11  }
0x542: {  	v11 =	vld.idx.msk [tilespmem:v4+s8+$0x0], $0xffff;
	[tilespmem:s14+$0x1E310] =	vst v8  }
0x543: {  	[tilespmem:s14+$0x1E320] =	vst v9;
	v8 =	vld.idx.msk [tilespmem:v7+s8+$0x0], $0xffff  }
0x544: {  	[tilespmem:s14+$0x1E330] =	vst v10;
	v9 =	vld.idx.msk [tilespmem:v5+s8+$0x0], $0xffff  }
0x545: {  	v10 =	vld.idx.msk [tilespmem:v6+s8+$0x0], $0xffff;
	_ =	sdelay $0x1  }
0x546: {  	[tilespmem:s14+$0x1E380] =	vst v11  }
0x547: {  	v11 =	vld.idx.msk [tilespmem:v4+s9+$0x0], $0xffff;
	[tilespmem:s14+$0x1E390] =	vst v8  }
0x548: {  	[tilespmem:s14+$0x1E3A0] =	vst v9;
	v8 =	vld.idx.msk [tilespmem:v7+s9+$0x0], $0xffff  }
0x549: {  	[tilespmem:s14+$0x1E3B0] =	vst v10;
	v9 =	vld.idx.msk [tilespmem:v5+s9+$0x0], $0xffff  }
0x54a: {  	v10 =	vld.idx.msk [tilespmem:v6+s9+$0x0], $0xffff;
	_ =	sdelay $0x1  }
0x54b: {  	[tilespmem:s14+$0x1E400] =	vst v11  }
0x54c: {  	v11 =	vld.idx.msk [tilespmem:v4+s2+$0x0], $0xffff;
	[tilespmem:s14+$0x1E410] =	vst v8  }
0x54d: {  	[tilespmem:s14+$0x1E420] =	vst v9;
	v8 =	vld.idx.msk [tilespmem:v7+s2+$0x0], $0xffff  }
0x54e: {  	[tilespmem:s14+$0x1E430] =	vst v10;
	v9 =	vld.idx.msk [tilespmem:v5+s2+$0x0], $0xffff  }
0x54f: {  	v10 =	vld.idx.msk [tilespmem:v6+s2+$0x0], $0xffff;
	_ =	sdelay $0x1  }
0x550: {  	[tilespmem:s14+$0x1E480] =	vst v11  }
0x551: {  	v11 =	vld.idx.msk [tilespmem:v4+s7+$0x0], $0xffff;
	[tilespmem:s14+$0x1E490] =	vst v8  }
0x552: {  	[tilespmem:s14+$0x1E4A0] =	vst v9;
	v8 =	vld.idx.msk [tilespmem:v7+s7+$0x0], $0xffff  }
0x553: {  	[tilespmem:s14+$0x1E4B0] =	vst v10;
	v9 =	vld.idx.msk [tilespmem:v5+s7+$0x0], $0xffff  }
0x554: {  	v10 =	vld.idx.msk [tilespmem:v6+s7+$0x0], $0xffff;
	_ =	sdelay $0x1  }
0x555: {  	[tilespmem:s14+$0x1E500] =	vst v11  }
0x556: {  	v11 =	vld.idx.msk [tilespmem:v4+s5+$0x0], $0xffff;
	[tilespmem:s14+$0x1E510] =	vst v8  }
0x557: {  	[tilespmem:s14+$0x1E520] =	vst v9;
	v8 =	vld.idx.msk [tilespmem:v7+s5+$0x0], $0xffff  }
0x558: {  	[tilespmem:s14+$0x1E530] =	vst v10;
	v9 =	vld.idx.msk [tilespmem:v5+s5+$0x0], $0xffff  }
0x559: {  	v10 =	vld.idx.msk [tilespmem:v6+s5+$0x0], $0xffff;
	_ =	sdelay $0x1  }
0x55a: {  	[tilespmem:s14+$0x1E580] =	vst v11  }
0x55b: {  	v11 =	vld.idx.msk [tilespmem:v4+s11+$0x0], $0xffff;
	[tilespmem:s14+$0x1E590] =	vst v8  }
0x55c: {  	[tilespmem:s14+$0x1E5A0] =	vst v9;
	v8 =	vld.idx.msk [tilespmem:v7+s11+$0x0], $0xffff  }
0x55d: {  	[tilespmem:s14+$0x1E5B0] =	vst v10;
	v9 =	vld.idx.msk [tilespmem:v5+s11+$0x0], $0xffff  }
0x55e: {  	v10 =	vld.idx.msk [tilespmem:v6+s11+$0x0], $0xffff;
	_ =	sdelay $0x1  }
0x55f: {  	[tilespmem:s14+$0x1E600] =	vst v11  }
0x560: {  	v11 =	vld.idx.msk [tilespmem:v4+s4+$0x0], $0xffff;
	[tilespmem:s14+$0x1E610] =	vst v8  }
0x561: {  	[tilespmem:s14+$0x1E620] =	vst v9;
	v8 =	vld.idx.msk [tilespmem:v7+s4+$0x0], $0xffff  }
0x562: {  	[tilespmem:s14+$0x1E630] =	vst v10;
	v9 =	vld.idx.msk [tilespmem:v5+s4+$0x0], $0xffff  }
0x563: {  	v10 =	vld.idx.msk [tilespmem:v6+s4+$0x0], $0xffff;
	_ =	sdelay $0x1  }
0x564: {  	[tilespmem:s14+$0x1E680] =	vst v11  }
0x565: {  	v11 =	vld.idx.msk [tilespmem:v4+s13+$0x0], $0xffff;
	[tilespmem:s14+$0x1E690] =	vst v8  }
0x566: {  	[tilespmem:s14+$0x1E6A0] =	vst v9;
	v8 =	vld.idx.msk [tilespmem:v7+s13+$0x0], $0xffff  }
0x567: {  	[tilespmem:s14+$0x1E6B0] =	vst v10;
	v9 =	vld.idx.msk [tilespmem:v5+s13+$0x0], $0xffff  }
0x568: {  	v10 =	vld.idx.msk [tilespmem:v6+s13+$0x0], $0xffff;
	_ =	sdelay $0x1  }
0x569: {  	[tilespmem:s14+$0x1E700] =	vst v11  }
0x56a: {  	v11 =	vld.idx.msk [tilespmem:v4+s18+$0x0], $0xffff;
	[tilespmem:s14+$0x1E710] =	vst v8  }
0x56b: {  	[tilespmem:s14+$0x1E720] =	vst v9;
	v8 =	vld.idx.msk [tilespmem:v7+s18+$0x0], $0xffff  }
0x56c: {  	[tilespmem:s14+$0x1E730] =	vst v10;
	v9 =	vld.idx.msk [tilespmem:v5+s18+$0x0], $0xffff  }
0x56d: {  	v10 =	vld.idx.msk [tilespmem:v6+s18+$0x0], $0xffff;
	_ =	sdelay $0x1  }
0x56e: {  	[tilespmem:s14+$0x1E780] =	vst v11  }
0x56f: {  	v11 =	vld.idx.msk [tilespmem:v4+s17+$0x0], $0xffff;
	[tilespmem:s14+$0x1E790] =	vst v8  }
0x570: {  	[tilespmem:s14+$0x1E7A0] =	vst v9;
	v8 =	vld.idx.msk [tilespmem:v7+s17+$0x0], $0xffff  }
0x571: {  	[tilespmem:s14+$0x1E7B0] =	vst v10;
	v9 =	vld.idx.msk [tilespmem:v5+s17+$0x0], $0xffff  }
0x572: {  	v10 =	vld.idx.msk [tilespmem:v6+s17+$0x0], $0xffff;
	_ =	sdelay $0x1  }
0x573: {  	[tilespmem:s14+$0x1E800] =	vst v11  }
0x574: {  	v11 =	vld.idx.msk [tilespmem:v4+s16+$0x0], $0xffff;
	[tilespmem:s14+$0x1E810] =	vst v8  }
0x575: {  	[tilespmem:s14+$0x1E820] =	vst v9;
	v8 =	vld.idx.msk [tilespmem:v7+s16+$0x0], $0xffff  }
0x576: {  	[tilespmem:s14+$0x1E830] =	vst v10;
	v9 =	vld.idx.msk [tilespmem:v5+s16+$0x0], $0xffff  }
0x577: {  	v10 =	vld.idx.msk [tilespmem:v6+s16+$0x0], $0xffff;
	_ =	sdelay $0x1  }
0x578: {  	[tilespmem:s14+$0x1E880] =	vst v11  }
0x579: {  	v11 =	vld.idx.msk [tilespmem:v4+s19+$0x0], $0xffff;
	[tilespmem:s14+$0x1E890] =	vst v8  }
0x57a: {  	[tilespmem:s14+$0x1E8A0] =	vst v9;
	v8 =	vld.idx.msk [tilespmem:v7+s19+$0x0], $0xffff  }
0x57b: {  	[tilespmem:s14+$0x1E8B0] =	vst v10;
	v9 =	vld.idx.msk [tilespmem:v5+s19+$0x0], $0xffff  }
0x57c: {  	v10 =	vld.idx.msk [tilespmem:v6+s19+$0x0], $0xffff;
	_ =	sdelay $0x1  }
0x57d: {  	[tilespmem:s14+$0x1E900] =	vst v11  }
0x57e: {  	v4 =	vld.idx.msk [tilespmem:v4+s20+$0x0], $0xffff;
	[tilespmem:s14+$0x1E910] =	vst v8  }
0x57f: {  	[tilespmem:s14+$0x1E920] =	vst v9;
	v7 =	vld.idx.msk [tilespmem:v7+s20+$0x0], $0xffff  }
0x580: {  	[tilespmem:s14+$0x1E930] =	vst v10;
	v5 =	vld.idx.msk [tilespmem:v5+s20+$0x0], $0xffff  }
0x581: {  	p1 =	por p0, p0;
	v6 =	vld.idx.msk [tilespmem:v6+s20+$0x0], $0xffff  }
.Ltmp3:
0x582: {  	_ = 	snop;
	(pc) =	sbr.rel @p1 .LBB2_9-.Ltmp3, $4  }
0x583: {  	[tilespmem:s14+$0x1E980] =	vst v4  }
0x584: {  	[tilespmem:s14+$0x1E990] =	vst v7  }
0x585: {  	[tilespmem:s14+$0x1E9A0] =	vst v5  }
0x586: {  	p0 =	por $0x0, $0x0;
	[tilespmem:s14+$0x1E9B0] =	vst v6;
	s14 =	simm.s32 $0x40  }
0x587: {  	s0 =	rddreg [dreg:$0xb]  }
0x588: {  	s31 =	rddreg [dreg:$0x9]  }
0x589: {  	s14 =	sadd.s32 $0x180, s0;
	s0 =	sadd.s32 $0x1, s31  }
0x58a: {  	p0 =	sne.s32 s0, $0x32  }
.Ltmp4:
0x58b: {  	_ = 	snop;
	(pc) =	sbr.rel @p0 .LBB2_2-.Ltmp4, $3  }
0x58c: {  	_ =	sdelay $0x1  }
0x58d: {  	s30 =	simm.s32 $0x400;
	s1 =	simm.s32 $0x1CA00;
	s2 =	simm.s32 $0x20000  }
0x58e: {  	[hbm4b:s14+s30] =	stream.strided.scatter [tilespmem:s1], [sflag:$0x4], $0x2000, s2, s30, $0x38;
	[tilespmem:$0x1EA00] =	vst v63  }
0x58f: {  	s0 =	simm.s32 $0x1  }
0x590: {  	_ =	swait.ge [sflag:s0], $0x2000  }
0x591: {  	[sflag:s0] =	ssyncset.done $0x0  }
0x592: {  	s29 =	simm.s32 $0x2;
	[sflag:s0] =	ssyncadd.s32 $0xFFFFE000  }
0x593: {  	_ =	swait.ge [sflag:s29], $0x2000  }
0x594: {  	[sflag:s29] =	ssyncset.done $0x0  }
0x595: {  	s30 =	simm.s32 $0x3;
	[sflag:s29] =	ssyncadd.s32 $0xFFFFE000  }
0x596: {  	_ =	swait.ge [sflag:s30], $0x2000  }
0x597: {  	[sflag:s30] =	ssyncset.done $0x0  }
0x598: {  	s31 =	simm.s32 $0x4;
	[sflag:s30] =	ssyncadd.s32 $0xFFFFE000  }
0x599: {  	_ =	swait.ge [sflag:s31], $0x2000  }
0x59a: {  	s1 =	rddreg [dreg:$0x8]  }
0x59b: {  	s14 =	rddreg [dreg:$0x7];
	s1 =	sadd.s32 $0x1, s1  }
0x59c: {  	p0 =	sne.s32 s1, s14  }
.Ltmp5:
0x59d: {  	_ = 	snop;
	(pc) =	sbr.rel @p0 .LBB2_1-.Ltmp5, $3  }
0x59e: {  	_ =	sdelay $0x1  }
0x59f: {  	[sflag:s31] =	ssyncset.done $0x0  }
0x5a0: {  	[sflag:s31] =	ssyncadd.s32 $0xFFFFE000  }
0x5a1: {  	_ =	sfence.sel $0x180000  }
0x5a2: {  	[bflag:$0x0] =	sbarrier.arrive $0xFFFF  }
0x5a3: {  	_ =	strace $0x90000047  }
0x5a4: {  	s0 =	stileid.u32;
	[bflag:$0x2] =	sbarrier.arrive $0xFFFF  }
0x5a5: {  	p0 =	sne.s32 s0, $0x0;
	s0 =	rddreg [dreg:$0x3]  }
0x5a6: {  	s0 =	sadd.s32 @!p0 $0x100000, s0  }
0x5a7: {  	[sflag:s0] =	ssyncadd.tile.s32 @!p0 $0x1;
	_ =	shalt  }
.Lfunc_end2:
_tile_overlayer_lowered:
.L_overlay_start_2:
0x5a8: {  	(tag) =	ssettag $0x2  }
0x5a9: {  	s0 =	rddreg [dreg:$0x0];
	s2 =	stileid.u32  }
0x5aa: {  	s1 =	rddreg [dreg:$0x1];
	p0 =	sne.s32 s2, $0x0  }
0x5ab: {  	s3 =	rddreg [dreg:$0x2];
	[bflag:$0x3] =	sbarrier.arrive $0xFFFF;
	s2 =	simm.s32 @!p0 $0x1C05  }
0x5ac: {  	[timem:s3], [sflag:s2] =	dma.local @!p0 [hbm:s0], s1  }
0x5ad: {  	s0 =	simm.s32 @!p0 $0x5  }
0x5ae: {  	_ =	swait.ge @!p0 [sflag:s0], s1  }
0x5af: {  	s1 =	ssub.s32 @!p0 $0x0, s1;
	[sflag:s0] =	ssyncset.done @!p0 $0x0  }
0x5b0: {  	[sflag:s0] =	ssyncadd.s32 @!p0 s1  }
0x5b1: {  	[bflag:$0x3] =	sbarrier.arrive $0xFFFF  }
0x5b2: {  	_ =	shalt  }

</sc_bundles>
